<compile_context>
chip_gen: v7x
topology: tpu7x:2x2x1
jax: 0.10.2.dev20260603
libtpu: 0.0.44.dev20260713+nightly
codegen_flags: <defaults>
</compile_context>

<pallas_src>
import functools

import jax
import jax.numpy as jnp
from jax import lax
from jax.experimental import pallas as pl
from jax.experimental.pallas import tpu as pltpu
from jax.experimental.pallas import tpu_sc as plsc

B = 64
V = 1000000
NC = 2
NS = 16
NW = NC * NS
L = 16

RG = 8
NQ = 4
QW = 249984
TAIL = V - NQ * QW
CW = 3968
NCH = QW // CW
NVC = CW // L

NEG_INF = float("-inf")


def _fixup_row(buf, j, row_lo, width, ys, c):
    yl = ys - row_lo
    in_blk = (yl >= 0) & (yl < width)
    ylc = jnp.minimum(jnp.maximum(yl, 0), width - 1)
    vb = (ylc // L) * L
    lane = ylc - vb
    v = buf[j, pl.ds(vb, L)]
    hit = (lax.iota(jnp.int32, L) == lane) & jnp.full((L,), in_blk)
    buf[j, pl.ds(vb, L)] = jnp.where(
        hit, jnp.full((L,), NEG_INF, jnp.float32), v)
    return jnp.where(hit, v, c)


def _process_block(buf, col_lo, ys, accs, cs):
    accs = list(accs)
    cs = list(cs)
    for j in range(RG):
        cs[j] = _fixup_row(buf, j, col_lo, CW, ys[j], cs[j])

    def rbody(i, ms):
        o = i * L
        return tuple(
            jnp.maximum(ms[j], buf[j, pl.ds(o, L)]) for j in range(RG))

    return lax.fori_loop(0, NVC, rbody, tuple(accs)), tuple(cs)


def _margin_sc(logits, tail, y):
    mesh = plsc.VectorSubcoreMesh(core_axis_name="c", subcore_axis_name="s")

    @functools.partial(
        pl.kernel,
        mesh=mesh,
        out_type=jax.ShapeDtypeStruct((NW, L), jnp.float32),
        compiler_params=pltpu.CompilerParams(needs_layout_passes=False),
        scratch_types=[
            pltpu.VMEM((RG, CW), jnp.float32),
            pltpu.VMEM((RG, CW), jnp.float32),
            pltpu.VMEM((RG, CW), jnp.float32),
            pltpu.VMEM((RG, TAIL), jnp.float32),
            pltpu.VMEM((B,), jnp.int32),
            pltpu.VMEM((L,), jnp.float32),
            pltpu.SemaphoreType.DMA,
            pltpu.SemaphoreType.DMA,
            pltpu.SemaphoreType.DMA,
        ],
    )
    def k(logits_hbm, tail_hbm, y_hbm, out_hbm,
          buf0, buf1, buf2, tbuf, ybuf, outbuf, sem0, sem1, sem2):
        wid = lax.axis_index("s") * NC + lax.axis_index("c")
        a = wid // NQ
        q = wid - a * NQ
        r0 = pl.multiple_of(a * RG, 8)
        colq = q * QW
        pltpu.sync_copy(y_hbm, ybuf)

        vb = pl.multiple_of((a // 2) * L, 16)
        yvec = ybuf[pl.ds(vb, L)]
        lane0 = (a % 2) * RG
        io = lax.iota(jnp.int32, L)
        ys = [jnp.max(jnp.where(io == (lane0 + j), yvec,
                                jnp.full((L,), -1, jnp.int32)))
              for j in range(RG)]

        def blk_src(t):
            return logits_hbm.at[pl.ds(r0, RG),
                                 pl.ds(pl.multiple_of(colq + t * CW, 128), CW)]

        bufs = (buf0, buf1, buf2)
        sems = (sem0, sem1, sem2)
        for t in range(3):
            pltpu.async_copy(blk_src(t), bufs[t], sems[t])

        def gbody(g, carry):
            accs, cs = carry
            ka = 3 * g
            for bi in range(3):
                t = ka + bi
                pltpu.make_async_copy(blk_src(t), bufs[bi], sems[bi]).wait()
                accs, cs = _process_block(
                    bufs[bi], colq + t * CW, ys, accs, cs)
                pltpu.async_copy(blk_src(t + 3), bufs[bi], sems[bi])
            return (accs, cs)

        ninf = jnp.full((L,), NEG_INF, jnp.float32)
        init = ((ninf,) * RG, (ninf,) * RG)
        accs, cs = lax.fori_loop(0, NCH // 3 - 1, gbody, init)
        for bi in range(3):
            t = NCH - 3 + bi
            pltpu.make_async_copy(blk_src(t), bufs[bi], sems[bi]).wait()
            accs, cs = _process_block(bufs[bi], colq + t * CW, ys, accs, cs)
        accs = list(accs)
        cs = list(cs)

        pltpu.sync_copy(tail_hbm.at[pl.ds(r0, RG), :], tbuf)
        for j in range(RG):
            cs[j] = _fixup_row(tbuf, j, NQ * QW, TAIL, ys[j], cs[j])
            for u in range(TAIL // L):
                accs[j] = jnp.maximum(accs[j], tbuf[j, pl.ds(u * L, L)])

        outv = jnp.zeros((L,), jnp.float32)
        for j in range(RG):
            outv = jnp.where(io == j,
                             jnp.full((L,), jnp.max(accs[j]), jnp.float32),
                             outv)
            outv = jnp.where(io == (RG + j),
                             jnp.full((L,), jnp.max(cs[j]), jnp.float32),
                             outv)
        outbuf[...] = outv
        pltpu.sync_copy(outbuf, out_hbm.at[wid])

    return k(logits, tail, y)


def kernel(logits, y):
    tail = lax.slice(logits, (0, NQ * QW), (B, V))
    out = _margin_sc(logits, tail, y.astype(jnp.int32))
    p = out.reshape(B // RG, NQ, L)
    m = jnp.max(p[:, :, :RG], axis=1)
    c = jnp.max(p[:, :, RG:], axis=1)
    return (c - m).reshape(B)

# --- scband reference (transcript-rebuilt; emitter-appended) ---
"""Pipeline reference for scband-margin-loss-29635274342645 (READ-ONLY COPY).

The authoritative reference and input builder live on the scoring server;
editing this copy changes nothing except your own understanding.
"""

import jax, jax.numpy as jnp
import numpy as np

B = 64
V = 1000000

def setup_inputs(seed: int = 0) -> dict:
    key = jax.random.key(seed)
    k1, k2 = jax.random.split(key)
    logits = jax.random.normal(k1, (B, V), dtype=jnp.float32)
    y = jax.random.randint(k2, (B,), 0, V, dtype=jnp.int64)
    return {"logits": logits, "y": y}

def reference(logits, y):
    # MarginLoss.forward (targeted=False)
    logits = jax.lax.stop_gradient(logits)  # clone().detach()
    u = jnp.arange(y.shape[0])
    probs_correct = logits[u, y]
    masked = logits.at[u, y].set(-jnp.inf)
    probs_second_best = jnp.max(masked, axis=-1)
    loss = probs_correct - probs_second_best
    return loss

if __name__ == "__main__":
    import jax
    _d = setup_inputs()
    print(jax.jit(kernel)(*tuple(_d.values())))

</pallas_src>

<mosaic_0001>
#map = affine_map<(d0, d1) -> (0, 0)>
#map1 = affine_map<(d0, d1) -> (0)>
module attributes {stable_mosaic.version = 14 : i64} {
  func.func @k(%arg0: i32, %arg1: i32, %arg2: memref<64x1000000xf32, #tpu.memory_space<hbm>>, %arg3: memref<64x64xf32, #tpu.memory_space<hbm>>, %arg4: memref<64xi32, #tpu.memory_space<hbm>>, %arg5: memref<32x16xf32, #tpu.memory_space<hbm>>, %arg6: memref<8x3968xf32, #tpu.memory_space<vmem>>, %arg7: memref<8x3968xf32, #tpu.memory_space<vmem>>, %arg8: memref<8x3968xf32, #tpu.memory_space<vmem>>, %arg9: memref<8x64xf32, #tpu.memory_space<vmem>>, %arg10: memref<64xi32, #tpu.memory_space<vmem>>, %arg11: memref<16xf32, #tpu.memory_space<vmem>>, %arg12: memref<!tpu.dma_semaphore, #tpu.memory_space<semaphore_mem>>, %arg13: memref<!tpu.dma_semaphore, #tpu.memory_space<semaphore_mem>>, %arg14: memref<!tpu.dma_semaphore, #tpu.memory_space<semaphore_mem>>) attributes {dimension_semantics = [#tpu.dimension_semantics<core_parallel>, #tpu.dimension_semantics<subcore_parallel>], iteration_bounds = array<i64: 2, 16>, scalar_prefetch = 0 : i64, scratch_operands = 9 : i64, tpu.core_type = #tpu.core_type<sc_vector_subcore>, window_params = [{transform_indices = #map}, {transform_indices = #map}, {transform_indices = #map1}, {transform_indices = #map}]} {
    %mul3A = arith.constant 2 : i32
    %mul3A_0 = arith.muli %arg1, %mul3A : i32
    %add3A = arith.addi %mul3A_0, %arg0 : i32
    %jit3A = arith.constant 4 : i32
    %div3A = arith.divsi %add3A, %jit3A : i32
    %sign3A = arith.constant 0 : i32
    %sign3A_1 = arith.cmpi sgt, %add3A, %sign3A : i32
    %sign3A_2 = arith.extui %sign3A_1 : i1 to i32
    %sign3A_3 = arith.constant 0 : i32
    %sign3A_4 = arith.cmpi slt, %add3A, %sign3A_3 : i32
    %sign3A_5 = arith.extui %sign3A_4 : i1 to i32
    %sign3A_6 = arith.subi %sign3A_2, %sign3A_5 : i32
    %sign3A_7 = arith.constant 0 : i32
    %sign3A_8 = arith.cmpi sgt, %jit3A, %sign3A_7 : i32
    %sign3A_9 = arith.extui %sign3A_8 : i1 to i32
    %sign3A_10 = arith.constant 0 : i32
    %sign3A_11 = arith.cmpi slt, %jit3A, %sign3A_10 : i32
    %sign3A_12 = arith.extui %sign3A_11 : i1 to i32
    %sign3A_13 = arith.subi %sign3A_9, %sign3A_12 : i32
    %ne3A = arith.cmpi ne, %sign3A_6, %sign3A_13 : i32
    %rem3A = arith.remsi %add3A, %jit3A : i32
    %ne3A_14 = arith.constant 0 : i32
    %ne3A_15 = arith.cmpi ne, %rem3A, %ne3A_14 : i32
    %and3A = arith.andi %ne3A, %ne3A_15 : i1
    %sub3A = arith.constant 1 : i32
    %sub3A_16 = arith.subi %div3A, %sub3A : i32
    %select_n3A = arith.select %and3A, %sub3A_16, %div3A : i32
    %mul3A_17 = arith.constant 4 : i32
    %mul3A_18 = arith.muli %select_n3A, %mul3A_17 : i32
    %sub3A_19 = arith.subi %add3A, %mul3A_18 : i32
    %mul3A_20 = arith.constant 8 : i32
    %mul3A_21 = arith.muli %select_n3A, %mul3A_20 : i32
    %multiple_of3A = tpu.assume_multiple %mul3A_21, 8 : i32
    %mul3A_22 = arith.constant 249984 : i32
    %mul3A_23 = arith.muli %sub3A_19, %mul3A_22 : i32
    "tpu.region"() ({
      %run_scoped3A = tpu.sem_alloc : memref<!tpu.dma_semaphore, #tpu.memory_space<semaphore_mem>>
      tpu.enqueue_dma source(%arg4 : memref<64xi32, #tpu.memory_space<hbm>>) target(%arg10 : memref<64xi32, #tpu.memory_space<vmem>>) target_semaphore(%run_scoped3A : memref<!tpu.dma_semaphore, #tpu.memory_space<semaphore_mem>>)
      tpu.wait_dma2 semaphore(%run_scoped3A : memref<!tpu.dma_semaphore, #tpu.memory_space<semaphore_mem>>) src(%arg4 : memref<64xi32, #tpu.memory_space<hbm>>) dst(%arg10 : memref<64xi32, #tpu.memory_space<vmem>>)
      tpu.yield
    }) : () -> ()
    %jit3A_24 = arith.constant 2 : i32
    %div3A_25 = arith.divsi %select_n3A, %jit3A_24 : i32
    %sign3A_26 = arith.constant 0 : i32
    %sign3A_27 = arith.cmpi sgt, %select_n3A, %sign3A_26 : i32
    %sign3A_28 = arith.extui %sign3A_27 : i1 to i32
    %sign3A_29 = arith.constant 0 : i32
    %sign3A_30 = arith.cmpi slt, %select_n3A, %sign3A_29 : i32
    %sign3A_31 = arith.extui %sign3A_30 : i1 to i32
    %sign3A_32 = arith.subi %sign3A_28, %sign3A_31 : i32
    %sign3A_33 = arith.constant 0 : i32
    %sign3A_34 = arith.cmpi sgt, %jit3A_24, %sign3A_33 : i32
    %sign3A_35 = arith.extui %sign3A_34 : i1 to i32
    %sign3A_36 = arith.constant 0 : i32
    %sign3A_37 = arith.cmpi slt, %jit3A_24, %sign3A_36 : i32
    %sign3A_38 = arith.extui %sign3A_37 : i1 to i32
    %sign3A_39 = arith.subi %sign3A_35, %sign3A_38 : i32
    %ne3A_40 = arith.cmpi ne, %sign3A_32, %sign3A_39 : i32
    %rem3A_41 = arith.remsi %select_n3A, %jit3A_24 : i32
    %ne3A_42 = arith.constant 0 : i32
    %ne3A_43 = arith.cmpi ne, %rem3A_41, %ne3A_42 : i32
    %and3A_44 = arith.andi %ne3A_40, %ne3A_43 : i1
    %sub3A_45 = arith.constant 1 : i32
    %sub3A_46 = arith.subi %div3A_25, %sub3A_45 : i32
    %select_n3A_47 = arith.select %and3A_44, %sub3A_46, %div3A_25 : i32
    %mul3A_48 = arith.constant 16 : i32
    %mul3A_49 = arith.muli %select_n3A_47, %mul3A_48 : i32
    %multiple_of3A_50 = tpu.assume_multiple %mul3A_49, 16 : i32
    %get3A = arith.index_cast %multiple_of3A_50 : i32 to index
    %get3A_51 = tpu.vector_load %arg10[%get3A] {strides = array<i32>} : memref<64xi32, #tpu.memory_space<vmem>>, vector<16xi32>,
    %jit3A_52 = arith.constant 2 : i32
    %eq3A = arith.constant 0 : i32
    %eq3A_53 = arith.cmpi eq, %jit3A_52, %eq3A : i32
    %jit3A_54 = arith.constant 1 : i32
    %select_n3A_55 = arith.select %eq3A_53, %jit3A_54, %jit3A_52 : i32
    %rem3A_56 = arith.remsi %select_n3A, %select_n3A_55 : i32
    %ne3A_57 = arith.constant 0 : i32
    %ne3A_58 = arith.cmpi ne, %rem3A_56, %ne3A_57 : i32
    %lt3A = arith.constant 0 : i32
    %lt3A_59 = arith.cmpi slt, %rem3A_56, %lt3A : i32
    %lt3A_60 = arith.constant 0 : i32
    %lt3A_61 = arith.cmpi slt, %select_n3A_55, %lt3A_60 : i32
    %ne3A_62 = arith.xori %lt3A_59, %lt3A_61 : i1
    %and3A_63 = arith.andi %ne3A_62, %ne3A_58 : i1
    %add3A_64 = arith.addi %rem3A_56, %select_n3A_55 : i32
    %select_n3A_65 = arith.select %and3A_63, %add3A_64, %rem3A_56 : i32
    %mul3A_66 = arith.constant 8 : i32
    %mul3A_67 = arith.muli %select_n3A_65, %mul3A_66 : i32
    %iota3A = tpu.iota {dimensions = array<i32: 0>} : vector<16xi32>
    %add3A_68 = arith.constant 0 : i32
    %add3A_69 = arith.addi %mul3A_67, %add3A_68 : i32
    %eq3A_70 = vector.broadcast %add3A_69 : i32 to vector<16xi32>
    %eq3A_71 = arith.cmpi eq, %iota3A, %eq3A_70 : vector<16xi32>
    %broadcast_in_dim3A = arith.constant -1 : i32
    %broadcast_in_dim3A_72 = vector.broadcast %broadcast_in_dim3A : i32 to vector<16xi32>
    %select_n3A_73 = arith.select %eq3A_71, %get3A_51, %broadcast_in_dim3A_72 : vector<16xi1>, vector<16xi32>
    %reduce_max3A = arith.constant true
    %reduce_max3A_74 = vector.broadcast %reduce_max3A : i1 to vector<16xi1>
    %reduce_max3A_75 = arith.constant -2147483648 : i32
    %reduce_max3A_76 = vector.broadcast %reduce_max3A_75 : i32 to vector<16xi32>
    %reduce_max3A_77 = arith.xori %select_n3A_73, %reduce_max3A_76 : vector<16xi32>
    %reduce_max3A_78 = tpu.scan <max>, %reduce_max3A_77 masked %reduce_max3A_74 : vector<16xi32>, vector<16xi1> -> vector<16xi32>
    %reduce_max3A_79 = arith.xori %reduce_max3A_78, %reduce_max3A_76 : vector<16xi32>
    %reduce_max3A_80 = vector.extract %reduce_max3A_79[15] : i32 from vector<16xi32>
    %add3A_81 = arith.constant 1 : i32
    %add3A_82 = arith.addi %mul3A_67, %add3A_81 : i32
    %eq3A_83 = vector.broadcast %add3A_82 : i32 to vector<16xi32>
    %eq3A_84 = arith.cmpi eq, %iota3A, %eq3A_83 : vector<16xi32>
    %broadcast_in_dim3A_85 = arith.constant -1 : i32
    %broadcast_in_dim3A_86 = vector.broadcast %broadcast_in_dim3A_85 : i32 to vector<16xi32>
    %select_n3A_87 = arith.select %eq3A_84, %get3A_51, %broadcast_in_dim3A_86 : vector<16xi1>, vector<16xi32>
    %reduce_max3A_88 = arith.constant true
    %reduce_max3A_89 = vector.broadcast %reduce_max3A_88 : i1 to vector<16xi1>
    %reduce_max3A_90 = arith.constant -2147483648 : i32
    %reduce_max3A_91 = vector.broadcast %reduce_max3A_90 : i32 to vector<16xi32>
    %reduce_max3A_92 = arith.xori %select_n3A_87, %reduce_max3A_91 : vector<16xi32>
    %reduce_max3A_93 = tpu.scan <max>, %reduce_max3A_92 masked %reduce_max3A_89 : vector<16xi32>, vector<16xi1> -> vector<16xi32>
    %reduce_max3A_94 = arith.xori %reduce_max3A_93, %reduce_max3A_91 : vector<16xi32>
    %reduce_max3A_95 = vector.extract %reduce_max3A_94[15] : i32 from vector<16xi32>
    %add3A_96 = arith.constant 2 : i32
    %add3A_97 = arith.addi %mul3A_67, %add3A_96 : i32
    %eq3A_98 = vector.broadcast %add3A_97 : i32 to vector<16xi32>
    %eq3A_99 = arith.cmpi eq, %iota3A, %eq3A_98 : vector<16xi32>
    %broadcast_in_dim3A_100 = arith.constant -1 : i32
    %broadcast_in_dim3A_101 = vector.broadcast %broadcast_in_dim3A_100 : i32 to vector<16xi32>
    %select_n3A_102 = arith.select %eq3A_99, %get3A_51, %broadcast_in_dim3A_101 : vector<16xi1>, vector<16xi32>
    %reduce_max3A_103 = arith.constant true
    %reduce_max3A_104 = vector.broadcast %reduce_max3A_103 : i1 to vector<16xi1>
    %reduce_max3A_105 = arith.constant -2147483648 : i32
    %reduce_max3A_106 = vector.broadcast %reduce_max3A_105 : i32 to vector<16xi32>
    %reduce_max3A_107 = arith.xori %select_n3A_102, %reduce_max3A_106 : vector<16xi32>
    %reduce_max3A_108 = tpu.scan <max>, %reduce_max3A_107 masked %reduce_max3A_104 : vector<16xi32>, vector<16xi1> -> vector<16xi32>
    %reduce_max3A_109 = arith.xori %reduce_max3A_108, %reduce_max3A_106 : vector<16xi32>
    %reduce_max3A_110 = vector.extract %reduce_max3A_109[15] : i32 from vector<16xi32>
    %add3A_111 = arith.constant 3 : i32
    %add3A_112 = arith.addi %mul3A_67, %add3A_111 : i32
    %eq3A_113 = vector.broadcast %add3A_112 : i32 to vector<16xi32>
    %eq3A_114 = arith.cmpi eq, %iota3A, %eq3A_113 : vector<16xi32>
    %broadcast_in_dim3A_115 = arith.constant -1 : i32
    %broadcast_in_dim3A_116 = vector.broadcast %broadcast_in_dim3A_115 : i32 to vector<16xi32>
    %select_n3A_117 = arith.select %eq3A_114, %get3A_51, %broadcast_in_dim3A_116 : vector<16xi1>, vector<16xi32>
    %reduce_max3A_118 = arith.constant true
    %reduce_max3A_119 = vector.broadcast %reduce_max3A_118 : i1 to vector<16xi1>
    %reduce_max3A_120 = arith.constant -2147483648 : i32
    %reduce_max3A_121 = vector.broadcast %reduce_max3A_120 : i32 to vector<16xi32>
    %reduce_max3A_122 = arith.xori %select_n3A_117, %reduce_max3A_121 : vector<16xi32>
    %reduce_max3A_123 = tpu.scan <max>, %reduce_max3A_122 masked %reduce_max3A_119 : vector<16xi32>, vector<16xi1> -> vector<16xi32>
    %reduce_max3A_124 = arith.xori %reduce_max3A_123, %reduce_max3A_121 : vector<16xi32>
    %reduce_max3A_125 = vector.extract %reduce_max3A_124[15] : i32 from vector<16xi32>
    %add3A_126 = arith.constant 4 : i32
    %add3A_127 = arith.addi %mul3A_67, %add3A_126 : i32
    %eq3A_128 = vector.broadcast %add3A_127 : i32 to vector<16xi32>
    %eq3A_129 = arith.cmpi eq, %iota3A, %eq3A_128 : vector<16xi32>
    %broadcast_in_dim3A_130 = arith.constant -1 : i32
    %broadcast_in_dim3A_131 = vector.broadcast %broadcast_in_dim3A_130 : i32 to vector<16xi32>
    %select_n3A_132 = arith.select %eq3A_129, %get3A_51, %broadcast_in_dim3A_131 : vector<16xi1>, vector<16xi32>
    %reduce_max3A_133 = arith.constant true
    %reduce_max3A_134 = vector.broadcast %reduce_max3A_133 : i1 to vector<16xi1>
    %reduce_max3A_135 = arith.constant -2147483648 : i32
    %reduce_max3A_136 = vector.broadcast %reduce_max3A_135 : i32 to vector<16xi32>
    %reduce_max3A_137 = arith.xori %select_n3A_132, %reduce_max3A_136 : vector<16xi32>
    %reduce_max3A_138 = tpu.scan <max>, %reduce_max3A_137 masked %reduce_max3A_134 : vector<16xi32>, vector<16xi1> -> vector<16xi32>
    %reduce_max3A_139 = arith.xori %reduce_max3A_138, %reduce_max3A_136 : vector<16xi32>
    %reduce_max3A_140 = vector.extract %reduce_max3A_139[15] : i32 from vector<16xi32>
    %add3A_141 = arith.constant 5 : i32
    %add3A_142 = arith.addi %mul3A_67, %add3A_141 : i32
    %eq3A_143 = vector.broadcast %add3A_142 : i32 to vector<16xi32>
    %eq3A_144 = arith.cmpi eq, %iota3A, %eq3A_143 : vector<16xi32>
    %broadcast_in_dim3A_145 = arith.constant -1 : i32
    %broadcast_in_dim3A_146 = vector.broadcast %broadcast_in_dim3A_145 : i32 to vector<16xi32>
    %select_n3A_147 = arith.select %eq3A_144, %get3A_51, %broadcast_in_dim3A_146 : vector<16xi1>, vector<16xi32>
    %reduce_max3A_148 = arith.constant true
    %reduce_max3A_149 = vector.broadcast %reduce_max3A_148 : i1 to vector<16xi1>
    %reduce_max3A_150 = arith.constant -2147483648 : i32
    %reduce_max3A_151 = vector.broadcast %reduce_max3A_150 : i32 to vector<16xi32>
    %reduce_max3A_152 = arith.xori %select_n3A_147, %reduce_max3A_151 : vector<16xi32>
    %reduce_max3A_153 = tpu.scan <max>, %reduce_max3A_152 masked %reduce_max3A_149 : vector<16xi32>, vector<16xi1> -> vector<16xi32>
    %reduce_max3A_154 = arith.xori %reduce_max3A_153, %reduce_max3A_151 : vector<16xi32>
    %reduce_max3A_155 = vector.extract %reduce_max3A_154[15] : i32 from vector<16xi32>
    %add3A_156 = arith.constant 6 : i32
    %add3A_157 = arith.addi %mul3A_67, %add3A_156 : i32
    %eq3A_158 = vector.broadcast %add3A_157 : i32 to vector<16xi32>
    %eq3A_159 = arith.cmpi eq, %iota3A, %eq3A_158 : vector<16xi32>
    %broadcast_in_dim3A_160 = arith.constant -1 : i32
    %broadcast_in_dim3A_161 = vector.broadcast %broadcast_in_dim3A_160 : i32 to vector<16xi32>
    %select_n3A_162 = arith.select %eq3A_159, %get3A_51, %broadcast_in_dim3A_161 : vector<16xi1>, vector<16xi32>
    %reduce_max3A_163 = arith.constant true
    %reduce_max3A_164 = vector.broadcast %reduce_max3A_163 : i1 to vector<16xi1>
    %reduce_max3A_165 = arith.constant -2147483648 : i32
    %reduce_max3A_166 = vector.broadcast %reduce_max3A_165 : i32 to vector<16xi32>
    %reduce_max3A_167 = arith.xori %select_n3A_162, %reduce_max3A_166 : vector<16xi32>
    %reduce_max3A_168 = tpu.scan <max>, %reduce_max3A_167 masked %reduce_max3A_164 : vector<16xi32>, vector<16xi1> -> vector<16xi32>
    %reduce_max3A_169 = arith.xori %reduce_max3A_168, %reduce_max3A_166 : vector<16xi32>
    %reduce_max3A_170 = vector.extract %reduce_max3A_169[15] : i32 from vector<16xi32>
    %add3A_171 = arith.constant 7 : i32
    %add3A_172 = arith.addi %mul3A_67, %add3A_171 : i32
    %eq3A_173 = vector.broadcast %add3A_172 : i32 to vector<16xi32>
    %eq3A_174 = arith.cmpi eq, %iota3A, %eq3A_173 : vector<16xi32>
    %broadcast_in_dim3A_175 = arith.constant -1 : i32
    %broadcast_in_dim3A_176 = vector.broadcast %broadcast_in_dim3A_175 : i32 to vector<16xi32>
    %select_n3A_177 = arith.select %eq3A_174, %get3A_51, %broadcast_in_dim3A_176 : vector<16xi1>, vector<16xi32>
    %reduce_max3A_178 = arith.constant true
    %reduce_max3A_179 = vector.broadcast %reduce_max3A_178 : i1 to vector<16xi1>
    %reduce_max3A_180 = arith.constant -2147483648 : i32
    %reduce_max3A_181 = vector.broadcast %reduce_max3A_180 : i32 to vector<16xi32>
    %reduce_max3A_182 = arith.xori %select_n3A_177, %reduce_max3A_181 : vector<16xi32>
    %reduce_max3A_183 = tpu.scan <max>, %reduce_max3A_182 masked %reduce_max3A_179 : vector<16xi32>, vector<16xi1> -> vector<16xi32>
    %reduce_max3A_184 = arith.xori %reduce_max3A_183, %reduce_max3A_181 : vector<16xi32>
    %reduce_max3A_185 = vector.extract %reduce_max3A_184[15] : i32 from vector<16xi32>
    %add3A_186 = arith.constant 0 : i32
    %add3A_187 = arith.addi %mul3A_23, %add3A_186 : i32
    %multiple_of3A_188 = tpu.assume_multiple %add3A_187, 128 : i32
    %dma_start3A = tpu.memref_slice %arg2[%multiple_of3A, %multiple_of3A_188] : memref<64x1000000xf32, #tpu.memory_space<hbm>> -> memref<8x3968xf32, #tpu.memory_space<hbm>>
    %dma_start3A_189 = tpu.memref_slice %arg2[%multiple_of3A, %multiple_of3A_188] : memref<64x1000000xf32, #tpu.memory_space<hbm>> -> memref<8x3968xf32, #tpu.memory_space<hbm>>
    tpu.enqueue_dma source(%dma_start3A_189 : memref<8x3968xf32, #tpu.memory_space<hbm>>) target(%arg6 : memref<8x3968xf32, #tpu.memory_space<vmem>>) target_semaphore(%arg12 : memref<!tpu.dma_semaphore, #tpu.memory_space<semaphore_mem>>)
    %add3A_190 = arith.constant 3968 : i32
    %add3A_191 = arith.addi %mul3A_23, %add3A_190 : i32
    %multiple_of3A_192 = tpu.assume_multiple %add3A_191, 128 : i32
    %dma_start3A_193 = tpu.memref_slice %arg2[%multiple_of3A, %multiple_of3A_192] : memref<64x1000000xf32, #tpu.memory_space<hbm>> -> memref<8x3968xf32, #tpu.memory_space<hbm>>
    %dma_start3A_194 = tpu.memref_slice %arg2[%multiple_of3A, %multiple_of3A_192] : memref<64x1000000xf32, #tpu.memory_space<hbm>> -> memref<8x3968xf32, #tpu.memory_space<hbm>>
    tpu.enqueue_dma source(%dma_start3A_194 : memref<8x3968xf32, #tpu.memory_space<hbm>>) target(%arg7 : memref<8x3968xf32, #tpu.memory_space<vmem>>) target_semaphore(%arg13 : memref<!tpu.dma_semaphore, #tpu.memory_space<semaphore_mem>>)
    %add3A_195 = arith.constant 7936 : i32
    %add3A_196 = arith.addi %mul3A_23, %add3A_195 : i32
    %multiple_of3A_197 = tpu.assume_multiple %add3A_196, 128 : i32
    %dma_start3A_198 = tpu.memref_slice %arg2[%multiple_of3A, %multiple_of3A_197] : memref<64x1000000xf32, #tpu.memory_space<hbm>> -> memref<8x3968xf32, #tpu.memory_space<hbm>>
    %dma_start3A_199 = tpu.memref_slice %arg2[%multiple_of3A, %multiple_of3A_197] : memref<64x1000000xf32, #tpu.memory_space<hbm>> -> memref<8x3968xf32, #tpu.memory_space<hbm>>
    tpu.enqueue_dma source(%dma_start3A_199 : memref<8x3968xf32, #tpu.memory_space<hbm>>) target(%arg8 : memref<8x3968xf32, #tpu.memory_space<vmem>>) target_semaphore(%arg14 : memref<!tpu.dma_semaphore, #tpu.memory_space<semaphore_mem>>)
    %broadcast_in_dim3A_200 = arith.constant 0xFF800000 : f32
    %broadcast_in_dim3A_201 = vector.broadcast %broadcast_in_dim3A_200 : f32 to vector<16xf32>
    %scan3A = arith.constant 0 : i32
    %scan3A_202 = arith.constant 20 : i32
    %scan3A_203 = arith.addi %scan3A, %scan3A_202 : i32
    %scan3A_204 = arith.constant 1 : i32
    %scan3A_205:16 = scf.for %scan3A_2285 = %scan3A to %scan3A_203 step %scan3A_204 iter_args(%scan3A_2286 = %broadcast_in_dim3A_201, %scan3A_2287 = %broadcast_in_dim3A_201, %scan3A_2288 = %broadcast_in_dim3A_201, %scan3A_2289 = %broadcast_in_dim3A_201, %scan3A_2290 = %broadcast_in_dim3A_201, %scan3A_2291 = %broadcast_in_dim3A_201, %scan3A_2292 = %broadcast_in_dim3A_201, %scan3A_2293 = %broadcast_in_dim3A_201, %scan3A_2294 = %broadcast_in_dim3A_201, %scan3A_2295 = %broadcast_in_dim3A_201, %scan3A_2296 = %broadcast_in_dim3A_201, %scan3A_2297 = %broadcast_in_dim3A_201, %scan3A_2298 = %broadcast_in_dim3A_201, %scan3A_2299 = %broadcast_in_dim3A_201, %scan3A_2300 = %broadcast_in_dim3A_201, %scan3A_2301 = %broadcast_in_dim3A_201) -> (vector<16xf32>, vector<16xf32>, vector<16xf32>, vector<16xf32>, vector<16xf32>, vector<16xf32>, vector<16xf32>, vector<16xf32>, vector<16xf32>, vector<16xf32>, vector<16xf32>, vector<16xf32>, vector<16xf32>, vector<16xf32>, vector<16xf32>, vector<16xf32>)  : i32 {
      %mul3A_2302 = arith.constant 3 : i32
      %mul3A_2303 = arith.muli %mul3A_2302, %scan3A_2285 : i32
      %add3A_2304 = arith.constant 0 : i32
      %add3A_2305 = arith.addi %mul3A_2303, %add3A_2304 : i32
      %mul3A_2306 = arith.constant 3968 : i32
      %mul3A_2307 = arith.muli %add3A_2305, %mul3A_2306 : i32
      %add3A_2308 = arith.addi %mul3A_23, %mul3A_2307 : i32
      %multiple_of3A_2309 = tpu.assume_multiple %add3A_2308, 128 : i32
      %dma_wait3A_2310 = tpu.memref_slice %arg2[%multiple_of3A, %multiple_of3A_2309] : memref<64x1000000xf32, #tpu.memory_space<hbm>> -> memref<8x3968xf32, #tpu.memory_space<hbm>>
      %dma_wait3A_2311 = tpu.memref_slice %arg2[%multiple_of3A, %multiple_of3A_2309] : memref<64x1000000xf32, #tpu.memory_space<hbm>> -> memref<8x3968xf32, #tpu.memory_space<hbm>>
      tpu.wait_dma2 semaphore(%arg12 : memref<!tpu.dma_semaphore, #tpu.memory_space<semaphore_mem>>) src(%dma_wait3A_2311 : memref<8x3968xf32, #tpu.memory_space<hbm>>) dst(%arg6 : memref<8x3968xf32, #tpu.memory_space<vmem>>)
      %mul3A_2312 = arith.constant 3968 : i32
      %mul3A_2313 = arith.muli %add3A_2305, %mul3A_2312 : i32
      %add3A_2314 = arith.addi %mul3A_23, %mul3A_2313 : i32
      %sub3A_2315 = arith.subi %reduce_max3A_80, %add3A_2314 : i32
      %ge3A_2316 = arith.constant 0 : i32
      %ge3A_2317 = arith.cmpi sge, %sub3A_2315, %ge3A_2316 : i32
      %lt3A_2318 = arith.constant 3968 : i32
      %lt3A_2319 = arith.cmpi slt, %sub3A_2315, %lt3A_2318 : i32
      %and3A_2320 = arith.andi %ge3A_2317, %lt3A_2319 : i1
      %max3A_2321 = arith.constant 0 : i32
      %max3A_2322 = arith.maxsi %sub3A_2315, %max3A_2321 : i32
      %min3A_2323 = arith.constant 3967 : i32
      %min3A_2324 = arith.minsi %max3A_2322, %min3A_2323 : i32
      %jit3A_2325 = arith.constant 16 : i32
      %div3A_2326 = arith.divsi %min3A_2324, %jit3A_2325 : i32
      %sign3A_2327 = arith.constant 0 : i32
      %sign3A_2328 = arith.cmpi sgt, %min3A_2324, %sign3A_2327 : i32
      %sign3A_2329 = arith.extui %sign3A_2328 : i1 to i32
      %sign3A_2330 = arith.constant 0 : i32
      %sign3A_2331 = arith.cmpi slt, %min3A_2324, %sign3A_2330 : i32
      %sign3A_2332 = arith.extui %sign3A_2331 : i1 to i32
      %sign3A_2333 = arith.subi %sign3A_2329, %sign3A_2332 : i32
      %sign3A_2334 = arith.constant 0 : i32
      %sign3A_2335 = arith.cmpi sgt, %jit3A_2325, %sign3A_2334 : i32
      %sign3A_2336 = arith.extui %sign3A_2335 : i1 to i32
      %sign3A_2337 = arith.constant 0 : i32
      %sign3A_2338 = arith.cmpi slt, %jit3A_2325, %sign3A_2337 : i32
      %sign3A_2339 = arith.extui %sign3A_2338 : i1 to i32
      %sign3A_2340 = arith.subi %sign3A_2336, %sign3A_2339 : i32
      %ne3A_2341 = arith.cmpi ne, %sign3A_2333, %sign3A_2340 : i32
      %rem3A_2342 = arith.remsi %min3A_2324, %jit3A_2325 : i32
      %ne3A_2343 = arith.constant 0 : i32
      %ne3A_2344 = arith.cmpi ne, %rem3A_2342, %ne3A_2343 : i32
      %and3A_2345 = arith.andi %ne3A_2341, %ne3A_2344 : i1
      %sub3A_2346 = arith.constant 1 : i32
      %sub3A_2347 = arith.subi %div3A_2326, %sub3A_2346 : i32
      %select_n3A_2348 = arith.select %and3A_2345, %sub3A_2347, %div3A_2326 : i32
      %mul3A_2349 = arith.constant 16 : i32
      %mul3A_2350 = arith.muli %select_n3A_2348, %mul3A_2349 : i32
      %sub3A_2351 = arith.subi %min3A_2324, %mul3A_2350 : i32
      %get3A_2352 = arith.constant 0 : i32
      %get3A_2353 = arith.index_cast %get3A_2352 : i32 to index
      %get3A_2354 = arith.index_cast %mul3A_2350 : i32 to index
      %get3A_2355 = tpu.vector_load %arg6[%get3A_2353, %get3A_2354] {strides = array<i32>} : memref<8x3968xf32, #tpu.memory_space<vmem>>, vector<16xf32>,
      %iota3A_2356 = tpu.iota {dimensions = array<i32: 0>} : vector<16xi32>
      %eq3A_2357 = vector.broadcast %sub3A_2351 : i32 to vector<16xi32>
      %eq3A_2358 = arith.cmpi eq, %iota3A_2356, %eq3A_2357 : vector<16xi32>
      %broadcast_in_dim3A_2359 = vector.broadcast %and3A_2320 : i1 to vector<16xi1>
      %and3A_2360 = arith.andi %eq3A_2358, %broadcast_in_dim3A_2359 : vector<16xi1>
      %broadcast_in_dim3A_2361 = arith.constant 0xFF800000 : f32
      %broadcast_in_dim3A_2362 = vector.broadcast %broadcast_in_dim3A_2361 : f32 to vector<16xf32>
      %select_n3A_2363 = arith.select %and3A_2360, %broadcast_in_dim3A_2362, %get3A_2355 : vector<16xi1>, vector<16xf32>
      %swap3A_2364 = arith.constant 0 : i32
      %swap3A_2365 = arith.index_cast %swap3A_2364 : i32 to index
      %swap3A_2366 = arith.index_cast %mul3A_2350 : i32 to index
      %swap3A_2367 = tpu.vector_load %arg6[%swap3A_2365, %swap3A_2366] {strides = array<i32>} : memref<8x3968xf32, #tpu.memory_space<vmem>>, vector<16xf32>,
      tpu.vector_store %arg6[%swap3A_2365, %swap3A_2366], %select_n3A_2363 {strides = array<i32>} : memref<8x3968xf32, #tpu.memory_space<vmem>>, vector<16xf32>,
      %select_n3A_2368 = arith.select %and3A_2360, %get3A_2355, %scan3A_2294 : vector<16xi1>, vector<16xf32>
      %sub3A_2369 = arith.subi %reduce_max3A_95, %add3A_2314 : i32
      %ge3A_2370 = arith.constant 0 : i32
      %ge3A_2371 = arith.cmpi sge, %sub3A_2369, %ge3A_2370 : i32
      %lt3A_2372 = arith.constant 3968 : i32
      %lt3A_2373 = arith.cmpi slt, %sub3A_2369, %lt3A_2372 : i32
      %and3A_2374 = arith.andi %ge3A_2371, %lt3A_2373 : i1
      %max3A_2375 = arith.constant 0 : i32
      %max3A_2376 = arith.maxsi %sub3A_2369, %max3A_2375 : i32
      %min3A_2377 = arith.constant 3967 : i32
      %min3A_2378 = arith.minsi %max3A_2376, %min3A_2377 : i32
      %jit3A_2379 = arith.constant 16 : i32
      %div3A_2380 = arith.divsi %min3A_2378, %jit3A_2379 : i32
      %sign3A_2381 = arith.constant 0 : i32
      %sign3A_2382 = arith.cmpi sgt, %min3A_2378, %sign3A_2381 : i32
      %sign3A_2383 = arith.extui %sign3A_2382 : i1 to i32
      %sign3A_2384 = arith.constant 0 : i32
      %sign3A_2385 = arith.cmpi slt, %min3A_2378, %sign3A_2384 : i32
      %sign3A_2386 = arith.extui %sign3A_2385 : i1 to i32
      %sign3A_2387 = arith.subi %sign3A_2383, %sign3A_2386 : i32
      %sign3A_2388 = arith.constant 0 : i32
      %sign3A_2389 = arith.cmpi sgt, %jit3A_2379, %sign3A_2388 : i32
      %sign3A_2390 = arith.extui %sign3A_2389 : i1 to i32
      %sign3A_2391 = arith.constant 0 : i32
      %sign3A_2392 = arith.cmpi slt, %jit3A_2379, %sign3A_2391 : i32
      %sign3A_2393 = arith.extui %sign3A_2392 : i1 to i32
      %sign3A_2394 = arith.subi %sign3A_2390, %sign3A_2393 : i32
      %ne3A_2395 = arith.cmpi ne, %sign3A_2387, %sign3A_2394 : i32
      %rem3A_2396 = arith.remsi %min3A_2378, %jit3A_2379 : i32
      %ne3A_2397 = arith.constant 0 : i32
      %ne3A_2398 = arith.cmpi ne, %rem3A_2396, %ne3A_2397 : i32
      %and3A_2399 = arith.andi %ne3A_2395, %ne3A_2398 : i1
      %sub3A_2400 = arith.constant 1 : i32
      %sub3A_2401 = arith.subi %div3A_2380, %sub3A_2400 : i32
      %select_n3A_2402 = arith.select %and3A_2399, %sub3A_2401, %div3A_2380 : i32
      %mul3A_2403 = arith.constant 16 : i32
      %mul3A_2404 = arith.muli %select_n3A_2402, %mul3A_2403 : i32
      %sub3A_2405 = arith.subi %min3A_2378, %mul3A_2404 : i32
      %get3A_2406 = arith.constant 1 : i32
      %get3A_2407 = arith.index_cast %get3A_2406 : i32 to index
      %get3A_2408 = arith.index_cast %mul3A_2404 : i32 to index
      %get3A_2409 = tpu.vector_load %arg6[%get3A_2407, %get3A_2408] {strides = array<i32>} : memref<8x3968xf32, #tpu.memory_space<vmem>>, vector<16xf32>,
      %iota3A_2410 = tpu.iota {dimensions = array<i32: 0>} : vector<16xi32>
      %eq3A_2411 = vector.broadcast %sub3A_2405 : i32 to vector<16xi32>
      %eq3A_2412 = arith.cmpi eq, %iota3A_2410, %eq3A_2411 : vector<16xi32>
      %broadcast_in_dim3A_2413 = vector.broadcast %and3A_2374 : i1 to vector<16xi1>
      %and3A_2414 = arith.andi %eq3A_2412, %broadcast_in_dim3A_2413 : vector<16xi1>
      %broadcast_in_dim3A_2415 = arith.constant 0xFF800000 : f32
      %broadcast_in_dim3A_2416 = vector.broadcast %broadcast_in_dim3A_2415 : f32 to vector<16xf32>
      %select_n3A_2417 = arith.select %and3A_2414, %broadcast_in_dim3A_2416, %get3A_2409 : vector<16xi1>, vector<16xf32>
      %swap3A_2418 = arith.constant 1 : i32
      %swap3A_2419 = arith.index_cast %swap3A_2418 : i32 to index
      %swap3A_2420 = arith.index_cast %mul3A_2404 : i32 to index
      %swap3A_2421 = tpu.vector_load %arg6[%swap3A_2419, %swap3A_2420] {strides = array<i32>} : memref<8x3968xf32, #tpu.memory_space<vmem>>, vector<16xf32>,
      tpu.vector_store %arg6[%swap3A_2419, %swap3A_2420], %select_n3A_2417 {strides = array<i32>} : memref<8x3968xf32, #tpu.memory_space<vmem>>, vector<16xf32>,
      %select_n3A_2422 = arith.select %and3A_2414, %get3A_2409, %scan3A_2295 : vector<16xi1>, vector<16xf32>
      %sub3A_2423 = arith.subi %reduce_max3A_110, %add3A_2314 : i32
      %ge3A_2424 = arith.constant 0 : i32
      %ge3A_2425 = arith.cmpi sge, %sub3A_2423, %ge3A_2424 : i32
      %lt3A_2426 = arith.constant 3968 : i32
      %lt3A_2427 = arith.cmpi slt, %sub3A_2423, %lt3A_2426 : i32
      %and3A_2428 = arith.andi %ge3A_2425, %lt3A_2427 : i1
      %max3A_2429 = arith.constant 0 : i32
      %max3A_2430 = arith.maxsi %sub3A_2423, %max3A_2429 : i32
      %min3A_2431 = arith.constant 3967 : i32
      %min3A_2432 = arith.minsi %max3A_2430, %min3A_2431 : i32
      %jit3A_2433 = arith.constant 16 : i32
      %div3A_2434 = arith.divsi %min3A_2432, %jit3A_2433 : i32
      %sign3A_2435 = arith.constant 0 : i32
      %sign3A_2436 = arith.cmpi sgt, %min3A_2432, %sign3A_2435 : i32
      %sign3A_2437 = arith.extui %sign3A_2436 : i1 to i32
      %sign3A_2438 = arith.constant 0 : i32
      %sign3A_2439 = arith.cmpi slt, %min3A_2432, %sign3A_2438 : i32
      %sign3A_2440 = arith.extui %sign3A_2439 : i1 to i32
      %sign3A_2441 = arith.subi %sign3A_2437, %sign3A_2440 : i32
      %sign3A_2442 = arith.constant 0 : i32
      %sign3A_2443 = arith.cmpi sgt, %jit3A_2433, %sign3A_2442 : i32
      %sign3A_2444 = arith.extui %sign3A_2443 : i1 to i32
      %sign3A_2445 = arith.constant 0 : i32
      %sign3A_2446 = arith.cmpi slt, %jit3A_2433, %sign3A_2445 : i32
      %sign3A_2447 = arith.extui %sign3A_2446 : i1 to i32
      %sign3A_2448 = arith.subi %sign3A_2444, %sign3A_2447 : i32
      %ne3A_2449 = arith.cmpi ne, %sign3A_2441, %sign3A_2448 : i32
      %rem3A_2450 = arith.remsi %min3A_2432, %jit3A_2433 : i32
      %ne3A_2451 = arith.constant 0 : i32
      %ne3A_2452 = arith.cmpi ne, %rem3A_2450, %ne3A_2451 : i32
      %and3A_2453 = arith.andi %ne3A_2449, %ne3A_2452 : i1
      %sub3A_2454 = arith.constant 1 : i32
      %sub3A_2455 = arith.subi %div3A_2434, %sub3A_2454 : i32
      %select_n3A_2456 = arith.select %and3A_2453, %sub3A_2455, %div3A_2434 : i32
      %mul3A_2457 = arith.constant 16 : i32
      %mul3A_2458 = arith.muli %select_n3A_2456, %mul3A_2457 : i32
      %sub3A_2459 = arith.subi %min3A_2432, %mul3A_2458 : i32
      %get3A_2460 = arith.constant 2 : i32
      %get3A_2461 = arith.index_cast %get3A_2460 : i32 to index
      %get3A_2462 = arith.index_cast %mul3A_2458 : i32 to index
      %get3A_2463 = tpu.vector_load %arg6[%get3A_2461, %get3A_2462] {strides = array<i32>} : memref<8x3968xf32, #tpu.memory_space<vmem>>, vector<16xf32>,
      %iota3A_2464 = tpu.iota {dimensions = array<i32: 0>} : vector<16xi32>
      %eq3A_2465 = vector.broadcast %sub3A_2459 : i32 to vector<16xi32>
      %eq3A_2466 = arith.cmpi eq, %iota3A_2464, %eq3A_2465 : vector<16xi32>
      %broadcast_in_dim3A_2467 = vector.broadcast %and3A_2428 : i1 to vector<16xi1>
      %and3A_2468 = arith.andi %eq3A_2466, %broadcast_in_dim3A_2467 : vector<16xi1>
      %broadcast_in_dim3A_2469 = arith.constant 0xFF800000 : f32
      %broadcast_in_dim3A_2470 = vector.broadcast %broadcast_in_dim3A_2469 : f32 to vector<16xf32>
      %select_n3A_2471 = arith.select %and3A_2468, %broadcast_in_dim3A_2470, %get3A_2463 : vector<16xi1>, vector<16xf32>
      %swap3A_2472 = arith.constant 2 : i32
      %swap3A_2473 = arith.index_cast %swap3A_2472 : i32 to index
      %swap3A_2474 = arith.index_cast %mul3A_2458 : i32 to index
      %swap3A_2475 = tpu.vector_load %arg6[%swap3A_2473, %swap3A_2474] {strides = array<i32>} : memref<8x3968xf32, #tpu.memory_space<vmem>>, vector<16xf32>,
      tpu.vector_store %arg6[%swap3A_2473, %swap3A_2474], %select_n3A_2471 {strides = array<i32>} : memref<8x3968xf32, #tpu.memory_space<vmem>>, vector<16xf32>,
      %select_n3A_2476 = arith.select %and3A_2468, %get3A_2463, %scan3A_2296 : vector<16xi1>, vector<16xf32>
      %sub3A_2477 = arith.subi %reduce_max3A_125, %add3A_2314 : i32
      %ge3A_2478 = arith.constant 0 : i32
      %ge3A_2479 = arith.cmpi sge, %sub3A_2477, %ge3A_2478 : i32
      %lt3A_2480 = arith.constant 3968 : i32
      %lt3A_2481 = arith.cmpi slt, %sub3A_2477, %lt3A_2480 : i32
      %and3A_2482 = arith.andi %ge3A_2479, %lt3A_2481 : i1
      %max3A_2483 = arith.constant 0 : i32
      %max3A_2484 = arith.maxsi %sub3A_2477, %max3A_2483 : i32
      %min3A_2485 = arith.constant 3967 : i32
      %min3A_2486 = arith.minsi %max3A_2484, %min3A_2485 : i32
      %jit3A_2487 = arith.constant 16 : i32
      %div3A_2488 = arith.divsi %min3A_2486, %jit3A_2487 : i32
      %sign3A_2489 = arith.constant 0 : i32
      %sign3A_2490 = arith.cmpi sgt, %min3A_2486, %sign3A_2489 : i32
      %sign3A_2491 = arith.extui %sign3A_2490 : i1 to i32
      %sign3A_2492 = arith.constant 0 : i32
      %sign3A_2493 = arith.cmpi slt, %min3A_2486, %sign3A_2492 : i32
      %sign3A_2494 = arith.extui %sign3A_2493 : i1 to i32
      %sign3A_2495 = arith.subi %sign3A_2491, %sign3A_2494 : i32
      %sign3A_2496 = arith.constant 0 : i32
      %sign3A_2497 = arith.cmpi sgt, %jit3A_2487, %sign3A_2496 : i32
      %sign3A_2498 = arith.extui %sign3A_2497 : i1 to i32
      %sign3A_2499 = arith.constant 0 : i32
      %sign3A_2500 = arith.cmpi slt, %jit3A_2487, %sign3A_2499 : i32
      %sign3A_2501 = arith.extui %sign3A_2500 : i1 to i32
      %sign3A_2502 = arith.subi %sign3A_2498, %sign3A_2501 : i32
      %ne3A_2503 = arith.cmpi ne, %sign3A_2495, %sign3A_2502 : i32
      %rem3A_2504 = arith.remsi %min3A_2486, %jit3A_2487 : i32
      %ne3A_2505 = arith.constant 0 : i32
      %ne3A_2506 = arith.cmpi ne, %rem3A_2504, %ne3A_2505 : i32
      %and3A_2507 = arith.andi %ne3A_2503, %ne3A_2506 : i1
      %sub3A_2508 = arith.constant 1 : i32
      %sub3A_2509 = arith.subi %div3A_2488, %sub3A_2508 : i32
      %select_n3A_2510 = arith.select %and3A_2507, %sub3A_2509, %div3A_2488 : i32
      %mul3A_2511 = arith.constant 16 : i32
      %mul3A_2512 = arith.muli %select_n3A_2510, %mul3A_2511 : i32
      %sub3A_2513 = arith.subi %min3A_2486, %mul3A_2512 : i32
      %get3A_2514 = arith.constant 3 : i32
      %get3A_2515 = arith.index_cast %get3A_2514 : i32 to index
      %get3A_2516 = arith.index_cast %mul3A_2512 : i32 to index
      %get3A_2517 = tpu.vector_load %arg6[%get3A_2515, %get3A_2516] {strides = array<i32>} : memref<8x3968xf32, #tpu.memory_space<vmem>>, vector<16xf32>,
      %iota3A_2518 = tpu.iota {dimensions = array<i32: 0>} : vector<16xi32>
      %eq3A_2519 = vector.broadcast %sub3A_2513 : i32 to vector<16xi32>
      %eq3A_2520 = arith.cmpi eq, %iota3A_2518, %eq3A_2519 : vector<16xi32>
      %broadcast_in_dim3A_2521 = vector.broadcast %and3A_2482 : i1 to vector<16xi1>
      %and3A_2522 = arith.andi %eq3A_2520, %broadcast_in_dim3A_2521 : vector<16xi1>
      %broadcast_in_dim3A_2523 = arith.constant 0xFF800000 : f32
      %broadcast_in_dim3A_2524 = vector.broadcast %broadcast_in_dim3A_2523 : f32 to vector<16xf32>
      %select_n3A_2525 = arith.select %and3A_2522, %broadcast_in_dim3A_2524, %get3A_2517 : vector<16xi1>, vector<16xf32>
      %swap3A_2526 = arith.constant 3 : i32
      %swap3A_2527 = arith.index_cast %swap3A_2526 : i32 to index
      %swap3A_2528 = arith.index_cast %mul3A_2512 : i32 to index
      %swap3A_2529 = tpu.vector_load %arg6[%swap3A_2527, %swap3A_2528] {strides = array<i32>} : memref<8x3968xf32, #tpu.memory_space<vmem>>, vector<16xf32>,
      tpu.vector_store %arg6[%swap3A_2527, %swap3A_2528], %select_n3A_2525 {strides = array<i32>} : memref<8x3968xf32, #tpu.memory_space<vmem>>, vector<16xf32>,
      %select_n3A_2530 = arith.select %and3A_2522, %get3A_2517, %scan3A_2297 : vector<16xi1>, vector<16xf32>
      %sub3A_2531 = arith.subi %reduce_max3A_140, %add3A_2314 : i32
      %ge3A_2532 = arith.constant 0 : i32
      %ge3A_2533 = arith.cmpi sge, %sub3A_2531, %ge3A_2532 : i32
      %lt3A_2534 = arith.constant 3968 : i32
      %lt3A_2535 = arith.cmpi slt, %sub3A_2531, %lt3A_2534 : i32
      %and3A_2536 = arith.andi %ge3A_2533, %lt3A_2535 : i1
      %max3A_2537 = arith.constant 0 : i32
      %max3A_2538 = arith.maxsi %sub3A_2531, %max3A_2537 : i32
      %min3A_2539 = arith.constant 3967 : i32
      %min3A_2540 = arith.minsi %max3A_2538, %min3A_2539 : i32
      %jit3A_2541 = arith.constant 16 : i32
      %div3A_2542 = arith.divsi %min3A_2540, %jit3A_2541 : i32
      %sign3A_2543 = arith.constant 0 : i32
      %sign3A_2544 = arith.cmpi sgt, %min3A_2540, %sign3A_2543 : i32
      %sign3A_2545 = arith.extui %sign3A_2544 : i1 to i32
      %sign3A_2546 = arith.constant 0 : i32
      %sign3A_2547 = arith.cmpi slt, %min3A_2540, %sign3A_2546 : i32
      %sign3A_2548 = arith.extui %sign3A_2547 : i1 to i32
      %sign3A_2549 = arith.subi %sign3A_2545, %sign3A_2548 : i32
      %sign3A_2550 = arith.constant 0 : i32
      %sign3A_2551 = arith.cmpi sgt, %jit3A_2541, %sign3A_2550 : i32
      %sign3A_2552 = arith.extui %sign3A_2551 : i1 to i32
      %sign3A_2553 = arith.constant 0 : i32
      %sign3A_2554 = arith.cmpi slt, %jit3A_2541, %sign3A_2553 : i32
      %sign3A_2555 = arith.extui %sign3A_2554 : i1 to i32
      %sign3A_2556 = arith.subi %sign3A_2552, %sign3A_2555 : i32
      %ne3A_2557 = arith.cmpi ne, %sign3A_2549, %sign3A_2556 : i32
      %rem3A_2558 = arith.remsi %min3A_2540, %jit3A_2541 : i32
      %ne3A_2559 = arith.constant 0 : i32
      %ne3A_2560 = arith.cmpi ne, %rem3A_2558, %ne3A_2559 : i32
      %and3A_2561 = arith.andi %ne3A_2557, %ne3A_2560 : i1
      %sub3A_2562 = arith.constant 1 : i32
      %sub3A_2563 = arith.subi %div3A_2542, %sub3A_2562 : i32
      %select_n3A_2564 = arith.select %and3A_2561, %sub3A_2563, %div3A_2542 : i32
      %mul3A_2565 = arith.constant 16 : i32
      %mul3A_2566 = arith.muli %select_n3A_2564, %mul3A_2565 : i32
      %sub3A_2567 = arith.subi %min3A_2540, %mul3A_2566 : i32
      %get3A_2568 = arith.constant 4 : i32
      %get3A_2569 = arith.index_cast %get3A_2568 : i32 to index
      %get3A_2570 = arith.index_cast %mul3A_2566 : i32 to index
      %get3A_2571 = tpu.vector_load %arg6[%get3A_2569, %get3A_2570] {strides = array<i32>} : memref<8x3968xf32, #tpu.memory_space<vmem>>, vector<16xf32>,
      %iota3A_2572 = tpu.iota {dimensions = array<i32: 0>} : vector<16xi32>
      %eq3A_2573 = vector.broadcast %sub3A_2567 : i32 to vector<16xi32>
      %eq3A_2574 = arith.cmpi eq, %iota3A_2572, %eq3A_2573 : vector<16xi32>
      %broadcast_in_dim3A_2575 = vector.broadcast %and3A_2536 : i1 to vector<16xi1>
      %and3A_2576 = arith.andi %eq3A_2574, %broadcast_in_dim3A_2575 : vector<16xi1>
      %broadcast_in_dim3A_2577 = arith.constant 0xFF800000 : f32
      %broadcast_in_dim3A_2578 = vector.broadcast %broadcast_in_dim3A_2577 : f32 to vector<16xf32>
      %select_n3A_2579 = arith.select %and3A_2576, %broadcast_in_dim3A_2578, %get3A_2571 : vector<16xi1>, vector<16xf32>
      %swap3A_2580 = arith.constant 4 : i32
      %swap3A_2581 = arith.index_cast %swap3A_2580 : i32 to index
      %swap3A_2582 = arith.index_cast %mul3A_2566 : i32 to index
      %swap3A_2583 = tpu.vector_load %arg6[%swap3A_2581, %swap3A_2582] {strides = array<i32>} : memref<8x3968xf32, #tpu.memory_space<vmem>>, vector<16xf32>,
      tpu.vector_store %arg6[%swap3A_2581, %swap3A_2582], %select_n3A_2579 {strides = array<i32>} : memref<8x3968xf32, #tpu.memory_space<vmem>>, vector<16xf32>,
      %select_n3A_2584 = arith.select %and3A_2576, %get3A_2571, %scan3A_2298 : vector<16xi1>, vector<16xf32>
      %sub3A_2585 = arith.subi %reduce_max3A_155, %add3A_2314 : i32
      %ge3A_2586 = arith.constant 0 : i32
      %ge3A_2587 = arith.cmpi sge, %sub3A_2585, %ge3A_2586 : i32
      %lt3A_2588 = arith.constant 3968 : i32
      %lt3A_2589 = arith.cmpi slt, %sub3A_2585, %lt3A_2588 : i32
      %and3A_2590 = arith.andi %ge3A_2587, %lt3A_2589 : i1
      %max3A_2591 = arith.constant 0 : i32
      %max3A_2592 = arith.maxsi %sub3A_2585, %max3A_2591 : i32
      %min3A_2593 = arith.constant 3967 : i32
      %min3A_2594 = arith.minsi %max3A_2592, %min3A_2593 : i32
      %jit3A_2595 = arith.constant 16 : i32
      %div3A_2596 = arith.divsi %min3A_2594, %jit3A_2595 : i32
      %sign3A_2597 = arith.constant 0 : i32
      %sign3A_2598 = arith.cmpi sgt, %min3A_2594, %sign3A_2597 : i32
      %sign3A_2599 = arith.extui %sign3A_2598 : i1 to i32
      %sign3A_2600 = arith.constant 0 : i32
      %sign3A_2601 = arith.cmpi slt, %min3A_2594, %sign3A_2600 : i32
      %sign3A_2602 = arith.extui %sign3A_2601 : i1 to i32
      %sign3A_2603 = arith.subi %sign3A_2599, %sign3A_2602 : i32
      %sign3A_2604 = arith.constant 0 : i32
      %sign3A_2605 = arith.cmpi sgt, %jit3A_2595, %sign3A_2604 : i32
      %sign3A_2606 = arith.extui %sign3A_2605 : i1 to i32
      %sign3A_2607 = arith.constant 0 : i32
      %sign3A_2608 = arith.cmpi slt, %jit3A_2595, %sign3A_2607 : i32
      %sign3A_2609 = arith.extui %sign3A_2608 : i1 to i32
      %sign3A_2610 = arith.subi %sign3A_2606, %sign3A_2609 : i32
      %ne3A_2611 = arith.cmpi ne, %sign3A_2603, %sign3A_2610 : i32
      %rem3A_2612 = arith.remsi %min3A_2594, %jit3A_2595 : i32
      %ne3A_2613 = arith.constant 0 : i32
      %ne3A_2614 = arith.cmpi ne, %rem3A_2612, %ne3A_2613 : i32
      %and3A_2615 = arith.andi %ne3A_2611, %ne3A_2614 : i1
      %sub3A_2616 = arith.constant 1 : i32
      %sub3A_2617 = arith.subi %div3A_2596, %sub3A_2616 : i32
      %select_n3A_2618 = arith.select %and3A_2615, %sub3A_2617, %div3A_2596 : i32
      %mul3A_2619 = arith.constant 16 : i32
      %mul3A_2620 = arith.muli %select_n3A_2618, %mul3A_2619 : i32
      %sub3A_2621 = arith.subi %min3A_2594, %mul3A_2620 : i32
      %get3A_2622 = arith.constant 5 : i32
      %get3A_2623 = arith.index_cast %get3A_2622 : i32 to index
      %get3A_2624 = arith.index_cast %mul3A_2620 : i32 to index
      %get3A_2625 = tpu.vector_load %arg6[%get3A_2623, %get3A_2624] {strides = array<i32>} : memref<8x3968xf32, #tpu.memory_space<vmem>>, vector<16xf32>,
      %iota3A_2626 = tpu.iota {dimensions = array<i32: 0>} : vector<16xi32>
      %eq3A_2627 = vector.broadcast %sub3A_2621 : i32 to vector<16xi32>
      %eq3A_2628 = arith.cmpi eq, %iota3A_2626, %eq3A_2627 : vector<16xi32>
      %broadcast_in_dim3A_2629 = vector.broadcast %and3A_2590 : i1 to vector<16xi1>
      %and3A_2630 = arith.andi %eq3A_2628, %broadcast_in_dim3A_2629 : vector<16xi1>
      %broadcast_in_dim3A_2631 = arith.constant 0xFF800000 : f32
      %broadcast_in_dim3A_2632 = vector.broadcast %broadcast_in_dim3A_2631 : f32 to vector<16xf32>
      %select_n3A_2633 = arith.select %and3A_2630, %broadcast_in_dim3A_2632, %get3A_2625 : vector<16xi1>, vector<16xf32>
      %swap3A_2634 = arith.constant 5 : i32
      %swap3A_2635 = arith.index_cast %swap3A_2634 : i32 to index
      %swap3A_2636 = arith.index_cast %mul3A_2620 : i32 to index
      %swap3A_2637 = tpu.vector_load %arg6[%swap3A_2635, %swap3A_2636] {strides = array<i32>} : memref<8x3968xf32, #tpu.memory_space<vmem>>, vector<16xf32>,
      tpu.vector_store %arg6[%swap3A_2635, %swap3A_2636], %select_n3A_2633 {strides = array<i32>} : memref<8x3968xf32, #tpu.memory_space<vmem>>, vector<16xf32>,
      %select_n3A_2638 = arith.select %and3A_2630, %get3A_2625, %scan3A_2299 : vector<16xi1>, vector<16xf32>
      %sub3A_2639 = arith.subi %reduce_max3A_170, %add3A_2314 : i32
      %ge3A_2640 = arith.constant 0 : i32
      %ge3A_2641 = arith.cmpi sge, %sub3A_2639, %ge3A_2640 : i32
      %lt3A_2642 = arith.constant 3968 : i32
      %lt3A_2643 = arith.cmpi slt, %sub3A_2639, %lt3A_2642 : i32
      %and3A_2644 = arith.andi %ge3A_2641, %lt3A_2643 : i1
      %max3A_2645 = arith.constant 0 : i32
      %max3A_2646 = arith.maxsi %sub3A_2639, %max3A_2645 : i32
      %min3A_2647 = arith.constant 3967 : i32
      %min3A_2648 = arith.minsi %max3A_2646, %min3A_2647 : i32
      %jit3A_2649 = arith.constant 16 : i32
      %div3A_2650 = arith.divsi %min3A_2648, %jit3A_2649 : i32
      %sign3A_2651 = arith.constant 0 : i32
      %sign3A_2652 = arith.cmpi sgt, %min3A_2648, %sign3A_2651 : i32
      %sign3A_2653 = arith.extui %sign3A_2652 : i1 to i32
      %sign3A_2654 = arith.constant 0 : i32
      %sign3A_2655 = arith.cmpi slt, %min3A_2648, %sign3A_2654 : i32
      %sign3A_2656 = arith.extui %sign3A_2655 : i1 to i32
      %sign3A_2657 = arith.subi %sign3A_2653, %sign3A_2656 : i32
      %sign3A_2658 = arith.constant 0 : i32
      %sign3A_2659 = arith.cmpi sgt, %jit3A_2649, %sign3A_2658 : i32
      %sign3A_2660 = arith.extui %sign3A_2659 : i1 to i32
      %sign3A_2661 = arith.constant 0 : i32
      %sign3A_2662 = arith.cmpi slt, %jit3A_2649, %sign3A_2661 : i32
      %sign3A_2663 = arith.extui %sign3A_2662 : i1 to i32
      %sign3A_2664 = arith.subi %sign3A_2660, %sign3A_2663 : i32
      %ne3A_2665 = arith.cmpi ne, %sign3A_2657, %sign3A_2664 : i32
      %rem3A_2666 = arith.remsi %min3A_2648, %jit3A_2649 : i32
      %ne3A_2667 = arith.constant 0 : i32
      %ne3A_2668 = arith.cmpi ne, %rem3A_2666, %ne3A_2667 : i32
      %and3A_2669 = arith.andi %ne3A_2665, %ne3A_2668 : i1
      %sub3A_2670 = arith.constant 1 : i32
      %sub3A_2671 = arith.subi %div3A_2650, %sub3A_2670 : i32
      %select_n3A_2672 = arith.select %and3A_2669, %sub3A_2671, %div3A_2650 : i32
      %mul3A_2673 = arith.constant 16 : i32
      %mul3A_2674 = arith.muli %select_n3A_2672, %mul3A_2673 : i32
      %sub3A_2675 = arith.subi %min3A_2648, %mul3A_2674 : i32
      %get3A_2676 = arith.constant 6 : i32
      %get3A_2677 = arith.index_cast %get3A_2676 : i32 to index
      %get3A_2678 = arith.index_cast %mul3A_2674 : i32 to index
      %get3A_2679 = tpu.vector_load %arg6[%get3A_2677, %get3A_2678] {strides = array<i32>} : memref<8x3968xf32, #tpu.memory_space<vmem>>, vector<16xf32>,
      %iota3A_2680 = tpu.iota {dimensions = array<i32: 0>} : vector<16xi32>
      %eq3A_2681 = vector.broadcast %sub3A_2675 : i32 to vector<16xi32>
      %eq3A_2682 = arith.cmpi eq, %iota3A_2680, %eq3A_2681 : vector<16xi32>
      %broadcast_in_dim3A_2683 = vector.broadcast %and3A_2644 : i1 to vector<16xi1>
      %and3A_2684 = arith.andi %eq3A_2682, %broadcast_in_dim3A_2683 : vector<16xi1>
      %broadcast_in_dim3A_2685 = arith.constant 0xFF800000 : f32
      %broadcast_in_dim3A_2686 = vector.broadcast %broadcast_in_dim3A_2685 : f32 to vector<16xf32>
      %select_n3A_2687 = arith.select %and3A_2684, %broadcast_in_dim3A_2686, %get3A_2679 : vector<16xi1>, vector<16xf32>
      %swap3A_2688 = arith.constant 6 : i32
      %swap3A_2689 = arith.index_cast %swap3A_2688 : i32 to index
      %swap3A_2690 = arith.index_cast %mul3A_2674 : i32 to index
      %swap3A_2691 = tpu.vector_load %arg6[%swap3A_2689, %swap3A_2690] {strides = array<i32>} : memref<8x3968xf32, #tpu.memory_space<vmem>>, vector<16xf32>,
      tpu.vector_store %arg6[%swap3A_2689, %swap3A_2690], %select_n3A_2687 {strides = array<i32>} : memref<8x3968xf32, #tpu.memory_space<vmem>>, vector<16xf32>,
      %select_n3A_2692 = arith.select %and3A_2684, %get3A_2679, %scan3A_2300 : vector<16xi1>, vector<16xf32>
      %sub3A_2693 = arith.subi %reduce_max3A_185, %add3A_2314 : i32
      %ge3A_2694 = arith.constant 0 : i32
      %ge3A_2695 = arith.cmpi sge, %sub3A_2693, %ge3A_2694 : i32
      %lt3A_2696 = arith.constant 3968 : i32
      %lt3A_2697 = arith.cmpi slt, %sub3A_2693, %lt3A_2696 : i32
      %and3A_2698 = arith.andi %ge3A_2695, %lt3A_2697 : i1
      %max3A_2699 = arith.constant 0 : i32
      %max3A_2700 = arith.maxsi %sub3A_2693, %max3A_2699 : i32
      %min3A_2701 = arith.constant 3967 : i32
      %min3A_2702 = arith.minsi %max3A_2700, %min3A_2701 : i32
      %jit3A_2703 = arith.constant 16 : i32
      %div3A_2704 = arith.divsi %min3A_2702, %jit3A_2703 : i32
      %sign3A_2705 = arith.constant 0 : i32
      %sign3A_2706 = arith.cmpi sgt, %min3A_2702, %sign3A_2705 : i32
      %sign3A_2707 = arith.extui %sign3A_2706 : i1 to i32
      %sign3A_2708 = arith.constant 0 : i32
      %sign3A_2709 = arith.cmpi slt, %min3A_2702, %sign3A_2708 : i32
      %sign3A_2710 = arith.extui %sign3A_2709 : i1 to i32
      %sign3A_2711 = arith.subi %sign3A_2707, %sign3A_2710 : i32
      %sign3A_2712 = arith.constant 0 : i32
      %sign3A_2713 = arith.cmpi sgt, %jit3A_2703, %sign3A_2712 : i32
      %sign3A_2714 = arith.extui %sign3A_2713 : i1 to i32
      %sign3A_2715 = arith.constant 0 : i32
      %sign3A_2716 = arith.cmpi slt, %jit3A_2703, %sign3A_2715 : i32
      %sign3A_2717 = arith.extui %sign3A_2716 : i1 to i32
      %sign3A_2718 = arith.subi %sign3A_2714, %sign3A_2717 : i32
      %ne3A_2719 = arith.cmpi ne, %sign3A_2711, %sign3A_2718 : i32
      %rem3A_2720 = arith.remsi %min3A_2702, %jit3A_2703 : i32
      %ne3A_2721 = arith.constant 0 : i32
      %ne3A_2722 = arith.cmpi ne, %rem3A_2720, %ne3A_2721 : i32
      %and3A_2723 = arith.andi %ne3A_2719, %ne3A_2722 : i1
      %sub3A_2724 = arith.constant 1 : i32
      %sub3A_2725 = arith.subi %div3A_2704, %sub3A_2724 : i32
      %select_n3A_2726 = arith.select %and3A_2723, %sub3A_2725, %div3A_2704 : i32
      %mul3A_2727 = arith.constant 16 : i32
      %mul3A_2728 = arith.muli %select_n3A_2726, %mul3A_2727 : i32
      %sub3A_2729 = arith.subi %min3A_2702, %mul3A_2728 : i32
      %get3A_2730 = arith.constant 7 : i32
      %get3A_2731 = arith.index_cast %get3A_2730 : i32 to index
      %get3A_2732 = arith.index_cast %mul3A_2728 : i32 to index
      %get3A_2733 = tpu.vector_load %arg6[%get3A_2731, %get3A_2732] {strides = array<i32>} : memref<8x3968xf32, #tpu.memory_space<vmem>>, vector<16xf32>,
      %iota3A_2734 = tpu.iota {dimensions = array<i32: 0>} : vector<16xi32>
      %eq3A_2735 = vector.broadcast %sub3A_2729 : i32 to vector<16xi32>
      %eq3A_2736 = arith.cmpi eq, %iota3A_2734, %eq3A_2735 : vector<16xi32>
      %broadcast_in_dim3A_2737 = vector.broadcast %and3A_2698 : i1 to vector<16xi1>
      %and3A_2738 = arith.andi %eq3A_2736, %broadcast_in_dim3A_2737 : vector<16xi1>
      %broadcast_in_dim3A_2739 = arith.constant 0xFF800000 : f32
      %broadcast_in_dim3A_2740 = vector.broadcast %broadcast_in_dim3A_2739 : f32 to vector<16xf32>
      %select_n3A_2741 = arith.select %and3A_2738, %broadcast_in_dim3A_2740, %get3A_2733 : vector<16xi1>, vector<16xf32>
      %swap3A_2742 = arith.constant 7 : i32
      %swap3A_2743 = arith.index_cast %swap3A_2742 : i32 to index
      %swap3A_2744 = arith.index_cast %mul3A_2728 : i32 to index
      %swap3A_2745 = tpu.vector_load %arg6[%swap3A_2743, %swap3A_2744] {strides = array<i32>} : memref<8x3968xf32, #tpu.memory_space<vmem>>, vector<16xf32>,
      tpu.vector_store %arg6[%swap3A_2743, %swap3A_2744], %select_n3A_2741 {strides = array<i32>} : memref<8x3968xf32, #tpu.memory_space<vmem>>, vector<16xf32>,
      %select_n3A_2746 = arith.select %and3A_2738, %get3A_2733, %scan3A_2301 : vector<16xi1>, vector<16xf32>
      %scan3A_2747 = arith.constant 0 : i32
      %scan3A_2748 = arith.constant 248 : i32
      %scan3A_2749 = arith.addi %scan3A_2747, %scan3A_2748 : i32
      %scan3A_2750 = arith.constant 1 : i32
      %scan3A_2751:8 = scf.for %scan3A_3675 = %scan3A_2747 to %scan3A_2749 step %scan3A_2750 iter_args(%scan3A_3676 = %scan3A_2286, %scan3A_3677 = %scan3A_2287, %scan3A_3678 = %scan3A_2288, %scan3A_3679 = %scan3A_2289, %scan3A_3680 = %scan3A_2290, %scan3A_3681 = %scan3A_2291, %scan3A_3682 = %scan3A_2292, %scan3A_3683 = %scan3A_2293) -> (vector<16xf32>, vector<16xf32>, vector<16xf32>, vector<16xf32>, vector<16xf32>, vector<16xf32>, vector<16xf32>, vector<16xf32>)  : i32 {
        %mul3A_3684 = arith.constant 16 : i32
        %mul3A_3685 = arith.muli %scan3A_3675, %mul3A_3684 : i32
        %get3A_3686 = arith.constant 0 : i32
        %get3A_3687 = arith.index_cast %get3A_3686 : i32 to index
        %get3A_3688 = arith.index_cast %mul3A_3685 : i32 to index
        %get3A_3689 = tpu.vector_load %arg6[%get3A_3687, %get3A_3688] {strides = array<i32>} : memref<8x3968xf32, #tpu.memory_space<vmem>>, vector<16xf32>,
        %max3A_3690 = arith.maximumf %scan3A_3676, %get3A_3689 : vector<16xf32>
        %get3A_3691 = arith.constant 1 : i32
        %get3A_3692 = arith.index_cast %get3A_3691 : i32 to index
        %get3A_3693 = arith.index_cast %mul3A_3685 : i32 to index
        %get3A_3694 = tpu.vector_load %arg6[%get3A_3692, %get3A_3693] {strides = array<i32>} : memref<8x3968xf32, #tpu.memory_space<vmem>>, vector<16xf32>,
        %max3A_3695 = arith.maximumf %scan3A_3677, %get3A_3694 : vector<16xf32>
        %get3A_3696 = arith.constant 2 : i32
        %get3A_3697 = arith.index_cast %get3A_3696 : i32 to index
        %get3A_3698 = arith.index_cast %mul3A_3685 : i32 to index
        %get3A_3699 = tpu.vector_load %arg6[%get3A_3697, %get3A_3698] {strides = array<i32>} : memref<8x3968xf32, #tpu.memory_space<vmem>>, vector<16xf32>,
        %max3A_3700 = arith.maximumf %scan3A_3678, %get3A_3699 : vector<16xf32>
        %get3A_3701 = arith.constant 3 : i32
        %get3A_3702 = arith.index_cast %get3A_3701 : i32 to index
        %get3A_3703 = arith.index_cast %mul3A_3685 : i32 to index
        %get3A_3704 = tpu.vector_load %arg6[%get3A_3702, %get3A_3703] {strides = array<i32>} : memref<8x3968xf32, #tpu.memory_space<vmem>>, vector<16xf32>,
        %max3A_3705 = arith.maximumf %scan3A_3679, %get3A_3704 : vector<16xf32>
        %get3A_3706 = arith.constant 4 : i32
        %get3A_3707 = arith.index_cast %get3A_3706 : i32 to index
        %get3A_3708 = arith.index_cast %mul3A_3685 : i32 to index
        %get3A_3709 = tpu.vector_load %arg6[%get3A_3707, %get3A_3708] {strides = array<i32>} : memref<8x3968xf32, #tpu.memory_space<vmem>>, vector<16xf32>,
        %max3A_3710 = arith.maximumf %scan3A_3680, %get3A_3709 : vector<16xf32>
        %get3A_3711 = arith.constant 5 : i32
        %get3A_3712 = arith.index_cast %get3A_3711 : i32 to index
        %get3A_3713 = arith.index_cast %mul3A_3685 : i32 to index
        %get3A_3714 = tpu.vector_load %arg6[%get3A_3712, %get3A_3713] {strides = array<i32>} : memref<8x3968xf32, #tpu.memory_space<vmem>>, vector<16xf32>,
        %max3A_3715 = arith.maximumf %scan3A_3681, %get3A_3714 : vector<16xf32>
        %get3A_3716 = arith.constant 6 : i32
        %get3A_3717 = arith.index_cast %get3A_3716 : i32 to index
        %get3A_3718 = arith.index_cast %mul3A_3685 : i32 to index
        %get3A_3719 = tpu.vector_load %arg6[%get3A_3717, %get3A_3718] {strides = array<i32>} : memref<8x3968xf32, #tpu.memory_space<vmem>>, vector<16xf32>,
        %max3A_3720 = arith.maximumf %scan3A_3682, %get3A_3719 : vector<16xf32>
        %get3A_3721 = arith.constant 7 : i32
        %get3A_3722 = arith.index_cast %get3A_3721 : i32 to index
        %get3A_3723 = arith.index_cast %mul3A_3685 : i32 to index
        %get3A_3724 = tpu.vector_load %arg6[%get3A_3722, %get3A_3723] {strides = array<i32>} : memref<8x3968xf32, #tpu.memory_space<vmem>>, vector<16xf32>,
        %max3A_3725 = arith.maximumf %scan3A_3683, %get3A_3724 : vector<16xf32>
        scf.yield %max3A_3690, %max3A_3695, %max3A_3700, %max3A_3705, %max3A_3710, %max3A_3715, %max3A_3720, %max3A_3725 : vector<16xf32>, vector<16xf32>, vector<16xf32>, vector<16xf32>, vector<16xf32>, vector<16xf32>, vector<16xf32>, vector<16xf32>
      }
      %scan3A_2752 = arith.constant 248 : i32
      %add3A_2753 = arith.constant 3 : i32
      %add3A_2754 = arith.addi %add3A_2305, %add3A_2753 : i32
      %mul3A_2755 = arith.constant 3968 : i32
      %mul3A_2756 = arith.muli %add3A_2754, %mul3A_2755 : i32
      %add3A_2757 = arith.addi %mul3A_23, %mul3A_2756 : i32
      %multiple_of3A_2758 = tpu.assume_multiple %add3A_2757, 128 : i32
      %dma_start3A_2759 = tpu.memref_slice %arg2[%multiple_of3A, %multiple_of3A_2758] : memref<64x1000000xf32, #tpu.memory_space<hbm>> -> memref<8x3968xf32, #tpu.memory_space<hbm>>
      %dma_start3A_2760 = tpu.memref_slice %arg2[%multiple_of3A, %multiple_of3A_2758] : memref<64x1000000xf32, #tpu.memory_space<hbm>> -> memref<8x3968xf32, #tpu.memory_space<hbm>>
      tpu.enqueue_dma source(%dma_start3A_2760 : memref<8x3968xf32, #tpu.memory_space<hbm>>) target(%arg6 : memref<8x3968xf32, #tpu.memory_space<vmem>>) target_semaphore(%arg12 : memref<!tpu.dma_semaphore, #tpu.memory_space<semaphore_mem>>)
      %add3A_2761 = arith.constant 1 : i32
      %add3A_2762 = arith.addi %mul3A_2303, %add3A_2761 : i32
      %mul3A_2763 = arith.constant 3968 : i32
      %mul3A_2764 = arith.muli %add3A_2762, %mul3A_2763 : i32
      %add3A_2765 = arith.addi %mul3A_23, %mul3A_2764 : i32
      %multiple_of3A_2766 = tpu.assume_multiple %add3A_2765, 128 : i32
      %dma_wait3A_2767 = tpu.memref_slice %arg2[%multiple_of3A, %multiple_of3A_2766] : memref<64x1000000xf32, #tpu.memory_space<hbm>> -> memref<8x3968xf32, #tpu.memory_space<hbm>>
      %dma_wait3A_2768 = tpu.memref_slice %arg2[%multiple_of3A, %multiple_of3A_2766] : memref<64x1000000xf32, #tpu.memory_space<hbm>> -> memref<8x3968xf32, #tpu.memory_space<hbm>>
      tpu.wait_dma2 semaphore(%arg13 : memref<!tpu.dma_semaphore, #tpu.memory_space<semaphore_mem>>) src(%dma_wait3A_2768 : memref<8x3968xf32, #tpu.memory_space<hbm>>) dst(%arg7 : memref<8x3968xf32, #tpu.memory_space<vmem>>)
      %mul3A_2769 = arith.constant 3968 : i32
      %mul3A_2770 = arith.muli %add3A_2762, %mul3A_2769 : i32
      %add3A_2771 = arith.addi %mul3A_23, %mul3A_2770 : i32
      %sub3A_2772 = arith.subi %reduce_max3A_80, %add3A_2771 : i32
      %ge3A_2773 = arith.constant 0 : i32
      %ge3A_2774 = arith.cmpi sge, %sub3A_2772, %ge3A_2773 : i32
      %lt3A_2775 = arith.constant 3968 : i32
      %lt3A_2776 = arith.cmpi slt, %sub3A_2772, %lt3A_2775 : i32
      %and3A_2777 = arith.andi %ge3A_2774, %lt3A_2776 : i1
      %max3A_2778 = arith.constant 0 : i32
      %max3A_2779 = arith.maxsi %sub3A_2772, %max3A_2778 : i32
      %min3A_2780 = arith.constant 3967 : i32
      %min3A_2781 = arith.minsi %max3A_2779, %min3A_2780 : i32
      %jit3A_2782 = arith.constant 16 : i32
      %div3A_2783 = arith.divsi %min3A_2781, %jit3A_2782 : i32
      %sign3A_2784 = arith.constant 0 : i32
      %sign3A_2785 = arith.cmpi sgt, %min3A_2781, %sign3A_2784 : i32
      %sign3A_2786 = arith.extui %sign3A_2785 : i1 to i32
      %sign3A_2787 = arith.constant 0 : i32
      %sign3A_2788 = arith.cmpi slt, %min3A_2781, %sign3A_2787 : i32
      %sign3A_2789 = arith.extui %sign3A_2788 : i1 to i32
      %sign3A_2790 = arith.subi %sign3A_2786, %sign3A_2789 : i32
      %sign3A_2791 = arith.constant 0 : i32
      %sign3A_2792 = arith.cmpi sgt, %jit3A_2782, %sign3A_2791 : i32
      %sign3A_2793 = arith.extui %sign3A_2792 : i1 to i32
      %sign3A_2794 = arith.constant 0 : i32
      %sign3A_2795 = arith.cmpi slt, %jit3A_2782, %sign3A_2794 : i32
      %sign3A_2796 = arith.extui %sign3A_2795 : i1 to i32
      %sign3A_2797 = arith.subi %sign3A_2793, %sign3A_2796 : i32
      %ne3A_2798 = arith.cmpi ne, %sign3A_2790, %sign3A_2797 : i32
      %rem3A_2799 = arith.remsi %min3A_2781, %jit3A_2782 : i32
      %ne3A_2800 = arith.constant 0 : i32
      %ne3A_2801 = arith.cmpi ne, %rem3A_2799, %ne3A_2800 : i32
      %and3A_2802 = arith.andi %ne3A_2798, %ne3A_2801 : i1
      %sub3A_2803 = arith.constant 1 : i32
      %sub3A_2804 = arith.subi %div3A_2783, %sub3A_2803 : i32
      %select_n3A_2805 = arith.select %and3A_2802, %sub3A_2804, %div3A_2783 : i32
      %mul3A_2806 = arith.constant 16 : i32
      %mul3A_2807 = arith.muli %select_n3A_2805, %mul3A_2806 : i32
      %sub3A_2808 = arith.subi %min3A_2781, %mul3A_2807 : i32
      %get3A_2809 = arith.constant 0 : i32
      %get3A_2810 = arith.index_cast %get3A_2809 : i32 to index
      %get3A_2811 = arith.index_cast %mul3A_2807 : i32 to index
      %get3A_2812 = tpu.vector_load %arg7[%get3A_2810, %get3A_2811] {strides = array<i32>} : memref<8x3968xf32, #tpu.memory_space<vmem>>, vector<16xf32>,
      %iota3A_2813 = tpu.iota {dimensions = array<i32: 0>} : vector<16xi32>
      %eq3A_2814 = vector.broadcast %sub3A_2808 : i32 to vector<16xi32>
      %eq3A_2815 = arith.cmpi eq, %iota3A_2813, %eq3A_2814 : vector<16xi32>
      %broadcast_in_dim3A_2816 = vector.broadcast %and3A_2777 : i1 to vector<16xi1>
      %and3A_2817 = arith.andi %eq3A_2815, %broadcast_in_dim3A_2816 : vector<16xi1>
      %broadcast_in_dim3A_2818 = arith.constant 0xFF800000 : f32
      %broadcast_in_dim3A_2819 = vector.broadcast %broadcast_in_dim3A_2818 : f32 to vector<16xf32>
      %select_n3A_2820 = arith.select %and3A_2817, %broadcast_in_dim3A_2819, %get3A_2812 : vector<16xi1>, vector<16xf32>
      %swap3A_2821 = arith.constant 0 : i32
      %swap3A_2822 = arith.index_cast %swap3A_2821 : i32 to index
      %swap3A_2823 = arith.index_cast %mul3A_2807 : i32 to index
      %swap3A_2824 = tpu.vector_load %arg7[%swap3A_2822, %swap3A_2823] {strides = array<i32>} : memref<8x3968xf32, #tpu.memory_space<vmem>>, vector<16xf32>,
      tpu.vector_store %arg7[%swap3A_2822, %swap3A_2823], %select_n3A_2820 {strides = array<i32>} : memref<8x3968xf32, #tpu.memory_space<vmem>>, vector<16xf32>,
      %select_n3A_2825 = arith.select %and3A_2817, %get3A_2812, %select_n3A_2368 : vector<16xi1>, vector<16xf32>
      %sub3A_2826 = arith.subi %reduce_max3A_95, %add3A_2771 : i32
      %ge3A_2827 = arith.constant 0 : i32
      %ge3A_2828 = arith.cmpi sge, %sub3A_2826, %ge3A_2827 : i32
      %lt3A_2829 = arith.constant 3968 : i32
      %lt3A_2830 = arith.cmpi slt, %sub3A_2826, %lt3A_2829 : i32
      %and3A_2831 = arith.andi %ge3A_2828, %lt3A_2830 : i1
      %max3A_2832 = arith.constant 0 : i32
      %max3A_2833 = arith.maxsi %sub3A_2826, %max3A_2832 : i32
      %min3A_2834 = arith.constant 3967 : i32
      %min3A_2835 = arith.minsi %max3A_2833, %min3A_2834 : i32
      %jit3A_2836 = arith.constant 16 : i32
      %div3A_2837 = arith.divsi %min3A_2835, %jit3A_2836 : i32
      %sign3A_2838 = arith.constant 0 : i32
      %sign3A_2839 = arith.cmpi sgt, %min3A_2835, %sign3A_2838 : i32
      %sign3A_2840 = arith.extui %sign3A_2839 : i1 to i32
      %sign3A_2841 = arith.constant 0 : i32
      %sign3A_2842 = arith.cmpi slt, %min3A_2835, %sign3A_2841 : i32
      %sign3A_2843 = arith.extui %sign3A_2842 : i1 to i32
      %sign3A_2844 = arith.subi %sign3A_2840, %sign3A_2843 : i32
      %sign3A_2845 = arith.constant 0 : i32
      %sign3A_2846 = arith.cmpi sgt, %jit3A_2836, %sign3A_2845 : i32
      %sign3A_2847 = arith.extui %sign3A_2846 : i1 to i32
      %sign3A_2848 = arith.constant 0 : i32
      %sign3A_2849 = arith.cmpi slt, %jit3A_2836, %sign3A_2848 : i32
      %sign3A_2850 = arith.extui %sign3A_2849 : i1 to i32
      %sign3A_2851 = arith.subi %sign3A_2847, %sign3A_2850 : i32
      %ne3A_2852 = arith.cmpi ne, %sign3A_2844, %sign3A_2851 : i32
      %rem3A_2853 = arith.remsi %min3A_2835, %jit3A_2836 : i32
      %ne3A_2854 = arith.constant 0 : i32
      %ne3A_2855 = arith.cmpi ne, %rem3A_2853, %ne3A_2854 : i32
      %and3A_2856 = arith.andi %ne3A_2852, %ne3A_2855 : i1
      %sub3A_2857 = arith.constant 1 : i32
      %sub3A_2858 = arith.subi %div3A_2837, %sub3A_2857 : i32
      %select_n3A_2859 = arith.select %and3A_2856, %sub3A_2858, %div3A_2837 : i32
      %mul3A_2860 = arith.constant 16 : i32
      %mul3A_2861 = arith.muli %select_n3A_2859, %mul3A_2860 : i32
      %sub3A_2862 = arith.subi %min3A_2835, %mul3A_2861 : i32
      %get3A_2863 = arith.constant 1 : i32
      %get3A_2864 = arith.index_cast %get3A_2863 : i32 to index
      %get3A_2865 = arith.index_cast %mul3A_2861 : i32 to index
      %get3A_2866 = tpu.vector_load %arg7[%get3A_2864, %get3A_2865] {strides = array<i32>} : memref<8x3968xf32, #tpu.memory_space<vmem>>, vector<16xf32>,
      %iota3A_2867 = tpu.iota {dimensions = array<i32: 0>} : vector<16xi32>
      %eq3A_2868 = vector.broadcast %sub3A_2862 : i32 to vector<16xi32>
      %eq3A_2869 = arith.cmpi eq, %iota3A_2867, %eq3A_2868 : vector<16xi32>
      %broadcast_in_dim3A_2870 = vector.broadcast %and3A_2831 : i1 to vector<16xi1>
      %and3A_2871 = arith.andi %eq3A_2869, %broadcast_in_dim3A_2870 : vector<16xi1>
      %broadcast_in_dim3A_2872 = arith.constant 0xFF800000 : f32
      %broadcast_in_dim3A_2873 = vector.broadcast %broadcast_in_dim3A_2872 : f32 to vector<16xf32>
      %select_n3A_2874 = arith.select %and3A_2871, %broadcast_in_dim3A_2873, %get3A_2866 : vector<16xi1>, vector<16xf32>
      %swap3A_2875 = arith.constant 1 : i32
      %swap3A_2876 = arith.index_cast %swap3A_2875 : i32 to index
      %swap3A_2877 = arith.index_cast %mul3A_2861 : i32 to index
      %swap3A_2878 = tpu.vector_load %arg7[%swap3A_2876, %swap3A_2877] {strides = array<i32>} : memref<8x3968xf32, #tpu.memory_space<vmem>>, vector<16xf32>,
      tpu.vector_store %arg7[%swap3A_2876, %swap3A_2877], %select_n3A_2874 {strides = array<i32>} : memref<8x3968xf32, #tpu.memory_space<vmem>>, vector<16xf32>,
      %select_n3A_2879 = arith.select %and3A_2871, %get3A_2866, %select_n3A_2422 : vector<16xi1>, vector<16xf32>
      %sub3A_2880 = arith.subi %reduce_max3A_110, %add3A_2771 : i32
      %ge3A_2881 = arith.constant 0 : i32
      %ge3A_2882 = arith.cmpi sge, %sub3A_2880, %ge3A_2881 : i32
      %lt3A_2883 = arith.constant 3968 : i32
      %lt3A_2884 = arith.cmpi slt, %sub3A_2880, %lt3A_2883 : i32
      %and3A_2885 = arith.andi %ge3A_2882, %lt3A_2884 : i1
      %max3A_2886 = arith.constant 0 : i32
      %max3A_2887 = arith.maxsi %sub3A_2880, %max3A_2886 : i32
      %min3A_2888 = arith.constant 3967 : i32
      %min3A_2889 = arith.minsi %max3A_2887, %min3A_2888 : i32
      %jit3A_2890 = arith.constant 16 : i32
      %div3A_2891 = arith.divsi %min3A_2889, %jit3A_2890 : i32
      %sign3A_2892 = arith.constant 0 : i32
      %sign3A_2893 = arith.cmpi sgt, %min3A_2889, %sign3A_2892 : i32
      %sign3A_2894 = arith.extui %sign3A_2893 : i1 to i32
      %sign3A_2895 = arith.constant 0 : i32
      %sign3A_2896 = arith.cmpi slt, %min3A_2889, %sign3A_2895 : i32
      %sign3A_2897 = arith.extui %sign3A_2896 : i1 to i32
      %sign3A_2898 = arith.subi %sign3A_2894, %sign3A_2897 : i32
      %sign3A_2899 = arith.constant 0 : i32
      %sign3A_2900 = arith.cmpi sgt, %jit3A_2890, %sign3A_2899 : i32
      %sign3A_2901 = arith.extui %sign3A_2900 : i1 to i32
      %sign3A_2902 = arith.constant 0 : i32
      %sign3A_2903 = arith.cmpi slt, %jit3A_2890, %sign3A_2902 : i32
      %sign3A_2904 = arith.extui %sign3A_2903 : i1 to i32
      %sign3A_2905 = arith.subi %sign3A_2901, %sign3A_2904 : i32
      %ne3A_2906 = arith.cmpi ne, %sign3A_2898, %sign3A_2905 : i32
      %rem3A_2907 = arith.remsi %min3A_2889, %jit3A_2890 : i32
      %ne3A_2908 = arith.constant 0 : i32
      %ne3A_2909 = arith.cmpi ne, %rem3A_2907, %ne3A_2908 : i32
      %and3A_2910 = arith.andi %ne3A_2906, %ne3A_2909 : i1
      %sub3A_2911 = arith.constant 1 : i32
      %sub3A_2912 = arith.subi %div3A_2891, %sub3A_2911 : i32
      %select_n3A_2913 = arith.select %and3A_2910, %sub3A_2912, %div3A_2891 : i32
      %mul3A_2914 = arith.constant 16 : i32
      %mul3A_2915 = arith.muli %select_n3A_2913, %mul3A_2914 : i32
      %sub3A_2916 = arith.subi %min3A_2889, %mul3A_2915 : i32
      %get3A_2917 = arith.constant 2 : i32
      %get3A_2918 = arith.index_cast %get3A_2917 : i32 to index
      %get3A_2919 = arith.index_cast %mul3A_2915 : i32 to index
      %get3A_2920 = tpu.vector_load %arg7[%get3A_2918, %get3A_2919] {strides = array<i32>} : memref<8x3968xf32, #tpu.memory_space<vmem>>, vector<16xf32>,
      %iota3A_2921 = tpu.iota {dimensions = array<i32: 0>} : vector<16xi32>
      %eq3A_2922 = vector.broadcast %sub3A_2916 : i32 to vector<16xi32>
      %eq3A_2923 = arith.cmpi eq, %iota3A_2921, %eq3A_2922 : vector<16xi32>
      %broadcast_in_dim3A_2924 = vector.broadcast %and3A_2885 : i1 to vector<16xi1>
      %and3A_2925 = arith.andi %eq3A_2923, %broadcast_in_dim3A_2924 : vector<16xi1>
      %broadcast_in_dim3A_2926 = arith.constant 0xFF800000 : f32
      %broadcast_in_dim3A_2927 = vector.broadcast %broadcast_in_dim3A_2926 : f32 to vector<16xf32>
      %select_n3A_2928 = arith.select %and3A_2925, %broadcast_in_dim3A_2927, %get3A_2920 : vector<16xi1>, vector<16xf32>
      %swap3A_2929 = arith.constant 2 : i32
      %swap3A_2930 = arith.index_cast %swap3A_2929 : i32 to index
      %swap3A_2931 = arith.index_cast %mul3A_2915 : i32 to index
      %swap3A_2932 = tpu.vector_load %arg7[%swap3A_2930, %swap3A_2931] {strides = array<i32>} : memref<8x3968xf32, #tpu.memory_space<vmem>>, vector<16xf32>,
      tpu.vector_store %arg7[%swap3A_2930, %swap3A_2931], %select_n3A_2928 {strides = array<i32>} : memref<8x3968xf32, #tpu.memory_space<vmem>>, vector<16xf32>,
      %select_n3A_2933 = arith.select %and3A_2925, %get3A_2920, %select_n3A_2476 : vector<16xi1>, vector<16xf32>
      %sub3A_2934 = arith.subi %reduce_max3A_125, %add3A_2771 : i32
      %ge3A_2935 = arith.constant 0 : i32
      %ge3A_2936 = arith.cmpi sge, %sub3A_2934, %ge3A_2935 : i32
      %lt3A_2937 = arith.constant 3968 : i32
      %lt3A_2938 = arith.cmpi slt, %sub3A_2934, %lt3A_2937 : i32
      %and3A_2939 = arith.andi %ge3A_2936, %lt3A_2938 : i1
      %max3A_2940 = arith.constant 0 : i32
      %max3A_2941 = arith.maxsi %sub3A_2934, %max3A_2940 : i32
      %min3A_2942 = arith.constant 3967 : i32
      %min3A_2943 = arith.minsi %max3A_2941, %min3A_2942 : i32
      %jit3A_2944 = arith.constant 16 : i32
      %div3A_2945 = arith.divsi %min3A_2943, %jit3A_2944 : i32
      %sign3A_2946 = arith.constant 0 : i32
      %sign3A_2947 = arith.cmpi sgt, %min3A_2943, %sign3A_2946 : i32
      %sign3A_2948 = arith.extui %sign3A_2947 : i1 to i32
      %sign3A_2949 = arith.constant 0 : i32
      %sign3A_2950 = arith.cmpi slt, %min3A_2943, %sign3A_2949 : i32
      %sign3A_2951 = arith.extui %sign3A_2950 : i1 to i32
      %sign3A_2952 = arith.subi %sign3A_2948, %sign3A_2951 : i32
      %sign3A_2953 = arith.constant 0 : i32
      %sign3A_2954 = arith.cmpi sgt, %jit3A_2944, %sign3A_2953 : i32
      %sign3A_2955 = arith.extui %sign3A_2954 : i1 to i32
      %sign3A_2956 = arith.constant 0 : i32
      %sign3A_2957 = arith.cmpi slt, %jit3A_2944, %sign3A_2956 : i32
      %sign3A_2958 = arith.extui %sign3A_2957 : i1 to i32
      %sign3A_2959 = arith.subi %sign3A_2955, %sign3A_2958 : i32
      %ne3A_2960 = arith.cmpi ne, %sign3A_2952, %sign3A_2959 : i32
      %rem3A_2961 = arith.remsi %min3A_2943, %jit3A_2944 : i32
      %ne3A_2962 = arith.constant 0 : i32
      %ne3A_2963 = arith.cmpi ne, %rem3A_2961, %ne3A_2962 : i32
      %and3A_2964 = arith.andi %ne3A_2960, %ne3A_2963 : i1
      %sub3A_2965 = arith.constant 1 : i32
      %sub3A_2966 = arith.subi %div3A_2945, %sub3A_2965 : i32
      %select_n3A_2967 = arith.select %and3A_2964, %sub3A_2966, %div3A_2945 : i32
      %mul3A_2968 = arith.constant 16 : i32
      %mul3A_2969 = arith.muli %select_n3A_2967, %mul3A_2968 : i32
      %sub3A_2970 = arith.subi %min3A_2943, %mul3A_2969 : i32
      %get3A_2971 = arith.constant 3 : i32
      %get3A_2972 = arith.index_cast %get3A_2971 : i32 to index
      %get3A_2973 = arith.index_cast %mul3A_2969 : i32 to index
      %get3A_2974 = tpu.vector_load %arg7[%get3A_2972, %get3A_2973] {strides = array<i32>} : memref<8x3968xf32, #tpu.memory_space<vmem>>, vector<16xf32>,
      %iota3A_2975 = tpu.iota {dimensions = array<i32: 0>} : vector<16xi32>
      %eq3A_2976 = vector.broadcast %sub3A_2970 : i32 to vector<16xi32>
      %eq3A_2977 = arith.cmpi eq, %iota3A_2975, %eq3A_2976 : vector<16xi32>
      %broadcast_in_dim3A_2978 = vector.broadcast %and3A_2939 : i1 to vector<16xi1>
      %and3A_2979 = arith.andi %eq3A_2977, %broadcast_in_dim3A_2978 : vector<16xi1>
      %broadcast_in_dim3A_2980 = arith.constant 0xFF800000 : f32
      %broadcast_in_dim3A_2981 = vector.broadcast %broadcast_in_dim3A_2980 : f32 to vector<16xf32>
      %select_n3A_2982 = arith.select %and3A_2979, %broadcast_in_dim3A_2981, %get3A_2974 : vector<16xi1>, vector<16xf32>
      %swap3A_2983 = arith.constant 3 : i32
      %swap3A_2984 = arith.index_cast %swap3A_2983 : i32 to index
      %swap3A_2985 = arith.index_cast %mul3A_2969 : i32 to index
      %swap3A_2986 = tpu.vector_load %arg7[%swap3A_2984, %swap3A_2985] {strides = array<i32>} : memref<8x3968xf32, #tpu.memory_space<vmem>>, vector<16xf32>,
      tpu.vector_store %arg7[%swap3A_2984, %swap3A_2985], %select_n3A_2982 {strides = array<i32>} : memref<8x3968xf32, #tpu.memory_space<vmem>>, vector<16xf32>,
      %select_n3A_2987 = arith.select %and3A_2979, %get3A_2974, %select_n3A_2530 : vector<16xi1>, vector<16xf32>
      %sub3A_2988 = arith.subi %reduce_max3A_140, %add3A_2771 : i32
      %ge3A_2989 = arith.constant 0 : i32
      %ge3A_2990 = arith.cmpi sge, %sub3A_2988, %ge3A_2989 : i32
      %lt3A_2991 = arith.constant 3968 : i32
      %lt3A_2992 = arith.cmpi slt, %sub3A_2988, %lt3A_2991 : i32
      %and3A_2993 = arith.andi %ge3A_2990, %lt3A_2992 : i1
      %max3A_2994 = arith.constant 0 : i32
      %max3A_2995 = arith.maxsi %sub3A_2988, %max3A_2994 : i32
      %min3A_2996 = arith.constant 3967 : i32
      %min3A_2997 = arith.minsi %max3A_2995, %min3A_2996 : i32
      %jit3A_2998 = arith.constant 16 : i32
      %div3A_2999 = arith.divsi %min3A_2997, %jit3A_2998 : i32
      %sign3A_3000 = arith.constant 0 : i32
      %sign3A_3001 = arith.cmpi sgt, %min3A_2997, %sign3A_3000 : i32
      %sign3A_3002 = arith.extui %sign3A_3001 : i1 to i32
      %sign3A_3003 = arith.constant 0 : i32
      %sign3A_3004 = arith.cmpi slt, %min3A_2997, %sign3A_3003 : i32
      %sign3A_3005 = arith.extui %sign3A_3004 : i1 to i32
      %sign3A_3006 = arith.subi %sign3A_3002, %sign3A_3005 : i32
      %sign3A_3007 = arith.constant 0 : i32
      %sign3A_3008 = arith.cmpi sgt, %jit3A_2998, %sign3A_3007 : i32
      %sign3A_3009 = arith.extui %sign3A_3008 : i1 to i32
      %sign3A_3010 = arith.constant 0 : i32
      %sign3A_3011 = arith.cmpi slt, %jit3A_2998, %sign3A_3010 : i32
      %sign3A_3012 = arith.extui %sign3A_3011 : i1 to i32
      %sign3A_3013 = arith.subi %sign3A_3009, %sign3A_3012 : i32
      %ne3A_3014 = arith.cmpi ne, %sign3A_3006, %sign3A_3013 : i32
      %rem3A_3015 = arith.remsi %min3A_2997, %jit3A_2998 : i32
      %ne3A_3016 = arith.constant 0 : i32
      %ne3A_3017 = arith.cmpi ne, %rem3A_3015, %ne3A_3016 : i32
      %and3A_3018 = arith.andi %ne3A_3014, %ne3A_3017 : i1
      %sub3A_3019 = arith.constant 1 : i32
      %sub3A_3020 = arith.subi %div3A_2999, %sub3A_3019 : i32
      %select_n3A_3021 = arith.select %and3A_3018, %sub3A_3020, %div3A_2999 : i32
      %mul3A_3022 = arith.constant 16 : i32
      %mul3A_3023 = arith.muli %select_n3A_3021, %mul3A_3022 : i32
      %sub3A_3024 = arith.subi %min3A_2997, %mul3A_3023 : i32
      %get3A_3025 = arith.constant 4 : i32
      %get3A_3026 = arith.index_cast %get3A_3025 : i32 to index
      %get3A_3027 = arith.index_cast %mul3A_3023 : i32 to index
      %get3A_3028 = tpu.vector_load %arg7[%get3A_3026, %get3A_3027] {strides = array<i32>} : memref<8x3968xf32, #tpu.memory_space<vmem>>, vector<16xf32>,
      %iota3A_3029 = tpu.iota {dimensions = array<i32: 0>} : vector<16xi32>
      %eq3A_3030 = vector.broadcast %sub3A_3024 : i32 to vector<16xi32>
      %eq3A_3031 = arith.cmpi eq, %iota3A_3029, %eq3A_3030 : vector<16xi32>
      %broadcast_in_dim3A_3032 = vector.broadcast %and3A_2993 : i1 to vector<16xi1>
      %and3A_3033 = arith.andi %eq3A_3031, %broadcast_in_dim3A_3032 : vector<16xi1>
      %broadcast_in_dim3A_3034 = arith.constant 0xFF800000 : f32
      %broadcast_in_dim3A_3035 = vector.broadcast %broadcast_in_dim3A_3034 : f32 to vector<16xf32>
      %select_n3A_3036 = arith.select %and3A_3033, %broadcast_in_dim3A_3035, %get3A_3028 : vector<16xi1>, vector<16xf32>
      %swap3A_3037 = arith.constant 4 : i32
      %swap3A_3038 = arith.index_cast %swap3A_3037 : i32 to index
      %swap3A_3039 = arith.index_cast %mul3A_3023 : i32 to index
      %swap3A_3040 = tpu.vector_load %arg7[%swap3A_3038, %swap3A_3039] {strides = array<i32>} : memref<8x3968xf32, #tpu.memory_space<vmem>>, vector<16xf32>,
      tpu.vector_store %arg7[%swap3A_3038, %swap3A_3039], %select_n3A_3036 {strides = array<i32>} : memref<8x3968xf32, #tpu.memory_space<vmem>>, vector<16xf32>,
      %select_n3A_3041 = arith.select %and3A_3033, %get3A_3028, %select_n3A_2584 : vector<16xi1>, vector<16xf32>
      %sub3A_3042 = arith.subi %reduce_max3A_155, %add3A_2771 : i32
      %ge3A_3043 = arith.constant 0 : i32
      %ge3A_3044 = arith.cmpi sge, %sub3A_3042, %ge3A_3043 : i32
      %lt3A_3045 = arith.constant 3968 : i32
      %lt3A_3046 = arith.cmpi slt, %sub3A_3042, %lt3A_3045 : i32
      %and3A_3047 = arith.andi %ge3A_3044, %lt3A_3046 : i1
      %max3A_3048 = arith.constant 0 : i32
      %max3A_3049 = arith.maxsi %sub3A_3042, %max3A_3048 : i32
      %min3A_3050 = arith.constant 3967 : i32
      %min3A_3051 = arith.minsi %max3A_3049, %min3A_3050 : i32
      %jit3A_3052 = arith.constant 16 : i32
      %div3A_3053 = arith.divsi %min3A_3051, %jit3A_3052 : i32
      %sign3A_3054 = arith.constant 0 : i32
      %sign3A_3055 = arith.cmpi sgt, %min3A_3051, %sign3A_3054 : i32
      %sign3A_3056 = arith.extui %sign3A_3055 : i1 to i32
      %sign3A_3057 = arith.constant 0 : i32
      %sign3A_3058 = arith.cmpi slt, %min3A_3051, %sign3A_3057 : i32
      %sign3A_3059 = arith.extui %sign3A_3058 : i1 to i32
      %sign3A_3060 = arith.subi %sign3A_3056, %sign3A_3059 : i32
      %sign3A_3061 = arith.constant 0 : i32
      %sign3A_3062 = arith.cmpi sgt, %jit3A_3052, %sign3A_3061 : i32
      %sign3A_3063 = arith.extui %sign3A_3062 : i1 to i32
      %sign3A_3064 = arith.constant 0 : i32
      %sign3A_3065 = arith.cmpi slt, %jit3A_3052, %sign3A_3064 : i32
      %sign3A_3066 = arith.extui %sign3A_3065 : i1 to i32
      %sign3A_3067 = arith.subi %sign3A_3063, %sign3A_3066 : i32
      %ne3A_3068 = arith.cmpi ne, %sign3A_3060, %sign3A_3067 : i32
      %rem3A_3069 = arith.remsi %min3A_3051, %jit3A_3052 : i32
      %ne3A_3070 = arith.constant 0 : i32
      %ne3A_3071 = arith.cmpi ne, %rem3A_3069, %ne3A_3070 : i32
      %and3A_3072 = arith.andi %ne3A_3068, %ne3A_3071 : i1
      %sub3A_3073 = arith.constant 1 : i32
      %sub3A_3074 = arith.subi %div3A_3053, %sub3A_3073 : i32
      %select_n3A_3075 = arith.select %and3A_3072, %sub3A_3074, %div3A_3053 : i32
      %mul3A_3076 = arith.constant 16 : i32
      %mul3A_3077 = arith.muli %select_n3A_3075, %mul3A_3076 : i32
      %sub3A_3078 = arith.subi %min3A_3051, %mul3A_3077 : i32
      %get3A_3079 = arith.constant 5 : i32
      %get3A_3080 = arith.index_cast %get3A_3079 : i32 to index
      %get3A_3081 = arith.index_cast %mul3A_3077 : i32 to index
      %get3A_3082 = tpu.vector_load %arg7[%get3A_3080, %get3A_3081] {strides = array<i32>} : memref<8x3968xf32, #tpu.memory_space<vmem>>, vector<16xf32>,
      %iota3A_3083 = tpu.iota {dimensions = array<i32: 0>} : vector<16xi32>
      %eq3A_3084 = vector.broadcast %sub3A_3078 : i32 to vector<16xi32>
      %eq3A_3085 = arith.cmpi eq, %iota3A_3083, %eq3A_3084 : vector<16xi32>
      %broadcast_in_dim3A_3086 = vector.broadcast %and3A_3047 : i1 to vector<16xi1>
      %and3A_3087 = arith.andi %eq3A_3085, %broadcast_in_dim3A_3086 : vector<16xi1>
      %broadcast_in_dim3A_3088 = arith.constant 0xFF800000 : f32
      %broadcast_in_dim3A_3089 = vector.broadcast %broadcast_in_dim3A_3088 : f32 to vector<16xf32>
      %select_n3A_3090 = arith.select %and3A_3087, %broadcast_in_dim3A_3089, %get3A_3082 : vector<16xi1>, vector<16xf32>
      %swap3A_3091 = arith.constant 5 : i32
      %swap3A_3092 = arith.index_cast %swap3A_3091 : i32 to index
      %swap3A_3093 = arith.index_cast %mul3A_3077 : i32 to index
      %swap3A_3094 = tpu.vector_load %arg7[%swap3A_3092, %swap3A_3093] {strides = array<i32>} : memref<8x3968xf32, #tpu.memory_space<vmem>>, vector<16xf32>,
      tpu.vector_store %arg7[%swap3A_3092, %swap3A_3093], %select_n3A_3090 {strides = array<i32>} : memref<8x3968xf32, #tpu.memory_space<vmem>>, vector<16xf32>,
      %select_n3A_3095 = arith.select %and3A_3087, %get3A_3082, %select_n3A_2638 : vector<16xi1>, vector<16xf32>
      %sub3A_3096 = arith.subi %reduce_max3A_170, %add3A_2771 : i32
      %ge3A_3097 = arith.constant 0 : i32
      %ge3A_3098 = arith.cmpi sge, %sub3A_3096, %ge3A_3097 : i32
      %lt3A_3099 = arith.constant 3968 : i32
      %lt3A_3100 = arith.cmpi slt, %sub3A_3096, %lt3A_3099 : i32
      %and3A_3101 = arith.andi %ge3A_3098, %lt3A_3100 : i1
      %max3A_3102 = arith.constant 0 : i32
      %max3A_3103 = arith.maxsi %sub3A_3096, %max3A_3102 : i32
      %min3A_3104 = arith.constant 3967 : i32
      %min3A_3105 = arith.minsi %max3A_3103, %min3A_3104 : i32
      %jit3A_3106 = arith.constant 16 : i32
      %div3A_3107 = arith.divsi %min3A_3105, %jit3A_3106 : i32
      %sign3A_3108 = arith.constant 0 : i32
      %sign3A_3109 = arith.cmpi sgt, %min3A_3105, %sign3A_3108 : i32
      %sign3A_3110 = arith.extui %sign3A_3109 : i1 to i32
      %sign3A_3111 = arith.constant 0 : i32
      %sign3A_3112 = arith.cmpi slt, %min3A_3105, %sign3A_3111 : i32
      %sign3A_3113 = arith.extui %sign3A_3112 : i1 to i32
      %sign3A_3114 = arith.subi %sign3A_3110, %sign3A_3113 : i32
      %sign3A_3115 = arith.constant 0 : i32
      %sign3A_3116 = arith.cmpi sgt, %jit3A_3106, %sign3A_3115 : i32
      %sign3A_3117 = arith.extui %sign3A_3116 : i1 to i32
      %sign3A_3118 = arith.constant 0 : i32
      %sign3A_3119 = arith.cmpi slt, %jit3A_3106, %sign3A_3118 : i32
      %sign3A_3120 = arith.extui %sign3A_3119 : i1 to i32
      %sign3A_3121 = arith.subi %sign3A_3117, %sign3A_3120 : i32
      %ne3A_3122 = arith.cmpi ne, %sign3A_3114, %sign3A_3121 : i32
      %rem3A_3123 = arith.remsi %min3A_3105, %jit3A_3106 : i32
      %ne3A_3124 = arith.constant 0 : i32
      %ne3A_3125 = arith.cmpi ne, %rem3A_3123, %ne3A_3124 : i32
      %and3A_3126 = arith.andi %ne3A_3122, %ne3A_3125 : i1
      %sub3A_3127 = arith.constant 1 : i32
      %sub3A_3128 = arith.subi %div3A_3107, %sub3A_3127 : i32
      %select_n3A_3129 = arith.select %and3A_3126, %sub3A_3128, %div3A_3107 : i32
      %mul3A_3130 = arith.constant 16 : i32
      %mul3A_3131 = arith.muli %select_n3A_3129, %mul3A_3130 : i32
      %sub3A_3132 = arith.subi %min3A_3105, %mul3A_3131 : i32
      %get3A_3133 = arith.constant 6 : i32
      %get3A_3134 = arith.index_cast %get3A_3133 : i32 to index
      %get3A_3135 = arith.index_cast %mul3A_3131 : i32 to index
      %get3A_3136 = tpu.vector_load %arg7[%get3A_3134, %get3A_3135] {strides = array<i32>} : memref<8x3968xf32, #tpu.memory_space<vmem>>, vector<16xf32>,
      %iota3A_3137 = tpu.iota {dimensions = array<i32: 0>} : vector<16xi32>
      %eq3A_3138 = vector.broadcast %sub3A_3132 : i32 to vector<16xi32>
      %eq3A_3139 = arith.cmpi eq, %iota3A_3137, %eq3A_3138 : vector<16xi32>
      %broadcast_in_dim3A_3140 = vector.broadcast %and3A_3101 : i1 to vector<16xi1>
      %and3A_3141 = arith.andi %eq3A_3139, %broadcast_in_dim3A_3140 : vector<16xi1>
      %broadcast_in_dim3A_3142 = arith.constant 0xFF800000 : f32
      %broadcast_in_dim3A_3143 = vector.broadcast %broadcast_in_dim3A_3142 : f32 to vector<16xf32>
      %select_n3A_3144 = arith.select %and3A_3141, %broadcast_in_dim3A_3143, %get3A_3136 : vector<16xi1>, vector<16xf32>
      %swap3A_3145 = arith.constant 6 : i32
      %swap3A_3146 = arith.index_cast %swap3A_3145 : i32 to index
      %swap3A_3147 = arith.index_cast %mul3A_3131 : i32 to index
      %swap3A_3148 = tpu.vector_load %arg7[%swap3A_3146, %swap3A_3147] {strides = array<i32>} : memref<8x3968xf32, #tpu.memory_space<vmem>>, vector<16xf32>,
      tpu.vector_store %arg7[%swap3A_3146, %swap3A_3147], %select_n3A_3144 {strides = array<i32>} : memref<8x3968xf32, #tpu.memory_space<vmem>>, vector<16xf32>,
      %select_n3A_3149 = arith.select %and3A_3141, %get3A_3136, %select_n3A_2692 : vector<16xi1>, vector<16xf32>
      %sub3A_3150 = arith.subi %reduce_max3A_185, %add3A_2771 : i32
      %ge3A_3151 = arith.constant 0 : i32
      %ge3A_3152 = arith.cmpi sge, %sub3A_3150, %ge3A_3151 : i32
      %lt3A_3153 = arith.constant 3968 : i32
      %lt3A_3154 = arith.cmpi slt, %sub3A_3150, %lt3A_3153 : i32
      %and3A_3155 = arith.andi %ge3A_3152, %lt3A_3154 : i1
      %max3A_3156 = arith.constant 0 : i32
      %max3A_3157 = arith.maxsi %sub3A_3150, %max3A_3156 : i32
      %min3A_3158 = arith.constant 3967 : i32
      %min3A_3159 = arith.minsi %max3A_3157, %min3A_3158 : i32
      %jit3A_3160 = arith.constant 16 : i32
      %div3A_3161 = arith.divsi %min3A_3159, %jit3A_3160 : i32
      %sign3A_3162 = arith.constant 0 : i32
      %sign3A_3163 = arith.cmpi sgt, %min3A_3159, %sign3A_3162 : i32
      %sign3A_3164 = arith.extui %sign3A_3163 : i1 to i32
      %sign3A_3165 = arith.constant 0 : i32
      %sign3A_3166 = arith.cmpi slt, %min3A_3159, %sign3A_3165 : i32
      %sign3A_3167 = arith.extui %sign3A_3166 : i1 to i32
      %sign3A_3168 = arith.subi %sign3A_3164, %sign3A_3167 : i32
      %sign3A_3169 = arith.constant 0 : i32
      %sign3A_3170 = arith.cmpi sgt, %jit3A_3160, %sign3A_3169 : i32
      %sign3A_3171 = arith.extui %sign3A_3170 : i1 to i32
      %sign3A_3172 = arith.constant 0 : i32
      %sign3A_3173 = arith.cmpi slt, %jit3A_3160, %sign3A_3172 : i32
      %sign3A_3174 = arith.extui %sign3A_3173 : i1 to i32
      %sign3A_3175 = arith.subi %sign3A_3171, %sign3A_3174 : i32
      %ne3A_3176 = arith.cmpi ne, %sign3A_3168, %sign3A_3175 : i32
      %rem3A_3177 = arith.remsi %min3A_3159, %jit3A_3160 : i32
      %ne3A_3178 = arith.constant 0 : i32
      %ne3A_3179 = arith.cmpi ne, %rem3A_3177, %ne3A_3178 : i32
      %and3A_3180 = arith.andi %ne3A_3176, %ne3A_3179 : i1
      %sub3A_3181 = arith.constant 1 : i32
      %sub3A_3182 = arith.subi %div3A_3161, %sub3A_3181 : i32
      %select_n3A_3183 = arith.select %and3A_3180, %sub3A_3182, %div3A_3161 : i32
      %mul3A_3184 = arith.constant 16 : i32
      %mul3A_3185 = arith.muli %select_n3A_3183, %mul3A_3184 : i32
      %sub3A_3186 = arith.subi %min3A_3159, %mul3A_3185 : i32
      %get3A_3187 = arith.constant 7 : i32
      %get3A_3188 = arith.index_cast %get3A_3187 : i32 to index
      %get3A_3189 = arith.index_cast %mul3A_3185 : i32 to index
      %get3A_3190 = tpu.vector_load %arg7[%get3A_3188, %get3A_3189] {strides = array<i32>} : memref<8x3968xf32, #tpu.memory_space<vmem>>, vector<16xf32>,
      %iota3A_3191 = tpu.iota {dimensions = array<i32: 0>} : vector<16xi32>
      %eq3A_3192 = vector.broadcast %sub3A_3186 : i32 to vector<16xi32>
      %eq3A_3193 = arith.cmpi eq, %iota3A_3191, %eq3A_3192 : vector<16xi32>
      %broadcast_in_dim3A_3194 = vector.broadcast %and3A_3155 : i1 to vector<16xi1>
      %and3A_3195 = arith.andi %eq3A_3193, %broadcast_in_dim3A_3194 : vector<16xi1>
      %broadcast_in_dim3A_3196 = arith.constant 0xFF800000 : f32
      %broadcast_in_dim3A_3197 = vector.broadcast %broadcast_in_dim3A_3196 : f32 to vector<16xf32>
      %select_n3A_3198 = arith.select %and3A_3195, %broadcast_in_dim3A_3197, %get3A_3190 : vector<16xi1>, vector<16xf32>
      %swap3A_3199 = arith.constant 7 : i32
      %swap3A_3200 = arith.index_cast %swap3A_3199 : i32 to index
      %swap3A_3201 = arith.index_cast %mul3A_3185 : i32 to index
      %swap3A_3202 = tpu.vector_load %arg7[%swap3A_3200, %swap3A_3201] {strides = array<i32>} : memref<8x3968xf32, #tpu.memory_space<vmem>>, vector<16xf32>,
      tpu.vector_store %arg7[%swap3A_3200, %swap3A_3201], %select_n3A_3198 {strides = array<i32>} : memref<8x3968xf32, #tpu.memory_space<vmem>>, vector<16xf32>,
      %select_n3A_3203 = arith.select %and3A_3195, %get3A_3190, %select_n3A_2746 : vector<16xi1>, vector<16xf32>
      %scan3A_3204 = arith.constant 0 : i32
      %scan3A_3205 = arith.constant 248 : i32
      %scan3A_3206 = arith.addi %scan3A_3204, %scan3A_3205 : i32
      %scan3A_3207 = arith.constant 1 : i32
      %scan3A_3208:8 = scf.for %scan3A_3675 = %scan3A_3204 to %scan3A_3206 step %scan3A_3207 iter_args(%scan3A_3676 = %scan3A_2751#0, %scan3A_3677 = %scan3A_2751#1, %scan3A_3678 = %scan3A_2751#2, %scan3A_3679 = %scan3A_2751#3, %scan3A_3680 = %scan3A_2751#4, %scan3A_3681 = %scan3A_2751#5, %scan3A_3682 = %scan3A_2751#6, %scan3A_3683 = %scan3A_2751#7) -> (vector<16xf32>, vector<16xf32>, vector<16xf32>, vector<16xf32>, vector<16xf32>, vector<16xf32>, vector<16xf32>, vector<16xf32>)  : i32 {
        %mul3A_3684 = arith.constant 16 : i32
        %mul3A_3685 = arith.muli %scan3A_3675, %mul3A_3684 : i32
        %get3A_3686 = arith.constant 0 : i32
        %get3A_3687 = arith.index_cast %get3A_3686 : i32 to index
        %get3A_3688 = arith.index_cast %mul3A_3685 : i32 to index
        %get3A_3689 = tpu.vector_load %arg7[%get3A_3687, %get3A_3688] {strides = array<i32>} : memref<8x3968xf32, #tpu.memory_space<vmem>>, vector<16xf32>,
        %max3A_3690 = arith.maximumf %scan3A_3676, %get3A_3689 : vector<16xf32>
        %get3A_3691 = arith.constant 1 : i32
        %get3A_3692 = arith.index_cast %get3A_3691 : i32 to index
        %get3A_3693 = arith.index_cast %mul3A_3685 : i32 to index
        %get3A_3694 = tpu.vector_load %arg7[%get3A_3692, %get3A_3693] {strides = array<i32>} : memref<8x3968xf32, #tpu.memory_space<vmem>>, vector<16xf32>,
        %max3A_3695 = arith.maximumf %scan3A_3677, %get3A_3694 : vector<16xf32>
        %get3A_3696 = arith.constant 2 : i32
        %get3A_3697 = arith.index_cast %get3A_3696 : i32 to index
        %get3A_3698 = arith.index_cast %mul3A_3685 : i32 to index
        %get3A_3699 = tpu.vector_load %arg7[%get3A_3697, %get3A_3698] {strides = array<i32>} : memref<8x3968xf32, #tpu.memory_space<vmem>>, vector<16xf32>,
        %max3A_3700 = arith.maximumf %scan3A_3678, %get3A_3699 : vector<16xf32>
        %get3A_3701 = arith.constant 3 : i32
        %get3A_3702 = arith.index_cast %get3A_3701 : i32 to index
        %get3A_3703 = arith.index_cast %mul3A_3685 : i32 to index
        %get3A_3704 = tpu.vector_load %arg7[%get3A_3702, %get3A_3703] {strides = array<i32>} : memref<8x3968xf32, #tpu.memory_space<vmem>>, vector<16xf32>,
        %max3A_3705 = arith.maximumf %scan3A_3679, %get3A_3704 : vector<16xf32>
        %get3A_3706 = arith.constant 4 : i32
        %get3A_3707 = arith.index_cast %get3A_3706 : i32 to index
        %get3A_3708 = arith.index_cast %mul3A_3685 : i32 to index
        %get3A_3709 = tpu.vector_load %arg7[%get3A_3707, %get3A_3708] {strides = array<i32>} : memref<8x3968xf32, #tpu.memory_space<vmem>>, vector<16xf32>,
        %max3A_3710 = arith.maximumf %scan3A_3680, %get3A_3709 : vector<16xf32>
        %get3A_3711 = arith.constant 5 : i32
        %get3A_3712 = arith.index_cast %get3A_3711 : i32 to index
        %get3A_3713 = arith.index_cast %mul3A_3685 : i32 to index
        %get3A_3714 = tpu.vector_load %arg7[%get3A_3712, %get3A_3713] {strides = array<i32>} : memref<8x3968xf32, #tpu.memory_space<vmem>>, vector<16xf32>,
        %max3A_3715 = arith.maximumf %scan3A_3681, %get3A_3714 : vector<16xf32>
        %get3A_3716 = arith.constant 6 : i32
        %get3A_3717 = arith.index_cast %get3A_3716 : i32 to index
        %get3A_3718 = arith.index_cast %mul3A_3685 : i32 to index
        %get3A_3719 = tpu.vector_load %arg7[%get3A_3717, %get3A_3718] {strides = array<i32>} : memref<8x3968xf32, #tpu.memory_space<vmem>>, vector<16xf32>,
        %max3A_3720 = arith.maximumf %scan3A_3682, %get3A_3719 : vector<16xf32>
        %get3A_3721 = arith.constant 7 : i32
        %get3A_3722 = arith.index_cast %get3A_3721 : i32 to index
        %get3A_3723 = arith.index_cast %mul3A_3685 : i32 to index
        %get3A_3724 = tpu.vector_load %arg7[%get3A_3722, %get3A_3723] {strides = array<i32>} : memref<8x3968xf32, #tpu.memory_space<vmem>>, vector<16xf32>,
        %max3A_3725 = arith.maximumf %scan3A_3683, %get3A_3724 : vector<16xf32>
        scf.yield %max3A_3690, %max3A_3695, %max3A_3700, %max3A_3705, %max3A_3710, %max3A_3715, %max3A_3720, %max3A_3725 : vector<16xf32>, vector<16xf32>, vector<16xf32>, vector<16xf32>, vector<16xf32>, vector<16xf32>, vector<16xf32>, vector<16xf32>
      }
      %scan3A_3209 = arith.constant 248 : i32
      %add3A_3210 = arith.constant 3 : i32
      %add3A_3211 = arith.addi %add3A_2762, %add3A_3210 : i32
      %mul3A_3212 = arith.constant 3968 : i32
      %mul3A_3213 = arith.muli %add3A_3211, %mul3A_3212 : i32
      %add3A_3214 = arith.addi %mul3A_23, %mul3A_3213 : i32
      %multiple_of3A_3215 = tpu.assume_multiple %add3A_3214, 128 : i32
      %dma_start3A_3216 = tpu.memref_slice %arg2[%multiple_of3A, %multiple_of3A_3215] : memref<64x1000000xf32, #tpu.memory_space<hbm>> -> memref<8x3968xf32, #tpu.memory_space<hbm>>
      %dma_start3A_3217 = tpu.memref_slice %arg2[%multiple_of3A, %multiple_of3A_3215] : memref<64x1000000xf32, #tpu.memory_space<hbm>> -> memref<8x3968xf32, #tpu.memory_space<hbm>>
      tpu.enqueue_dma source(%dma_start3A_3217 : memref<8x3968xf32, #tpu.memory_space<hbm>>) target(%arg7 : memref<8x3968xf32, #tpu.memory_space<vmem>>) target_semaphore(%arg13 : memref<!tpu.dma_semaphore, #tpu.memory_space<semaphore_mem>>)
      %add3A_3218 = arith.constant 2 : i32
      %add3A_3219 = arith.addi %mul3A_2303, %add3A_3218 : i32
      %mul3A_3220 = arith.constant 3968 : i32
      %mul3A_3221 = arith.muli %add3A_3219, %mul3A_3220 : i32
      %add3A_3222 = arith.addi %mul3A_23, %mul3A_3221 : i32
      %multiple_of3A_3223 = tpu.assume_multiple %add3A_3222, 128 : i32
      %dma_wait3A_3224 = tpu.memref_slice %arg2[%multiple_of3A, %multiple_of3A_3223] : memref<64x1000000xf32, #tpu.memory_space<hbm>> -> memref<8x3968xf32, #tpu.memory_space<hbm>>
      %dma_wait3A_3225 = tpu.memref_slice %arg2[%multiple_of3A, %multiple_of3A_3223] : memref<64x1000000xf32, #tpu.memory_space<hbm>> -> memref<8x3968xf32, #tpu.memory_space<hbm>>
      tpu.wait_dma2 semaphore(%arg14 : memref<!tpu.dma_semaphore, #tpu.memory_space<semaphore_mem>>) src(%dma_wait3A_3225 : memref<8x3968xf32, #tpu.memory_space<hbm>>) dst(%arg8 : memref<8x3968xf32, #tpu.memory_space<vmem>>)
      %mul3A_3226 = arith.constant 3968 : i32
      %mul3A_3227 = arith.muli %add3A_3219, %mul3A_3226 : i32
      %add3A_3228 = arith.addi %mul3A_23, %mul3A_3227 : i32
      %sub3A_3229 = arith.subi %reduce_max3A_80, %add3A_3228 : i32
      %ge3A_3230 = arith.constant 0 : i32
      %ge3A_3231 = arith.cmpi sge, %sub3A_3229, %ge3A_3230 : i32
      %lt3A_3232 = arith.constant 3968 : i32
      %lt3A_3233 = arith.cmpi slt, %sub3A_3229, %lt3A_3232 : i32
      %and3A_3234 = arith.andi %ge3A_3231, %lt3A_3233 : i1
      %max3A_3235 = arith.constant 0 : i32
      %max3A_3236 = arith.maxsi %sub3A_3229, %max3A_3235 : i32
      %min3A_3237 = arith.constant 3967 : i32
      %min3A_3238 = arith.minsi %max3A_3236, %min3A_3237 : i32
      %jit3A_3239 = arith.constant 16 : i32
      %div3A_3240 = arith.divsi %min3A_3238, %jit3A_3239 : i32
      %sign3A_3241 = arith.constant 0 : i32
      %sign3A_3242 = arith.cmpi sgt, %min3A_3238, %sign3A_3241 : i32
      %sign3A_3243 = arith.extui %sign3A_3242 : i1 to i32
      %sign3A_3244 = arith.constant 0 : i32
      %sign3A_3245 = arith.cmpi slt, %min3A_3238, %sign3A_3244 : i32
      %sign3A_3246 = arith.extui %sign3A_3245 : i1 to i32
      %sign3A_3247 = arith.subi %sign3A_3243, %sign3A_3246 : i32
      %sign3A_3248 = arith.constant 0 : i32
      %sign3A_3249 = arith.cmpi sgt, %jit3A_3239, %sign3A_3248 : i32
      %sign3A_3250 = arith.extui %sign3A_3249 : i1 to i32
      %sign3A_3251 = arith.constant 0 : i32
      %sign3A_3252 = arith.cmpi slt, %jit3A_3239, %sign3A_3251 : i32
      %sign3A_3253 = arith.extui %sign3A_3252 : i1 to i32
      %sign3A_3254 = arith.subi %sign3A_3250, %sign3A_3253 : i32
      %ne3A_3255 = arith.cmpi ne, %sign3A_3247, %sign3A_3254 : i32
      %rem3A_3256 = arith.remsi %min3A_3238, %jit3A_3239 : i32
      %ne3A_3257 = arith.constant 0 : i32
      %ne3A_3258 = arith.cmpi ne, %rem3A_3256, %ne3A_3257 : i32
      %and3A_3259 = arith.andi %ne3A_3255, %ne3A_3258 : i1
      %sub3A_3260 = arith.constant 1 : i32
      %sub3A_3261 = arith.subi %div3A_3240, %sub3A_3260 : i32
      %select_n3A_3262 = arith.select %and3A_3259, %sub3A_3261, %div3A_3240 : i32
      %mul3A_3263 = arith.constant 16 : i32
      %mul3A_3264 = arith.muli %select_n3A_3262, %mul3A_3263 : i32
      %sub3A_3265 = arith.subi %min3A_3238, %mul3A_3264 : i32
      %get3A_3266 = arith.constant 0 : i32
      %get3A_3267 = arith.index_cast %get3A_3266 : i32 to index
      %get3A_3268 = arith.index_cast %mul3A_3264 : i32 to index
      %get3A_3269 = tpu.vector_load %arg8[%get3A_3267, %get3A_3268] {strides = array<i32>} : memref<8x3968xf32, #tpu.memory_space<vmem>>, vector<16xf32>,
      %iota3A_3270 = tpu.iota {dimensions = array<i32: 0>} : vector<16xi32>
      %eq3A_3271 = vector.broadcast %sub3A_3265 : i32 to vector<16xi32>
      %eq3A_3272 = arith.cmpi eq, %iota3A_3270, %eq3A_3271 : vector<16xi32>
      %broadcast_in_dim3A_3273 = vector.broadcast %and3A_3234 : i1 to vector<16xi1>
      %and3A_3274 = arith.andi %eq3A_3272, %broadcast_in_dim3A_3273 : vector<16xi1>
      %broadcast_in_dim3A_3275 = arith.constant 0xFF800000 : f32
      %broadcast_in_dim3A_3276 = vector.broadcast %broadcast_in_dim3A_3275 : f32 to vector<16xf32>
      %select_n3A_3277 = arith.select %and3A_3274, %broadcast_in_dim3A_3276, %get3A_3269 : vector<16xi1>, vector<16xf32>
      %swap3A_3278 = arith.constant 0 : i32
      %swap3A_3279 = arith.index_cast %swap3A_3278 : i32 to index
      %swap3A_3280 = arith.index_cast %mul3A_3264 : i32 to index
      %swap3A_3281 = tpu.vector_load %arg8[%swap3A_3279, %swap3A_3280] {strides = array<i32>} : memref<8x3968xf32, #tpu.memory_space<vmem>>, vector<16xf32>,
      tpu.vector_store %arg8[%swap3A_3279, %swap3A_3280], %select_n3A_3277 {strides = array<i32>} : memref<8x3968xf32, #tpu.memory_space<vmem>>, vector<16xf32>,
      %select_n3A_3282 = arith.select %and3A_3274, %get3A_3269, %select_n3A_2825 : vector<16xi1>, vector<16xf32>
      %sub3A_3283 = arith.subi %reduce_max3A_95, %add3A_3228 : i32
      %ge3A_3284 = arith.constant 0 : i32
      %ge3A_3285 = arith.cmpi sge, %sub3A_3283, %ge3A_3284 : i32
      %lt3A_3286 = arith.constant 3968 : i32
      %lt3A_3287 = arith.cmpi slt, %sub3A_3283, %lt3A_3286 : i32
      %and3A_3288 = arith.andi %ge3A_3285, %lt3A_3287 : i1
      %max3A_3289 = arith.constant 0 : i32
      %max3A_3290 = arith.maxsi %sub3A_3283, %max3A_3289 : i32
      %min3A_3291 = arith.constant 3967 : i32
      %min3A_3292 = arith.minsi %max3A_3290, %min3A_3291 : i32
      %jit3A_3293 = arith.constant 16 : i32
      %div3A_3294 = arith.divsi %min3A_3292, %jit3A_3293 : i32
      %sign3A_3295 = arith.constant 0 : i32
      %sign3A_3296 = arith.cmpi sgt, %min3A_3292, %sign3A_3295 : i32
      %sign3A_3297 = arith.extui %sign3A_3296 : i1 to i32
      %sign3A_3298 = arith.constant 0 : i32
      %sign3A_3299 = arith.cmpi slt, %min3A_3292, %sign3A_3298 : i32
      %sign3A_3300 = arith.extui %sign3A_3299 : i1 to i32
      %sign3A_3301 = arith.subi %sign3A_3297, %sign3A_3300 : i32
      %sign3A_3302 = arith.constant 0 : i32
      %sign3A_3303 = arith.cmpi sgt, %jit3A_3293, %sign3A_3302 : i32
      %sign3A_3304 = arith.extui %sign3A_3303 : i1 to i32
      %sign3A_3305 = arith.constant 0 : i32
      %sign3A_3306 = arith.cmpi slt, %jit3A_3293, %sign3A_3305 : i32
      %sign3A_3307 = arith.extui %sign3A_3306 : i1 to i32
      %sign3A_3308 = arith.subi %sign3A_3304, %sign3A_3307 : i32
      %ne3A_3309 = arith.cmpi ne, %sign3A_3301, %sign3A_3308 : i32
      %rem3A_3310 = arith.remsi %min3A_3292, %jit3A_3293 : i32
      %ne3A_3311 = arith.constant 0 : i32
      %ne3A_3312 = arith.cmpi ne, %rem3A_3310, %ne3A_3311 : i32
      %and3A_3313 = arith.andi %ne3A_3309, %ne3A_3312 : i1
      %sub3A_3314 = arith.constant 1 : i32
      %sub3A_3315 = arith.subi %div3A_3294, %sub3A_3314 : i32
      %select_n3A_3316 = arith.select %and3A_3313, %sub3A_3315, %div3A_3294 : i32
      %mul3A_3317 = arith.constant 16 : i32
      %mul3A_3318 = arith.muli %select_n3A_3316, %mul3A_3317 : i32
      %sub3A_3319 = arith.subi %min3A_3292, %mul3A_3318 : i32
      %get3A_3320 = arith.constant 1 : i32
      %get3A_3321 = arith.index_cast %get3A_3320 : i32 to index
      %get3A_3322 = arith.index_cast %mul3A_3318 : i32 to index
      %get3A_3323 = tpu.vector_load %arg8[%get3A_3321, %get3A_3322] {strides = array<i32>} : memref<8x3968xf32, #tpu.memory_space<vmem>>, vector<16xf32>,
      %iota3A_3324 = tpu.iota {dimensions = array<i32: 0>} : vector<16xi32>
      %eq3A_3325 = vector.broadcast %sub3A_3319 : i32 to vector<16xi32>
      %eq3A_3326 = arith.cmpi eq, %iota3A_3324, %eq3A_3325 : vector<16xi32>
      %broadcast_in_dim3A_3327 = vector.broadcast %and3A_3288 : i1 to vector<16xi1>
      %and3A_3328 = arith.andi %eq3A_3326, %broadcast_in_dim3A_3327 : vector<16xi1>
      %broadcast_in_dim3A_3329 = arith.constant 0xFF800000 : f32
      %broadcast_in_dim3A_3330 = vector.broadcast %broadcast_in_dim3A_3329 : f32 to vector<16xf32>
      %select_n3A_3331 = arith.select %and3A_3328, %broadcast_in_dim3A_3330, %get3A_3323 : vector<16xi1>, vector<16xf32>
      %swap3A_3332 = arith.constant 1 : i32
      %swap3A_3333 = arith.index_cast %swap3A_3332 : i32 to index
      %swap3A_3334 = arith.index_cast %mul3A_3318 : i32 to index
      %swap3A_3335 = tpu.vector_load %arg8[%swap3A_3333, %swap3A_3334] {strides = array<i32>} : memref<8x3968xf32, #tpu.memory_space<vmem>>, vector<16xf32>,
      tpu.vector_store %arg8[%swap3A_3333, %swap3A_3334], %select_n3A_3331 {strides = array<i32>} : memref<8x3968xf32, #tpu.memory_space<vmem>>, vector<16xf32>,
      %select_n3A_3336 = arith.select %and3A_3328, %get3A_3323, %select_n3A_2879 : vector<16xi1>, vector<16xf32>
      %sub3A_3337 = arith.subi %reduce_max3A_110, %add3A_3228 : i32
      %ge3A_3338 = arith.constant 0 : i32
      %ge3A_3339 = arith.cmpi sge, %sub3A_3337, %ge3A_3338 : i32
      %lt3A_3340 = arith.constant 3968 : i32
      %lt3A_3341 = arith.cmpi slt, %sub3A_3337, %lt3A_3340 : i32
      %and3A_3342 = arith.andi %ge3A_3339, %lt3A_3341 : i1
      %max3A_3343 = arith.constant 0 : i32
      %max3A_3344 = arith.maxsi %sub3A_3337, %max3A_3343 : i32
      %min3A_3345 = arith.constant 3967 : i32
      %min3A_3346 = arith.minsi %max3A_3344, %min3A_3345 : i32
      %jit3A_3347 = arith.constant 16 : i32
      %div3A_3348 = arith.divsi %min3A_3346, %jit3A_3347 : i32
      %sign3A_3349 = arith.constant 0 : i32
      %sign3A_3350 = arith.cmpi sgt, %min3A_3346, %sign3A_3349 : i32
      %sign3A_3351 = arith.extui %sign3A_3350 : i1 to i32
      %sign3A_3352 = arith.constant 0 : i32
      %sign3A_3353 = arith.cmpi slt, %min3A_3346, %sign3A_3352 : i32
      %sign3A_3354 = arith.extui %sign3A_3353 : i1 to i32
      %sign3A_3355 = arith.subi %sign3A_3351, %sign3A_3354 : i32
      %sign3A_3356 = arith.constant 0 : i32
      %sign3A_3357 = arith.cmpi sgt, %jit3A_3347, %sign3A_3356 : i32
      %sign3A_3358 = arith.extui %sign3A_3357 : i1 to i32
      %sign3A_3359 = arith.constant 0 : i32
      %sign3A_3360 = arith.cmpi slt, %jit3A_3347, %sign3A_3359 : i32
      %sign3A_3361 = arith.extui %sign3A_3360 : i1 to i32
      %sign3A_3362 = arith.subi %sign3A_3358, %sign3A_3361 : i32
      %ne3A_3363 = arith.cmpi ne, %sign3A_3355, %sign3A_3362 : i32
      %rem3A_3364 = arith.remsi %min3A_3346, %jit3A_3347 : i32
      %ne3A_3365 = arith.constant 0 : i32
      %ne3A_3366 = arith.cmpi ne, %rem3A_3364, %ne3A_3365 : i32
      %and3A_3367 = arith.andi %ne3A_3363, %ne3A_3366 : i1
      %sub3A_3368 = arith.constant 1 : i32
      %sub3A_3369 = arith.subi %div3A_3348, %sub3A_3368 : i32
      %select_n3A_3370 = arith.select %and3A_3367, %sub3A_3369, %div3A_3348 : i32
      %mul3A_3371 = arith.constant 16 : i32
      %mul3A_3372 = arith.muli %select_n3A_3370, %mul3A_3371 : i32
      %sub3A_3373 = arith.subi %min3A_3346, %mul3A_3372 : i32
      %get3A_3374 = arith.constant 2 : i32
      %get3A_3375 = arith.index_cast %get3A_3374 : i32 to index
      %get3A_3376 = arith.index_cast %mul3A_3372 : i32 to index
      %get3A_3377 = tpu.vector_load %arg8[%get3A_3375, %get3A_3376] {strides = array<i32>} : memref<8x3968xf32, #tpu.memory_space<vmem>>, vector<16xf32>,
      %iota3A_3378 = tpu.iota {dimensions = array<i32: 0>} : vector<16xi32>
      %eq3A_3379 = vector.broadcast %sub3A_3373 : i32 to vector<16xi32>
      %eq3A_3380 = arith.cmpi eq, %iota3A_3378, %eq3A_3379 : vector<16xi32>
      %broadcast_in_dim3A_3381 = vector.broadcast %and3A_3342 : i1 to vector<16xi1>
      %and3A_3382 = arith.andi %eq3A_3380, %broadcast_in_dim3A_3381 : vector<16xi1>
      %broadcast_in_dim3A_3383 = arith.constant 0xFF800000 : f32
      %broadcast_in_dim3A_3384 = vector.broadcast %broadcast_in_dim3A_3383 : f32 to vector<16xf32>
      %select_n3A_3385 = arith.select %and3A_3382, %broadcast_in_dim3A_3384, %get3A_3377 : vector<16xi1>, vector<16xf32>
      %swap3A_3386 = arith.constant 2 : i32
      %swap3A_3387 = arith.index_cast %swap3A_3386 : i32 to index
      %swap3A_3388 = arith.index_cast %mul3A_3372 : i32 to index
      %swap3A_3389 = tpu.vector_load %arg8[%swap3A_3387, %swap3A_3388] {strides = array<i32>} : memref<8x3968xf32, #tpu.memory_space<vmem>>, vector<16xf32>,
      tpu.vector_store %arg8[%swap3A_3387, %swap3A_3388], %select_n3A_3385 {strides = array<i32>} : memref<8x3968xf32, #tpu.memory_space<vmem>>, vector<16xf32>,
      %select_n3A_3390 = arith.select %and3A_3382, %get3A_3377, %select_n3A_2933 : vector<16xi1>, vector<16xf32>
      %sub3A_3391 = arith.subi %reduce_max3A_125, %add3A_3228 : i32
      %ge3A_3392 = arith.constant 0 : i32
      %ge3A_3393 = arith.cmpi sge, %sub3A_3391, %ge3A_3392 : i32
      %lt3A_3394 = arith.constant 3968 : i32
      %lt3A_3395 = arith.cmpi slt, %sub3A_3391, %lt3A_3394 : i32
      %and3A_3396 = arith.andi %ge3A_3393, %lt3A_3395 : i1
      %max3A_3397 = arith.constant 0 : i32
      %max3A_3398 = arith.maxsi %sub3A_3391, %max3A_3397 : i32
      %min3A_3399 = arith.constant 3967 : i32
      %min3A_3400 = arith.minsi %max3A_3398, %min3A_3399 : i32
      %jit3A_3401 = arith.constant 16 : i32
      %div3A_3402 = arith.divsi %min3A_3400, %jit3A_3401 : i32
      %sign3A_3403 = arith.constant 0 : i32
      %sign3A_3404 = arith.cmpi sgt, %min3A_3400, %sign3A_3403 : i32
      %sign3A_3405 = arith.extui %sign3A_3404 : i1 to i32
      %sign3A_3406 = arith.constant 0 : i32
      %sign3A_3407 = arith.cmpi slt, %min3A_3400, %sign3A_3406 : i32
      %sign3A_3408 = arith.extui %sign3A_3407 : i1 to i32
      %sign3A_3409 = arith.subi %sign3A_3405, %sign3A_3408 : i32
      %sign3A_3410 = arith.constant 0 : i32
      %sign3A_3411 = arith.cmpi sgt, %jit3A_3401, %sign3A_3410 : i32
      %sign3A_3412 = arith.extui %sign3A_3411 : i1 to i32
      %sign3A_3413 = arith.constant 0 : i32
      %sign3A_3414 = arith.cmpi slt, %jit3A_3401, %sign3A_3413 : i32
      %sign3A_3415 = arith.extui %sign3A_3414 : i1 to i32
      %sign3A_3416 = arith.subi %sign3A_3412, %sign3A_3415 : i32
      %ne3A_3417 = arith.cmpi ne, %sign3A_3409, %sign3A_3416 : i32
      %rem3A_3418 = arith.remsi %min3A_3400, %jit3A_3401 : i32
      %ne3A_3419 = arith.constant 0 : i32
      %ne3A_3420 = arith.cmpi ne, %rem3A_3418, %ne3A_3419 : i32
      %and3A_3421 = arith.andi %ne3A_3417, %ne3A_3420 : i1
      %sub3A_3422 = arith.constant 1 : i32
      %sub3A_3423 = arith.subi %div3A_3402, %sub3A_3422 : i32
      %select_n3A_3424 = arith.select %and3A_3421, %sub3A_3423, %div3A_3402 : i32
      %mul3A_3425 = arith.constant 16 : i32
      %mul3A_3426 = arith.muli %select_n3A_3424, %mul3A_3425 : i32
      %sub3A_3427 = arith.subi %min3A_3400, %mul3A_3426 : i32
      %get3A_3428 = arith.constant 3 : i32
      %get3A_3429 = arith.index_cast %get3A_3428 : i32 to index
      %get3A_3430 = arith.index_cast %mul3A_3426 : i32 to index
      %get3A_3431 = tpu.vector_load %arg8[%get3A_3429, %get3A_3430] {strides = array<i32>} : memref<8x3968xf32, #tpu.memory_space<vmem>>, vector<16xf32>,
      %iota3A_3432 = tpu.iota {dimensions = array<i32: 0>} : vector<16xi32>
      %eq3A_3433 = vector.broadcast %sub3A_3427 : i32 to vector<16xi32>
      %eq3A_3434 = arith.cmpi eq, %iota3A_3432, %eq3A_3433 : vector<16xi32>
      %broadcast_in_dim3A_3435 = vector.broadcast %and3A_3396 : i1 to vector<16xi1>
      %and3A_3436 = arith.andi %eq3A_3434, %broadcast_in_dim3A_3435 : vector<16xi1>
      %broadcast_in_dim3A_3437 = arith.constant 0xFF800000 : f32
      %broadcast_in_dim3A_3438 = vector.broadcast %broadcast_in_dim3A_3437 : f32 to vector<16xf32>
      %select_n3A_3439 = arith.select %and3A_3436, %broadcast_in_dim3A_3438, %get3A_3431 : vector<16xi1>, vector<16xf32>
      %swap3A_3440 = arith.constant 3 : i32
      %swap3A_3441 = arith.index_cast %swap3A_3440 : i32 to index
      %swap3A_3442 = arith.index_cast %mul3A_3426 : i32 to index
      %swap3A_3443 = tpu.vector_load %arg8[%swap3A_3441, %swap3A_3442] {strides = array<i32>} : memref<8x3968xf32, #tpu.memory_space<vmem>>, vector<16xf32>,
      tpu.vector_store %arg8[%swap3A_3441, %swap3A_3442], %select_n3A_3439 {strides = array<i32>} : memref<8x3968xf32, #tpu.memory_space<vmem>>, vector<16xf32>,
      %select_n3A_3444 = arith.select %and3A_3436, %get3A_3431, %select_n3A_2987 : vector<16xi1>, vector<16xf32>
      %sub3A_3445 = arith.subi %reduce_max3A_140, %add3A_3228 : i32
      %ge3A_3446 = arith.constant 0 : i32
      %ge3A_3447 = arith.cmpi sge, %sub3A_3445, %ge3A_3446 : i32
      %lt3A_3448 = arith.constant 3968 : i32
      %lt3A_3449 = arith.cmpi slt, %sub3A_3445, %lt3A_3448 : i32
      %and3A_3450 = arith.andi %ge3A_3447, %lt3A_3449 : i1
      %max3A_3451 = arith.constant 0 : i32
      %max3A_3452 = arith.maxsi %sub3A_3445, %max3A_3451 : i32
      %min3A_3453 = arith.constant 3967 : i32
      %min3A_3454 = arith.minsi %max3A_3452, %min3A_3453 : i32
      %jit3A_3455 = arith.constant 16 : i32
      %div3A_3456 = arith.divsi %min3A_3454, %jit3A_3455 : i32
      %sign3A_3457 = arith.constant 0 : i32
      %sign3A_3458 = arith.cmpi sgt, %min3A_3454, %sign3A_3457 : i32
      %sign3A_3459 = arith.extui %sign3A_3458 : i1 to i32
      %sign3A_3460 = arith.constant 0 : i32
      %sign3A_3461 = arith.cmpi slt, %min3A_3454, %sign3A_3460 : i32
      %sign3A_3462 = arith.extui %sign3A_3461 : i1 to i32
      %sign3A_3463 = arith.subi %sign3A_3459, %sign3A_3462 : i32
      %sign3A_3464 = arith.constant 0 : i32
      %sign3A_3465 = arith.cmpi sgt, %jit3A_3455, %sign3A_3464 : i32
      %sign3A_3466 = arith.extui %sign3A_3465 : i1 to i32
      %sign3A_3467 = arith.constant 0 : i32
      %sign3A_3468 = arith.cmpi slt, %jit3A_3455, %sign3A_3467 : i32
      %sign3A_3469 = arith.extui %sign3A_3468 : i1 to i32
      %sign3A_3470 = arith.subi %sign3A_3466, %sign3A_3469 : i32
      %ne3A_3471 = arith.cmpi ne, %sign3A_3463, %sign3A_3470 : i32
      %rem3A_3472 = arith.remsi %min3A_3454, %jit3A_3455 : i32
      %ne3A_3473 = arith.constant 0 : i32
      %ne3A_3474 = arith.cmpi ne, %rem3A_3472, %ne3A_3473 : i32
      %and3A_3475 = arith.andi %ne3A_3471, %ne3A_3474 : i1
      %sub3A_3476 = arith.constant 1 : i32
      %sub3A_3477 = arith.subi %div3A_3456, %sub3A_3476 : i32
      %select_n3A_3478 = arith.select %and3A_3475, %sub3A_3477, %div3A_3456 : i32
      %mul3A_3479 = arith.constant 16 : i32
      %mul3A_3480 = arith.muli %select_n3A_3478, %mul3A_3479 : i32
      %sub3A_3481 = arith.subi %min3A_3454, %mul3A_3480 : i32
      %get3A_3482 = arith.constant 4 : i32
      %get3A_3483 = arith.index_cast %get3A_3482 : i32 to index
      %get3A_3484 = arith.index_cast %mul3A_3480 : i32 to index
      %get3A_3485 = tpu.vector_load %arg8[%get3A_3483, %get3A_3484] {strides = array<i32>} : memref<8x3968xf32, #tpu.memory_space<vmem>>, vector<16xf32>,
      %iota3A_3486 = tpu.iota {dimensions = array<i32: 0>} : vector<16xi32>
      %eq3A_3487 = vector.broadcast %sub3A_3481 : i32 to vector<16xi32>
      %eq3A_3488 = arith.cmpi eq, %iota3A_3486, %eq3A_3487 : vector<16xi32>
      %broadcast_in_dim3A_3489 = vector.broadcast %and3A_3450 : i1 to vector<16xi1>
      %and3A_3490 = arith.andi %eq3A_3488, %broadcast_in_dim3A_3489 : vector<16xi1>
      %broadcast_in_dim3A_3491 = arith.constant 0xFF800000 : f32
      %broadcast_in_dim3A_3492 = vector.broadcast %broadcast_in_dim3A_3491 : f32 to vector<16xf32>
      %select_n3A_3493 = arith.select %and3A_3490, %broadcast_in_dim3A_3492, %get3A_3485 : vector<16xi1>, vector<16xf32>
      %swap3A_3494 = arith.constant 4 : i32
      %swap3A_3495 = arith.index_cast %swap3A_3494 : i32 to index
      %swap3A_3496 = arith.index_cast %mul3A_3480 : i32 to index
      %swap3A_3497 = tpu.vector_load %arg8[%swap3A_3495, %swap3A_3496] {strides = array<i32>} : memref<8x3968xf32, #tpu.memory_space<vmem>>, vector<16xf32>,
      tpu.vector_store %arg8[%swap3A_3495, %swap3A_3496], %select_n3A_3493 {strides = array<i32>} : memref<8x3968xf32, #tpu.memory_space<vmem>>, vector<16xf32>,
      %select_n3A_3498 = arith.select %and3A_3490, %get3A_3485, %select_n3A_3041 : vector<16xi1>, vector<16xf32>
      %sub3A_3499 = arith.subi %reduce_max3A_155, %add3A_3228 : i32
      %ge3A_3500 = arith.constant 0 : i32
      %ge3A_3501 = arith.cmpi sge, %sub3A_3499, %ge3A_3500 : i32
      %lt3A_3502 = arith.constant 3968 : i32
      %lt3A_3503 = arith.cmpi slt, %sub3A_3499, %lt3A_3502 : i32
      %and3A_3504 = arith.andi %ge3A_3501, %lt3A_3503 : i1
      %max3A_3505 = arith.constant 0 : i32
      %max3A_3506 = arith.maxsi %sub3A_3499, %max3A_3505 : i32
      %min3A_3507 = arith.constant 3967 : i32
      %min3A_3508 = arith.minsi %max3A_3506, %min3A_3507 : i32
      %jit3A_3509 = arith.constant 16 : i32
      %div3A_3510 = arith.divsi %min3A_3508, %jit3A_3509 : i32
      %sign3A_3511 = arith.constant 0 : i32
      %sign3A_3512 = arith.cmpi sgt, %min3A_3508, %sign3A_3511 : i32
      %sign3A_3513 = arith.extui %sign3A_3512 : i1 to i32
      %sign3A_3514 = arith.constant 0 : i32
      %sign3A_3515 = arith.cmpi slt, %min3A_3508, %sign3A_3514 : i32
      %sign3A_3516 = arith.extui %sign3A_3515 : i1 to i32
      %sign3A_3517 = arith.subi %sign3A_3513, %sign3A_3516 : i32
      %sign3A_3518 = arith.constant 0 : i32
      %sign3A_3519 = arith.cmpi sgt, %jit3A_3509, %sign3A_3518 : i32
      %sign3A_3520 = arith.extui %sign3A_3519 : i1 to i32
      %sign3A_3521 = arith.constant 0 : i32
      %sign3A_3522 = arith.cmpi slt, %jit3A_3509, %sign3A_3521 : i32
      %sign3A_3523 = arith.extui %sign3A_3522 : i1 to i32
      %sign3A_3524 = arith.subi %sign3A_3520, %sign3A_3523 : i32
      %ne3A_3525 = arith.cmpi ne, %sign3A_3517, %sign3A_3524 : i32
      %rem3A_3526 = arith.remsi %min3A_3508, %jit3A_3509 : i32
      %ne3A_3527 = arith.constant 0 : i32
      %ne3A_3528 = arith.cmpi ne, %rem3A_3526, %ne3A_3527 : i32
      %and3A_3529 = arith.andi %ne3A_3525, %ne3A_3528 : i1
      %sub3A_3530 = arith.constant 1 : i32
      %sub3A_3531 = arith.subi %div3A_3510, %sub3A_3530 : i32
      %select_n3A_3532 = arith.select %and3A_3529, %sub3A_3531, %div3A_3510 : i32
      %mul3A_3533 = arith.constant 16 : i32
      %mul3A_3534 = arith.muli %select_n3A_3532, %mul3A_3533 : i32
      %sub3A_3535 = arith.subi %min3A_3508, %mul3A_3534 : i32
      %get3A_3536 = arith.constant 5 : i32
      %get3A_3537 = arith.index_cast %get3A_3536 : i32 to index
      %get3A_3538 = arith.index_cast %mul3A_3534 : i32 to index
      %get3A_3539 = tpu.vector_load %arg8[%get3A_3537, %get3A_3538] {strides = array<i32>} : memref<8x3968xf32, #tpu.memory_space<vmem>>, vector<16xf32>,
      %iota3A_3540 = tpu.iota {dimensions = array<i32: 0>} : vector<16xi32>
      %eq3A_3541 = vector.broadcast %sub3A_3535 : i32 to vector<16xi32>
      %eq3A_3542 = arith.cmpi eq, %iota3A_3540, %eq3A_3541 : vector<16xi32>
      %broadcast_in_dim3A_3543 = vector.broadcast %and3A_3504 : i1 to vector<16xi1>
      %and3A_3544 = arith.andi %eq3A_3542, %broadcast_in_dim3A_3543 : vector<16xi1>
      %broadcast_in_dim3A_3545 = arith.constant 0xFF800000 : f32
      %broadcast_in_dim3A_3546 = vector.broadcast %broadcast_in_dim3A_3545 : f32 to vector<16xf32>
      %select_n3A_3547 = arith.select %and3A_3544, %broadcast_in_dim3A_3546, %get3A_3539 : vector<16xi1>, vector<16xf32>
      %swap3A_3548 = arith.constant 5 : i32
      %swap3A_3549 = arith.index_cast %swap3A_3548 : i32 to index
      %swap3A_3550 = arith.index_cast %mul3A_3534 : i32 to index
      %swap3A_3551 = tpu.vector_load %arg8[%swap3A_3549, %swap3A_3550] {strides = array<i32>} : memref<8x3968xf32, #tpu.memory_space<vmem>>, vector<16xf32>,
      tpu.vector_store %arg8[%swap3A_3549, %swap3A_3550], %select_n3A_3547 {strides = array<i32>} : memref<8x3968xf32, #tpu.memory_space<vmem>>, vector<16xf32>,
      %select_n3A_3552 = arith.select %and3A_3544, %get3A_3539, %select_n3A_3095 : vector<16xi1>, vector<16xf32>
      %sub3A_3553 = arith.subi %reduce_max3A_170, %add3A_3228 : i32
      %ge3A_3554 = arith.constant 0 : i32
      %ge3A_3555 = arith.cmpi sge, %sub3A_3553, %ge3A_3554 : i32
      %lt3A_3556 = arith.constant 3968 : i32
      %lt3A_3557 = arith.cmpi slt, %sub3A_3553, %lt3A_3556 : i32
      %and3A_3558 = arith.andi %ge3A_3555, %lt3A_3557 : i1
      %max3A_3559 = arith.constant 0 : i32
      %max3A_3560 = arith.maxsi %sub3A_3553, %max3A_3559 : i32
      %min3A_3561 = arith.constant 3967 : i32
      %min3A_3562 = arith.minsi %max3A_3560, %min3A_3561 : i32
      %jit3A_3563 = arith.constant 16 : i32
      %div3A_3564 = arith.divsi %min3A_3562, %jit3A_3563 : i32
      %sign3A_3565 = arith.constant 0 : i32
      %sign3A_3566 = arith.cmpi sgt, %min3A_3562, %sign3A_3565 : i32
      %sign3A_3567 = arith.extui %sign3A_3566 : i1 to i32
      %sign3A_3568 = arith.constant 0 : i32
      %sign3A_3569 = arith.cmpi slt, %min3A_3562, %sign3A_3568 : i32
      %sign3A_3570 = arith.extui %sign3A_3569 : i1 to i32
      %sign3A_3571 = arith.subi %sign3A_3567, %sign3A_3570 : i32
      %sign3A_3572 = arith.constant 0 : i32
      %sign3A_3573 = arith.cmpi sgt, %jit3A_3563, %sign3A_3572 : i32
      %sign3A_3574 = arith.extui %sign3A_3573 : i1 to i32
      %sign3A_3575 = arith.constant 0 : i32
      %sign3A_3576 = arith.cmpi slt, %jit3A_3563, %sign3A_3575 : i32
      %sign3A_3577 = arith.extui %sign3A_3576 : i1 to i32
      %sign3A_3578 = arith.subi %sign3A_3574, %sign3A_3577 : i32
      %ne3A_3579 = arith.cmpi ne, %sign3A_3571, %sign3A_3578 : i32
      %rem3A_3580 = arith.remsi %min3A_3562, %jit3A_3563 : i32
      %ne3A_3581 = arith.constant 0 : i32
      %ne3A_3582 = arith.cmpi ne, %rem3A_3580, %ne3A_3581 : i32
      %and3A_3583 = arith.andi %ne3A_3579, %ne3A_3582 : i1
      %sub3A_3584 = arith.constant 1 : i32
      %sub3A_3585 = arith.subi %div3A_3564, %sub3A_3584 : i32
      %select_n3A_3586 = arith.select %and3A_3583, %sub3A_3585, %div3A_3564 : i32
      %mul3A_3587 = arith.constant 16 : i32
      %mul3A_3588 = arith.muli %select_n3A_3586, %mul3A_3587 : i32
      %sub3A_3589 = arith.subi %min3A_3562, %mul3A_3588 : i32
      %get3A_3590 = arith.constant 6 : i32
      %get3A_3591 = arith.index_cast %get3A_3590 : i32 to index
      %get3A_3592 = arith.index_cast %mul3A_3588 : i32 to index
      %get3A_3593 = tpu.vector_load %arg8[%get3A_3591, %get3A_3592] {strides = array<i32>} : memref<8x3968xf32, #tpu.memory_space<vmem>>, vector<16xf32>,
      %iota3A_3594 = tpu.iota {dimensions = array<i32: 0>} : vector<16xi32>
      %eq3A_3595 = vector.broadcast %sub3A_3589 : i32 to vector<16xi32>
      %eq3A_3596 = arith.cmpi eq, %iota3A_3594, %eq3A_3595 : vector<16xi32>
      %broadcast_in_dim3A_3597 = vector.broadcast %and3A_3558 : i1 to vector<16xi1>
      %and3A_3598 = arith.andi %eq3A_3596, %broadcast_in_dim3A_3597 : vector<16xi1>
      %broadcast_in_dim3A_3599 = arith.constant 0xFF800000 : f32
      %broadcast_in_dim3A_3600 = vector.broadcast %broadcast_in_dim3A_3599 : f32 to vector<16xf32>
      %select_n3A_3601 = arith.select %and3A_3598, %broadcast_in_dim3A_3600, %get3A_3593 : vector<16xi1>, vector<16xf32>
      %swap3A_3602 = arith.constant 6 : i32
      %swap3A_3603 = arith.index_cast %swap3A_3602 : i32 to index
      %swap3A_3604 = arith.index_cast %mul3A_3588 : i32 to index
      %swap3A_3605 = tpu.vector_load %arg8[%swap3A_3603, %swap3A_3604] {strides = array<i32>} : memref<8x3968xf32, #tpu.memory_space<vmem>>, vector<16xf32>,
      tpu.vector_store %arg8[%swap3A_3603, %swap3A_3604], %select_n3A_3601 {strides = array<i32>} : memref<8x3968xf32, #tpu.memory_space<vmem>>, vector<16xf32>,
      %select_n3A_3606 = arith.select %and3A_3598, %get3A_3593, %select_n3A_3149 : vector<16xi1>, vector<16xf32>
      %sub3A_3607 = arith.subi %reduce_max3A_185, %add3A_3228 : i32
      %ge3A_3608 = arith.constant 0 : i32
      %ge3A_3609 = arith.cmpi sge, %sub3A_3607, %ge3A_3608 : i32
      %lt3A_3610 = arith.constant 3968 : i32
      %lt3A_3611 = arith.cmpi slt, %sub3A_3607, %lt3A_3610 : i32
      %and3A_3612 = arith.andi %ge3A_3609, %lt3A_3611 : i1
      %max3A_3613 = arith.constant 0 : i32
      %max3A_3614 = arith.maxsi %sub3A_3607, %max3A_3613 : i32
      %min3A_3615 = arith.constant 3967 : i32
      %min3A_3616 = arith.minsi %max3A_3614, %min3A_3615 : i32
      %jit3A_3617 = arith.constant 16 : i32
      %div3A_3618 = arith.divsi %min3A_3616, %jit3A_3617 : i32
      %sign3A_3619 = arith.constant 0 : i32
      %sign3A_3620 = arith.cmpi sgt, %min3A_3616, %sign3A_3619 : i32
      %sign3A_3621 = arith.extui %sign3A_3620 : i1 to i32
      %sign3A_3622 = arith.constant 0 : i32
      %sign3A_3623 = arith.cmpi slt, %min3A_3616, %sign3A_3622 : i32
      %sign3A_3624 = arith.extui %sign3A_3623 : i1 to i32
      %sign3A_3625 = arith.subi %sign3A_3621, %sign3A_3624 : i32
      %sign3A_3626 = arith.constant 0 : i32
      %sign3A_3627 = arith.cmpi sgt, %jit3A_3617, %sign3A_3626 : i32
      %sign3A_3628 = arith.extui %sign3A_3627 : i1 to i32
      %sign3A_3629 = arith.constant 0 : i32
      %sign3A_3630 = arith.cmpi slt, %jit3A_3617, %sign3A_3629 : i32
      %sign3A_3631 = arith.extui %sign3A_3630 : i1 to i32
      %sign3A_3632 = arith.subi %sign3A_3628, %sign3A_3631 : i32
      %ne3A_3633 = arith.cmpi ne, %sign3A_3625, %sign3A_3632 : i32
      %rem3A_3634 = arith.remsi %min3A_3616, %jit3A_3617 : i32
      %ne3A_3635 = arith.constant 0 : i32
      %ne3A_3636 = arith.cmpi ne, %rem3A_3634, %ne3A_3635 : i32
      %and3A_3637 = arith.andi %ne3A_3633, %ne3A_3636 : i1
      %sub3A_3638 = arith.constant 1 : i32
      %sub3A_3639 = arith.subi %div3A_3618, %sub3A_3638 : i32
      %select_n3A_3640 = arith.select %and3A_3637, %sub3A_3639, %div3A_3618 : i32
      %mul3A_3641 = arith.constant 16 : i32
      %mul3A_3642 = arith.muli %select_n3A_3640, %mul3A_3641 : i32
      %sub3A_3643 = arith.subi %min3A_3616, %mul3A_3642 : i32
      %get3A_3644 = arith.constant 7 : i32
      %get3A_3645 = arith.index_cast %get3A_3644 : i32 to index
      %get3A_3646 = arith.index_cast %mul3A_3642 : i32 to index
      %get3A_3647 = tpu.vector_load %arg8[%get3A_3645, %get3A_3646] {strides = array<i32>} : memref<8x3968xf32, #tpu.memory_space<vmem>>, vector<16xf32>,
      %iota3A_3648 = tpu.iota {dimensions = array<i32: 0>} : vector<16xi32>
      %eq3A_3649 = vector.broadcast %sub3A_3643 : i32 to vector<16xi32>
      %eq3A_3650 = arith.cmpi eq, %iota3A_3648, %eq3A_3649 : vector<16xi32>
      %broadcast_in_dim3A_3651 = vector.broadcast %and3A_3612 : i1 to vector<16xi1>
      %and3A_3652 = arith.andi %eq3A_3650, %broadcast_in_dim3A_3651 : vector<16xi1>
      %broadcast_in_dim3A_3653 = arith.constant 0xFF800000 : f32
      %broadcast_in_dim3A_3654 = vector.broadcast %broadcast_in_dim3A_3653 : f32 to vector<16xf32>
      %select_n3A_3655 = arith.select %and3A_3652, %broadcast_in_dim3A_3654, %get3A_3647 : vector<16xi1>, vector<16xf32>
      %swap3A_3656 = arith.constant 7 : i32
      %swap3A_3657 = arith.index_cast %swap3A_3656 : i32 to index
      %swap3A_3658 = arith.index_cast %mul3A_3642 : i32 to index
      %swap3A_3659 = tpu.vector_load %arg8[%swap3A_3657, %swap3A_3658] {strides = array<i32>} : memref<8x3968xf32, #tpu.memory_space<vmem>>, vector<16xf32>,
      tpu.vector_store %arg8[%swap3A_3657, %swap3A_3658], %select_n3A_3655 {strides = array<i32>} : memref<8x3968xf32, #tpu.memory_space<vmem>>, vector<16xf32>,
      %select_n3A_3660 = arith.select %and3A_3652, %get3A_3647, %select_n3A_3203 : vector<16xi1>, vector<16xf32>
      %scan3A_3661 = arith.constant 0 : i32
      %scan3A_3662 = arith.constant 248 : i32
      %scan3A_3663 = arith.addi %scan3A_3661, %scan3A_3662 : i32
      %scan3A_3664 = arith.constant 1 : i32
      %scan3A_3665:8 = scf.for %scan3A_3675 = %scan3A_3661 to %scan3A_3663 step %scan3A_3664 iter_args(%scan3A_3676 = %scan3A_3208#0, %scan3A_3677 = %scan3A_3208#1, %scan3A_3678 = %scan3A_3208#2, %scan3A_3679 = %scan3A_3208#3, %scan3A_3680 = %scan3A_3208#4, %scan3A_3681 = %scan3A_3208#5, %scan3A_3682 = %scan3A_3208#6, %scan3A_3683 = %scan3A_3208#7) -> (vector<16xf32>, vector<16xf32>, vector<16xf32>, vector<16xf32>, vector<16xf32>, vector<16xf32>, vector<16xf32>, vector<16xf32>)  : i32 {
        %mul3A_3684 = arith.constant 16 : i32
        %mul3A_3685 = arith.muli %scan3A_3675, %mul3A_3684 : i32
        %get3A_3686 = arith.constant 0 : i32
        %get3A_3687 = arith.index_cast %get3A_3686 : i32 to index
        %get3A_3688 = arith.index_cast %mul3A_3685 : i32 to index
        %get3A_3689 = tpu.vector_load %arg8[%get3A_3687, %get3A_3688] {strides = array<i32>} : memref<8x3968xf32, #tpu.memory_space<vmem>>, vector<16xf32>,
        %max3A_3690 = arith.maximumf %scan3A_3676, %get3A_3689 : vector<16xf32>
        %get3A_3691 = arith.constant 1 : i32
        %get3A_3692 = arith.index_cast %get3A_3691 : i32 to index
        %get3A_3693 = arith.index_cast %mul3A_3685 : i32 to index
        %get3A_3694 = tpu.vector_load %arg8[%get3A_3692, %get3A_3693] {strides = array<i32>} : memref<8x3968xf32, #tpu.memory_space<vmem>>, vector<16xf32>,
        %max3A_3695 = arith.maximumf %scan3A_3677, %get3A_3694 : vector<16xf32>
        %get3A_3696 = arith.constant 2 : i32
        %get3A_3697 = arith.index_cast %get3A_3696 : i32 to index
        %get3A_3698 = arith.index_cast %mul3A_3685 : i32 to index
        %get3A_3699 = tpu.vector_load %arg8[%get3A_3697, %get3A_3698] {strides = array<i32>} : memref<8x3968xf32, #tpu.memory_space<vmem>>, vector<16xf32>,
        %max3A_3700 = arith.maximumf %scan3A_3678, %get3A_3699 : vector<16xf32>
        %get3A_3701 = arith.constant 3 : i32
        %get3A_3702 = arith.index_cast %get3A_3701 : i32 to index
        %get3A_3703 = arith.index_cast %mul3A_3685 : i32 to index
        %get3A_3704 = tpu.vector_load %arg8[%get3A_3702, %get3A_3703] {strides = array<i32>} : memref<8x3968xf32, #tpu.memory_space<vmem>>, vector<16xf32>,
        %max3A_3705 = arith.maximumf %scan3A_3679, %get3A_3704 : vector<16xf32>
        %get3A_3706 = arith.constant 4 : i32
        %get3A_3707 = arith.index_cast %get3A_3706 : i32 to index
        %get3A_3708 = arith.index_cast %mul3A_3685 : i32 to index
        %get3A_3709 = tpu.vector_load %arg8[%get3A_3707, %get3A_3708] {strides = array<i32>} : memref<8x3968xf32, #tpu.memory_space<vmem>>, vector<16xf32>,
        %max3A_3710 = arith.maximumf %scan3A_3680, %get3A_3709 : vector<16xf32>
        %get3A_3711 = arith.constant 5 : i32
        %get3A_3712 = arith.index_cast %get3A_3711 : i32 to index
        %get3A_3713 = arith.index_cast %mul3A_3685 : i32 to index
        %get3A_3714 = tpu.vector_load %arg8[%get3A_3712, %get3A_3713] {strides = array<i32>} : memref<8x3968xf32, #tpu.memory_space<vmem>>, vector<16xf32>,
        %max3A_3715 = arith.maximumf %scan3A_3681, %get3A_3714 : vector<16xf32>
        %get3A_3716 = arith.constant 6 : i32
        %get3A_3717 = arith.index_cast %get3A_3716 : i32 to index
        %get3A_3718 = arith.index_cast %mul3A_3685 : i32 to index
        %get3A_3719 = tpu.vector_load %arg8[%get3A_3717, %get3A_3718] {strides = array<i32>} : memref<8x3968xf32, #tpu.memory_space<vmem>>, vector<16xf32>,
        %max3A_3720 = arith.maximumf %scan3A_3682, %get3A_3719 : vector<16xf32>
        %get3A_3721 = arith.constant 7 : i32
        %get3A_3722 = arith.index_cast %get3A_3721 : i32 to index
        %get3A_3723 = arith.index_cast %mul3A_3685 : i32 to index
        %get3A_3724 = tpu.vector_load %arg8[%get3A_3722, %get3A_3723] {strides = array<i32>} : memref<8x3968xf32, #tpu.memory_space<vmem>>, vector<16xf32>,
        %max3A_3725 = arith.maximumf %scan3A_3683, %get3A_3724 : vector<16xf32>
        scf.yield %max3A_3690, %max3A_3695, %max3A_3700, %max3A_3705, %max3A_3710, %max3A_3715, %max3A_3720, %max3A_3725 : vector<16xf32>, vector<16xf32>, vector<16xf32>, vector<16xf32>, vector<16xf32>, vector<16xf32>, vector<16xf32>, vector<16xf32>
      }
      %scan3A_3666 = arith.constant 248 : i32
      %add3A_3667 = arith.constant 3 : i32
      %add3A_3668 = arith.addi %add3A_3219, %add3A_3667 : i32
      %mul3A_3669 = arith.constant 3968 : i32
      %mul3A_3670 = arith.muli %add3A_3668, %mul3A_3669 : i32
      %add3A_3671 = arith.addi %mul3A_23, %mul3A_3670 : i32
      %multiple_of3A_3672 = tpu.assume_multiple %add3A_3671, 128 : i32
      %dma_start3A_3673 = tpu.memref_slice %arg2[%multiple_of3A, %multiple_of3A_3672] : memref<64x1000000xf32, #tpu.memory_space<hbm>> -> memref<8x3968xf32, #tpu.memory_space<hbm>>
      %dma_start3A_3674 = tpu.memref_slice %arg2[%multiple_of3A, %multiple_of3A_3672] : memref<64x1000000xf32, #tpu.memory_space<hbm>> -> memref<8x3968xf32, #tpu.memory_space<hbm>>
      tpu.enqueue_dma source(%dma_start3A_3674 : memref<8x3968xf32, #tpu.memory_space<hbm>>) target(%arg8 : memref<8x3968xf32, #tpu.memory_space<vmem>>) target_semaphore(%arg14 : memref<!tpu.dma_semaphore, #tpu.memory_space<semaphore_mem>>)
      scf.yield %scan3A_3665#0, %scan3A_3665#1, %scan3A_3665#2, %scan3A_3665#3, %scan3A_3665#4, %scan3A_3665#5, %scan3A_3665#6, %scan3A_3665#7, %select_n3A_3282, %select_n3A_3336, %select_n3A_3390, %select_n3A_3444, %select_n3A_3498, %select_n3A_3552, %select_n3A_3606, %select_n3A_3660 : vector<16xf32>, vector<16xf32>, vector<16xf32>, vector<16xf32>, vector<16xf32>, vector<16xf32>, vector<16xf32>, vector<16xf32>, vector<16xf32>, vector<16xf32>, vector<16xf32>, vector<16xf32>, vector<16xf32>, vector<16xf32>, vector<16xf32>, vector<16xf32>
    }
    %scan3A_206 = arith.constant 20 : i32
    %add3A_207 = arith.constant 238080 : i32
    %add3A_208 = arith.addi %mul3A_23, %add3A_207 : i32
    %multiple_of3A_209 = tpu.assume_multiple %add3A_208, 128 : i32
    %dma_wait3A = tpu.memref_slice %arg2[%multiple_of3A, %multiple_of3A_209] : memref<64x1000000xf32, #tpu.memory_space<hbm>> -> memref<8x3968xf32, #tpu.memory_space<hbm>>
    %dma_wait3A_210 = tpu.memref_slice %arg2[%multiple_of3A, %multiple_of3A_209] : memref<64x1000000xf32, #tpu.memory_space<hbm>> -> memref<8x3968xf32, #tpu.memory_space<hbm>>
    tpu.wait_dma2 semaphore(%arg12 : memref<!tpu.dma_semaphore, #tpu.memory_space<semaphore_mem>>) src(%dma_wait3A_210 : memref<8x3968xf32, #tpu.memory_space<hbm>>) dst(%arg6 : memref<8x3968xf32, #tpu.memory_space<vmem>>)
    %add3A_211 = arith.constant 238080 : i32
    %add3A_212 = arith.addi %mul3A_23, %add3A_211 : i32
    %sub3A_213 = arith.subi %reduce_max3A_80, %add3A_212 : i32
    %ge3A = arith.constant 0 : i32
    %ge3A_214 = arith.cmpi sge, %sub3A_213, %ge3A : i32
    %lt3A_215 = arith.constant 3968 : i32
    %lt3A_216 = arith.cmpi slt, %sub3A_213, %lt3A_215 : i32
    %and3A_217 = arith.andi %ge3A_214, %lt3A_216 : i1
    %max3A = arith.constant 0 : i32
    %max3A_218 = arith.maxsi %sub3A_213, %max3A : i32
    %min3A = arith.constant 3967 : i32
    %min3A_219 = arith.minsi %max3A_218, %min3A : i32
    %jit3A_220 = arith.constant 16 : i32
    %div3A_221 = arith.divsi %min3A_219, %jit3A_220 : i32
    %sign3A_222 = arith.constant 0 : i32
    %sign3A_223 = arith.cmpi sgt, %min3A_219, %sign3A_222 : i32
    %sign3A_224 = arith.extui %sign3A_223 : i1 to i32
    %sign3A_225 = arith.constant 0 : i32
    %sign3A_226 = arith.cmpi slt, %min3A_219, %sign3A_225 : i32
    %sign3A_227 = arith.extui %sign3A_226 : i1 to i32
    %sign3A_228 = arith.subi %sign3A_224, %sign3A_227 : i32
    %sign3A_229 = arith.constant 0 : i32
    %sign3A_230 = arith.cmpi sgt, %jit3A_220, %sign3A_229 : i32
    %sign3A_231 = arith.extui %sign3A_230 : i1 to i32
    %sign3A_232 = arith.constant 0 : i32
    %sign3A_233 = arith.cmpi slt, %jit3A_220, %sign3A_232 : i32
    %sign3A_234 = arith.extui %sign3A_233 : i1 to i32
    %sign3A_235 = arith.subi %sign3A_231, %sign3A_234 : i32
    %ne3A_236 = arith.cmpi ne, %sign3A_228, %sign3A_235 : i32
    %rem3A_237 = arith.remsi %min3A_219, %jit3A_220 : i32
    %ne3A_238 = arith.constant 0 : i32
    %ne3A_239 = arith.cmpi ne, %rem3A_237, %ne3A_238 : i32
    %and3A_240 = arith.andi %ne3A_236, %ne3A_239 : i1
    %sub3A_241 = arith.constant 1 : i32
    %sub3A_242 = arith.subi %div3A_221, %sub3A_241 : i32
    %select_n3A_243 = arith.select %and3A_240, %sub3A_242, %div3A_221 : i32
    %mul3A_244 = arith.constant 16 : i32
    %mul3A_245 = arith.muli %select_n3A_243, %mul3A_244 : i32
    %sub3A_246 = arith.subi %min3A_219, %mul3A_245 : i32
    %get3A_247 = arith.constant 0 : i32
    %get3A_248 = arith.index_cast %get3A_247 : i32 to index
    %get3A_249 = arith.index_cast %mul3A_245 : i32 to index
    %get3A_250 = tpu.vector_load %arg6[%get3A_248, %get3A_249] {strides = array<i32>} : memref<8x3968xf32, #tpu.memory_space<vmem>>, vector<16xf32>,
    %iota3A_251 = tpu.iota {dimensions = array<i32: 0>} : vector<16xi32>
    %eq3A_252 = vector.broadcast %sub3A_246 : i32 to vector<16xi32>
    %eq3A_253 = arith.cmpi eq, %iota3A_251, %eq3A_252 : vector<16xi32>
    %broadcast_in_dim3A_254 = vector.broadcast %and3A_217 : i1 to vector<16xi1>
    %and3A_255 = arith.andi %eq3A_253, %broadcast_in_dim3A_254 : vector<16xi1>
    %broadcast_in_dim3A_256 = arith.constant 0xFF800000 : f32
    %broadcast_in_dim3A_257 = vector.broadcast %broadcast_in_dim3A_256 : f32 to vector<16xf32>
    %select_n3A_258 = arith.select %and3A_255, %broadcast_in_dim3A_257, %get3A_250 : vector<16xi1>, vector<16xf32>
    %swap3A = arith.constant 0 : i32
    %swap3A_259 = arith.index_cast %swap3A : i32 to index
    %swap3A_260 = arith.index_cast %mul3A_245 : i32 to index
    %swap3A_261 = tpu.vector_load %arg6[%swap3A_259, %swap3A_260] {strides = array<i32>} : memref<8x3968xf32, #tpu.memory_space<vmem>>, vector<16xf32>,
    tpu.vector_store %arg6[%swap3A_259, %swap3A_260], %select_n3A_258 {strides = array<i32>} : memref<8x3968xf32, #tpu.memory_space<vmem>>, vector<16xf32>,
    %select_n3A_262 = arith.select %and3A_255, %get3A_250, %scan3A_205#8 : vector<16xi1>, vector<16xf32>
    %sub3A_263 = arith.subi %reduce_max3A_95, %add3A_212 : i32
    %ge3A_264 = arith.constant 0 : i32
    %ge3A_265 = arith.cmpi sge, %sub3A_263, %ge3A_264 : i32
    %lt3A_266 = arith.constant 3968 : i32
    %lt3A_267 = arith.cmpi slt, %sub3A_263, %lt3A_266 : i32
    %and3A_268 = arith.andi %ge3A_265, %lt3A_267 : i1
    %max3A_269 = arith.constant 0 : i32
    %max3A_270 = arith.maxsi %sub3A_263, %max3A_269 : i32
    %min3A_271 = arith.constant 3967 : i32
    %min3A_272 = arith.minsi %max3A_270, %min3A_271 : i32
    %jit3A_273 = arith.constant 16 : i32
    %div3A_274 = arith.divsi %min3A_272, %jit3A_273 : i32
    %sign3A_275 = arith.constant 0 : i32
    %sign3A_276 = arith.cmpi sgt, %min3A_272, %sign3A_275 : i32
    %sign3A_277 = arith.extui %sign3A_276 : i1 to i32
    %sign3A_278 = arith.constant 0 : i32
    %sign3A_279 = arith.cmpi slt, %min3A_272, %sign3A_278 : i32
    %sign3A_280 = arith.extui %sign3A_279 : i1 to i32
    %sign3A_281 = arith.subi %sign3A_277, %sign3A_280 : i32
    %sign3A_282 = arith.constant 0 : i32
    %sign3A_283 = arith.cmpi sgt, %jit3A_273, %sign3A_282 : i32
    %sign3A_284 = arith.extui %sign3A_283 : i1 to i32
    %sign3A_285 = arith.constant 0 : i32
    %sign3A_286 = arith.cmpi slt, %jit3A_273, %sign3A_285 : i32
    %sign3A_287 = arith.extui %sign3A_286 : i1 to i32
    %sign3A_288 = arith.subi %sign3A_284, %sign3A_287 : i32
    %ne3A_289 = arith.cmpi ne, %sign3A_281, %sign3A_288 : i32
    %rem3A_290 = arith.remsi %min3A_272, %jit3A_273 : i32
    %ne3A_291 = arith.constant 0 : i32
    %ne3A_292 = arith.cmpi ne, %rem3A_290, %ne3A_291 : i32
    %and3A_293 = arith.andi %ne3A_289, %ne3A_292 : i1
    %sub3A_294 = arith.constant 1 : i32
    %sub3A_295 = arith.subi %div3A_274, %sub3A_294 : i32
    %select_n3A_296 = arith.select %and3A_293, %sub3A_295, %div3A_274 : i32
    %mul3A_297 = arith.constant 16 : i32
    %mul3A_298 = arith.muli %select_n3A_296, %mul3A_297 : i32
    %sub3A_299 = arith.subi %min3A_272, %mul3A_298 : i32
    %get3A_300 = arith.constant 1 : i32
    %get3A_301 = arith.index_cast %get3A_300 : i32 to index
    %get3A_302 = arith.index_cast %mul3A_298 : i32 to index
    %get3A_303 = tpu.vector_load %arg6[%get3A_301, %get3A_302] {strides = array<i32>} : memref<8x3968xf32, #tpu.memory_space<vmem>>, vector<16xf32>,
    %iota3A_304 = tpu.iota {dimensions = array<i32: 0>} : vector<16xi32>
    %eq3A_305 = vector.broadcast %sub3A_299 : i32 to vector<16xi32>
    %eq3A_306 = arith.cmpi eq, %iota3A_304, %eq3A_305 : vector<16xi32>
    %broadcast_in_dim3A_307 = vector.broadcast %and3A_268 : i1 to vector<16xi1>
    %and3A_308 = arith.andi %eq3A_306, %broadcast_in_dim3A_307 : vector<16xi1>
    %broadcast_in_dim3A_309 = arith.constant 0xFF800000 : f32
    %broadcast_in_dim3A_310 = vector.broadcast %broadcast_in_dim3A_309 : f32 to vector<16xf32>
    %select_n3A_311 = arith.select %and3A_308, %broadcast_in_dim3A_310, %get3A_303 : vector<16xi1>, vector<16xf32>
    %swap3A_312 = arith.constant 1 : i32
    %swap3A_313 = arith.index_cast %swap3A_312 : i32 to index
    %swap3A_314 = arith.index_cast %mul3A_298 : i32 to index
    %swap3A_315 = tpu.vector_load %arg6[%swap3A_313, %swap3A_314] {strides = array<i32>} : memref<8x3968xf32, #tpu.memory_space<vmem>>, vector<16xf32>,
    tpu.vector_store %arg6[%swap3A_313, %swap3A_314], %select_n3A_311 {strides = array<i32>} : memref<8x3968xf32, #tpu.memory_space<vmem>>, vector<16xf32>,
    %select_n3A_316 = arith.select %and3A_308, %get3A_303, %scan3A_205#9 : vector<16xi1>, vector<16xf32>
    %sub3A_317 = arith.subi %reduce_max3A_110, %add3A_212 : i32
    %ge3A_318 = arith.constant 0 : i32
    %ge3A_319 = arith.cmpi sge, %sub3A_317, %ge3A_318 : i32
    %lt3A_320 = arith.constant 3968 : i32
    %lt3A_321 = arith.cmpi slt, %sub3A_317, %lt3A_320 : i32
    %and3A_322 = arith.andi %ge3A_319, %lt3A_321 : i1
    %max3A_323 = arith.constant 0 : i32
    %max3A_324 = arith.maxsi %sub3A_317, %max3A_323 : i32
    %min3A_325 = arith.constant 3967 : i32
    %min3A_326 = arith.minsi %max3A_324, %min3A_325 : i32
    %jit3A_327 = arith.constant 16 : i32
    %div3A_328 = arith.divsi %min3A_326, %jit3A_327 : i32
    %sign3A_329 = arith.constant 0 : i32
    %sign3A_330 = arith.cmpi sgt, %min3A_326, %sign3A_329 : i32
    %sign3A_331 = arith.extui %sign3A_330 : i1 to i32
    %sign3A_332 = arith.constant 0 : i32
    %sign3A_333 = arith.cmpi slt, %min3A_326, %sign3A_332 : i32
    %sign3A_334 = arith.extui %sign3A_333 : i1 to i32
    %sign3A_335 = arith.subi %sign3A_331, %sign3A_334 : i32
    %sign3A_336 = arith.constant 0 : i32
    %sign3A_337 = arith.cmpi sgt, %jit3A_327, %sign3A_336 : i32
    %sign3A_338 = arith.extui %sign3A_337 : i1 to i32
    %sign3A_339 = arith.constant 0 : i32
    %sign3A_340 = arith.cmpi slt, %jit3A_327, %sign3A_339 : i32
    %sign3A_341 = arith.extui %sign3A_340 : i1 to i32
    %sign3A_342 = arith.subi %sign3A_338, %sign3A_341 : i32
    %ne3A_343 = arith.cmpi ne, %sign3A_335, %sign3A_342 : i32
    %rem3A_344 = arith.remsi %min3A_326, %jit3A_327 : i32
    %ne3A_345 = arith.constant 0 : i32
    %ne3A_346 = arith.cmpi ne, %rem3A_344, %ne3A_345 : i32
    %and3A_347 = arith.andi %ne3A_343, %ne3A_346 : i1
    %sub3A_348 = arith.constant 1 : i32
    %sub3A_349 = arith.subi %div3A_328, %sub3A_348 : i32
    %select_n3A_350 = arith.select %and3A_347, %sub3A_349, %div3A_328 : i32
    %mul3A_351 = arith.constant 16 : i32
    %mul3A_352 = arith.muli %select_n3A_350, %mul3A_351 : i32
    %sub3A_353 = arith.subi %min3A_326, %mul3A_352 : i32
    %get3A_354 = arith.constant 2 : i32
    %get3A_355 = arith.index_cast %get3A_354 : i32 to index
    %get3A_356 = arith.index_cast %mul3A_352 : i32 to index
    %get3A_357 = tpu.vector_load %arg6[%get3A_355, %get3A_356] {strides = array<i32>} : memref<8x3968xf32, #tpu.memory_space<vmem>>, vector<16xf32>,
    %iota3A_358 = tpu.iota {dimensions = array<i32: 0>} : vector<16xi32>
    %eq3A_359 = vector.broadcast %sub3A_353 : i32 to vector<16xi32>
    %eq3A_360 = arith.cmpi eq, %iota3A_358, %eq3A_359 : vector<16xi32>
    %broadcast_in_dim3A_361 = vector.broadcast %and3A_322 : i1 to vector<16xi1>
    %and3A_362 = arith.andi %eq3A_360, %broadcast_in_dim3A_361 : vector<16xi1>
    %broadcast_in_dim3A_363 = arith.constant 0xFF800000 : f32
    %broadcast_in_dim3A_364 = vector.broadcast %broadcast_in_dim3A_363 : f32 to vector<16xf32>
    %select_n3A_365 = arith.select %and3A_362, %broadcast_in_dim3A_364, %get3A_357 : vector<16xi1>, vector<16xf32>
    %swap3A_366 = arith.constant 2 : i32
    %swap3A_367 = arith.index_cast %swap3A_366 : i32 to index
    %swap3A_368 = arith.index_cast %mul3A_352 : i32 to index
    %swap3A_369 = tpu.vector_load %arg6[%swap3A_367, %swap3A_368] {strides = array<i32>} : memref<8x3968xf32, #tpu.memory_space<vmem>>, vector<16xf32>,
    tpu.vector_store %arg6[%swap3A_367, %swap3A_368], %select_n3A_365 {strides = array<i32>} : memref<8x3968xf32, #tpu.memory_space<vmem>>, vector<16xf32>,
    %select_n3A_370 = arith.select %and3A_362, %get3A_357, %scan3A_205#10 : vector<16xi1>, vector<16xf32>
    %sub3A_371 = arith.subi %reduce_max3A_125, %add3A_212 : i32
    %ge3A_372 = arith.constant 0 : i32
    %ge3A_373 = arith.cmpi sge, %sub3A_371, %ge3A_372 : i32
    %lt3A_374 = arith.constant 3968 : i32
    %lt3A_375 = arith.cmpi slt, %sub3A_371, %lt3A_374 : i32
    %and3A_376 = arith.andi %ge3A_373, %lt3A_375 : i1
    %max3A_377 = arith.constant 0 : i32
    %max3A_378 = arith.maxsi %sub3A_371, %max3A_377 : i32
    %min3A_379 = arith.constant 3967 : i32
    %min3A_380 = arith.minsi %max3A_378, %min3A_379 : i32
    %jit3A_381 = arith.constant 16 : i32
    %div3A_382 = arith.divsi %min3A_380, %jit3A_381 : i32
    %sign3A_383 = arith.constant 0 : i32
    %sign3A_384 = arith.cmpi sgt, %min3A_380, %sign3A_383 : i32
    %sign3A_385 = arith.extui %sign3A_384 : i1 to i32
    %sign3A_386 = arith.constant 0 : i32
    %sign3A_387 = arith.cmpi slt, %min3A_380, %sign3A_386 : i32
    %sign3A_388 = arith.extui %sign3A_387 : i1 to i32
    %sign3A_389 = arith.subi %sign3A_385, %sign3A_388 : i32
    %sign3A_390 = arith.constant 0 : i32
    %sign3A_391 = arith.cmpi sgt, %jit3A_381, %sign3A_390 : i32
    %sign3A_392 = arith.extui %sign3A_391 : i1 to i32
    %sign3A_393 = arith.constant 0 : i32
    %sign3A_394 = arith.cmpi slt, %jit3A_381, %sign3A_393 : i32
    %sign3A_395 = arith.extui %sign3A_394 : i1 to i32
    %sign3A_396 = arith.subi %sign3A_392, %sign3A_395 : i32
    %ne3A_397 = arith.cmpi ne, %sign3A_389, %sign3A_396 : i32
    %rem3A_398 = arith.remsi %min3A_380, %jit3A_381 : i32
    %ne3A_399 = arith.constant 0 : i32
    %ne3A_400 = arith.cmpi ne, %rem3A_398, %ne3A_399 : i32
    %and3A_401 = arith.andi %ne3A_397, %ne3A_400 : i1
    %sub3A_402 = arith.constant 1 : i32
    %sub3A_403 = arith.subi %div3A_382, %sub3A_402 : i32
    %select_n3A_404 = arith.select %and3A_401, %sub3A_403, %div3A_382 : i32
    %mul3A_405 = arith.constant 16 : i32
    %mul3A_406 = arith.muli %select_n3A_404, %mul3A_405 : i32
    %sub3A_407 = arith.subi %min3A_380, %mul3A_406 : i32
    %get3A_408 = arith.constant 3 : i32
    %get3A_409 = arith.index_cast %get3A_408 : i32 to index
    %get3A_410 = arith.index_cast %mul3A_406 : i32 to index
    %get3A_411 = tpu.vector_load %arg6[%get3A_409, %get3A_410] {strides = array<i32>} : memref<8x3968xf32, #tpu.memory_space<vmem>>, vector<16xf32>,
    %iota3A_412 = tpu.iota {dimensions = array<i32: 0>} : vector<16xi32>
    %eq3A_413 = vector.broadcast %sub3A_407 : i32 to vector<16xi32>
    %eq3A_414 = arith.cmpi eq, %iota3A_412, %eq3A_413 : vector<16xi32>
    %broadcast_in_dim3A_415 = vector.broadcast %and3A_376 : i1 to vector<16xi1>
    %and3A_416 = arith.andi %eq3A_414, %broadcast_in_dim3A_415 : vector<16xi1>
    %broadcast_in_dim3A_417 = arith.constant 0xFF800000 : f32
    %broadcast_in_dim3A_418 = vector.broadcast %broadcast_in_dim3A_417 : f32 to vector<16xf32>
    %select_n3A_419 = arith.select %and3A_416, %broadcast_in_dim3A_418, %get3A_411 : vector<16xi1>, vector<16xf32>
    %swap3A_420 = arith.constant 3 : i32
    %swap3A_421 = arith.index_cast %swap3A_420 : i32 to index
    %swap3A_422 = arith.index_cast %mul3A_406 : i32 to index
    %swap3A_423 = tpu.vector_load %arg6[%swap3A_421, %swap3A_422] {strides = array<i32>} : memref<8x3968xf32, #tpu.memory_space<vmem>>, vector<16xf32>,
    tpu.vector_store %arg6[%swap3A_421, %swap3A_422], %select_n3A_419 {strides = array<i32>} : memref<8x3968xf32, #tpu.memory_space<vmem>>, vector<16xf32>,
    %select_n3A_424 = arith.select %and3A_416, %get3A_411, %scan3A_205#11 : vector<16xi1>, vector<16xf32>
    %sub3A_425 = arith.subi %reduce_max3A_140, %add3A_212 : i32
    %ge3A_426 = arith.constant 0 : i32
    %ge3A_427 = arith.cmpi sge, %sub3A_425, %ge3A_426 : i32
    %lt3A_428 = arith.constant 3968 : i32
    %lt3A_429 = arith.cmpi slt, %sub3A_425, %lt3A_428 : i32
    %and3A_430 = arith.andi %ge3A_427, %lt3A_429 : i1
    %max3A_431 = arith.constant 0 : i32
    %max3A_432 = arith.maxsi %sub3A_425, %max3A_431 : i32
    %min3A_433 = arith.constant 3967 : i32
    %min3A_434 = arith.minsi %max3A_432, %min3A_433 : i32
    %jit3A_435 = arith.constant 16 : i32
    %div3A_436 = arith.divsi %min3A_434, %jit3A_435 : i32
    %sign3A_437 = arith.constant 0 : i32
    %sign3A_438 = arith.cmpi sgt, %min3A_434, %sign3A_437 : i32
    %sign3A_439 = arith.extui %sign3A_438 : i1 to i32
    %sign3A_440 = arith.constant 0 : i32
    %sign3A_441 = arith.cmpi slt, %min3A_434, %sign3A_440 : i32
    %sign3A_442 = arith.extui %sign3A_441 : i1 to i32
    %sign3A_443 = arith.subi %sign3A_439, %sign3A_442 : i32
    %sign3A_444 = arith.constant 0 : i32
    %sign3A_445 = arith.cmpi sgt, %jit3A_435, %sign3A_444 : i32
    %sign3A_446 = arith.extui %sign3A_445 : i1 to i32
    %sign3A_447 = arith.constant 0 : i32
    %sign3A_448 = arith.cmpi slt, %jit3A_435, %sign3A_447 : i32
    %sign3A_449 = arith.extui %sign3A_448 : i1 to i32
    %sign3A_450 = arith.subi %sign3A_446, %sign3A_449 : i32
    %ne3A_451 = arith.cmpi ne, %sign3A_443, %sign3A_450 : i32
    %rem3A_452 = arith.remsi %min3A_434, %jit3A_435 : i32
    %ne3A_453 = arith.constant 0 : i32
    %ne3A_454 = arith.cmpi ne, %rem3A_452, %ne3A_453 : i32
    %and3A_455 = arith.andi %ne3A_451, %ne3A_454 : i1
    %sub3A_456 = arith.constant 1 : i32
    %sub3A_457 = arith.subi %div3A_436, %sub3A_456 : i32
    %select_n3A_458 = arith.select %and3A_455, %sub3A_457, %div3A_436 : i32
    %mul3A_459 = arith.constant 16 : i32
    %mul3A_460 = arith.muli %select_n3A_458, %mul3A_459 : i32
    %sub3A_461 = arith.subi %min3A_434, %mul3A_460 : i32
    %get3A_462 = arith.constant 4 : i32
    %get3A_463 = arith.index_cast %get3A_462 : i32 to index
    %get3A_464 = arith.index_cast %mul3A_460 : i32 to index
    %get3A_465 = tpu.vector_load %arg6[%get3A_463, %get3A_464] {strides = array<i32>} : memref<8x3968xf32, #tpu.memory_space<vmem>>, vector<16xf32>,
    %iota3A_466 = tpu.iota {dimensions = array<i32: 0>} : vector<16xi32>
    %eq3A_467 = vector.broadcast %sub3A_461 : i32 to vector<16xi32>
    %eq3A_468 = arith.cmpi eq, %iota3A_466, %eq3A_467 : vector<16xi32>
    %broadcast_in_dim3A_469 = vector.broadcast %and3A_430 : i1 to vector<16xi1>
    %and3A_470 = arith.andi %eq3A_468, %broadcast_in_dim3A_469 : vector<16xi1>
    %broadcast_in_dim3A_471 = arith.constant 0xFF800000 : f32
    %broadcast_in_dim3A_472 = vector.broadcast %broadcast_in_dim3A_471 : f32 to vector<16xf32>
    %select_n3A_473 = arith.select %and3A_470, %broadcast_in_dim3A_472, %get3A_465 : vector<16xi1>, vector<16xf32>
    %swap3A_474 = arith.constant 4 : i32
    %swap3A_475 = arith.index_cast %swap3A_474 : i32 to index
    %swap3A_476 = arith.index_cast %mul3A_460 : i32 to index
    %swap3A_477 = tpu.vector_load %arg6[%swap3A_475, %swap3A_476] {strides = array<i32>} : memref<8x3968xf32, #tpu.memory_space<vmem>>, vector<16xf32>,
    tpu.vector_store %arg6[%swap3A_475, %swap3A_476], %select_n3A_473 {strides = array<i32>} : memref<8x3968xf32, #tpu.memory_space<vmem>>, vector<16xf32>,
    %select_n3A_478 = arith.select %and3A_470, %get3A_465, %scan3A_205#12 : vector<16xi1>, vector<16xf32>
    %sub3A_479 = arith.subi %reduce_max3A_155, %add3A_212 : i32
    %ge3A_480 = arith.constant 0 : i32
    %ge3A_481 = arith.cmpi sge, %sub3A_479, %ge3A_480 : i32
    %lt3A_482 = arith.constant 3968 : i32
    %lt3A_483 = arith.cmpi slt, %sub3A_479, %lt3A_482 : i32
    %and3A_484 = arith.andi %ge3A_481, %lt3A_483 : i1
    %max3A_485 = arith.constant 0 : i32
    %max3A_486 = arith.maxsi %sub3A_479, %max3A_485 : i32
    %min3A_487 = arith.constant 3967 : i32
    %min3A_488 = arith.minsi %max3A_486, %min3A_487 : i32
    %jit3A_489 = arith.constant 16 : i32
    %div3A_490 = arith.divsi %min3A_488, %jit3A_489 : i32
    %sign3A_491 = arith.constant 0 : i32
    %sign3A_492 = arith.cmpi sgt, %min3A_488, %sign3A_491 : i32
    %sign3A_493 = arith.extui %sign3A_492 : i1 to i32
    %sign3A_494 = arith.constant 0 : i32
    %sign3A_495 = arith.cmpi slt, %min3A_488, %sign3A_494 : i32
    %sign3A_496 = arith.extui %sign3A_495 : i1 to i32
    %sign3A_497 = arith.subi %sign3A_493, %sign3A_496 : i32
    %sign3A_498 = arith.constant 0 : i32
    %sign3A_499 = arith.cmpi sgt, %jit3A_489, %sign3A_498 : i32
    %sign3A_500 = arith.extui %sign3A_499 : i1 to i32
    %sign3A_501 = arith.constant 0 : i32
    %sign3A_502 = arith.cmpi slt, %jit3A_489, %sign3A_501 : i32
    %sign3A_503 = arith.extui %sign3A_502 : i1 to i32
    %sign3A_504 = arith.subi %sign3A_500, %sign3A_503 : i32
    %ne3A_505 = arith.cmpi ne, %sign3A_497, %sign3A_504 : i32
    %rem3A_506 = arith.remsi %min3A_488, %jit3A_489 : i32
    %ne3A_507 = arith.constant 0 : i32
    %ne3A_508 = arith.cmpi ne, %rem3A_506, %ne3A_507 : i32
    %and3A_509 = arith.andi %ne3A_505, %ne3A_508 : i1
    %sub3A_510 = arith.constant 1 : i32
    %sub3A_511 = arith.subi %div3A_490, %sub3A_510 : i32
    %select_n3A_512 = arith.select %and3A_509, %sub3A_511, %div3A_490 : i32
    %mul3A_513 = arith.constant 16 : i32
    %mul3A_514 = arith.muli %select_n3A_512, %mul3A_513 : i32
    %sub3A_515 = arith.subi %min3A_488, %mul3A_514 : i32
    %get3A_516 = arith.constant 5 : i32
    %get3A_517 = arith.index_cast %get3A_516 : i32 to index
    %get3A_518 = arith.index_cast %mul3A_514 : i32 to index
    %get3A_519 = tpu.vector_load %arg6[%get3A_517, %get3A_518] {strides = array<i32>} : memref<8x3968xf32, #tpu.memory_space<vmem>>, vector<16xf32>,
    %iota3A_520 = tpu.iota {dimensions = array<i32: 0>} : vector<16xi32>
    %eq3A_521 = vector.broadcast %sub3A_515 : i32 to vector<16xi32>
    %eq3A_522 = arith.cmpi eq, %iota3A_520, %eq3A_521 : vector<16xi32>
    %broadcast_in_dim3A_523 = vector.broadcast %and3A_484 : i1 to vector<16xi1>
    %and3A_524 = arith.andi %eq3A_522, %broadcast_in_dim3A_523 : vector<16xi1>
    %broadcast_in_dim3A_525 = arith.constant 0xFF800000 : f32
    %broadcast_in_dim3A_526 = vector.broadcast %broadcast_in_dim3A_525 : f32 to vector<16xf32>
    %select_n3A_527 = arith.select %and3A_524, %broadcast_in_dim3A_526, %get3A_519 : vector<16xi1>, vector<16xf32>
    %swap3A_528 = arith.constant 5 : i32
    %swap3A_529 = arith.index_cast %swap3A_528 : i32 to index
    %swap3A_530 = arith.index_cast %mul3A_514 : i32 to index
    %swap3A_531 = tpu.vector_load %arg6[%swap3A_529, %swap3A_530] {strides = array<i32>} : memref<8x3968xf32, #tpu.memory_space<vmem>>, vector<16xf32>,
    tpu.vector_store %arg6[%swap3A_529, %swap3A_530], %select_n3A_527 {strides = array<i32>} : memref<8x3968xf32, #tpu.memory_space<vmem>>, vector<16xf32>,
    %select_n3A_532 = arith.select %and3A_524, %get3A_519, %scan3A_205#13 : vector<16xi1>, vector<16xf32>
    %sub3A_533 = arith.subi %reduce_max3A_170, %add3A_212 : i32
    %ge3A_534 = arith.constant 0 : i32
    %ge3A_535 = arith.cmpi sge, %sub3A_533, %ge3A_534 : i32
    %lt3A_536 = arith.constant 3968 : i32
    %lt3A_537 = arith.cmpi slt, %sub3A_533, %lt3A_536 : i32
    %and3A_538 = arith.andi %ge3A_535, %lt3A_537 : i1
    %max3A_539 = arith.constant 0 : i32
    %max3A_540 = arith.maxsi %sub3A_533, %max3A_539 : i32
    %min3A_541 = arith.constant 3967 : i32
    %min3A_542 = arith.minsi %max3A_540, %min3A_541 : i32
    %jit3A_543 = arith.constant 16 : i32
    %div3A_544 = arith.divsi %min3A_542, %jit3A_543 : i32
    %sign3A_545 = arith.constant 0 : i32
    %sign3A_546 = arith.cmpi sgt, %min3A_542, %sign3A_545 : i32
    %sign3A_547 = arith.extui %sign3A_546 : i1 to i32
    %sign3A_548 = arith.constant 0 : i32
    %sign3A_549 = arith.cmpi slt, %min3A_542, %sign3A_548 : i32
    %sign3A_550 = arith.extui %sign3A_549 : i1 to i32
    %sign3A_551 = arith.subi %sign3A_547, %sign3A_550 : i32
    %sign3A_552 = arith.constant 0 : i32
    %sign3A_553 = arith.cmpi sgt, %jit3A_543, %sign3A_552 : i32
    %sign3A_554 = arith.extui %sign3A_553 : i1 to i32
    %sign3A_555 = arith.constant 0 : i32
    %sign3A_556 = arith.cmpi slt, %jit3A_543, %sign3A_555 : i32
    %sign3A_557 = arith.extui %sign3A_556 : i1 to i32
    %sign3A_558 = arith.subi %sign3A_554, %sign3A_557 : i32
    %ne3A_559 = arith.cmpi ne, %sign3A_551, %sign3A_558 : i32
    %rem3A_560 = arith.remsi %min3A_542, %jit3A_543 : i32
    %ne3A_561 = arith.constant 0 : i32
    %ne3A_562 = arith.cmpi ne, %rem3A_560, %ne3A_561 : i32
    %and3A_563 = arith.andi %ne3A_559, %ne3A_562 : i1
    %sub3A_564 = arith.constant 1 : i32
    %sub3A_565 = arith.subi %div3A_544, %sub3A_564 : i32
    %select_n3A_566 = arith.select %and3A_563, %sub3A_565, %div3A_544 : i32
    %mul3A_567 = arith.constant 16 : i32
    %mul3A_568 = arith.muli %select_n3A_566, %mul3A_567 : i32
    %sub3A_569 = arith.subi %min3A_542, %mul3A_568 : i32
    %get3A_570 = arith.constant 6 : i32
    %get3A_571 = arith.index_cast %get3A_570 : i32 to index
    %get3A_572 = arith.index_cast %mul3A_568 : i32 to index
    %get3A_573 = tpu.vector_load %arg6[%get3A_571, %get3A_572] {strides = array<i32>} : memref<8x3968xf32, #tpu.memory_space<vmem>>, vector<16xf32>,
    %iota3A_574 = tpu.iota {dimensions = array<i32: 0>} : vector<16xi32>
    %eq3A_575 = vector.broadcast %sub3A_569 : i32 to vector<16xi32>
    %eq3A_576 = arith.cmpi eq, %iota3A_574, %eq3A_575 : vector<16xi32>
    %broadcast_in_dim3A_577 = vector.broadcast %and3A_538 : i1 to vector<16xi1>
    %and3A_578 = arith.andi %eq3A_576, %broadcast_in_dim3A_577 : vector<16xi1>
    %broadcast_in_dim3A_579 = arith.constant 0xFF800000 : f32
    %broadcast_in_dim3A_580 = vector.broadcast %broadcast_in_dim3A_579 : f32 to vector<16xf32>
    %select_n3A_581 = arith.select %and3A_578, %broadcast_in_dim3A_580, %get3A_573 : vector<16xi1>, vector<16xf32>
    %swap3A_582 = arith.constant 6 : i32
    %swap3A_583 = arith.index_cast %swap3A_582 : i32 to index
    %swap3A_584 = arith.index_cast %mul3A_568 : i32 to index
    %swap3A_585 = tpu.vector_load %arg6[%swap3A_583, %swap3A_584] {strides = array<i32>} : memref<8x3968xf32, #tpu.memory_space<vmem>>, vector<16xf32>,
    tpu.vector_store %arg6[%swap3A_583, %swap3A_584], %select_n3A_581 {strides = array<i32>} : memref<8x3968xf32, #tpu.memory_space<vmem>>, vector<16xf32>,
    %select_n3A_586 = arith.select %and3A_578, %get3A_573, %scan3A_205#14 : vector<16xi1>, vector<16xf32>
    %sub3A_587 = arith.subi %reduce_max3A_185, %add3A_212 : i32
    %ge3A_588 = arith.constant 0 : i32
    %ge3A_589 = arith.cmpi sge, %sub3A_587, %ge3A_588 : i32
    %lt3A_590 = arith.constant 3968 : i32
    %lt3A_591 = arith.cmpi slt, %sub3A_587, %lt3A_590 : i32
    %and3A_592 = arith.andi %ge3A_589, %lt3A_591 : i1
    %max3A_593 = arith.constant 0 : i32
    %max3A_594 = arith.maxsi %sub3A_587, %max3A_593 : i32
    %min3A_595 = arith.constant 3967 : i32
    %min3A_596 = arith.minsi %max3A_594, %min3A_595 : i32
    %jit3A_597 = arith.constant 16 : i32
    %div3A_598 = arith.divsi %min3A_596, %jit3A_597 : i32
    %sign3A_599 = arith.constant 0 : i32
    %sign3A_600 = arith.cmpi sgt, %min3A_596, %sign3A_599 : i32
    %sign3A_601 = arith.extui %sign3A_600 : i1 to i32
    %sign3A_602 = arith.constant 0 : i32
    %sign3A_603 = arith.cmpi slt, %min3A_596, %sign3A_602 : i32
    %sign3A_604 = arith.extui %sign3A_603 : i1 to i32
    %sign3A_605 = arith.subi %sign3A_601, %sign3A_604 : i32
    %sign3A_606 = arith.constant 0 : i32
    %sign3A_607 = arith.cmpi sgt, %jit3A_597, %sign3A_606 : i32
    %sign3A_608 = arith.extui %sign3A_607 : i1 to i32
    %sign3A_609 = arith.constant 0 : i32
    %sign3A_610 = arith.cmpi slt, %jit3A_597, %sign3A_609 : i32
    %sign3A_611 = arith.extui %sign3A_610 : i1 to i32
    %sign3A_612 = arith.subi %sign3A_608, %sign3A_611 : i32
    %ne3A_613 = arith.cmpi ne, %sign3A_605, %sign3A_612 : i32
    %rem3A_614 = arith.remsi %min3A_596, %jit3A_597 : i32
    %ne3A_615 = arith.constant 0 : i32
    %ne3A_616 = arith.cmpi ne, %rem3A_614, %ne3A_615 : i32
    %and3A_617 = arith.andi %ne3A_613, %ne3A_616 : i1
    %sub3A_618 = arith.constant 1 : i32
    %sub3A_619 = arith.subi %div3A_598, %sub3A_618 : i32
    %select_n3A_620 = arith.select %and3A_617, %sub3A_619, %div3A_598 : i32
    %mul3A_621 = arith.constant 16 : i32
    %mul3A_622 = arith.muli %select_n3A_620, %mul3A_621 : i32
    %sub3A_623 = arith.subi %min3A_596, %mul3A_622 : i32
    %get3A_624 = arith.constant 7 : i32
    %get3A_625 = arith.index_cast %get3A_624 : i32 to index
    %get3A_626 = arith.index_cast %mul3A_622 : i32 to index
    %get3A_627 = tpu.vector_load %arg6[%get3A_625, %get3A_626] {strides = array<i32>} : memref<8x3968xf32, #tpu.memory_space<vmem>>, vector<16xf32>,
    %iota3A_628 = tpu.iota {dimensions = array<i32: 0>} : vector<16xi32>
    %eq3A_629 = vector.broadcast %sub3A_623 : i32 to vector<16xi32>
    %eq3A_630 = arith.cmpi eq, %iota3A_628, %eq3A_629 : vector<16xi32>
    %broadcast_in_dim3A_631 = vector.broadcast %and3A_592 : i1 to vector<16xi1>
    %and3A_632 = arith.andi %eq3A_630, %broadcast_in_dim3A_631 : vector<16xi1>
    %broadcast_in_dim3A_633 = arith.constant 0xFF800000 : f32
    %broadcast_in_dim3A_634 = vector.broadcast %broadcast_in_dim3A_633 : f32 to vector<16xf32>
    %select_n3A_635 = arith.select %and3A_632, %broadcast_in_dim3A_634, %get3A_627 : vector<16xi1>, vector<16xf32>
    %swap3A_636 = arith.constant 7 : i32
    %swap3A_637 = arith.index_cast %swap3A_636 : i32 to index
    %swap3A_638 = arith.index_cast %mul3A_622 : i32 to index
    %swap3A_639 = tpu.vector_load %arg6[%swap3A_637, %swap3A_638] {strides = array<i32>} : memref<8x3968xf32, #tpu.memory_space<vmem>>, vector<16xf32>,
    tpu.vector_store %arg6[%swap3A_637, %swap3A_638], %select_n3A_635 {strides = array<i32>} : memref<8x3968xf32, #tpu.memory_space<vmem>>, vector<16xf32>,
    %select_n3A_640 = arith.select %and3A_632, %get3A_627, %scan3A_205#15 : vector<16xi1>, vector<16xf32>
    %scan3A_641 = arith.constant 0 : i32
    %scan3A_642 = arith.constant 248 : i32
    %scan3A_643 = arith.addi %scan3A_641, %scan3A_642 : i32
    %scan3A_644 = arith.constant 1 : i32
    %scan3A_645:8 = scf.for %scan3A_2285 = %scan3A_641 to %scan3A_643 step %scan3A_644 iter_args(%scan3A_2286 = %scan3A_205#0, %scan3A_2287 = %scan3A_205#1, %scan3A_2288 = %scan3A_205#2, %scan3A_2289 = %scan3A_205#3, %scan3A_2290 = %scan3A_205#4, %scan3A_2291 = %scan3A_205#5, %scan3A_2292 = %scan3A_205#6, %scan3A_2293 = %scan3A_205#7) -> (vector<16xf32>, vector<16xf32>, vector<16xf32>, vector<16xf32>, vector<16xf32>, vector<16xf32>, vector<16xf32>, vector<16xf32>)  : i32 {
      %mul3A_2294 = arith.constant 16 : i32
      %mul3A_2295 = arith.muli %scan3A_2285, %mul3A_2294 : i32
      %get3A_2296 = arith.constant 0 : i32
      %get3A_2297 = arith.index_cast %get3A_2296 : i32 to index
      %get3A_2298 = arith.index_cast %mul3A_2295 : i32 to index
      %get3A_2299 = tpu.vector_load %arg6[%get3A_2297, %get3A_2298] {strides = array<i32>} : memref<8x3968xf32, #tpu.memory_space<vmem>>, vector<16xf32>,
      %max3A_2300 = arith.maximumf %scan3A_2286, %get3A_2299 : vector<16xf32>
      %get3A_2301 = arith.constant 1 : i32
      %get3A_2302 = arith.index_cast %get3A_2301 : i32 to index
      %get3A_2303 = arith.index_cast %mul3A_2295 : i32 to index
      %get3A_2304 = tpu.vector_load %arg6[%get3A_2302, %get3A_2303] {strides = array<i32>} : memref<8x3968xf32, #tpu.memory_space<vmem>>, vector<16xf32>,
      %max3A_2305 = arith.maximumf %scan3A_2287, %get3A_2304 : vector<16xf32>
      %get3A_2306 = arith.constant 2 : i32
      %get3A_2307 = arith.index_cast %get3A_2306 : i32 to index
      %get3A_2308 = arith.index_cast %mul3A_2295 : i32 to index
      %get3A_2309 = tpu.vector_load %arg6[%get3A_2307, %get3A_2308] {strides = array<i32>} : memref<8x3968xf32, #tpu.memory_space<vmem>>, vector<16xf32>,
      %max3A_2310 = arith.maximumf %scan3A_2288, %get3A_2309 : vector<16xf32>
      %get3A_2311 = arith.constant 3 : i32
      %get3A_2312 = arith.index_cast %get3A_2311 : i32 to index
      %get3A_2313 = arith.index_cast %mul3A_2295 : i32 to index
      %get3A_2314 = tpu.vector_load %arg6[%get3A_2312, %get3A_2313] {strides = array<i32>} : memref<8x3968xf32, #tpu.memory_space<vmem>>, vector<16xf32>,
      %max3A_2315 = arith.maximumf %scan3A_2289, %get3A_2314 : vector<16xf32>
      %get3A_2316 = arith.constant 4 : i32
      %get3A_2317 = arith.index_cast %get3A_2316 : i32 to index
      %get3A_2318 = arith.index_cast %mul3A_2295 : i32 to index
      %get3A_2319 = tpu.vector_load %arg6[%get3A_2317, %get3A_2318] {strides = array<i32>} : memref<8x3968xf32, #tpu.memory_space<vmem>>, vector<16xf32>,
      %max3A_2320 = arith.maximumf %scan3A_2290, %get3A_2319 : vector<16xf32>
      %get3A_2321 = arith.constant 5 : i32
      %get3A_2322 = arith.index_cast %get3A_2321 : i32 to index
      %get3A_2323 = arith.index_cast %mul3A_2295 : i32 to index
      %get3A_2324 = tpu.vector_load %arg6[%get3A_2322, %get3A_2323] {strides = array<i32>} : memref<8x3968xf32, #tpu.memory_space<vmem>>, vector<16xf32>,
      %max3A_2325 = arith.maximumf %scan3A_2291, %get3A_2324 : vector<16xf32>
      %get3A_2326 = arith.constant 6 : i32
      %get3A_2327 = arith.index_cast %get3A_2326 : i32 to index
      %get3A_2328 = arith.index_cast %mul3A_2295 : i32 to index
      %get3A_2329 = tpu.vector_load %arg6[%get3A_2327, %get3A_2328] {strides = array<i32>} : memref<8x3968xf32, #tpu.memory_space<vmem>>, vector<16xf32>,
      %max3A_2330 = arith.maximumf %scan3A_2292, %get3A_2329 : vector<16xf32>
      %get3A_2331 = arith.constant 7 : i32
      %get3A_2332 = arith.index_cast %get3A_2331 : i32 to index
      %get3A_2333 = arith.index_cast %mul3A_2295 : i32 to index
      %get3A_2334 = tpu.vector_load %arg6[%get3A_2332, %get3A_2333] {strides = array<i32>} : memref<8x3968xf32, #tpu.memory_space<vmem>>, vector<16xf32>,
      %max3A_2335 = arith.maximumf %scan3A_2293, %get3A_2334 : vector<16xf32>
      scf.yield %max3A_2300, %max3A_2305, %max3A_2310, %max3A_2315, %max3A_2320, %max3A_2325, %max3A_2330, %max3A_2335 : vector<16xf32>, vector<16xf32>, vector<16xf32>, vector<16xf32>, vector<16xf32>, vector<16xf32>, vector<16xf32>, vector<16xf32>
    }
    %scan3A_646 = arith.constant 248 : i32
    %add3A_647 = arith.constant 242048 : i32
    %add3A_648 = arith.addi %mul3A_23, %add3A_647 : i32
    %multiple_of3A_649 = tpu.assume_multiple %add3A_648, 128 : i32
    %dma_wait3A_650 = tpu.memref_slice %arg2[%multiple_of3A, %multiple_of3A_649] : memref<64x1000000xf32, #tpu.memory_space<hbm>> -> memref<8x3968xf32, #tpu.memory_space<hbm>>
    %dma_wait3A_651 = tpu.memref_slice %arg2[%multiple_of3A, %multiple_of3A_649] : memref<64x1000000xf32, #tpu.memory_space<hbm>> -> memref<8x3968xf32, #tpu.memory_space<hbm>>
    tpu.wait_dma2 semaphore(%arg13 : memref<!tpu.dma_semaphore, #tpu.memory_space<semaphore_mem>>) src(%dma_wait3A_651 : memref<8x3968xf32, #tpu.memory_space<hbm>>) dst(%arg7 : memref<8x3968xf32, #tpu.memory_space<vmem>>)
    %add3A_652 = arith.constant 242048 : i32
    %add3A_653 = arith.addi %mul3A_23, %add3A_652 : i32
    %sub3A_654 = arith.subi %reduce_max3A_80, %add3A_653 : i32
    %ge3A_655 = arith.constant 0 : i32
    %ge3A_656 = arith.cmpi sge, %sub3A_654, %ge3A_655 : i32
    %lt3A_657 = arith.constant 3968 : i32
    %lt3A_658 = arith.cmpi slt, %sub3A_654, %lt3A_657 : i32
    %and3A_659 = arith.andi %ge3A_656, %lt3A_658 : i1
    %max3A_660 = arith.constant 0 : i32
    %max3A_661 = arith.maxsi %sub3A_654, %max3A_660 : i32
    %min3A_662 = arith.constant 3967 : i32
    %min3A_663 = arith.minsi %max3A_661, %min3A_662 : i32
    %jit3A_664 = arith.constant 16 : i32
    %div3A_665 = arith.divsi %min3A_663, %jit3A_664 : i32
    %sign3A_666 = arith.constant 0 : i32
    %sign3A_667 = arith.cmpi sgt, %min3A_663, %sign3A_666 : i32
    %sign3A_668 = arith.extui %sign3A_667 : i1 to i32
    %sign3A_669 = arith.constant 0 : i32
    %sign3A_670 = arith.cmpi slt, %min3A_663, %sign3A_669 : i32
    %sign3A_671 = arith.extui %sign3A_670 : i1 to i32
    %sign3A_672 = arith.subi %sign3A_668, %sign3A_671 : i32
    %sign3A_673 = arith.constant 0 : i32
    %sign3A_674 = arith.cmpi sgt, %jit3A_664, %sign3A_673 : i32
    %sign3A_675 = arith.extui %sign3A_674 : i1 to i32
    %sign3A_676 = arith.constant 0 : i32
    %sign3A_677 = arith.cmpi slt, %jit3A_664, %sign3A_676 : i32
    %sign3A_678 = arith.extui %sign3A_677 : i1 to i32
    %sign3A_679 = arith.subi %sign3A_675, %sign3A_678 : i32
    %ne3A_680 = arith.cmpi ne, %sign3A_672, %sign3A_679 : i32
    %rem3A_681 = arith.remsi %min3A_663, %jit3A_664 : i32
    %ne3A_682 = arith.constant 0 : i32
    %ne3A_683 = arith.cmpi ne, %rem3A_681, %ne3A_682 : i32
    %and3A_684 = arith.andi %ne3A_680, %ne3A_683 : i1
    %sub3A_685 = arith.constant 1 : i32
    %sub3A_686 = arith.subi %div3A_665, %sub3A_685 : i32
    %select_n3A_687 = arith.select %and3A_684, %sub3A_686, %div3A_665 : i32
    %mul3A_688 = arith.constant 16 : i32
    %mul3A_689 = arith.muli %select_n3A_687, %mul3A_688 : i32
    %sub3A_690 = arith.subi %min3A_663, %mul3A_689 : i32
    %get3A_691 = arith.constant 0 : i32
    %get3A_692 = arith.index_cast %get3A_691 : i32 to index
    %get3A_693 = arith.index_cast %mul3A_689 : i32 to index
    %get3A_694 = tpu.vector_load %arg7[%get3A_692, %get3A_693] {strides = array<i32>} : memref<8x3968xf32, #tpu.memory_space<vmem>>, vector<16xf32>,
    %iota3A_695 = tpu.iota {dimensions = array<i32: 0>} : vector<16xi32>
    %eq3A_696 = vector.broadcast %sub3A_690 : i32 to vector<16xi32>
    %eq3A_697 = arith.cmpi eq, %iota3A_695, %eq3A_696 : vector<16xi32>
    %broadcast_in_dim3A_698 = vector.broadcast %and3A_659 : i1 to vector<16xi1>
    %and3A_699 = arith.andi %eq3A_697, %broadcast_in_dim3A_698 : vector<16xi1>
    %broadcast_in_dim3A_700 = arith.constant 0xFF800000 : f32
    %broadcast_in_dim3A_701 = vector.broadcast %broadcast_in_dim3A_700 : f32 to vector<16xf32>
    %select_n3A_702 = arith.select %and3A_699, %broadcast_in_dim3A_701, %get3A_694 : vector<16xi1>, vector<16xf32>
    %swap3A_703 = arith.constant 0 : i32
    %swap3A_704 = arith.index_cast %swap3A_703 : i32 to index
    %swap3A_705 = arith.index_cast %mul3A_689 : i32 to index
    %swap3A_706 = tpu.vector_load %arg7[%swap3A_704, %swap3A_705] {strides = array<i32>} : memref<8x3968xf32, #tpu.memory_space<vmem>>, vector<16xf32>,
    tpu.vector_store %arg7[%swap3A_704, %swap3A_705], %select_n3A_702 {strides = array<i32>} : memref<8x3968xf32, #tpu.memory_space<vmem>>, vector<16xf32>,
    %select_n3A_707 = arith.select %and3A_699, %get3A_694, %select_n3A_262 : vector<16xi1>, vector<16xf32>
    %sub3A_708 = arith.subi %reduce_max3A_95, %add3A_653 : i32
    %ge3A_709 = arith.constant 0 : i32
    %ge3A_710 = arith.cmpi sge, %sub3A_708, %ge3A_709 : i32
    %lt3A_711 = arith.constant 3968 : i32
    %lt3A_712 = arith.cmpi slt, %sub3A_708, %lt3A_711 : i32
    %and3A_713 = arith.andi %ge3A_710, %lt3A_712 : i1
    %max3A_714 = arith.constant 0 : i32
    %max3A_715 = arith.maxsi %sub3A_708, %max3A_714 : i32
    %min3A_716 = arith.constant 3967 : i32
    %min3A_717 = arith.minsi %max3A_715, %min3A_716 : i32
    %jit3A_718 = arith.constant 16 : i32
    %div3A_719 = arith.divsi %min3A_717, %jit3A_718 : i32
    %sign3A_720 = arith.constant 0 : i32
    %sign3A_721 = arith.cmpi sgt, %min3A_717, %sign3A_720 : i32
    %sign3A_722 = arith.extui %sign3A_721 : i1 to i32
    %sign3A_723 = arith.constant 0 : i32
    %sign3A_724 = arith.cmpi slt, %min3A_717, %sign3A_723 : i32
    %sign3A_725 = arith.extui %sign3A_724 : i1 to i32
    %sign3A_726 = arith.subi %sign3A_722, %sign3A_725 : i32
    %sign3A_727 = arith.constant 0 : i32
    %sign3A_728 = arith.cmpi sgt, %jit3A_718, %sign3A_727 : i32
    %sign3A_729 = arith.extui %sign3A_728 : i1 to i32
    %sign3A_730 = arith.constant 0 : i32
    %sign3A_731 = arith.cmpi slt, %jit3A_718, %sign3A_730 : i32
    %sign3A_732 = arith.extui %sign3A_731 : i1 to i32
    %sign3A_733 = arith.subi %sign3A_729, %sign3A_732 : i32
    %ne3A_734 = arith.cmpi ne, %sign3A_726, %sign3A_733 : i32
    %rem3A_735 = arith.remsi %min3A_717, %jit3A_718 : i32
    %ne3A_736 = arith.constant 0 : i32
    %ne3A_737 = arith.cmpi ne, %rem3A_735, %ne3A_736 : i32
    %and3A_738 = arith.andi %ne3A_734, %ne3A_737 : i1
    %sub3A_739 = arith.constant 1 : i32
    %sub3A_740 = arith.subi %div3A_719, %sub3A_739 : i32
    %select_n3A_741 = arith.select %and3A_738, %sub3A_740, %div3A_719 : i32
    %mul3A_742 = arith.constant 16 : i32
    %mul3A_743 = arith.muli %select_n3A_741, %mul3A_742 : i32
    %sub3A_744 = arith.subi %min3A_717, %mul3A_743 : i32
    %get3A_745 = arith.constant 1 : i32
    %get3A_746 = arith.index_cast %get3A_745 : i32 to index
    %get3A_747 = arith.index_cast %mul3A_743 : i32 to index
    %get3A_748 = tpu.vector_load %arg7[%get3A_746, %get3A_747] {strides = array<i32>} : memref<8x3968xf32, #tpu.memory_space<vmem>>, vector<16xf32>,
    %iota3A_749 = tpu.iota {dimensions = array<i32: 0>} : vector<16xi32>
    %eq3A_750 = vector.broadcast %sub3A_744 : i32 to vector<16xi32>
    %eq3A_751 = arith.cmpi eq, %iota3A_749, %eq3A_750 : vector<16xi32>
    %broadcast_in_dim3A_752 = vector.broadcast %and3A_713 : i1 to vector<16xi1>
    %and3A_753 = arith.andi %eq3A_751, %broadcast_in_dim3A_752 : vector<16xi1>
    %broadcast_in_dim3A_754 = arith.constant 0xFF800000 : f32
    %broadcast_in_dim3A_755 = vector.broadcast %broadcast_in_dim3A_754 : f32 to vector<16xf32>
    %select_n3A_756 = arith.select %and3A_753, %broadcast_in_dim3A_755, %get3A_748 : vector<16xi1>, vector<16xf32>
    %swap3A_757 = arith.constant 1 : i32
    %swap3A_758 = arith.index_cast %swap3A_757 : i32 to index
    %swap3A_759 = arith.index_cast %mul3A_743 : i32 to index
    %swap3A_760 = tpu.vector_load %arg7[%swap3A_758, %swap3A_759] {strides = array<i32>} : memref<8x3968xf32, #tpu.memory_space<vmem>>, vector<16xf32>,
    tpu.vector_store %arg7[%swap3A_758, %swap3A_759], %select_n3A_756 {strides = array<i32>} : memref<8x3968xf32, #tpu.memory_space<vmem>>, vector<16xf32>,
    %select_n3A_761 = arith.select %and3A_753, %get3A_748, %select_n3A_316 : vector<16xi1>, vector<16xf32>
    %sub3A_762 = arith.subi %reduce_max3A_110, %add3A_653 : i32
    %ge3A_763 = arith.constant 0 : i32
    %ge3A_764 = arith.cmpi sge, %sub3A_762, %ge3A_763 : i32
    %lt3A_765 = arith.constant 3968 : i32
    %lt3A_766 = arith.cmpi slt, %sub3A_762, %lt3A_765 : i32
    %and3A_767 = arith.andi %ge3A_764, %lt3A_766 : i1
    %max3A_768 = arith.constant 0 : i32
    %max3A_769 = arith.maxsi %sub3A_762, %max3A_768 : i32
    %min3A_770 = arith.constant 3967 : i32
    %min3A_771 = arith.minsi %max3A_769, %min3A_770 : i32
    %jit3A_772 = arith.constant 16 : i32
    %div3A_773 = arith.divsi %min3A_771, %jit3A_772 : i32
    %sign3A_774 = arith.constant 0 : i32
    %sign3A_775 = arith.cmpi sgt, %min3A_771, %sign3A_774 : i32
    %sign3A_776 = arith.extui %sign3A_775 : i1 to i32
    %sign3A_777 = arith.constant 0 : i32
    %sign3A_778 = arith.cmpi slt, %min3A_771, %sign3A_777 : i32
    %sign3A_779 = arith.extui %sign3A_778 : i1 to i32
    %sign3A_780 = arith.subi %sign3A_776, %sign3A_779 : i32
    %sign3A_781 = arith.constant 0 : i32
    %sign3A_782 = arith.cmpi sgt, %jit3A_772, %sign3A_781 : i32
    %sign3A_783 = arith.extui %sign3A_782 : i1 to i32
    %sign3A_784 = arith.constant 0 : i32
    %sign3A_785 = arith.cmpi slt, %jit3A_772, %sign3A_784 : i32
    %sign3A_786 = arith.extui %sign3A_785 : i1 to i32
    %sign3A_787 = arith.subi %sign3A_783, %sign3A_786 : i32
    %ne3A_788 = arith.cmpi ne, %sign3A_780, %sign3A_787 : i32
    %rem3A_789 = arith.remsi %min3A_771, %jit3A_772 : i32
    %ne3A_790 = arith.constant 0 : i32
    %ne3A_791 = arith.cmpi ne, %rem3A_789, %ne3A_790 : i32
    %and3A_792 = arith.andi %ne3A_788, %ne3A_791 : i1
    %sub3A_793 = arith.constant 1 : i32
    %sub3A_794 = arith.subi %div3A_773, %sub3A_793 : i32
    %select_n3A_795 = arith.select %and3A_792, %sub3A_794, %div3A_773 : i32
    %mul3A_796 = arith.constant 16 : i32
    %mul3A_797 = arith.muli %select_n3A_795, %mul3A_796 : i32
    %sub3A_798 = arith.subi %min3A_771, %mul3A_797 : i32
    %get3A_799 = arith.constant 2 : i32
    %get3A_800 = arith.index_cast %get3A_799 : i32 to index
    %get3A_801 = arith.index_cast %mul3A_797 : i32 to index
    %get3A_802 = tpu.vector_load %arg7[%get3A_800, %get3A_801] {strides = array<i32>} : memref<8x3968xf32, #tpu.memory_space<vmem>>, vector<16xf32>,
    %iota3A_803 = tpu.iota {dimensions = array<i32: 0>} : vector<16xi32>
    %eq3A_804 = vector.broadcast %sub3A_798 : i32 to vector<16xi32>
    %eq3A_805 = arith.cmpi eq, %iota3A_803, %eq3A_804 : vector<16xi32>
    %broadcast_in_dim3A_806 = vector.broadcast %and3A_767 : i1 to vector<16xi1>
    %and3A_807 = arith.andi %eq3A_805, %broadcast_in_dim3A_806 : vector<16xi1>
    %broadcast_in_dim3A_808 = arith.constant 0xFF800000 : f32
    %broadcast_in_dim3A_809 = vector.broadcast %broadcast_in_dim3A_808 : f32 to vector<16xf32>
    %select_n3A_810 = arith.select %and3A_807, %broadcast_in_dim3A_809, %get3A_802 : vector<16xi1>, vector<16xf32>
    %swap3A_811 = arith.constant 2 : i32
    %swap3A_812 = arith.index_cast %swap3A_811 : i32 to index
    %swap3A_813 = arith.index_cast %mul3A_797 : i32 to index
    %swap3A_814 = tpu.vector_load %arg7[%swap3A_812, %swap3A_813] {strides = array<i32>} : memref<8x3968xf32, #tpu.memory_space<vmem>>, vector<16xf32>,
    tpu.vector_store %arg7[%swap3A_812, %swap3A_813], %select_n3A_810 {strides = array<i32>} : memref<8x3968xf32, #tpu.memory_space<vmem>>, vector<16xf32>,
    %select_n3A_815 = arith.select %and3A_807, %get3A_802, %select_n3A_370 : vector<16xi1>, vector<16xf32>
    %sub3A_816 = arith.subi %reduce_max3A_125, %add3A_653 : i32
    %ge3A_817 = arith.constant 0 : i32
    %ge3A_818 = arith.cmpi sge, %sub3A_816, %ge3A_817 : i32
    %lt3A_819 = arith.constant 3968 : i32
    %lt3A_820 = arith.cmpi slt, %sub3A_816, %lt3A_819 : i32
    %and3A_821 = arith.andi %ge3A_818, %lt3A_820 : i1
    %max3A_822 = arith.constant 0 : i32
    %max3A_823 = arith.maxsi %sub3A_816, %max3A_822 : i32
    %min3A_824 = arith.constant 3967 : i32
    %min3A_825 = arith.minsi %max3A_823, %min3A_824 : i32
    %jit3A_826 = arith.constant 16 : i32
    %div3A_827 = arith.divsi %min3A_825, %jit3A_826 : i32
    %sign3A_828 = arith.constant 0 : i32
    %sign3A_829 = arith.cmpi sgt, %min3A_825, %sign3A_828 : i32
    %sign3A_830 = arith.extui %sign3A_829 : i1 to i32
    %sign3A_831 = arith.constant 0 : i32
    %sign3A_832 = arith.cmpi slt, %min3A_825, %sign3A_831 : i32
    %sign3A_833 = arith.extui %sign3A_832 : i1 to i32
    %sign3A_834 = arith.subi %sign3A_830, %sign3A_833 : i32
    %sign3A_835 = arith.constant 0 : i32
    %sign3A_836 = arith.cmpi sgt, %jit3A_826, %sign3A_835 : i32
    %sign3A_837 = arith.extui %sign3A_836 : i1 to i32
    %sign3A_838 = arith.constant 0 : i32
    %sign3A_839 = arith.cmpi slt, %jit3A_826, %sign3A_838 : i32
    %sign3A_840 = arith.extui %sign3A_839 : i1 to i32
    %sign3A_841 = arith.subi %sign3A_837, %sign3A_840 : i32
    %ne3A_842 = arith.cmpi ne, %sign3A_834, %sign3A_841 : i32
    %rem3A_843 = arith.remsi %min3A_825, %jit3A_826 : i32
    %ne3A_844 = arith.constant 0 : i32
    %ne3A_845 = arith.cmpi ne, %rem3A_843, %ne3A_844 : i32
    %and3A_846 = arith.andi %ne3A_842, %ne3A_845 : i1
    %sub3A_847 = arith.constant 1 : i32
    %sub3A_848 = arith.subi %div3A_827, %sub3A_847 : i32
    %select_n3A_849 = arith.select %and3A_846, %sub3A_848, %div3A_827 : i32
    %mul3A_850 = arith.constant 16 : i32
    %mul3A_851 = arith.muli %select_n3A_849, %mul3A_850 : i32
    %sub3A_852 = arith.subi %min3A_825, %mul3A_851 : i32
    %get3A_853 = arith.constant 3 : i32
    %get3A_854 = arith.index_cast %get3A_853 : i32 to index
    %get3A_855 = arith.index_cast %mul3A_851 : i32 to index
    %get3A_856 = tpu.vector_load %arg7[%get3A_854, %get3A_855] {strides = array<i32>} : memref<8x3968xf32, #tpu.memory_space<vmem>>, vector<16xf32>,
    %iota3A_857 = tpu.iota {dimensions = array<i32: 0>} : vector<16xi32>
    %eq3A_858 = vector.broadcast %sub3A_852 : i32 to vector<16xi32>
    %eq3A_859 = arith.cmpi eq, %iota3A_857, %eq3A_858 : vector<16xi32>
    %broadcast_in_dim3A_860 = vector.broadcast %and3A_821 : i1 to vector<16xi1>
    %and3A_861 = arith.andi %eq3A_859, %broadcast_in_dim3A_860 : vector<16xi1>
    %broadcast_in_dim3A_862 = arith.constant 0xFF800000 : f32
    %broadcast_in_dim3A_863 = vector.broadcast %broadcast_in_dim3A_862 : f32 to vector<16xf32>
    %select_n3A_864 = arith.select %and3A_861, %broadcast_in_dim3A_863, %get3A_856 : vector<16xi1>, vector<16xf32>
    %swap3A_865 = arith.constant 3 : i32
    %swap3A_866 = arith.index_cast %swap3A_865 : i32 to index
    %swap3A_867 = arith.index_cast %mul3A_851 : i32 to index
    %swap3A_868 = tpu.vector_load %arg7[%swap3A_866, %swap3A_867] {strides = array<i32>} : memref<8x3968xf32, #tpu.memory_space<vmem>>, vector<16xf32>,
    tpu.vector_store %arg7[%swap3A_866, %swap3A_867], %select_n3A_864 {strides = array<i32>} : memref<8x3968xf32, #tpu.memory_space<vmem>>, vector<16xf32>,
    %select_n3A_869 = arith.select %and3A_861, %get3A_856, %select_n3A_424 : vector<16xi1>, vector<16xf32>
    %sub3A_870 = arith.subi %reduce_max3A_140, %add3A_653 : i32
    %ge3A_871 = arith.constant 0 : i32
    %ge3A_872 = arith.cmpi sge, %sub3A_870, %ge3A_871 : i32
    %lt3A_873 = arith.constant 3968 : i32
    %lt3A_874 = arith.cmpi slt, %sub3A_870, %lt3A_873 : i32
    %and3A_875 = arith.andi %ge3A_872, %lt3A_874 : i1
    %max3A_876 = arith.constant 0 : i32
    %max3A_877 = arith.maxsi %sub3A_870, %max3A_876 : i32
    %min3A_878 = arith.constant 3967 : i32
    %min3A_879 = arith.minsi %max3A_877, %min3A_878 : i32
    %jit3A_880 = arith.constant 16 : i32
    %div3A_881 = arith.divsi %min3A_879, %jit3A_880 : i32
    %sign3A_882 = arith.constant 0 : i32
    %sign3A_883 = arith.cmpi sgt, %min3A_879, %sign3A_882 : i32
    %sign3A_884 = arith.extui %sign3A_883 : i1 to i32
    %sign3A_885 = arith.constant 0 : i32
    %sign3A_886 = arith.cmpi slt, %min3A_879, %sign3A_885 : i32
    %sign3A_887 = arith.extui %sign3A_886 : i1 to i32
    %sign3A_888 = arith.subi %sign3A_884, %sign3A_887 : i32
    %sign3A_889 = arith.constant 0 : i32
    %sign3A_890 = arith.cmpi sgt, %jit3A_880, %sign3A_889 : i32
    %sign3A_891 = arith.extui %sign3A_890 : i1 to i32
    %sign3A_892 = arith.constant 0 : i32
    %sign3A_893 = arith.cmpi slt, %jit3A_880, %sign3A_892 : i32
    %sign3A_894 = arith.extui %sign3A_893 : i1 to i32
    %sign3A_895 = arith.subi %sign3A_891, %sign3A_894 : i32
    %ne3A_896 = arith.cmpi ne, %sign3A_888, %sign3A_895 : i32
    %rem3A_897 = arith.remsi %min3A_879, %jit3A_880 : i32
    %ne3A_898 = arith.constant 0 : i32
    %ne3A_899 = arith.cmpi ne, %rem3A_897, %ne3A_898 : i32
    %and3A_900 = arith.andi %ne3A_896, %ne3A_899 : i1
    %sub3A_901 = arith.constant 1 : i32
    %sub3A_902 = arith.subi %div3A_881, %sub3A_901 : i32
    %select_n3A_903 = arith.select %and3A_900, %sub3A_902, %div3A_881 : i32
    %mul3A_904 = arith.constant 16 : i32
    %mul3A_905 = arith.muli %select_n3A_903, %mul3A_904 : i32
    %sub3A_906 = arith.subi %min3A_879, %mul3A_905 : i32
    %get3A_907 = arith.constant 4 : i32
    %get3A_908 = arith.index_cast %get3A_907 : i32 to index
    %get3A_909 = arith.index_cast %mul3A_905 : i32 to index
    %get3A_910 = tpu.vector_load %arg7[%get3A_908, %get3A_909] {strides = array<i32>} : memref<8x3968xf32, #tpu.memory_space<vmem>>, vector<16xf32>,
    %iota3A_911 = tpu.iota {dimensions = array<i32: 0>} : vector<16xi32>
    %eq3A_912 = vector.broadcast %sub3A_906 : i32 to vector<16xi32>
    %eq3A_913 = arith.cmpi eq, %iota3A_911, %eq3A_912 : vector<16xi32>
    %broadcast_in_dim3A_914 = vector.broadcast %and3A_875 : i1 to vector<16xi1>
    %and3A_915 = arith.andi %eq3A_913, %broadcast_in_dim3A_914 : vector<16xi1>
    %broadcast_in_dim3A_916 = arith.constant 0xFF800000 : f32
    %broadcast_in_dim3A_917 = vector.broadcast %broadcast_in_dim3A_916 : f32 to vector<16xf32>
    %select_n3A_918 = arith.select %and3A_915, %broadcast_in_dim3A_917, %get3A_910 : vector<16xi1>, vector<16xf32>
    %swap3A_919 = arith.constant 4 : i32
    %swap3A_920 = arith.index_cast %swap3A_919 : i32 to index
    %swap3A_921 = arith.index_cast %mul3A_905 : i32 to index
    %swap3A_922 = tpu.vector_load %arg7[%swap3A_920, %swap3A_921] {strides = array<i32>} : memref<8x3968xf32, #tpu.memory_space<vmem>>, vector<16xf32>,
    tpu.vector_store %arg7[%swap3A_920, %swap3A_921], %select_n3A_918 {strides = array<i32>} : memref<8x3968xf32, #tpu.memory_space<vmem>>, vector<16xf32>,
    %select_n3A_923 = arith.select %and3A_915, %get3A_910, %select_n3A_478 : vector<16xi1>, vector<16xf32>
    %sub3A_924 = arith.subi %reduce_max3A_155, %add3A_653 : i32
    %ge3A_925 = arith.constant 0 : i32
    %ge3A_926 = arith.cmpi sge, %sub3A_924, %ge3A_925 : i32
    %lt3A_927 = arith.constant 3968 : i32
    %lt3A_928 = arith.cmpi slt, %sub3A_924, %lt3A_927 : i32
    %and3A_929 = arith.andi %ge3A_926, %lt3A_928 : i1
    %max3A_930 = arith.constant 0 : i32
    %max3A_931 = arith.maxsi %sub3A_924, %max3A_930 : i32
    %min3A_932 = arith.constant 3967 : i32
    %min3A_933 = arith.minsi %max3A_931, %min3A_932 : i32
    %jit3A_934 = arith.constant 16 : i32
    %div3A_935 = arith.divsi %min3A_933, %jit3A_934 : i32
    %sign3A_936 = arith.constant 0 : i32
    %sign3A_937 = arith.cmpi sgt, %min3A_933, %sign3A_936 : i32
    %sign3A_938 = arith.extui %sign3A_937 : i1 to i32
    %sign3A_939 = arith.constant 0 : i32
    %sign3A_940 = arith.cmpi slt, %min3A_933, %sign3A_939 : i32
    %sign3A_941 = arith.extui %sign3A_940 : i1 to i32
    %sign3A_942 = arith.subi %sign3A_938, %sign3A_941 : i32
    %sign3A_943 = arith.constant 0 : i32
    %sign3A_944 = arith.cmpi sgt, %jit3A_934, %sign3A_943 : i32
    %sign3A_945 = arith.extui %sign3A_944 : i1 to i32
    %sign3A_946 = arith.constant 0 : i32
    %sign3A_947 = arith.cmpi slt, %jit3A_934, %sign3A_946 : i32
    %sign3A_948 = arith.extui %sign3A_947 : i1 to i32
    %sign3A_949 = arith.subi %sign3A_945, %sign3A_948 : i32
    %ne3A_950 = arith.cmpi ne, %sign3A_942, %sign3A_949 : i32
    %rem3A_951 = arith.remsi %min3A_933, %jit3A_934 : i32
    %ne3A_952 = arith.constant 0 : i32
    %ne3A_953 = arith.cmpi ne, %rem3A_951, %ne3A_952 : i32
    %and3A_954 = arith.andi %ne3A_950, %ne3A_953 : i1
    %sub3A_955 = arith.constant 1 : i32
    %sub3A_956 = arith.subi %div3A_935, %sub3A_955 : i32
    %select_n3A_957 = arith.select %and3A_954, %sub3A_956, %div3A_935 : i32
    %mul3A_958 = arith.constant 16 : i32
    %mul3A_959 = arith.muli %select_n3A_957, %mul3A_958 : i32
    %sub3A_960 = arith.subi %min3A_933, %mul3A_959 : i32
    %get3A_961 = arith.constant 5 : i32
    %get3A_962 = arith.index_cast %get3A_961 : i32 to index
    %get3A_963 = arith.index_cast %mul3A_959 : i32 to index
    %get3A_964 = tpu.vector_load %arg7[%get3A_962, %get3A_963] {strides = array<i32>} : memref<8x3968xf32, #tpu.memory_space<vmem>>, vector<16xf32>,
    %iota3A_965 = tpu.iota {dimensions = array<i32: 0>} : vector<16xi32>
    %eq3A_966 = vector.broadcast %sub3A_960 : i32 to vector<16xi32>
    %eq3A_967 = arith.cmpi eq, %iota3A_965, %eq3A_966 : vector<16xi32>
    %broadcast_in_dim3A_968 = vector.broadcast %and3A_929 : i1 to vector<16xi1>
    %and3A_969 = arith.andi %eq3A_967, %broadcast_in_dim3A_968 : vector<16xi1>
    %broadcast_in_dim3A_970 = arith.constant 0xFF800000 : f32
    %broadcast_in_dim3A_971 = vector.broadcast %broadcast_in_dim3A_970 : f32 to vector<16xf32>
    %select_n3A_972 = arith.select %and3A_969, %broadcast_in_dim3A_971, %get3A_964 : vector<16xi1>, vector<16xf32>
    %swap3A_973 = arith.constant 5 : i32
    %swap3A_974 = arith.index_cast %swap3A_973 : i32 to index
    %swap3A_975 = arith.index_cast %mul3A_959 : i32 to index
    %swap3A_976 = tpu.vector_load %arg7[%swap3A_974, %swap3A_975] {strides = array<i32>} : memref<8x3968xf32, #tpu.memory_space<vmem>>, vector<16xf32>,
    tpu.vector_store %arg7[%swap3A_974, %swap3A_975], %select_n3A_972 {strides = array<i32>} : memref<8x3968xf32, #tpu.memory_space<vmem>>, vector<16xf32>,
    %select_n3A_977 = arith.select %and3A_969, %get3A_964, %select_n3A_532 : vector<16xi1>, vector<16xf32>
    %sub3A_978 = arith.subi %reduce_max3A_170, %add3A_653 : i32
    %ge3A_979 = arith.constant 0 : i32
    %ge3A_980 = arith.cmpi sge, %sub3A_978, %ge3A_979 : i32
    %lt3A_981 = arith.constant 3968 : i32
    %lt3A_982 = arith.cmpi slt, %sub3A_978, %lt3A_981 : i32
    %and3A_983 = arith.andi %ge3A_980, %lt3A_982 : i1
    %max3A_984 = arith.constant 0 : i32
    %max3A_985 = arith.maxsi %sub3A_978, %max3A_984 : i32
    %min3A_986 = arith.constant 3967 : i32
    %min3A_987 = arith.minsi %max3A_985, %min3A_986 : i32
    %jit3A_988 = arith.constant 16 : i32
    %div3A_989 = arith.divsi %min3A_987, %jit3A_988 : i32
    %sign3A_990 = arith.constant 0 : i32
    %sign3A_991 = arith.cmpi sgt, %min3A_987, %sign3A_990 : i32
    %sign3A_992 = arith.extui %sign3A_991 : i1 to i32
    %sign3A_993 = arith.constant 0 : i32
    %sign3A_994 = arith.cmpi slt, %min3A_987, %sign3A_993 : i32
    %sign3A_995 = arith.extui %sign3A_994 : i1 to i32
    %sign3A_996 = arith.subi %sign3A_992, %sign3A_995 : i32
    %sign3A_997 = arith.constant 0 : i32
    %sign3A_998 = arith.cmpi sgt, %jit3A_988, %sign3A_997 : i32
    %sign3A_999 = arith.extui %sign3A_998 : i1 to i32
    %sign3A_1000 = arith.constant 0 : i32
    %sign3A_1001 = arith.cmpi slt, %jit3A_988, %sign3A_1000 : i32
    %sign3A_1002 = arith.extui %sign3A_1001 : i1 to i32
    %sign3A_1003 = arith.subi %sign3A_999, %sign3A_1002 : i32
    %ne3A_1004 = arith.cmpi ne, %sign3A_996, %sign3A_1003 : i32
    %rem3A_1005 = arith.remsi %min3A_987, %jit3A_988 : i32
    %ne3A_1006 = arith.constant 0 : i32
    %ne3A_1007 = arith.cmpi ne, %rem3A_1005, %ne3A_1006 : i32
    %and3A_1008 = arith.andi %ne3A_1004, %ne3A_1007 : i1
    %sub3A_1009 = arith.constant 1 : i32
    %sub3A_1010 = arith.subi %div3A_989, %sub3A_1009 : i32
    %select_n3A_1011 = arith.select %and3A_1008, %sub3A_1010, %div3A_989 : i32
    %mul3A_1012 = arith.constant 16 : i32
    %mul3A_1013 = arith.muli %select_n3A_1011, %mul3A_1012 : i32
    %sub3A_1014 = arith.subi %min3A_987, %mul3A_1013 : i32
    %get3A_1015 = arith.constant 6 : i32
    %get3A_1016 = arith.index_cast %get3A_1015 : i32 to index
    %get3A_1017 = arith.index_cast %mul3A_1013 : i32 to index
    %get3A_1018 = tpu.vector_load %arg7[%get3A_1016, %get3A_1017] {strides = array<i32>} : memref<8x3968xf32, #tpu.memory_space<vmem>>, vector<16xf32>,
    %iota3A_1019 = tpu.iota {dimensions = array<i32: 0>} : vector<16xi32>
    %eq3A_1020 = vector.broadcast %sub3A_1014 : i32 to vector<16xi32>
    %eq3A_1021 = arith.cmpi eq, %iota3A_1019, %eq3A_1020 : vector<16xi32>
    %broadcast_in_dim3A_1022 = vector.broadcast %and3A_983 : i1 to vector<16xi1>
    %and3A_1023 = arith.andi %eq3A_1021, %broadcast_in_dim3A_1022 : vector<16xi1>
    %broadcast_in_dim3A_1024 = arith.constant 0xFF800000 : f32
    %broadcast_in_dim3A_1025 = vector.broadcast %broadcast_in_dim3A_1024 : f32 to vector<16xf32>
    %select_n3A_1026 = arith.select %and3A_1023, %broadcast_in_dim3A_1025, %get3A_1018 : vector<16xi1>, vector<16xf32>
    %swap3A_1027 = arith.constant 6 : i32
    %swap3A_1028 = arith.index_cast %swap3A_1027 : i32 to index
    %swap3A_1029 = arith.index_cast %mul3A_1013 : i32 to index
    %swap3A_1030 = tpu.vector_load %arg7[%swap3A_1028, %swap3A_1029] {strides = array<i32>} : memref<8x3968xf32, #tpu.memory_space<vmem>>, vector<16xf32>,
    tpu.vector_store %arg7[%swap3A_1028, %swap3A_1029], %select_n3A_1026 {strides = array<i32>} : memref<8x3968xf32, #tpu.memory_space<vmem>>, vector<16xf32>,
    %select_n3A_1031 = arith.select %and3A_1023, %get3A_1018, %select_n3A_586 : vector<16xi1>, vector<16xf32>
    %sub3A_1032 = arith.subi %reduce_max3A_185, %add3A_653 : i32
    %ge3A_1033 = arith.constant 0 : i32
    %ge3A_1034 = arith.cmpi sge, %sub3A_1032, %ge3A_1033 : i32
    %lt3A_1035 = arith.constant 3968 : i32
    %lt3A_1036 = arith.cmpi slt, %sub3A_1032, %lt3A_1035 : i32
    %and3A_1037 = arith.andi %ge3A_1034, %lt3A_1036 : i1
    %max3A_1038 = arith.constant 0 : i32
    %max3A_1039 = arith.maxsi %sub3A_1032, %max3A_1038 : i32
    %min3A_1040 = arith.constant 3967 : i32
    %min3A_1041 = arith.minsi %max3A_1039, %min3A_1040 : i32
    %jit3A_1042 = arith.constant 16 : i32
    %div3A_1043 = arith.divsi %min3A_1041, %jit3A_1042 : i32
    %sign3A_1044 = arith.constant 0 : i32
    %sign3A_1045 = arith.cmpi sgt, %min3A_1041, %sign3A_1044 : i32
    %sign3A_1046 = arith.extui %sign3A_1045 : i1 to i32
    %sign3A_1047 = arith.constant 0 : i32
    %sign3A_1048 = arith.cmpi slt, %min3A_1041, %sign3A_1047 : i32
    %sign3A_1049 = arith.extui %sign3A_1048 : i1 to i32
    %sign3A_1050 = arith.subi %sign3A_1046, %sign3A_1049 : i32
    %sign3A_1051 = arith.constant 0 : i32
    %sign3A_1052 = arith.cmpi sgt, %jit3A_1042, %sign3A_1051 : i32
    %sign3A_1053 = arith.extui %sign3A_1052 : i1 to i32
    %sign3A_1054 = arith.constant 0 : i32
    %sign3A_1055 = arith.cmpi slt, %jit3A_1042, %sign3A_1054 : i32
    %sign3A_1056 = arith.extui %sign3A_1055 : i1 to i32
    %sign3A_1057 = arith.subi %sign3A_1053, %sign3A_1056 : i32
    %ne3A_1058 = arith.cmpi ne, %sign3A_1050, %sign3A_1057 : i32
    %rem3A_1059 = arith.remsi %min3A_1041, %jit3A_1042 : i32
    %ne3A_1060 = arith.constant 0 : i32
    %ne3A_1061 = arith.cmpi ne, %rem3A_1059, %ne3A_1060 : i32
    %and3A_1062 = arith.andi %ne3A_1058, %ne3A_1061 : i1
    %sub3A_1063 = arith.constant 1 : i32
    %sub3A_1064 = arith.subi %div3A_1043, %sub3A_1063 : i32
    %select_n3A_1065 = arith.select %and3A_1062, %sub3A_1064, %div3A_1043 : i32
    %mul3A_1066 = arith.constant 16 : i32
    %mul3A_1067 = arith.muli %select_n3A_1065, %mul3A_1066 : i32
    %sub3A_1068 = arith.subi %min3A_1041, %mul3A_1067 : i32
    %get3A_1069 = arith.constant 7 : i32
    %get3A_1070 = arith.index_cast %get3A_1069 : i32 to index
    %get3A_1071 = arith.index_cast %mul3A_1067 : i32 to index
    %get3A_1072 = tpu.vector_load %arg7[%get3A_1070, %get3A_1071] {strides = array<i32>} : memref<8x3968xf32, #tpu.memory_space<vmem>>, vector<16xf32>,
    %iota3A_1073 = tpu.iota {dimensions = array<i32: 0>} : vector<16xi32>
    %eq3A_1074 = vector.broadcast %sub3A_1068 : i32 to vector<16xi32>
    %eq3A_1075 = arith.cmpi eq, %iota3A_1073, %eq3A_1074 : vector<16xi32>
    %broadcast_in_dim3A_1076 = vector.broadcast %and3A_1037 : i1 to vector<16xi1>
    %and3A_1077 = arith.andi %eq3A_1075, %broadcast_in_dim3A_1076 : vector<16xi1>
    %broadcast_in_dim3A_1078 = arith.constant 0xFF800000 : f32
    %broadcast_in_dim3A_1079 = vector.broadcast %broadcast_in_dim3A_1078 : f32 to vector<16xf32>
    %select_n3A_1080 = arith.select %and3A_1077, %broadcast_in_dim3A_1079, %get3A_1072 : vector<16xi1>, vector<16xf32>
    %swap3A_1081 = arith.constant 7 : i32
    %swap3A_1082 = arith.index_cast %swap3A_1081 : i32 to index
    %swap3A_1083 = arith.index_cast %mul3A_1067 : i32 to index
    %swap3A_1084 = tpu.vector_load %arg7[%swap3A_1082, %swap3A_1083] {strides = array<i32>} : memref<8x3968xf32, #tpu.memory_space<vmem>>, vector<16xf32>,
    tpu.vector_store %arg7[%swap3A_1082, %swap3A_1083], %select_n3A_1080 {strides = array<i32>} : memref<8x3968xf32, #tpu.memory_space<vmem>>, vector<16xf32>,
    %select_n3A_1085 = arith.select %and3A_1077, %get3A_1072, %select_n3A_640 : vector<16xi1>, vector<16xf32>
    %scan3A_1086 = arith.constant 0 : i32
    %scan3A_1087 = arith.constant 248 : i32
    %scan3A_1088 = arith.addi %scan3A_1086, %scan3A_1087 : i32
    %scan3A_1089 = arith.constant 1 : i32
    %scan3A_1090:8 = scf.for %scan3A_2285 = %scan3A_1086 to %scan3A_1088 step %scan3A_1089 iter_args(%scan3A_2286 = %scan3A_645#0, %scan3A_2287 = %scan3A_645#1, %scan3A_2288 = %scan3A_645#2, %scan3A_2289 = %scan3A_645#3, %scan3A_2290 = %scan3A_645#4, %scan3A_2291 = %scan3A_645#5, %scan3A_2292 = %scan3A_645#6, %scan3A_2293 = %scan3A_645#7) -> (vector<16xf32>, vector<16xf32>, vector<16xf32>, vector<16xf32>, vector<16xf32>, vector<16xf32>, vector<16xf32>, vector<16xf32>)  : i32 {
      %mul3A_2294 = arith.constant 16 : i32
      %mul3A_2295 = arith.muli %scan3A_2285, %mul3A_2294 : i32
      %get3A_2296 = arith.constant 0 : i32
      %get3A_2297 = arith.index_cast %get3A_2296 : i32 to index
      %get3A_2298 = arith.index_cast %mul3A_2295 : i32 to index
      %get3A_2299 = tpu.vector_load %arg7[%get3A_2297, %get3A_2298] {strides = array<i32>} : memref<8x3968xf32, #tpu.memory_space<vmem>>, vector<16xf32>,
      %max3A_2300 = arith.maximumf %scan3A_2286, %get3A_2299 : vector<16xf32>
      %get3A_2301 = arith.constant 1 : i32
      %get3A_2302 = arith.index_cast %get3A_2301 : i32 to index
      %get3A_2303 = arith.index_cast %mul3A_2295 : i32 to index
      %get3A_2304 = tpu.vector_load %arg7[%get3A_2302, %get3A_2303] {strides = array<i32>} : memref<8x3968xf32, #tpu.memory_space<vmem>>, vector<16xf32>,
      %max3A_2305 = arith.maximumf %scan3A_2287, %get3A_2304 : vector<16xf32>
      %get3A_2306 = arith.constant 2 : i32
      %get3A_2307 = arith.index_cast %get3A_2306 : i32 to index
      %get3A_2308 = arith.index_cast %mul3A_2295 : i32 to index
      %get3A_2309 = tpu.vector_load %arg7[%get3A_2307, %get3A_2308] {strides = array<i32>} : memref<8x3968xf32, #tpu.memory_space<vmem>>, vector<16xf32>,
      %max3A_2310 = arith.maximumf %scan3A_2288, %get3A_2309 : vector<16xf32>
      %get3A_2311 = arith.constant 3 : i32
      %get3A_2312 = arith.index_cast %get3A_2311 : i32 to index
      %get3A_2313 = arith.index_cast %mul3A_2295 : i32 to index
      %get3A_2314 = tpu.vector_load %arg7[%get3A_2312, %get3A_2313] {strides = array<i32>} : memref<8x3968xf32, #tpu.memory_space<vmem>>, vector<16xf32>,
      %max3A_2315 = arith.maximumf %scan3A_2289, %get3A_2314 : vector<16xf32>
      %get3A_2316 = arith.constant 4 : i32
      %get3A_2317 = arith.index_cast %get3A_2316 : i32 to index
      %get3A_2318 = arith.index_cast %mul3A_2295 : i32 to index
      %get3A_2319 = tpu.vector_load %arg7[%get3A_2317, %get3A_2318] {strides = array<i32>} : memref<8x3968xf32, #tpu.memory_space<vmem>>, vector<16xf32>,
      %max3A_2320 = arith.maximumf %scan3A_2290, %get3A_2319 : vector<16xf32>
      %get3A_2321 = arith.constant 5 : i32
      %get3A_2322 = arith.index_cast %get3A_2321 : i32 to index
      %get3A_2323 = arith.index_cast %mul3A_2295 : i32 to index
      %get3A_2324 = tpu.vector_load %arg7[%get3A_2322, %get3A_2323] {strides = array<i32>} : memref<8x3968xf32, #tpu.memory_space<vmem>>, vector<16xf32>,
      %max3A_2325 = arith.maximumf %scan3A_2291, %get3A_2324 : vector<16xf32>
      %get3A_2326 = arith.constant 6 : i32
      %get3A_2327 = arith.index_cast %get3A_2326 : i32 to index
      %get3A_2328 = arith.index_cast %mul3A_2295 : i32 to index
      %get3A_2329 = tpu.vector_load %arg7[%get3A_2327, %get3A_2328] {strides = array<i32>} : memref<8x3968xf32, #tpu.memory_space<vmem>>, vector<16xf32>,
      %max3A_2330 = arith.maximumf %scan3A_2292, %get3A_2329 : vector<16xf32>
      %get3A_2331 = arith.constant 7 : i32
      %get3A_2332 = arith.index_cast %get3A_2331 : i32 to index
      %get3A_2333 = arith.index_cast %mul3A_2295 : i32 to index
      %get3A_2334 = tpu.vector_load %arg7[%get3A_2332, %get3A_2333] {strides = array<i32>} : memref<8x3968xf32, #tpu.memory_space<vmem>>, vector<16xf32>,
      %max3A_2335 = arith.maximumf %scan3A_2293, %get3A_2334 : vector<16xf32>
      scf.yield %max3A_2300, %max3A_2305, %max3A_2310, %max3A_2315, %max3A_2320, %max3A_2325, %max3A_2330, %max3A_2335 : vector<16xf32>, vector<16xf32>, vector<16xf32>, vector<16xf32>, vector<16xf32>, vector<16xf32>, vector<16xf32>, vector<16xf32>
    }
    %scan3A_1091 = arith.constant 248 : i32
    %add3A_1092 = arith.constant 246016 : i32
    %add3A_1093 = arith.addi %mul3A_23, %add3A_1092 : i32
    %multiple_of3A_1094 = tpu.assume_multiple %add3A_1093, 128 : i32
    %dma_wait3A_1095 = tpu.memref_slice %arg2[%multiple_of3A, %multiple_of3A_1094] : memref<64x1000000xf32, #tpu.memory_space<hbm>> -> memref<8x3968xf32, #tpu.memory_space<hbm>>
    %dma_wait3A_1096 = tpu.memref_slice %arg2[%multiple_of3A, %multiple_of3A_1094] : memref<64x1000000xf32, #tpu.memory_space<hbm>> -> memref<8x3968xf32, #tpu.memory_space<hbm>>
    tpu.wait_dma2 semaphore(%arg14 : memref<!tpu.dma_semaphore, #tpu.memory_space<semaphore_mem>>) src(%dma_wait3A_1096 : memref<8x3968xf32, #tpu.memory_space<hbm>>) dst(%arg8 : memref<8x3968xf32, #tpu.memory_space<vmem>>)
    %add3A_1097 = arith.constant 246016 : i32
    %add3A_1098 = arith.addi %mul3A_23, %add3A_1097 : i32
    %sub3A_1099 = arith.subi %reduce_max3A_80, %add3A_1098 : i32
    %ge3A_1100 = arith.constant 0 : i32
    %ge3A_1101 = arith.cmpi sge, %sub3A_1099, %ge3A_1100 : i32
    %lt3A_1102 = arith.constant 3968 : i32
    %lt3A_1103 = arith.cmpi slt, %sub3A_1099, %lt3A_1102 : i32
    %and3A_1104 = arith.andi %ge3A_1101, %lt3A_1103 : i1
    %max3A_1105 = arith.constant 0 : i32
    %max3A_1106 = arith.maxsi %sub3A_1099, %max3A_1105 : i32
    %min3A_1107 = arith.constant 3967 : i32
    %min3A_1108 = arith.minsi %max3A_1106, %min3A_1107 : i32
    %jit3A_1109 = arith.constant 16 : i32
    %div3A_1110 = arith.divsi %min3A_1108, %jit3A_1109 : i32
    %sign3A_1111 = arith.constant 0 : i32
    %sign3A_1112 = arith.cmpi sgt, %min3A_1108, %sign3A_1111 : i32
    %sign3A_1113 = arith.extui %sign3A_1112 : i1 to i32
    %sign3A_1114 = arith.constant 0 : i32
    %sign3A_1115 = arith.cmpi slt, %min3A_1108, %sign3A_1114 : i32
    %sign3A_1116 = arith.extui %sign3A_1115 : i1 to i32
    %sign3A_1117 = arith.subi %sign3A_1113, %sign3A_1116 : i32
    %sign3A_1118 = arith.constant 0 : i32
    %sign3A_1119 = arith.cmpi sgt, %jit3A_1109, %sign3A_1118 : i32
    %sign3A_1120 = arith.extui %sign3A_1119 : i1 to i32
    %sign3A_1121 = arith.constant 0 : i32
    %sign3A_1122 = arith.cmpi slt, %jit3A_1109, %sign3A_1121 : i32
    %sign3A_1123 = arith.extui %sign3A_1122 : i1 to i32
    %sign3A_1124 = arith.subi %sign3A_1120, %sign3A_1123 : i32
    %ne3A_1125 = arith.cmpi ne, %sign3A_1117, %sign3A_1124 : i32
    %rem3A_1126 = arith.remsi %min3A_1108, %jit3A_1109 : i32
    %ne3A_1127 = arith.constant 0 : i32
    %ne3A_1128 = arith.cmpi ne, %rem3A_1126, %ne3A_1127 : i32
    %and3A_1129 = arith.andi %ne3A_1125, %ne3A_1128 : i1
    %sub3A_1130 = arith.constant 1 : i32
    %sub3A_1131 = arith.subi %div3A_1110, %sub3A_1130 : i32
    %select_n3A_1132 = arith.select %and3A_1129, %sub3A_1131, %div3A_1110 : i32
    %mul3A_1133 = arith.constant 16 : i32
    %mul3A_1134 = arith.muli %select_n3A_1132, %mul3A_1133 : i32
    %sub3A_1135 = arith.subi %min3A_1108, %mul3A_1134 : i32
    %get3A_1136 = arith.constant 0 : i32
    %get3A_1137 = arith.index_cast %get3A_1136 : i32 to index
    %get3A_1138 = arith.index_cast %mul3A_1134 : i32 to index
    %get3A_1139 = tpu.vector_load %arg8[%get3A_1137, %get3A_1138] {strides = array<i32>} : memref<8x3968xf32, #tpu.memory_space<vmem>>, vector<16xf32>,
    %iota3A_1140 = tpu.iota {dimensions = array<i32: 0>} : vector<16xi32>
    %eq3A_1141 = vector.broadcast %sub3A_1135 : i32 to vector<16xi32>
    %eq3A_1142 = arith.cmpi eq, %iota3A_1140, %eq3A_1141 : vector<16xi32>
    %broadcast_in_dim3A_1143 = vector.broadcast %and3A_1104 : i1 to vector<16xi1>
    %and3A_1144 = arith.andi %eq3A_1142, %broadcast_in_dim3A_1143 : vector<16xi1>
    %broadcast_in_dim3A_1145 = arith.constant 0xFF800000 : f32
    %broadcast_in_dim3A_1146 = vector.broadcast %broadcast_in_dim3A_1145 : f32 to vector<16xf32>
    %select_n3A_1147 = arith.select %and3A_1144, %broadcast_in_dim3A_1146, %get3A_1139 : vector<16xi1>, vector<16xf32>
    %swap3A_1148 = arith.constant 0 : i32
    %swap3A_1149 = arith.index_cast %swap3A_1148 : i32 to index
    %swap3A_1150 = arith.index_cast %mul3A_1134 : i32 to index
    %swap3A_1151 = tpu.vector_load %arg8[%swap3A_1149, %swap3A_1150] {strides = array<i32>} : memref<8x3968xf32, #tpu.memory_space<vmem>>, vector<16xf32>,
    tpu.vector_store %arg8[%swap3A_1149, %swap3A_1150], %select_n3A_1147 {strides = array<i32>} : memref<8x3968xf32, #tpu.memory_space<vmem>>, vector<16xf32>,
    %select_n3A_1152 = arith.select %and3A_1144, %get3A_1139, %select_n3A_707 : vector<16xi1>, vector<16xf32>
    %sub3A_1153 = arith.subi %reduce_max3A_95, %add3A_1098 : i32
    %ge3A_1154 = arith.constant 0 : i32
    %ge3A_1155 = arith.cmpi sge, %sub3A_1153, %ge3A_1154 : i32
    %lt3A_1156 = arith.constant 3968 : i32
    %lt3A_1157 = arith.cmpi slt, %sub3A_1153, %lt3A_1156 : i32
    %and3A_1158 = arith.andi %ge3A_1155, %lt3A_1157 : i1
    %max3A_1159 = arith.constant 0 : i32
    %max3A_1160 = arith.maxsi %sub3A_1153, %max3A_1159 : i32
    %min3A_1161 = arith.constant 3967 : i32
    %min3A_1162 = arith.minsi %max3A_1160, %min3A_1161 : i32
    %jit3A_1163 = arith.constant 16 : i32
    %div3A_1164 = arith.divsi %min3A_1162, %jit3A_1163 : i32
    %sign3A_1165 = arith.constant 0 : i32
    %sign3A_1166 = arith.cmpi sgt, %min3A_1162, %sign3A_1165 : i32
    %sign3A_1167 = arith.extui %sign3A_1166 : i1 to i32
    %sign3A_1168 = arith.constant 0 : i32
    %sign3A_1169 = arith.cmpi slt, %min3A_1162, %sign3A_1168 : i32
    %sign3A_1170 = arith.extui %sign3A_1169 : i1 to i32
    %sign3A_1171 = arith.subi %sign3A_1167, %sign3A_1170 : i32
    %sign3A_1172 = arith.constant 0 : i32
    %sign3A_1173 = arith.cmpi sgt, %jit3A_1163, %sign3A_1172 : i32
    %sign3A_1174 = arith.extui %sign3A_1173 : i1 to i32
    %sign3A_1175 = arith.constant 0 : i32
    %sign3A_1176 = arith.cmpi slt, %jit3A_1163, %sign3A_1175 : i32
    %sign3A_1177 = arith.extui %sign3A_1176 : i1 to i32
    %sign3A_1178 = arith.subi %sign3A_1174, %sign3A_1177 : i32
    %ne3A_1179 = arith.cmpi ne, %sign3A_1171, %sign3A_1178 : i32
    %rem3A_1180 = arith.remsi %min3A_1162, %jit3A_1163 : i32
    %ne3A_1181 = arith.constant 0 : i32
    %ne3A_1182 = arith.cmpi ne, %rem3A_1180, %ne3A_1181 : i32
    %and3A_1183 = arith.andi %ne3A_1179, %ne3A_1182 : i1
    %sub3A_1184 = arith.constant 1 : i32
    %sub3A_1185 = arith.subi %div3A_1164, %sub3A_1184 : i32
    %select_n3A_1186 = arith.select %and3A_1183, %sub3A_1185, %div3A_1164 : i32
    %mul3A_1187 = arith.constant 16 : i32
    %mul3A_1188 = arith.muli %select_n3A_1186, %mul3A_1187 : i32
    %sub3A_1189 = arith.subi %min3A_1162, %mul3A_1188 : i32
    %get3A_1190 = arith.constant 1 : i32
    %get3A_1191 = arith.index_cast %get3A_1190 : i32 to index
    %get3A_1192 = arith.index_cast %mul3A_1188 : i32 to index
    %get3A_1193 = tpu.vector_load %arg8[%get3A_1191, %get3A_1192] {strides = array<i32>} : memref<8x3968xf32, #tpu.memory_space<vmem>>, vector<16xf32>,
    %iota3A_1194 = tpu.iota {dimensions = array<i32: 0>} : vector<16xi32>
    %eq3A_1195 = vector.broadcast %sub3A_1189 : i32 to vector<16xi32>
    %eq3A_1196 = arith.cmpi eq, %iota3A_1194, %eq3A_1195 : vector<16xi32>
    %broadcast_in_dim3A_1197 = vector.broadcast %and3A_1158 : i1 to vector<16xi1>
    %and3A_1198 = arith.andi %eq3A_1196, %broadcast_in_dim3A_1197 : vector<16xi1>
    %broadcast_in_dim3A_1199 = arith.constant 0xFF800000 : f32
    %broadcast_in_dim3A_1200 = vector.broadcast %broadcast_in_dim3A_1199 : f32 to vector<16xf32>
    %select_n3A_1201 = arith.select %and3A_1198, %broadcast_in_dim3A_1200, %get3A_1193 : vector<16xi1>, vector<16xf32>
    %swap3A_1202 = arith.constant 1 : i32
    %swap3A_1203 = arith.index_cast %swap3A_1202 : i32 to index
    %swap3A_1204 = arith.index_cast %mul3A_1188 : i32 to index
    %swap3A_1205 = tpu.vector_load %arg8[%swap3A_1203, %swap3A_1204] {strides = array<i32>} : memref<8x3968xf32, #tpu.memory_space<vmem>>, vector<16xf32>,
    tpu.vector_store %arg8[%swap3A_1203, %swap3A_1204], %select_n3A_1201 {strides = array<i32>} : memref<8x3968xf32, #tpu.memory_space<vmem>>, vector<16xf32>,
    %select_n3A_1206 = arith.select %and3A_1198, %get3A_1193, %select_n3A_761 : vector<16xi1>, vector<16xf32>
    %sub3A_1207 = arith.subi %reduce_max3A_110, %add3A_1098 : i32
    %ge3A_1208 = arith.constant 0 : i32
    %ge3A_1209 = arith.cmpi sge, %sub3A_1207, %ge3A_1208 : i32
    %lt3A_1210 = arith.constant 3968 : i32
    %lt3A_1211 = arith.cmpi slt, %sub3A_1207, %lt3A_1210 : i32
    %and3A_1212 = arith.andi %ge3A_1209, %lt3A_1211 : i1
    %max3A_1213 = arith.constant 0 : i32
    %max3A_1214 = arith.maxsi %sub3A_1207, %max3A_1213 : i32
    %min3A_1215 = arith.constant 3967 : i32
    %min3A_1216 = arith.minsi %max3A_1214, %min3A_1215 : i32
    %jit3A_1217 = arith.constant 16 : i32
    %div3A_1218 = arith.divsi %min3A_1216, %jit3A_1217 : i32
    %sign3A_1219 = arith.constant 0 : i32
    %sign3A_1220 = arith.cmpi sgt, %min3A_1216, %sign3A_1219 : i32
    %sign3A_1221 = arith.extui %sign3A_1220 : i1 to i32
    %sign3A_1222 = arith.constant 0 : i32
    %sign3A_1223 = arith.cmpi slt, %min3A_1216, %sign3A_1222 : i32
    %sign3A_1224 = arith.extui %sign3A_1223 : i1 to i32
    %sign3A_1225 = arith.subi %sign3A_1221, %sign3A_1224 : i32
    %sign3A_1226 = arith.constant 0 : i32
    %sign3A_1227 = arith.cmpi sgt, %jit3A_1217, %sign3A_1226 : i32
    %sign3A_1228 = arith.extui %sign3A_1227 : i1 to i32
    %sign3A_1229 = arith.constant 0 : i32
    %sign3A_1230 = arith.cmpi slt, %jit3A_1217, %sign3A_1229 : i32
    %sign3A_1231 = arith.extui %sign3A_1230 : i1 to i32
    %sign3A_1232 = arith.subi %sign3A_1228, %sign3A_1231 : i32
    %ne3A_1233 = arith.cmpi ne, %sign3A_1225, %sign3A_1232 : i32
    %rem3A_1234 = arith.remsi %min3A_1216, %jit3A_1217 : i32
    %ne3A_1235 = arith.constant 0 : i32
    %ne3A_1236 = arith.cmpi ne, %rem3A_1234, %ne3A_1235 : i32
    %and3A_1237 = arith.andi %ne3A_1233, %ne3A_1236 : i1
    %sub3A_1238 = arith.constant 1 : i32
    %sub3A_1239 = arith.subi %div3A_1218, %sub3A_1238 : i32
    %select_n3A_1240 = arith.select %and3A_1237, %sub3A_1239, %div3A_1218 : i32
    %mul3A_1241 = arith.constant 16 : i32
    %mul3A_1242 = arith.muli %select_n3A_1240, %mul3A_1241 : i32
    %sub3A_1243 = arith.subi %min3A_1216, %mul3A_1242 : i32
    %get3A_1244 = arith.constant 2 : i32
    %get3A_1245 = arith.index_cast %get3A_1244 : i32 to index
    %get3A_1246 = arith.index_cast %mul3A_1242 : i32 to index
    %get3A_1247 = tpu.vector_load %arg8[%get3A_1245, %get3A_1246] {strides = array<i32>} : memref<8x3968xf32, #tpu.memory_space<vmem>>, vector<16xf32>,
    %iota3A_1248 = tpu.iota {dimensions = array<i32: 0>} : vector<16xi32>
    %eq3A_1249 = vector.broadcast %sub3A_1243 : i32 to vector<16xi32>
    %eq3A_1250 = arith.cmpi eq, %iota3A_1248, %eq3A_1249 : vector<16xi32>
    %broadcast_in_dim3A_1251 = vector.broadcast %and3A_1212 : i1 to vector<16xi1>
    %and3A_1252 = arith.andi %eq3A_1250, %broadcast_in_dim3A_1251 : vector<16xi1>
    %broadcast_in_dim3A_1253 = arith.constant 0xFF800000 : f32
    %broadcast_in_dim3A_1254 = vector.broadcast %broadcast_in_dim3A_1253 : f32 to vector<16xf32>
    %select_n3A_1255 = arith.select %and3A_1252, %broadcast_in_dim3A_1254, %get3A_1247 : vector<16xi1>, vector<16xf32>
    %swap3A_1256 = arith.constant 2 : i32
    %swap3A_1257 = arith.index_cast %swap3A_1256 : i32 to index
    %swap3A_1258 = arith.index_cast %mul3A_1242 : i32 to index
    %swap3A_1259 = tpu.vector_load %arg8[%swap3A_1257, %swap3A_1258] {strides = array<i32>} : memref<8x3968xf32, #tpu.memory_space<vmem>>, vector<16xf32>,
    tpu.vector_store %arg8[%swap3A_1257, %swap3A_1258], %select_n3A_1255 {strides = array<i32>} : memref<8x3968xf32, #tpu.memory_space<vmem>>, vector<16xf32>,
    %select_n3A_1260 = arith.select %and3A_1252, %get3A_1247, %select_n3A_815 : vector<16xi1>, vector<16xf32>
    %sub3A_1261 = arith.subi %reduce_max3A_125, %add3A_1098 : i32
    %ge3A_1262 = arith.constant 0 : i32
    %ge3A_1263 = arith.cmpi sge, %sub3A_1261, %ge3A_1262 : i32
    %lt3A_1264 = arith.constant 3968 : i32
    %lt3A_1265 = arith.cmpi slt, %sub3A_1261, %lt3A_1264 : i32
    %and3A_1266 = arith.andi %ge3A_1263, %lt3A_1265 : i1
    %max3A_1267 = arith.constant 0 : i32
    %max3A_1268 = arith.maxsi %sub3A_1261, %max3A_1267 : i32
    %min3A_1269 = arith.constant 3967 : i32
    %min3A_1270 = arith.minsi %max3A_1268, %min3A_1269 : i32
    %jit3A_1271 = arith.constant 16 : i32
    %div3A_1272 = arith.divsi %min3A_1270, %jit3A_1271 : i32
    %sign3A_1273 = arith.constant 0 : i32
    %sign3A_1274 = arith.cmpi sgt, %min3A_1270, %sign3A_1273 : i32
    %sign3A_1275 = arith.extui %sign3A_1274 : i1 to i32
    %sign3A_1276 = arith.constant 0 : i32
    %sign3A_1277 = arith.cmpi slt, %min3A_1270, %sign3A_1276 : i32
    %sign3A_1278 = arith.extui %sign3A_1277 : i1 to i32
    %sign3A_1279 = arith.subi %sign3A_1275, %sign3A_1278 : i32
    %sign3A_1280 = arith.constant 0 : i32
    %sign3A_1281 = arith.cmpi sgt, %jit3A_1271, %sign3A_1280 : i32
    %sign3A_1282 = arith.extui %sign3A_1281 : i1 to i32
    %sign3A_1283 = arith.constant 0 : i32
    %sign3A_1284 = arith.cmpi slt, %jit3A_1271, %sign3A_1283 : i32
    %sign3A_1285 = arith.extui %sign3A_1284 : i1 to i32
    %sign3A_1286 = arith.subi %sign3A_1282, %sign3A_1285 : i32
    %ne3A_1287 = arith.cmpi ne, %sign3A_1279, %sign3A_1286 : i32
    %rem3A_1288 = arith.remsi %min3A_1270, %jit3A_1271 : i32
    %ne3A_1289 = arith.constant 0 : i32
    %ne3A_1290 = arith.cmpi ne, %rem3A_1288, %ne3A_1289 : i32
    %and3A_1291 = arith.andi %ne3A_1287, %ne3A_1290 : i1
    %sub3A_1292 = arith.constant 1 : i32
    %sub3A_1293 = arith.subi %div3A_1272, %sub3A_1292 : i32
    %select_n3A_1294 = arith.select %and3A_1291, %sub3A_1293, %div3A_1272 : i32
    %mul3A_1295 = arith.constant 16 : i32
    %mul3A_1296 = arith.muli %select_n3A_1294, %mul3A_1295 : i32
    %sub3A_1297 = arith.subi %min3A_1270, %mul3A_1296 : i32
    %get3A_1298 = arith.constant 3 : i32
    %get3A_1299 = arith.index_cast %get3A_1298 : i32 to index
    %get3A_1300 = arith.index_cast %mul3A_1296 : i32 to index
    %get3A_1301 = tpu.vector_load %arg8[%get3A_1299, %get3A_1300] {strides = array<i32>} : memref<8x3968xf32, #tpu.memory_space<vmem>>, vector<16xf32>,
    %iota3A_1302 = tpu.iota {dimensions = array<i32: 0>} : vector<16xi32>
    %eq3A_1303 = vector.broadcast %sub3A_1297 : i32 to vector<16xi32>
    %eq3A_1304 = arith.cmpi eq, %iota3A_1302, %eq3A_1303 : vector<16xi32>
    %broadcast_in_dim3A_1305 = vector.broadcast %and3A_1266 : i1 to vector<16xi1>
    %and3A_1306 = arith.andi %eq3A_1304, %broadcast_in_dim3A_1305 : vector<16xi1>
    %broadcast_in_dim3A_1307 = arith.constant 0xFF800000 : f32
    %broadcast_in_dim3A_1308 = vector.broadcast %broadcast_in_dim3A_1307 : f32 to vector<16xf32>
    %select_n3A_1309 = arith.select %and3A_1306, %broadcast_in_dim3A_1308, %get3A_1301 : vector<16xi1>, vector<16xf32>
    %swap3A_1310 = arith.constant 3 : i32
    %swap3A_1311 = arith.index_cast %swap3A_1310 : i32 to index
    %swap3A_1312 = arith.index_cast %mul3A_1296 : i32 to index
    %swap3A_1313 = tpu.vector_load %arg8[%swap3A_1311, %swap3A_1312] {strides = array<i32>} : memref<8x3968xf32, #tpu.memory_space<vmem>>, vector<16xf32>,
    tpu.vector_store %arg8[%swap3A_1311, %swap3A_1312], %select_n3A_1309 {strides = array<i32>} : memref<8x3968xf32, #tpu.memory_space<vmem>>, vector<16xf32>,
    %select_n3A_1314 = arith.select %and3A_1306, %get3A_1301, %select_n3A_869 : vector<16xi1>, vector<16xf32>
    %sub3A_1315 = arith.subi %reduce_max3A_140, %add3A_1098 : i32
    %ge3A_1316 = arith.constant 0 : i32
    %ge3A_1317 = arith.cmpi sge, %sub3A_1315, %ge3A_1316 : i32
    %lt3A_1318 = arith.constant 3968 : i32
    %lt3A_1319 = arith.cmpi slt, %sub3A_1315, %lt3A_1318 : i32
    %and3A_1320 = arith.andi %ge3A_1317, %lt3A_1319 : i1
    %max3A_1321 = arith.constant 0 : i32
    %max3A_1322 = arith.maxsi %sub3A_1315, %max3A_1321 : i32
    %min3A_1323 = arith.constant 3967 : i32
    %min3A_1324 = arith.minsi %max3A_1322, %min3A_1323 : i32
    %jit3A_1325 = arith.constant 16 : i32
    %div3A_1326 = arith.divsi %min3A_1324, %jit3A_1325 : i32
    %sign3A_1327 = arith.constant 0 : i32
    %sign3A_1328 = arith.cmpi sgt, %min3A_1324, %sign3A_1327 : i32
    %sign3A_1329 = arith.extui %sign3A_1328 : i1 to i32
    %sign3A_1330 = arith.constant 0 : i32
    %sign3A_1331 = arith.cmpi slt, %min3A_1324, %sign3A_1330 : i32
    %sign3A_1332 = arith.extui %sign3A_1331 : i1 to i32
    %sign3A_1333 = arith.subi %sign3A_1329, %sign3A_1332 : i32
    %sign3A_1334 = arith.constant 0 : i32
    %sign3A_1335 = arith.cmpi sgt, %jit3A_1325, %sign3A_1334 : i32
    %sign3A_1336 = arith.extui %sign3A_1335 : i1 to i32
    %sign3A_1337 = arith.constant 0 : i32
    %sign3A_1338 = arith.cmpi slt, %jit3A_1325, %sign3A_1337 : i32
    %sign3A_1339 = arith.extui %sign3A_1338 : i1 to i32
    %sign3A_1340 = arith.subi %sign3A_1336, %sign3A_1339 : i32
    %ne3A_1341 = arith.cmpi ne, %sign3A_1333, %sign3A_1340 : i32
    %rem3A_1342 = arith.remsi %min3A_1324, %jit3A_1325 : i32
    %ne3A_1343 = arith.constant 0 : i32
    %ne3A_1344 = arith.cmpi ne, %rem3A_1342, %ne3A_1343 : i32
    %and3A_1345 = arith.andi %ne3A_1341, %ne3A_1344 : i1
    %sub3A_1346 = arith.constant 1 : i32
    %sub3A_1347 = arith.subi %div3A_1326, %sub3A_1346 : i32
    %select_n3A_1348 = arith.select %and3A_1345, %sub3A_1347, %div3A_1326 : i32
    %mul3A_1349 = arith.constant 16 : i32
    %mul3A_1350 = arith.muli %select_n3A_1348, %mul3A_1349 : i32
    %sub3A_1351 = arith.subi %min3A_1324, %mul3A_1350 : i32
    %get3A_1352 = arith.constant 4 : i32
    %get3A_1353 = arith.index_cast %get3A_1352 : i32 to index
    %get3A_1354 = arith.index_cast %mul3A_1350 : i32 to index
    %get3A_1355 = tpu.vector_load %arg8[%get3A_1353, %get3A_1354] {strides = array<i32>} : memref<8x3968xf32, #tpu.memory_space<vmem>>, vector<16xf32>,
    %iota3A_1356 = tpu.iota {dimensions = array<i32: 0>} : vector<16xi32>
    %eq3A_1357 = vector.broadcast %sub3A_1351 : i32 to vector<16xi32>
    %eq3A_1358 = arith.cmpi eq, %iota3A_1356, %eq3A_1357 : vector<16xi32>
    %broadcast_in_dim3A_1359 = vector.broadcast %and3A_1320 : i1 to vector<16xi1>
    %and3A_1360 = arith.andi %eq3A_1358, %broadcast_in_dim3A_1359 : vector<16xi1>
    %broadcast_in_dim3A_1361 = arith.constant 0xFF800000 : f32
    %broadcast_in_dim3A_1362 = vector.broadcast %broadcast_in_dim3A_1361 : f32 to vector<16xf32>
    %select_n3A_1363 = arith.select %and3A_1360, %broadcast_in_dim3A_1362, %get3A_1355 : vector<16xi1>, vector<16xf32>
    %swap3A_1364 = arith.constant 4 : i32
    %swap3A_1365 = arith.index_cast %swap3A_1364 : i32 to index
    %swap3A_1366 = arith.index_cast %mul3A_1350 : i32 to index
    %swap3A_1367 = tpu.vector_load %arg8[%swap3A_1365, %swap3A_1366] {strides = array<i32>} : memref<8x3968xf32, #tpu.memory_space<vmem>>, vector<16xf32>,
    tpu.vector_store %arg8[%swap3A_1365, %swap3A_1366], %select_n3A_1363 {strides = array<i32>} : memref<8x3968xf32, #tpu.memory_space<vmem>>, vector<16xf32>,
    %select_n3A_1368 = arith.select %and3A_1360, %get3A_1355, %select_n3A_923 : vector<16xi1>, vector<16xf32>
    %sub3A_1369 = arith.subi %reduce_max3A_155, %add3A_1098 : i32
    %ge3A_1370 = arith.constant 0 : i32
    %ge3A_1371 = arith.cmpi sge, %sub3A_1369, %ge3A_1370 : i32
    %lt3A_1372 = arith.constant 3968 : i32
    %lt3A_1373 = arith.cmpi slt, %sub3A_1369, %lt3A_1372 : i32
    %and3A_1374 = arith.andi %ge3A_1371, %lt3A_1373 : i1
    %max3A_1375 = arith.constant 0 : i32
    %max3A_1376 = arith.maxsi %sub3A_1369, %max3A_1375 : i32
    %min3A_1377 = arith.constant 3967 : i32
    %min3A_1378 = arith.minsi %max3A_1376, %min3A_1377 : i32
    %jit3A_1379 = arith.constant 16 : i32
    %div3A_1380 = arith.divsi %min3A_1378, %jit3A_1379 : i32
    %sign3A_1381 = arith.constant 0 : i32
    %sign3A_1382 = arith.cmpi sgt, %min3A_1378, %sign3A_1381 : i32
    %sign3A_1383 = arith.extui %sign3A_1382 : i1 to i32
    %sign3A_1384 = arith.constant 0 : i32
    %sign3A_1385 = arith.cmpi slt, %min3A_1378, %sign3A_1384 : i32
    %sign3A_1386 = arith.extui %sign3A_1385 : i1 to i32
    %sign3A_1387 = arith.subi %sign3A_1383, %sign3A_1386 : i32
    %sign3A_1388 = arith.constant 0 : i32
    %sign3A_1389 = arith.cmpi sgt, %jit3A_1379, %sign3A_1388 : i32
    %sign3A_1390 = arith.extui %sign3A_1389 : i1 to i32
    %sign3A_1391 = arith.constant 0 : i32
    %sign3A_1392 = arith.cmpi slt, %jit3A_1379, %sign3A_1391 : i32
    %sign3A_1393 = arith.extui %sign3A_1392 : i1 to i32
    %sign3A_1394 = arith.subi %sign3A_1390, %sign3A_1393 : i32
    %ne3A_1395 = arith.cmpi ne, %sign3A_1387, %sign3A_1394 : i32
    %rem3A_1396 = arith.remsi %min3A_1378, %jit3A_1379 : i32
    %ne3A_1397 = arith.constant 0 : i32
    %ne3A_1398 = arith.cmpi ne, %rem3A_1396, %ne3A_1397 : i32
    %and3A_1399 = arith.andi %ne3A_1395, %ne3A_1398 : i1
    %sub3A_1400 = arith.constant 1 : i32
    %sub3A_1401 = arith.subi %div3A_1380, %sub3A_1400 : i32
    %select_n3A_1402 = arith.select %and3A_1399, %sub3A_1401, %div3A_1380 : i32
    %mul3A_1403 = arith.constant 16 : i32
    %mul3A_1404 = arith.muli %select_n3A_1402, %mul3A_1403 : i32
    %sub3A_1405 = arith.subi %min3A_1378, %mul3A_1404 : i32
    %get3A_1406 = arith.constant 5 : i32
    %get3A_1407 = arith.index_cast %get3A_1406 : i32 to index
    %get3A_1408 = arith.index_cast %mul3A_1404 : i32 to index
    %get3A_1409 = tpu.vector_load %arg8[%get3A_1407, %get3A_1408] {strides = array<i32>} : memref<8x3968xf32, #tpu.memory_space<vmem>>, vector<16xf32>,
    %iota3A_1410 = tpu.iota {dimensions = array<i32: 0>} : vector<16xi32>
    %eq3A_1411 = vector.broadcast %sub3A_1405 : i32 to vector<16xi32>
    %eq3A_1412 = arith.cmpi eq, %iota3A_1410, %eq3A_1411 : vector<16xi32>
    %broadcast_in_dim3A_1413 = vector.broadcast %and3A_1374 : i1 to vector<16xi1>
    %and3A_1414 = arith.andi %eq3A_1412, %broadcast_in_dim3A_1413 : vector<16xi1>
    %broadcast_in_dim3A_1415 = arith.constant 0xFF800000 : f32
    %broadcast_in_dim3A_1416 = vector.broadcast %broadcast_in_dim3A_1415 : f32 to vector<16xf32>
    %select_n3A_1417 = arith.select %and3A_1414, %broadcast_in_dim3A_1416, %get3A_1409 : vector<16xi1>, vector<16xf32>
    %swap3A_1418 = arith.constant 5 : i32
    %swap3A_1419 = arith.index_cast %swap3A_1418 : i32 to index
    %swap3A_1420 = arith.index_cast %mul3A_1404 : i32 to index
    %swap3A_1421 = tpu.vector_load %arg8[%swap3A_1419, %swap3A_1420] {strides = array<i32>} : memref<8x3968xf32, #tpu.memory_space<vmem>>, vector<16xf32>,
    tpu.vector_store %arg8[%swap3A_1419, %swap3A_1420], %select_n3A_1417 {strides = array<i32>} : memref<8x3968xf32, #tpu.memory_space<vmem>>, vector<16xf32>,
    %select_n3A_1422 = arith.select %and3A_1414, %get3A_1409, %select_n3A_977 : vector<16xi1>, vector<16xf32>
    %sub3A_1423 = arith.subi %reduce_max3A_170, %add3A_1098 : i32
    %ge3A_1424 = arith.constant 0 : i32
    %ge3A_1425 = arith.cmpi sge, %sub3A_1423, %ge3A_1424 : i32
    %lt3A_1426 = arith.constant 3968 : i32
    %lt3A_1427 = arith.cmpi slt, %sub3A_1423, %lt3A_1426 : i32
    %and3A_1428 = arith.andi %ge3A_1425, %lt3A_1427 : i1
    %max3A_1429 = arith.constant 0 : i32
    %max3A_1430 = arith.maxsi %sub3A_1423, %max3A_1429 : i32
    %min3A_1431 = arith.constant 3967 : i32
    %min3A_1432 = arith.minsi %max3A_1430, %min3A_1431 : i32
    %jit3A_1433 = arith.constant 16 : i32
    %div3A_1434 = arith.divsi %min3A_1432, %jit3A_1433 : i32
    %sign3A_1435 = arith.constant 0 : i32
    %sign3A_1436 = arith.cmpi sgt, %min3A_1432, %sign3A_1435 : i32
    %sign3A_1437 = arith.extui %sign3A_1436 : i1 to i32
    %sign3A_1438 = arith.constant 0 : i32
    %sign3A_1439 = arith.cmpi slt, %min3A_1432, %sign3A_1438 : i32
    %sign3A_1440 = arith.extui %sign3A_1439 : i1 to i32
    %sign3A_1441 = arith.subi %sign3A_1437, %sign3A_1440 : i32
    %sign3A_1442 = arith.constant 0 : i32
    %sign3A_1443 = arith.cmpi sgt, %jit3A_1433, %sign3A_1442 : i32
    %sign3A_1444 = arith.extui %sign3A_1443 : i1 to i32
    %sign3A_1445 = arith.constant 0 : i32
    %sign3A_1446 = arith.cmpi slt, %jit3A_1433, %sign3A_1445 : i32
    %sign3A_1447 = arith.extui %sign3A_1446 : i1 to i32
    %sign3A_1448 = arith.subi %sign3A_1444, %sign3A_1447 : i32
    %ne3A_1449 = arith.cmpi ne, %sign3A_1441, %sign3A_1448 : i32
    %rem3A_1450 = arith.remsi %min3A_1432, %jit3A_1433 : i32
    %ne3A_1451 = arith.constant 0 : i32
    %ne3A_1452 = arith.cmpi ne, %rem3A_1450, %ne3A_1451 : i32
    %and3A_1453 = arith.andi %ne3A_1449, %ne3A_1452 : i1
    %sub3A_1454 = arith.constant 1 : i32
    %sub3A_1455 = arith.subi %div3A_1434, %sub3A_1454 : i32
    %select_n3A_1456 = arith.select %and3A_1453, %sub3A_1455, %div3A_1434 : i32
    %mul3A_1457 = arith.constant 16 : i32
    %mul3A_1458 = arith.muli %select_n3A_1456, %mul3A_1457 : i32
    %sub3A_1459 = arith.subi %min3A_1432, %mul3A_1458 : i32
    %get3A_1460 = arith.constant 6 : i32
    %get3A_1461 = arith.index_cast %get3A_1460 : i32 to index
    %get3A_1462 = arith.index_cast %mul3A_1458 : i32 to index
    %get3A_1463 = tpu.vector_load %arg8[%get3A_1461, %get3A_1462] {strides = array<i32>} : memref<8x3968xf32, #tpu.memory_space<vmem>>, vector<16xf32>,
    %iota3A_1464 = tpu.iota {dimensions = array<i32: 0>} : vector<16xi32>
    %eq3A_1465 = vector.broadcast %sub3A_1459 : i32 to vector<16xi32>
    %eq3A_1466 = arith.cmpi eq, %iota3A_1464, %eq3A_1465 : vector<16xi32>
    %broadcast_in_dim3A_1467 = vector.broadcast %and3A_1428 : i1 to vector<16xi1>
    %and3A_1468 = arith.andi %eq3A_1466, %broadcast_in_dim3A_1467 : vector<16xi1>
    %broadcast_in_dim3A_1469 = arith.constant 0xFF800000 : f32
    %broadcast_in_dim3A_1470 = vector.broadcast %broadcast_in_dim3A_1469 : f32 to vector<16xf32>
    %select_n3A_1471 = arith.select %and3A_1468, %broadcast_in_dim3A_1470, %get3A_1463 : vector<16xi1>, vector<16xf32>
    %swap3A_1472 = arith.constant 6 : i32
    %swap3A_1473 = arith.index_cast %swap3A_1472 : i32 to index
    %swap3A_1474 = arith.index_cast %mul3A_1458 : i32 to index
    %swap3A_1475 = tpu.vector_load %arg8[%swap3A_1473, %swap3A_1474] {strides = array<i32>} : memref<8x3968xf32, #tpu.memory_space<vmem>>, vector<16xf32>,
    tpu.vector_store %arg8[%swap3A_1473, %swap3A_1474], %select_n3A_1471 {strides = array<i32>} : memref<8x3968xf32, #tpu.memory_space<vmem>>, vector<16xf32>,
    %select_n3A_1476 = arith.select %and3A_1468, %get3A_1463, %select_n3A_1031 : vector<16xi1>, vector<16xf32>
    %sub3A_1477 = arith.subi %reduce_max3A_185, %add3A_1098 : i32
    %ge3A_1478 = arith.constant 0 : i32
    %ge3A_1479 = arith.cmpi sge, %sub3A_1477, %ge3A_1478 : i32
    %lt3A_1480 = arith.constant 3968 : i32
    %lt3A_1481 = arith.cmpi slt, %sub3A_1477, %lt3A_1480 : i32
    %and3A_1482 = arith.andi %ge3A_1479, %lt3A_1481 : i1
    %max3A_1483 = arith.constant 0 : i32
    %max3A_1484 = arith.maxsi %sub3A_1477, %max3A_1483 : i32
    %min3A_1485 = arith.constant 3967 : i32
    %min3A_1486 = arith.minsi %max3A_1484, %min3A_1485 : i32
    %jit3A_1487 = arith.constant 16 : i32
    %div3A_1488 = arith.divsi %min3A_1486, %jit3A_1487 : i32
    %sign3A_1489 = arith.constant 0 : i32
    %sign3A_1490 = arith.cmpi sgt, %min3A_1486, %sign3A_1489 : i32
    %sign3A_1491 = arith.extui %sign3A_1490 : i1 to i32
    %sign3A_1492 = arith.constant 0 : i32
    %sign3A_1493 = arith.cmpi slt, %min3A_1486, %sign3A_1492 : i32
    %sign3A_1494 = arith.extui %sign3A_1493 : i1 to i32
    %sign3A_1495 = arith.subi %sign3A_1491, %sign3A_1494 : i32
    %sign3A_1496 = arith.constant 0 : i32
    %sign3A_1497 = arith.cmpi sgt, %jit3A_1487, %sign3A_1496 : i32
    %sign3A_1498 = arith.extui %sign3A_1497 : i1 to i32
    %sign3A_1499 = arith.constant 0 : i32
    %sign3A_1500 = arith.cmpi slt, %jit3A_1487, %sign3A_1499 : i32
    %sign3A_1501 = arith.extui %sign3A_1500 : i1 to i32
    %sign3A_1502 = arith.subi %sign3A_1498, %sign3A_1501 : i32
    %ne3A_1503 = arith.cmpi ne, %sign3A_1495, %sign3A_1502 : i32
    %rem3A_1504 = arith.remsi %min3A_1486, %jit3A_1487 : i32
    %ne3A_1505 = arith.constant 0 : i32
    %ne3A_1506 = arith.cmpi ne, %rem3A_1504, %ne3A_1505 : i32
    %and3A_1507 = arith.andi %ne3A_1503, %ne3A_1506 : i1
    %sub3A_1508 = arith.constant 1 : i32
    %sub3A_1509 = arith.subi %div3A_1488, %sub3A_1508 : i32
    %select_n3A_1510 = arith.select %and3A_1507, %sub3A_1509, %div3A_1488 : i32
    %mul3A_1511 = arith.constant 16 : i32
    %mul3A_1512 = arith.muli %select_n3A_1510, %mul3A_1511 : i32
    %sub3A_1513 = arith.subi %min3A_1486, %mul3A_1512 : i32
    %get3A_1514 = arith.constant 7 : i32
    %get3A_1515 = arith.index_cast %get3A_1514 : i32 to index
    %get3A_1516 = arith.index_cast %mul3A_1512 : i32 to index
    %get3A_1517 = tpu.vector_load %arg8[%get3A_1515, %get3A_1516] {strides = array<i32>} : memref<8x3968xf32, #tpu.memory_space<vmem>>, vector<16xf32>,
    %iota3A_1518 = tpu.iota {dimensions = array<i32: 0>} : vector<16xi32>
    %eq3A_1519 = vector.broadcast %sub3A_1513 : i32 to vector<16xi32>
    %eq3A_1520 = arith.cmpi eq, %iota3A_1518, %eq3A_1519 : vector<16xi32>
    %broadcast_in_dim3A_1521 = vector.broadcast %and3A_1482 : i1 to vector<16xi1>
    %and3A_1522 = arith.andi %eq3A_1520, %broadcast_in_dim3A_1521 : vector<16xi1>
    %broadcast_in_dim3A_1523 = arith.constant 0xFF800000 : f32
    %broadcast_in_dim3A_1524 = vector.broadcast %broadcast_in_dim3A_1523 : f32 to vector<16xf32>
    %select_n3A_1525 = arith.select %and3A_1522, %broadcast_in_dim3A_1524, %get3A_1517 : vector<16xi1>, vector<16xf32>
    %swap3A_1526 = arith.constant 7 : i32
    %swap3A_1527 = arith.index_cast %swap3A_1526 : i32 to index
    %swap3A_1528 = arith.index_cast %mul3A_1512 : i32 to index
    %swap3A_1529 = tpu.vector_load %arg8[%swap3A_1527, %swap3A_1528] {strides = array<i32>} : memref<8x3968xf32, #tpu.memory_space<vmem>>, vector<16xf32>,
    tpu.vector_store %arg8[%swap3A_1527, %swap3A_1528], %select_n3A_1525 {strides = array<i32>} : memref<8x3968xf32, #tpu.memory_space<vmem>>, vector<16xf32>,
    %select_n3A_1530 = arith.select %and3A_1522, %get3A_1517, %select_n3A_1085 : vector<16xi1>, vector<16xf32>
    %scan3A_1531 = arith.constant 0 : i32
    %scan3A_1532 = arith.constant 248 : i32
    %scan3A_1533 = arith.addi %scan3A_1531, %scan3A_1532 : i32
    %scan3A_1534 = arith.constant 1 : i32
    %scan3A_1535:8 = scf.for %scan3A_2285 = %scan3A_1531 to %scan3A_1533 step %scan3A_1534 iter_args(%scan3A_2286 = %scan3A_1090#0, %scan3A_2287 = %scan3A_1090#1, %scan3A_2288 = %scan3A_1090#2, %scan3A_2289 = %scan3A_1090#3, %scan3A_2290 = %scan3A_1090#4, %scan3A_2291 = %scan3A_1090#5, %scan3A_2292 = %scan3A_1090#6, %scan3A_2293 = %scan3A_1090#7) -> (vector<16xf32>, vector<16xf32>, vector<16xf32>, vector<16xf32>, vector<16xf32>, vector<16xf32>, vector<16xf32>, vector<16xf32>)  : i32 {
      %mul3A_2294 = arith.constant 16 : i32
      %mul3A_2295 = arith.muli %scan3A_2285, %mul3A_2294 : i32
      %get3A_2296 = arith.constant 0 : i32
      %get3A_2297 = arith.index_cast %get3A_2296 : i32 to index
      %get3A_2298 = arith.index_cast %mul3A_2295 : i32 to index
      %get3A_2299 = tpu.vector_load %arg8[%get3A_2297, %get3A_2298] {strides = array<i32>} : memref<8x3968xf32, #tpu.memory_space<vmem>>, vector<16xf32>,
      %max3A_2300 = arith.maximumf %scan3A_2286, %get3A_2299 : vector<16xf32>
      %get3A_2301 = arith.constant 1 : i32
      %get3A_2302 = arith.index_cast %get3A_2301 : i32 to index
      %get3A_2303 = arith.index_cast %mul3A_2295 : i32 to index
      %get3A_2304 = tpu.vector_load %arg8[%get3A_2302, %get3A_2303] {strides = array<i32>} : memref<8x3968xf32, #tpu.memory_space<vmem>>, vector<16xf32>,
      %max3A_2305 = arith.maximumf %scan3A_2287, %get3A_2304 : vector<16xf32>
      %get3A_2306 = arith.constant 2 : i32
      %get3A_2307 = arith.index_cast %get3A_2306 : i32 to index
      %get3A_2308 = arith.index_cast %mul3A_2295 : i32 to index
      %get3A_2309 = tpu.vector_load %arg8[%get3A_2307, %get3A_2308] {strides = array<i32>} : memref<8x3968xf32, #tpu.memory_space<vmem>>, vector<16xf32>,
      %max3A_2310 = arith.maximumf %scan3A_2288, %get3A_2309 : vector<16xf32>
      %get3A_2311 = arith.constant 3 : i32
      %get3A_2312 = arith.index_cast %get3A_2311 : i32 to index
      %get3A_2313 = arith.index_cast %mul3A_2295 : i32 to index
      %get3A_2314 = tpu.vector_load %arg8[%get3A_2312, %get3A_2313] {strides = array<i32>} : memref<8x3968xf32, #tpu.memory_space<vmem>>, vector<16xf32>,
      %max3A_2315 = arith.maximumf %scan3A_2289, %get3A_2314 : vector<16xf32>
      %get3A_2316 = arith.constant 4 : i32
      %get3A_2317 = arith.index_cast %get3A_2316 : i32 to index
      %get3A_2318 = arith.index_cast %mul3A_2295 : i32 to index
      %get3A_2319 = tpu.vector_load %arg8[%get3A_2317, %get3A_2318] {strides = array<i32>} : memref<8x3968xf32, #tpu.memory_space<vmem>>, vector<16xf32>,
      %max3A_2320 = arith.maximumf %scan3A_2290, %get3A_2319 : vector<16xf32>
      %get3A_2321 = arith.constant 5 : i32
      %get3A_2322 = arith.index_cast %get3A_2321 : i32 to index
      %get3A_2323 = arith.index_cast %mul3A_2295 : i32 to index
      %get3A_2324 = tpu.vector_load %arg8[%get3A_2322, %get3A_2323] {strides = array<i32>} : memref<8x3968xf32, #tpu.memory_space<vmem>>, vector<16xf32>,
      %max3A_2325 = arith.maximumf %scan3A_2291, %get3A_2324 : vector<16xf32>
      %get3A_2326 = arith.constant 6 : i32
      %get3A_2327 = arith.index_cast %get3A_2326 : i32 to index
      %get3A_2328 = arith.index_cast %mul3A_2295 : i32 to index
      %get3A_2329 = tpu.vector_load %arg8[%get3A_2327, %get3A_2328] {strides = array<i32>} : memref<8x3968xf32, #tpu.memory_space<vmem>>, vector<16xf32>,
      %max3A_2330 = arith.maximumf %scan3A_2292, %get3A_2329 : vector<16xf32>
      %get3A_2331 = arith.constant 7 : i32
      %get3A_2332 = arith.index_cast %get3A_2331 : i32 to index
      %get3A_2333 = arith.index_cast %mul3A_2295 : i32 to index
      %get3A_2334 = tpu.vector_load %arg8[%get3A_2332, %get3A_2333] {strides = array<i32>} : memref<8x3968xf32, #tpu.memory_space<vmem>>, vector<16xf32>,
      %max3A_2335 = arith.maximumf %scan3A_2293, %get3A_2334 : vector<16xf32>
      scf.yield %max3A_2300, %max3A_2305, %max3A_2310, %max3A_2315, %max3A_2320, %max3A_2325, %max3A_2330, %max3A_2335 : vector<16xf32>, vector<16xf32>, vector<16xf32>, vector<16xf32>, vector<16xf32>, vector<16xf32>, vector<16xf32>, vector<16xf32>
    }
    %scan3A_1536 = arith.constant 248 : i32
    "tpu.region"() ({
      %run_scoped3A = tpu.sem_alloc : memref<!tpu.dma_semaphore, #tpu.memory_space<semaphore_mem>>
      %dma_start3A_2285 = arith.constant 0 : i32
      %dma_start3A_2286 = tpu.memref_slice %arg3[%multiple_of3A, %dma_start3A_2285] : memref<64x64xf32, #tpu.memory_space<hbm>> -> memref<8x64xf32, #tpu.memory_space<hbm>>
      %dma_start3A_2287 = arith.constant 0 : i32
      %dma_start3A_2288 = tpu.memref_slice %arg3[%multiple_of3A, %dma_start3A_2287] : memref<64x64xf32, #tpu.memory_space<hbm>> -> memref<8x64xf32, #tpu.memory_space<hbm>>
      tpu.enqueue_dma source(%dma_start3A_2288 : memref<8x64xf32, #tpu.memory_space<hbm>>) target(%arg9 : memref<8x64xf32, #tpu.memory_space<vmem>>) target_semaphore(%run_scoped3A : memref<!tpu.dma_semaphore, #tpu.memory_space<semaphore_mem>>)
      %dma_wait3A_2289 = arith.constant 0 : i32
      %dma_wait3A_2290 = tpu.memref_slice %arg3[%multiple_of3A, %dma_wait3A_2289] : memref<64x64xf32, #tpu.memory_space<hbm>> -> memref<8x64xf32, #tpu.memory_space<hbm>>
      %dma_wait3A_2291 = arith.constant 0 : i32
      %dma_wait3A_2292 = tpu.memref_slice %arg3[%multiple_of3A, %dma_wait3A_2291] : memref<64x64xf32, #tpu.memory_space<hbm>> -> memref<8x64xf32, #tpu.memory_space<hbm>>
      tpu.wait_dma2 semaphore(%run_scoped3A : memref<!tpu.dma_semaphore, #tpu.memory_space<semaphore_mem>>) src(%dma_wait3A_2292 : memref<8x64xf32, #tpu.memory_space<hbm>>) dst(%arg9 : memref<8x64xf32, #tpu.memory_space<vmem>>)
      tpu.yield
    }) : () -> ()
    %sub3A_1537 = arith.constant 999936 : i32
    %sub3A_1538 = arith.subi %reduce_max3A_80, %sub3A_1537 : i32
    %ge3A_1539 = arith.constant 0 : i32
    %ge3A_1540 = arith.cmpi sge, %sub3A_1538, %ge3A_1539 : i32
    %lt3A_1541 = arith.constant 64 : i32
    %lt3A_1542 = arith.cmpi slt, %sub3A_1538, %lt3A_1541 : i32
    %and3A_1543 = arith.andi %ge3A_1540, %lt3A_1542 : i1
    %max3A_1544 = arith.constant 0 : i32
    %max3A_1545 = arith.maxsi %sub3A_1538, %max3A_1544 : i32
    %min3A_1546 = arith.constant 63 : i32
    %min3A_1547 = arith.minsi %max3A_1545, %min3A_1546 : i32
    %jit3A_1548 = arith.constant 16 : i32
    %div3A_1549 = arith.divsi %min3A_1547, %jit3A_1548 : i32
    %sign3A_1550 = arith.constant 0 : i32
    %sign3A_1551 = arith.cmpi sgt, %min3A_1547, %sign3A_1550 : i32
    %sign3A_1552 = arith.extui %sign3A_1551 : i1 to i32
    %sign3A_1553 = arith.constant 0 : i32
    %sign3A_1554 = arith.cmpi slt, %min3A_1547, %sign3A_1553 : i32
    %sign3A_1555 = arith.extui %sign3A_1554 : i1 to i32
    %sign3A_1556 = arith.subi %sign3A_1552, %sign3A_1555 : i32
    %sign3A_1557 = arith.constant 0 : i32
    %sign3A_1558 = arith.cmpi sgt, %jit3A_1548, %sign3A_1557 : i32
    %sign3A_1559 = arith.extui %sign3A_1558 : i1 to i32
    %sign3A_1560 = arith.constant 0 : i32
    %sign3A_1561 = arith.cmpi slt, %jit3A_1548, %sign3A_1560 : i32
    %sign3A_1562 = arith.extui %sign3A_1561 : i1 to i32
    %sign3A_1563 = arith.subi %sign3A_1559, %sign3A_1562 : i32
    %ne3A_1564 = arith.cmpi ne, %sign3A_1556, %sign3A_1563 : i32
    %rem3A_1565 = arith.remsi %min3A_1547, %jit3A_1548 : i32
    %ne3A_1566 = arith.constant 0 : i32
    %ne3A_1567 = arith.cmpi ne, %rem3A_1565, %ne3A_1566 : i32
    %and3A_1568 = arith.andi %ne3A_1564, %ne3A_1567 : i1
    %sub3A_1569 = arith.constant 1 : i32
    %sub3A_1570 = arith.subi %div3A_1549, %sub3A_1569 : i32
    %select_n3A_1571 = arith.select %and3A_1568, %sub3A_1570, %div3A_1549 : i32
    %mul3A_1572 = arith.constant 16 : i32
    %mul3A_1573 = arith.muli %select_n3A_1571, %mul3A_1572 : i32
    %sub3A_1574 = arith.subi %min3A_1547, %mul3A_1573 : i32
    %get3A_1575 = arith.constant 0 : i32
    %get3A_1576 = arith.index_cast %get3A_1575 : i32 to index
    %get3A_1577 = arith.index_cast %mul3A_1573 : i32 to index
    %get3A_1578 = tpu.vector_load %arg9[%get3A_1576, %get3A_1577] {strides = array<i32>} : memref<8x64xf32, #tpu.memory_space<vmem>>, vector<16xf32>,
    %iota3A_1579 = tpu.iota {dimensions = array<i32: 0>} : vector<16xi32>
    %eq3A_1580 = vector.broadcast %sub3A_1574 : i32 to vector<16xi32>
    %eq3A_1581 = arith.cmpi eq, %iota3A_1579, %eq3A_1580 : vector<16xi32>
    %broadcast_in_dim3A_1582 = vector.broadcast %and3A_1543 : i1 to vector<16xi1>
    %and3A_1583 = arith.andi %eq3A_1581, %broadcast_in_dim3A_1582 : vector<16xi1>
    %broadcast_in_dim3A_1584 = arith.constant 0xFF800000 : f32
    %broadcast_in_dim3A_1585 = vector.broadcast %broadcast_in_dim3A_1584 : f32 to vector<16xf32>
    %select_n3A_1586 = arith.select %and3A_1583, %broadcast_in_dim3A_1585, %get3A_1578 : vector<16xi1>, vector<16xf32>
    %swap3A_1587 = arith.constant 0 : i32
    %swap3A_1588 = arith.index_cast %swap3A_1587 : i32 to index
    %swap3A_1589 = arith.index_cast %mul3A_1573 : i32 to index
    %swap3A_1590 = tpu.vector_load %arg9[%swap3A_1588, %swap3A_1589] {strides = array<i32>} : memref<8x64xf32, #tpu.memory_space<vmem>>, vector<16xf32>,
    tpu.vector_store %arg9[%swap3A_1588, %swap3A_1589], %select_n3A_1586 {strides = array<i32>} : memref<8x64xf32, #tpu.memory_space<vmem>>, vector<16xf32>,
    %select_n3A_1591 = arith.select %and3A_1583, %get3A_1578, %select_n3A_1152 : vector<16xi1>, vector<16xf32>
    %get3A_1592 = arith.constant 0 : i32
    %get3A_1593 = arith.index_cast %get3A_1592 : i32 to index
    %get3A_1594 = arith.constant 0 : index
    %get3A_1595 = tpu.vector_load %arg9[%get3A_1593, %get3A_1594] {strides = array<i32>} : memref<8x64xf32, #tpu.memory_space<vmem>>, vector<16xf32>,
    %max3A_1596 = arith.maximumf %scan3A_1535#0, %get3A_1595 : vector<16xf32>
    %get3A_1597 = arith.constant 0 : i32
    %get3A_1598 = arith.index_cast %get3A_1597 : i32 to index
    %get3A_1599 = arith.constant 16 : index
    %get3A_1600 = tpu.vector_load %arg9[%get3A_1598, %get3A_1599] {strides = array<i32>} : memref<8x64xf32, #tpu.memory_space<vmem>>, vector<16xf32>,
    %max3A_1601 = arith.maximumf %max3A_1596, %get3A_1600 : vector<16xf32>
    %get3A_1602 = arith.constant 0 : i32
    %get3A_1603 = arith.index_cast %get3A_1602 : i32 to index
    %get3A_1604 = arith.constant 32 : index
    %get3A_1605 = tpu.vector_load %arg9[%get3A_1603, %get3A_1604] {strides = array<i32>} : memref<8x64xf32, #tpu.memory_space<vmem>>, vector<16xf32>,
    %max3A_1606 = arith.maximumf %max3A_1601, %get3A_1605 : vector<16xf32>
    %get3A_1607 = arith.constant 0 : i32
    %get3A_1608 = arith.index_cast %get3A_1607 : i32 to index
    %get3A_1609 = arith.constant 48 : index
    %get3A_1610 = tpu.vector_load %arg9[%get3A_1608, %get3A_1609] {strides = array<i32>} : memref<8x64xf32, #tpu.memory_space<vmem>>, vector<16xf32>,
    %max3A_1611 = arith.maximumf %max3A_1606, %get3A_1610 : vector<16xf32>
    %sub3A_1612 = arith.constant 999936 : i32
    %sub3A_1613 = arith.subi %reduce_max3A_95, %sub3A_1612 : i32
    %ge3A_1614 = arith.constant 0 : i32
    %ge3A_1615 = arith.cmpi sge, %sub3A_1613, %ge3A_1614 : i32
    %lt3A_1616 = arith.constant 64 : i32
    %lt3A_1617 = arith.cmpi slt, %sub3A_1613, %lt3A_1616 : i32
    %and3A_1618 = arith.andi %ge3A_1615, %lt3A_1617 : i1
    %max3A_1619 = arith.constant 0 : i32
    %max3A_1620 = arith.maxsi %sub3A_1613, %max3A_1619 : i32
    %min3A_1621 = arith.constant 63 : i32
    %min3A_1622 = arith.minsi %max3A_1620, %min3A_1621 : i32
    %jit3A_1623 = arith.constant 16 : i32
    %div3A_1624 = arith.divsi %min3A_1622, %jit3A_1623 : i32
    %sign3A_1625 = arith.constant 0 : i32
    %sign3A_1626 = arith.cmpi sgt, %min3A_1622, %sign3A_1625 : i32
    %sign3A_1627 = arith.extui %sign3A_1626 : i1 to i32
    %sign3A_1628 = arith.constant 0 : i32
    %sign3A_1629 = arith.cmpi slt, %min3A_1622, %sign3A_1628 : i32
    %sign3A_1630 = arith.extui %sign3A_1629 : i1 to i32
    %sign3A_1631 = arith.subi %sign3A_1627, %sign3A_1630 : i32
    %sign3A_1632 = arith.constant 0 : i32
    %sign3A_1633 = arith.cmpi sgt, %jit3A_1623, %sign3A_1632 : i32
    %sign3A_1634 = arith.extui %sign3A_1633 : i1 to i32
    %sign3A_1635 = arith.constant 0 : i32
    %sign3A_1636 = arith.cmpi slt, %jit3A_1623, %sign3A_1635 : i32
    %sign3A_1637 = arith.extui %sign3A_1636 : i1 to i32
    %sign3A_1638 = arith.subi %sign3A_1634, %sign3A_1637 : i32
    %ne3A_1639 = arith.cmpi ne, %sign3A_1631, %sign3A_1638 : i32
    %rem3A_1640 = arith.remsi %min3A_1622, %jit3A_1623 : i32
    %ne3A_1641 = arith.constant 0 : i32
    %ne3A_1642 = arith.cmpi ne, %rem3A_1640, %ne3A_1641 : i32
    %and3A_1643 = arith.andi %ne3A_1639, %ne3A_1642 : i1
    %sub3A_1644 = arith.constant 1 : i32
    %sub3A_1645 = arith.subi %div3A_1624, %sub3A_1644 : i32
    %select_n3A_1646 = arith.select %and3A_1643, %sub3A_1645, %div3A_1624 : i32
    %mul3A_1647 = arith.constant 16 : i32
    %mul3A_1648 = arith.muli %select_n3A_1646, %mul3A_1647 : i32
    %sub3A_1649 = arith.subi %min3A_1622, %mul3A_1648 : i32
    %get3A_1650 = arith.constant 1 : i32
    %get3A_1651 = arith.index_cast %get3A_1650 : i32 to index
    %get3A_1652 = arith.index_cast %mul3A_1648 : i32 to index
    %get3A_1653 = tpu.vector_load %arg9[%get3A_1651, %get3A_1652] {strides = array<i32>} : memref<8x64xf32, #tpu.memory_space<vmem>>, vector<16xf32>,
    %iota3A_1654 = tpu.iota {dimensions = array<i32: 0>} : vector<16xi32>
    %eq3A_1655 = vector.broadcast %sub3A_1649 : i32 to vector<16xi32>
    %eq3A_1656 = arith.cmpi eq, %iota3A_1654, %eq3A_1655 : vector<16xi32>
    %broadcast_in_dim3A_1657 = vector.broadcast %and3A_1618 : i1 to vector<16xi1>
    %and3A_1658 = arith.andi %eq3A_1656, %broadcast_in_dim3A_1657 : vector<16xi1>
    %broadcast_in_dim3A_1659 = arith.constant 0xFF800000 : f32
    %broadcast_in_dim3A_1660 = vector.broadcast %broadcast_in_dim3A_1659 : f32 to vector<16xf32>
    %select_n3A_1661 = arith.select %and3A_1658, %broadcast_in_dim3A_1660, %get3A_1653 : vector<16xi1>, vector<16xf32>
    %swap3A_1662 = arith.constant 1 : i32
    %swap3A_1663 = arith.index_cast %swap3A_1662 : i32 to index
    %swap3A_1664 = arith.index_cast %mul3A_1648 : i32 to index
    %swap3A_1665 = tpu.vector_load %arg9[%swap3A_1663, %swap3A_1664] {strides = array<i32>} : memref<8x64xf32, #tpu.memory_space<vmem>>, vector<16xf32>,
    tpu.vector_store %arg9[%swap3A_1663, %swap3A_1664], %select_n3A_1661 {strides = array<i32>} : memref<8x64xf32, #tpu.memory_space<vmem>>, vector<16xf32>,
    %select_n3A_1666 = arith.select %and3A_1658, %get3A_1653, %select_n3A_1206 : vector<16xi1>, vector<16xf32>
    %get3A_1667 = arith.constant 1 : i32
    %get3A_1668 = arith.index_cast %get3A_1667 : i32 to index
    %get3A_1669 = arith.constant 0 : index
    %get3A_1670 = tpu.vector_load %arg9[%get3A_1668, %get3A_1669] {strides = array<i32>} : memref<8x64xf32, #tpu.memory_space<vmem>>, vector<16xf32>,
    %max3A_1671 = arith.maximumf %scan3A_1535#1, %get3A_1670 : vector<16xf32>
    %get3A_1672 = arith.constant 1 : i32
    %get3A_1673 = arith.index_cast %get3A_1672 : i32 to index
    %get3A_1674 = arith.constant 16 : index
    %get3A_1675 = tpu.vector_load %arg9[%get3A_1673, %get3A_1674] {strides = array<i32>} : memref<8x64xf32, #tpu.memory_space<vmem>>, vector<16xf32>,
    %max3A_1676 = arith.maximumf %max3A_1671, %get3A_1675 : vector<16xf32>
    %get3A_1677 = arith.constant 1 : i32
    %get3A_1678 = arith.index_cast %get3A_1677 : i32 to index
    %get3A_1679 = arith.constant 32 : index
    %get3A_1680 = tpu.vector_load %arg9[%get3A_1678, %get3A_1679] {strides = array<i32>} : memref<8x64xf32, #tpu.memory_space<vmem>>, vector<16xf32>,
    %max3A_1681 = arith.maximumf %max3A_1676, %get3A_1680 : vector<16xf32>
    %get3A_1682 = arith.constant 1 : i32
    %get3A_1683 = arith.index_cast %get3A_1682 : i32 to index
    %get3A_1684 = arith.constant 48 : index
    %get3A_1685 = tpu.vector_load %arg9[%get3A_1683, %get3A_1684] {strides = array<i32>} : memref<8x64xf32, #tpu.memory_space<vmem>>, vector<16xf32>,
    %max3A_1686 = arith.maximumf %max3A_1681, %get3A_1685 : vector<16xf32>
    %sub3A_1687 = arith.constant 999936 : i32
    %sub3A_1688 = arith.subi %reduce_max3A_110, %sub3A_1687 : i32
    %ge3A_1689 = arith.constant 0 : i32
    %ge3A_1690 = arith.cmpi sge, %sub3A_1688, %ge3A_1689 : i32
    %lt3A_1691 = arith.constant 64 : i32
    %lt3A_1692 = arith.cmpi slt, %sub3A_1688, %lt3A_1691 : i32
    %and3A_1693 = arith.andi %ge3A_1690, %lt3A_1692 : i1
    %max3A_1694 = arith.constant 0 : i32
    %max3A_1695 = arith.maxsi %sub3A_1688, %max3A_1694 : i32
    %min3A_1696 = arith.constant 63 : i32
    %min3A_1697 = arith.minsi %max3A_1695, %min3A_1696 : i32
    %jit3A_1698 = arith.constant 16 : i32
    %div3A_1699 = arith.divsi %min3A_1697, %jit3A_1698 : i32
    %sign3A_1700 = arith.constant 0 : i32
    %sign3A_1701 = arith.cmpi sgt, %min3A_1697, %sign3A_1700 : i32
    %sign3A_1702 = arith.extui %sign3A_1701 : i1 to i32
    %sign3A_1703 = arith.constant 0 : i32
    %sign3A_1704 = arith.cmpi slt, %min3A_1697, %sign3A_1703 : i32
    %sign3A_1705 = arith.extui %sign3A_1704 : i1 to i32
    %sign3A_1706 = arith.subi %sign3A_1702, %sign3A_1705 : i32
    %sign3A_1707 = arith.constant 0 : i32
    %sign3A_1708 = arith.cmpi sgt, %jit3A_1698, %sign3A_1707 : i32
    %sign3A_1709 = arith.extui %sign3A_1708 : i1 to i32
    %sign3A_1710 = arith.constant 0 : i32
    %sign3A_1711 = arith.cmpi slt, %jit3A_1698, %sign3A_1710 : i32
    %sign3A_1712 = arith.extui %sign3A_1711 : i1 to i32
    %sign3A_1713 = arith.subi %sign3A_1709, %sign3A_1712 : i32
    %ne3A_1714 = arith.cmpi ne, %sign3A_1706, %sign3A_1713 : i32
    %rem3A_1715 = arith.remsi %min3A_1697, %jit3A_1698 : i32
    %ne3A_1716 = arith.constant 0 : i32
    %ne3A_1717 = arith.cmpi ne, %rem3A_1715, %ne3A_1716 : i32
    %and3A_1718 = arith.andi %ne3A_1714, %ne3A_1717 : i1
    %sub3A_1719 = arith.constant 1 : i32
    %sub3A_1720 = arith.subi %div3A_1699, %sub3A_1719 : i32
    %select_n3A_1721 = arith.select %and3A_1718, %sub3A_1720, %div3A_1699 : i32
    %mul3A_1722 = arith.constant 16 : i32
    %mul3A_1723 = arith.muli %select_n3A_1721, %mul3A_1722 : i32
    %sub3A_1724 = arith.subi %min3A_1697, %mul3A_1723 : i32
    %get3A_1725 = arith.constant 2 : i32
    %get3A_1726 = arith.index_cast %get3A_1725 : i32 to index
    %get3A_1727 = arith.index_cast %mul3A_1723 : i32 to index
    %get3A_1728 = tpu.vector_load %arg9[%get3A_1726, %get3A_1727] {strides = array<i32>} : memref<8x64xf32, #tpu.memory_space<vmem>>, vector<16xf32>,
    %iota3A_1729 = tpu.iota {dimensions = array<i32: 0>} : vector<16xi32>
    %eq3A_1730 = vector.broadcast %sub3A_1724 : i32 to vector<16xi32>
    %eq3A_1731 = arith.cmpi eq, %iota3A_1729, %eq3A_1730 : vector<16xi32>
    %broadcast_in_dim3A_1732 = vector.broadcast %and3A_1693 : i1 to vector<16xi1>
    %and3A_1733 = arith.andi %eq3A_1731, %broadcast_in_dim3A_1732 : vector<16xi1>
    %broadcast_in_dim3A_1734 = arith.constant 0xFF800000 : f32
    %broadcast_in_dim3A_1735 = vector.broadcast %broadcast_in_dim3A_1734 : f32 to vector<16xf32>
    %select_n3A_1736 = arith.select %and3A_1733, %broadcast_in_dim3A_1735, %get3A_1728 : vector<16xi1>, vector<16xf32>
    %swap3A_1737 = arith.constant 2 : i32
    %swap3A_1738 = arith.index_cast %swap3A_1737 : i32 to index
    %swap3A_1739 = arith.index_cast %mul3A_1723 : i32 to index
    %swap3A_1740 = tpu.vector_load %arg9[%swap3A_1738, %swap3A_1739] {strides = array<i32>} : memref<8x64xf32, #tpu.memory_space<vmem>>, vector<16xf32>,
    tpu.vector_store %arg9[%swap3A_1738, %swap3A_1739], %select_n3A_1736 {strides = array<i32>} : memref<8x64xf32, #tpu.memory_space<vmem>>, vector<16xf32>,
    %select_n3A_1741 = arith.select %and3A_1733, %get3A_1728, %select_n3A_1260 : vector<16xi1>, vector<16xf32>
    %get3A_1742 = arith.constant 2 : i32
    %get3A_1743 = arith.index_cast %get3A_1742 : i32 to index
    %get3A_1744 = arith.constant 0 : index
    %get3A_1745 = tpu.vector_load %arg9[%get3A_1743, %get3A_1744] {strides = array<i32>} : memref<8x64xf32, #tpu.memory_space<vmem>>, vector<16xf32>,
    %max3A_1746 = arith.maximumf %scan3A_1535#2, %get3A_1745 : vector<16xf32>
    %get3A_1747 = arith.constant 2 : i32
    %get3A_1748 = arith.index_cast %get3A_1747 : i32 to index
    %get3A_1749 = arith.constant 16 : index
    %get3A_1750 = tpu.vector_load %arg9[%get3A_1748, %get3A_1749] {strides = array<i32>} : memref<8x64xf32, #tpu.memory_space<vmem>>, vector<16xf32>,
    %max3A_1751 = arith.maximumf %max3A_1746, %get3A_1750 : vector<16xf32>
    %get3A_1752 = arith.constant 2 : i32
    %get3A_1753 = arith.index_cast %get3A_1752 : i32 to index
    %get3A_1754 = arith.constant 32 : index
    %get3A_1755 = tpu.vector_load %arg9[%get3A_1753, %get3A_1754] {strides = array<i32>} : memref<8x64xf32, #tpu.memory_space<vmem>>, vector<16xf32>,
    %max3A_1756 = arith.maximumf %max3A_1751, %get3A_1755 : vector<16xf32>
    %get3A_1757 = arith.constant 2 : i32
    %get3A_1758 = arith.index_cast %get3A_1757 : i32 to index
    %get3A_1759 = arith.constant 48 : index
    %get3A_1760 = tpu.vector_load %arg9[%get3A_1758, %get3A_1759] {strides = array<i32>} : memref<8x64xf32, #tpu.memory_space<vmem>>, vector<16xf32>,
    %max3A_1761 = arith.maximumf %max3A_1756, %get3A_1760 : vector<16xf32>
    %sub3A_1762 = arith.constant 999936 : i32
    %sub3A_1763 = arith.subi %reduce_max3A_125, %sub3A_1762 : i32
    %ge3A_1764 = arith.constant 0 : i32
    %ge3A_1765 = arith.cmpi sge, %sub3A_1763, %ge3A_1764 : i32
    %lt3A_1766 = arith.constant 64 : i32
    %lt3A_1767 = arith.cmpi slt, %sub3A_1763, %lt3A_1766 : i32
    %and3A_1768 = arith.andi %ge3A_1765, %lt3A_1767 : i1
    %max3A_1769 = arith.constant 0 : i32
    %max3A_1770 = arith.maxsi %sub3A_1763, %max3A_1769 : i32
    %min3A_1771 = arith.constant 63 : i32
    %min3A_1772 = arith.minsi %max3A_1770, %min3A_1771 : i32
    %jit3A_1773 = arith.constant 16 : i32
    %div3A_1774 = arith.divsi %min3A_1772, %jit3A_1773 : i32
    %sign3A_1775 = arith.constant 0 : i32
    %sign3A_1776 = arith.cmpi sgt, %min3A_1772, %sign3A_1775 : i32
    %sign3A_1777 = arith.extui %sign3A_1776 : i1 to i32
    %sign3A_1778 = arith.constant 0 : i32
    %sign3A_1779 = arith.cmpi slt, %min3A_1772, %sign3A_1778 : i32
    %sign3A_1780 = arith.extui %sign3A_1779 : i1 to i32
    %sign3A_1781 = arith.subi %sign3A_1777, %sign3A_1780 : i32
    %sign3A_1782 = arith.constant 0 : i32
    %sign3A_1783 = arith.cmpi sgt, %jit3A_1773, %sign3A_1782 : i32
    %sign3A_1784 = arith.extui %sign3A_1783 : i1 to i32
    %sign3A_1785 = arith.constant 0 : i32
    %sign3A_1786 = arith.cmpi slt, %jit3A_1773, %sign3A_1785 : i32
    %sign3A_1787 = arith.extui %sign3A_1786 : i1 to i32
    %sign3A_1788 = arith.subi %sign3A_1784, %sign3A_1787 : i32
    %ne3A_1789 = arith.cmpi ne, %sign3A_1781, %sign3A_1788 : i32
    %rem3A_1790 = arith.remsi %min3A_1772, %jit3A_1773 : i32
    %ne3A_1791 = arith.constant 0 : i32
    %ne3A_1792 = arith.cmpi ne, %rem3A_1790, %ne3A_1791 : i32
    %and3A_1793 = arith.andi %ne3A_1789, %ne3A_1792 : i1
    %sub3A_1794 = arith.constant 1 : i32
    %sub3A_1795 = arith.subi %div3A_1774, %sub3A_1794 : i32
    %select_n3A_1796 = arith.select %and3A_1793, %sub3A_1795, %div3A_1774 : i32
    %mul3A_1797 = arith.constant 16 : i32
    %mul3A_1798 = arith.muli %select_n3A_1796, %mul3A_1797 : i32
    %sub3A_1799 = arith.subi %min3A_1772, %mul3A_1798 : i32
    %get3A_1800 = arith.constant 3 : i32
    %get3A_1801 = arith.index_cast %get3A_1800 : i32 to index
    %get3A_1802 = arith.index_cast %mul3A_1798 : i32 to index
    %get3A_1803 = tpu.vector_load %arg9[%get3A_1801, %get3A_1802] {strides = array<i32>} : memref<8x64xf32, #tpu.memory_space<vmem>>, vector<16xf32>,
    %iota3A_1804 = tpu.iota {dimensions = array<i32: 0>} : vector<16xi32>
    %eq3A_1805 = vector.broadcast %sub3A_1799 : i32 to vector<16xi32>
    %eq3A_1806 = arith.cmpi eq, %iota3A_1804, %eq3A_1805 : vector<16xi32>
    %broadcast_in_dim3A_1807 = vector.broadcast %and3A_1768 : i1 to vector<16xi1>
    %and3A_1808 = arith.andi %eq3A_1806, %broadcast_in_dim3A_1807 : vector<16xi1>
    %broadcast_in_dim3A_1809 = arith.constant 0xFF800000 : f32
    %broadcast_in_dim3A_1810 = vector.broadcast %broadcast_in_dim3A_1809 : f32 to vector<16xf32>
    %select_n3A_1811 = arith.select %and3A_1808, %broadcast_in_dim3A_1810, %get3A_1803 : vector<16xi1>, vector<16xf32>
    %swap3A_1812 = arith.constant 3 : i32
    %swap3A_1813 = arith.index_cast %swap3A_1812 : i32 to index
    %swap3A_1814 = arith.index_cast %mul3A_1798 : i32 to index
    %swap3A_1815 = tpu.vector_load %arg9[%swap3A_1813, %swap3A_1814] {strides = array<i32>} : memref<8x64xf32, #tpu.memory_space<vmem>>, vector<16xf32>,
    tpu.vector_store %arg9[%swap3A_1813, %swap3A_1814], %select_n3A_1811 {strides = array<i32>} : memref<8x64xf32, #tpu.memory_space<vmem>>, vector<16xf32>,
    %select_n3A_1816 = arith.select %and3A_1808, %get3A_1803, %select_n3A_1314 : vector<16xi1>, vector<16xf32>
    %get3A_1817 = arith.constant 3 : i32
    %get3A_1818 = arith.index_cast %get3A_1817 : i32 to index
    %get3A_1819 = arith.constant 0 : index
    %get3A_1820 = tpu.vector_load %arg9[%get3A_1818, %get3A_1819] {strides = array<i32>} : memref<8x64xf32, #tpu.memory_space<vmem>>, vector<16xf32>,
    %max3A_1821 = arith.maximumf %scan3A_1535#3, %get3A_1820 : vector<16xf32>
    %get3A_1822 = arith.constant 3 : i32
    %get3A_1823 = arith.index_cast %get3A_1822 : i32 to index
    %get3A_1824 = arith.constant 16 : index
    %get3A_1825 = tpu.vector_load %arg9[%get3A_1823, %get3A_1824] {strides = array<i32>} : memref<8x64xf32, #tpu.memory_space<vmem>>, vector<16xf32>,
    %max3A_1826 = arith.maximumf %max3A_1821, %get3A_1825 : vector<16xf32>
    %get3A_1827 = arith.constant 3 : i32
    %get3A_1828 = arith.index_cast %get3A_1827 : i32 to index
    %get3A_1829 = arith.constant 32 : index
    %get3A_1830 = tpu.vector_load %arg9[%get3A_1828, %get3A_1829] {strides = array<i32>} : memref<8x64xf32, #tpu.memory_space<vmem>>, vector<16xf32>,
    %max3A_1831 = arith.maximumf %max3A_1826, %get3A_1830 : vector<16xf32>
    %get3A_1832 = arith.constant 3 : i32
    %get3A_1833 = arith.index_cast %get3A_1832 : i32 to index
    %get3A_1834 = arith.constant 48 : index
    %get3A_1835 = tpu.vector_load %arg9[%get3A_1833, %get3A_1834] {strides = array<i32>} : memref<8x64xf32, #tpu.memory_space<vmem>>, vector<16xf32>,
    %max3A_1836 = arith.maximumf %max3A_1831, %get3A_1835 : vector<16xf32>
    %sub3A_1837 = arith.constant 999936 : i32
    %sub3A_1838 = arith.subi %reduce_max3A_140, %sub3A_1837 : i32
    %ge3A_1839 = arith.constant 0 : i32
    %ge3A_1840 = arith.cmpi sge, %sub3A_1838, %ge3A_1839 : i32
    %lt3A_1841 = arith.constant 64 : i32
    %lt3A_1842 = arith.cmpi slt, %sub3A_1838, %lt3A_1841 : i32
    %and3A_1843 = arith.andi %ge3A_1840, %lt3A_1842 : i1
    %max3A_1844 = arith.constant 0 : i32
    %max3A_1845 = arith.maxsi %sub3A_1838, %max3A_1844 : i32
    %min3A_1846 = arith.constant 63 : i32
    %min3A_1847 = arith.minsi %max3A_1845, %min3A_1846 : i32
    %jit3A_1848 = arith.constant 16 : i32
    %div3A_1849 = arith.divsi %min3A_1847, %jit3A_1848 : i32
    %sign3A_1850 = arith.constant 0 : i32
    %sign3A_1851 = arith.cmpi sgt, %min3A_1847, %sign3A_1850 : i32
    %sign3A_1852 = arith.extui %sign3A_1851 : i1 to i32
    %sign3A_1853 = arith.constant 0 : i32
    %sign3A_1854 = arith.cmpi slt, %min3A_1847, %sign3A_1853 : i32
    %sign3A_1855 = arith.extui %sign3A_1854 : i1 to i32
    %sign3A_1856 = arith.subi %sign3A_1852, %sign3A_1855 : i32
    %sign3A_1857 = arith.constant 0 : i32
    %sign3A_1858 = arith.cmpi sgt, %jit3A_1848, %sign3A_1857 : i32
    %sign3A_1859 = arith.extui %sign3A_1858 : i1 to i32
    %sign3A_1860 = arith.constant 0 : i32
    %sign3A_1861 = arith.cmpi slt, %jit3A_1848, %sign3A_1860 : i32
    %sign3A_1862 = arith.extui %sign3A_1861 : i1 to i32
    %sign3A_1863 = arith.subi %sign3A_1859, %sign3A_1862 : i32
    %ne3A_1864 = arith.cmpi ne, %sign3A_1856, %sign3A_1863 : i32
    %rem3A_1865 = arith.remsi %min3A_1847, %jit3A_1848 : i32
    %ne3A_1866 = arith.constant 0 : i32
    %ne3A_1867 = arith.cmpi ne, %rem3A_1865, %ne3A_1866 : i32
    %and3A_1868 = arith.andi %ne3A_1864, %ne3A_1867 : i1
    %sub3A_1869 = arith.constant 1 : i32
    %sub3A_1870 = arith.subi %div3A_1849, %sub3A_1869 : i32
    %select_n3A_1871 = arith.select %and3A_1868, %sub3A_1870, %div3A_1849 : i32
    %mul3A_1872 = arith.constant 16 : i32
    %mul3A_1873 = arith.muli %select_n3A_1871, %mul3A_1872 : i32
    %sub3A_1874 = arith.subi %min3A_1847, %mul3A_1873 : i32
    %get3A_1875 = arith.constant 4 : i32
    %get3A_1876 = arith.index_cast %get3A_1875 : i32 to index
    %get3A_1877 = arith.index_cast %mul3A_1873 : i32 to index
    %get3A_1878 = tpu.vector_load %arg9[%get3A_1876, %get3A_1877] {strides = array<i32>} : memref<8x64xf32, #tpu.memory_space<vmem>>, vector<16xf32>,
    %iota3A_1879 = tpu.iota {dimensions = array<i32: 0>} : vector<16xi32>
    %eq3A_1880 = vector.broadcast %sub3A_1874 : i32 to vector<16xi32>
    %eq3A_1881 = arith.cmpi eq, %iota3A_1879, %eq3A_1880 : vector<16xi32>
    %broadcast_in_dim3A_1882 = vector.broadcast %and3A_1843 : i1 to vector<16xi1>
    %and3A_1883 = arith.andi %eq3A_1881, %broadcast_in_dim3A_1882 : vector<16xi1>
    %broadcast_in_dim3A_1884 = arith.constant 0xFF800000 : f32
    %broadcast_in_dim3A_1885 = vector.broadcast %broadcast_in_dim3A_1884 : f32 to vector<16xf32>
    %select_n3A_1886 = arith.select %and3A_1883, %broadcast_in_dim3A_1885, %get3A_1878 : vector<16xi1>, vector<16xf32>
    %swap3A_1887 = arith.constant 4 : i32
    %swap3A_1888 = arith.index_cast %swap3A_1887 : i32 to index
    %swap3A_1889 = arith.index_cast %mul3A_1873 : i32 to index
    %swap3A_1890 = tpu.vector_load %arg9[%swap3A_1888, %swap3A_1889] {strides = array<i32>} : memref<8x64xf32, #tpu.memory_space<vmem>>, vector<16xf32>,
    tpu.vector_store %arg9[%swap3A_1888, %swap3A_1889], %select_n3A_1886 {strides = array<i32>} : memref<8x64xf32, #tpu.memory_space<vmem>>, vector<16xf32>,
    %select_n3A_1891 = arith.select %and3A_1883, %get3A_1878, %select_n3A_1368 : vector<16xi1>, vector<16xf32>
    %get3A_1892 = arith.constant 4 : i32
    %get3A_1893 = arith.index_cast %get3A_1892 : i32 to index
    %get3A_1894 = arith.constant 0 : index
    %get3A_1895 = tpu.vector_load %arg9[%get3A_1893, %get3A_1894] {strides = array<i32>} : memref<8x64xf32, #tpu.memory_space<vmem>>, vector<16xf32>,
    %max3A_1896 = arith.maximumf %scan3A_1535#4, %get3A_1895 : vector<16xf32>
    %get3A_1897 = arith.constant 4 : i32
    %get3A_1898 = arith.index_cast %get3A_1897 : i32 to index
    %get3A_1899 = arith.constant 16 : index
    %get3A_1900 = tpu.vector_load %arg9[%get3A_1898, %get3A_1899] {strides = array<i32>} : memref<8x64xf32, #tpu.memory_space<vmem>>, vector<16xf32>,
    %max3A_1901 = arith.maximumf %max3A_1896, %get3A_1900 : vector<16xf32>
    %get3A_1902 = arith.constant 4 : i32
    %get3A_1903 = arith.index_cast %get3A_1902 : i32 to index
    %get3A_1904 = arith.constant 32 : index
    %get3A_1905 = tpu.vector_load %arg9[%get3A_1903, %get3A_1904] {strides = array<i32>} : memref<8x64xf32, #tpu.memory_space<vmem>>, vector<16xf32>,
    %max3A_1906 = arith.maximumf %max3A_1901, %get3A_1905 : vector<16xf32>
    %get3A_1907 = arith.constant 4 : i32
    %get3A_1908 = arith.index_cast %get3A_1907 : i32 to index
    %get3A_1909 = arith.constant 48 : index
    %get3A_1910 = tpu.vector_load %arg9[%get3A_1908, %get3A_1909] {strides = array<i32>} : memref<8x64xf32, #tpu.memory_space<vmem>>, vector<16xf32>,
    %max3A_1911 = arith.maximumf %max3A_1906, %get3A_1910 : vector<16xf32>
    %sub3A_1912 = arith.constant 999936 : i32
    %sub3A_1913 = arith.subi %reduce_max3A_155, %sub3A_1912 : i32
    %ge3A_1914 = arith.constant 0 : i32
    %ge3A_1915 = arith.cmpi sge, %sub3A_1913, %ge3A_1914 : i32
    %lt3A_1916 = arith.constant 64 : i32
    %lt3A_1917 = arith.cmpi slt, %sub3A_1913, %lt3A_1916 : i32
    %and3A_1918 = arith.andi %ge3A_1915, %lt3A_1917 : i1
    %max3A_1919 = arith.constant 0 : i32
    %max3A_1920 = arith.maxsi %sub3A_1913, %max3A_1919 : i32
    %min3A_1921 = arith.constant 63 : i32
    %min3A_1922 = arith.minsi %max3A_1920, %min3A_1921 : i32
    %jit3A_1923 = arith.constant 16 : i32
    %div3A_1924 = arith.divsi %min3A_1922, %jit3A_1923 : i32
    %sign3A_1925 = arith.constant 0 : i32
    %sign3A_1926 = arith.cmpi sgt, %min3A_1922, %sign3A_1925 : i32
    %sign3A_1927 = arith.extui %sign3A_1926 : i1 to i32
    %sign3A_1928 = arith.constant 0 : i32
    %sign3A_1929 = arith.cmpi slt, %min3A_1922, %sign3A_1928 : i32
    %sign3A_1930 = arith.extui %sign3A_1929 : i1 to i32
    %sign3A_1931 = arith.subi %sign3A_1927, %sign3A_1930 : i32
    %sign3A_1932 = arith.constant 0 : i32
    %sign3A_1933 = arith.cmpi sgt, %jit3A_1923, %sign3A_1932 : i32
    %sign3A_1934 = arith.extui %sign3A_1933 : i1 to i32
    %sign3A_1935 = arith.constant 0 : i32
    %sign3A_1936 = arith.cmpi slt, %jit3A_1923, %sign3A_1935 : i32
    %sign3A_1937 = arith.extui %sign3A_1936 : i1 to i32
    %sign3A_1938 = arith.subi %sign3A_1934, %sign3A_1937 : i32
    %ne3A_1939 = arith.cmpi ne, %sign3A_1931, %sign3A_1938 : i32
    %rem3A_1940 = arith.remsi %min3A_1922, %jit3A_1923 : i32
    %ne3A_1941 = arith.constant 0 : i32
    %ne3A_1942 = arith.cmpi ne, %rem3A_1940, %ne3A_1941 : i32
    %and3A_1943 = arith.andi %ne3A_1939, %ne3A_1942 : i1
    %sub3A_1944 = arith.constant 1 : i32
    %sub3A_1945 = arith.subi %div3A_1924, %sub3A_1944 : i32
    %select_n3A_1946 = arith.select %and3A_1943, %sub3A_1945, %div3A_1924 : i32
    %mul3A_1947 = arith.constant 16 : i32
    %mul3A_1948 = arith.muli %select_n3A_1946, %mul3A_1947 : i32
    %sub3A_1949 = arith.subi %min3A_1922, %mul3A_1948 : i32
    %get3A_1950 = arith.constant 5 : i32
    %get3A_1951 = arith.index_cast %get3A_1950 : i32 to index
    %get3A_1952 = arith.index_cast %mul3A_1948 : i32 to index
    %get3A_1953 = tpu.vector_load %arg9[%get3A_1951, %get3A_1952] {strides = array<i32>} : memref<8x64xf32, #tpu.memory_space<vmem>>, vector<16xf32>,
    %iota3A_1954 = tpu.iota {dimensions = array<i32: 0>} : vector<16xi32>
    %eq3A_1955 = vector.broadcast %sub3A_1949 : i32 to vector<16xi32>
    %eq3A_1956 = arith.cmpi eq, %iota3A_1954, %eq3A_1955 : vector<16xi32>
    %broadcast_in_dim3A_1957 = vector.broadcast %and3A_1918 : i1 to vector<16xi1>
    %and3A_1958 = arith.andi %eq3A_1956, %broadcast_in_dim3A_1957 : vector<16xi1>
    %broadcast_in_dim3A_1959 = arith.constant 0xFF800000 : f32
    %broadcast_in_dim3A_1960 = vector.broadcast %broadcast_in_dim3A_1959 : f32 to vector<16xf32>
    %select_n3A_1961 = arith.select %and3A_1958, %broadcast_in_dim3A_1960, %get3A_1953 : vector<16xi1>, vector<16xf32>
    %swap3A_1962 = arith.constant 5 : i32
    %swap3A_1963 = arith.index_cast %swap3A_1962 : i32 to index
    %swap3A_1964 = arith.index_cast %mul3A_1948 : i32 to index
    %swap3A_1965 = tpu.vector_load %arg9[%swap3A_1963, %swap3A_1964] {strides = array<i32>} : memref<8x64xf32, #tpu.memory_space<vmem>>, vector<16xf32>,
    tpu.vector_store %arg9[%swap3A_1963, %swap3A_1964], %select_n3A_1961 {strides = array<i32>} : memref<8x64xf32, #tpu.memory_space<vmem>>, vector<16xf32>,
    %select_n3A_1966 = arith.select %and3A_1958, %get3A_1953, %select_n3A_1422 : vector<16xi1>, vector<16xf32>
    %get3A_1967 = arith.constant 5 : i32
    %get3A_1968 = arith.index_cast %get3A_1967 : i32 to index
    %get3A_1969 = arith.constant 0 : index
    %get3A_1970 = tpu.vector_load %arg9[%get3A_1968, %get3A_1969] {strides = array<i32>} : memref<8x64xf32, #tpu.memory_space<vmem>>, vector<16xf32>,
    %max3A_1971 = arith.maximumf %scan3A_1535#5, %get3A_1970 : vector<16xf32>
    %get3A_1972 = arith.constant 5 : i32
    %get3A_1973 = arith.index_cast %get3A_1972 : i32 to index
    %get3A_1974 = arith.constant 16 : index
    %get3A_1975 = tpu.vector_load %arg9[%get3A_1973, %get3A_1974] {strides = array<i32>} : memref<8x64xf32, #tpu.memory_space<vmem>>, vector<16xf32>,
    %max3A_1976 = arith.maximumf %max3A_1971, %get3A_1975 : vector<16xf32>
    %get3A_1977 = arith.constant 5 : i32
    %get3A_1978 = arith.index_cast %get3A_1977 : i32 to index
    %get3A_1979 = arith.constant 32 : index
    %get3A_1980 = tpu.vector_load %arg9[%get3A_1978, %get3A_1979] {strides = array<i32>} : memref<8x64xf32, #tpu.memory_space<vmem>>, vector<16xf32>,
    %max3A_1981 = arith.maximumf %max3A_1976, %get3A_1980 : vector<16xf32>
    %get3A_1982 = arith.constant 5 : i32
    %get3A_1983 = arith.index_cast %get3A_1982 : i32 to index
    %get3A_1984 = arith.constant 48 : index
    %get3A_1985 = tpu.vector_load %arg9[%get3A_1983, %get3A_1984] {strides = array<i32>} : memref<8x64xf32, #tpu.memory_space<vmem>>, vector<16xf32>,
    %max3A_1986 = arith.maximumf %max3A_1981, %get3A_1985 : vector<16xf32>
    %sub3A_1987 = arith.constant 999936 : i32
    %sub3A_1988 = arith.subi %reduce_max3A_170, %sub3A_1987 : i32
    %ge3A_1989 = arith.constant 0 : i32
    %ge3A_1990 = arith.cmpi sge, %sub3A_1988, %ge3A_1989 : i32
    %lt3A_1991 = arith.constant 64 : i32
    %lt3A_1992 = arith.cmpi slt, %sub3A_1988, %lt3A_1991 : i32
    %and3A_1993 = arith.andi %ge3A_1990, %lt3A_1992 : i1
    %max3A_1994 = arith.constant 0 : i32
    %max3A_1995 = arith.maxsi %sub3A_1988, %max3A_1994 : i32
    %min3A_1996 = arith.constant 63 : i32
    %min3A_1997 = arith.minsi %max3A_1995, %min3A_1996 : i32
    %jit3A_1998 = arith.constant 16 : i32
    %div3A_1999 = arith.divsi %min3A_1997, %jit3A_1998 : i32
    %sign3A_2000 = arith.constant 0 : i32
    %sign3A_2001 = arith.cmpi sgt, %min3A_1997, %sign3A_2000 : i32
    %sign3A_2002 = arith.extui %sign3A_2001 : i1 to i32
    %sign3A_2003 = arith.constant 0 : i32
    %sign3A_2004 = arith.cmpi slt, %min3A_1997, %sign3A_2003 : i32
    %sign3A_2005 = arith.extui %sign3A_2004 : i1 to i32
    %sign3A_2006 = arith.subi %sign3A_2002, %sign3A_2005 : i32
    %sign3A_2007 = arith.constant 0 : i32
    %sign3A_2008 = arith.cmpi sgt, %jit3A_1998, %sign3A_2007 : i32
    %sign3A_2009 = arith.extui %sign3A_2008 : i1 to i32
    %sign3A_2010 = arith.constant 0 : i32
    %sign3A_2011 = arith.cmpi slt, %jit3A_1998, %sign3A_2010 : i32
    %sign3A_2012 = arith.extui %sign3A_2011 : i1 to i32
    %sign3A_2013 = arith.subi %sign3A_2009, %sign3A_2012 : i32
    %ne3A_2014 = arith.cmpi ne, %sign3A_2006, %sign3A_2013 : i32
    %rem3A_2015 = arith.remsi %min3A_1997, %jit3A_1998 : i32
    %ne3A_2016 = arith.constant 0 : i32
    %ne3A_2017 = arith.cmpi ne, %rem3A_2015, %ne3A_2016 : i32
    %and3A_2018 = arith.andi %ne3A_2014, %ne3A_2017 : i1
    %sub3A_2019 = arith.constant 1 : i32
    %sub3A_2020 = arith.subi %div3A_1999, %sub3A_2019 : i32
    %select_n3A_2021 = arith.select %and3A_2018, %sub3A_2020, %div3A_1999 : i32
    %mul3A_2022 = arith.constant 16 : i32
    %mul3A_2023 = arith.muli %select_n3A_2021, %mul3A_2022 : i32
    %sub3A_2024 = arith.subi %min3A_1997, %mul3A_2023 : i32
    %get3A_2025 = arith.constant 6 : i32
    %get3A_2026 = arith.index_cast %get3A_2025 : i32 to index
    %get3A_2027 = arith.index_cast %mul3A_2023 : i32 to index
    %get3A_2028 = tpu.vector_load %arg9[%get3A_2026, %get3A_2027] {strides = array<i32>} : memref<8x64xf32, #tpu.memory_space<vmem>>, vector<16xf32>,
    %iota3A_2029 = tpu.iota {dimensions = array<i32: 0>} : vector<16xi32>
    %eq3A_2030 = vector.broadcast %sub3A_2024 : i32 to vector<16xi32>
    %eq3A_2031 = arith.cmpi eq, %iota3A_2029, %eq3A_2030 : vector<16xi32>
    %broadcast_in_dim3A_2032 = vector.broadcast %and3A_1993 : i1 to vector<16xi1>
    %and3A_2033 = arith.andi %eq3A_2031, %broadcast_in_dim3A_2032 : vector<16xi1>
    %broadcast_in_dim3A_2034 = arith.constant 0xFF800000 : f32
    %broadcast_in_dim3A_2035 = vector.broadcast %broadcast_in_dim3A_2034 : f32 to vector<16xf32>
    %select_n3A_2036 = arith.select %and3A_2033, %broadcast_in_dim3A_2035, %get3A_2028 : vector<16xi1>, vector<16xf32>
    %swap3A_2037 = arith.constant 6 : i32
    %swap3A_2038 = arith.index_cast %swap3A_2037 : i32 to index
    %swap3A_2039 = arith.index_cast %mul3A_2023 : i32 to index
    %swap3A_2040 = tpu.vector_load %arg9[%swap3A_2038, %swap3A_2039] {strides = array<i32>} : memref<8x64xf32, #tpu.memory_space<vmem>>, vector<16xf32>,
    tpu.vector_store %arg9[%swap3A_2038, %swap3A_2039], %select_n3A_2036 {strides = array<i32>} : memref<8x64xf32, #tpu.memory_space<vmem>>, vector<16xf32>,
    %select_n3A_2041 = arith.select %and3A_2033, %get3A_2028, %select_n3A_1476 : vector<16xi1>, vector<16xf32>
    %get3A_2042 = arith.constant 6 : i32
    %get3A_2043 = arith.index_cast %get3A_2042 : i32 to index
    %get3A_2044 = arith.constant 0 : index
    %get3A_2045 = tpu.vector_load %arg9[%get3A_2043, %get3A_2044] {strides = array<i32>} : memref<8x64xf32, #tpu.memory_space<vmem>>, vector<16xf32>,
    %max3A_2046 = arith.maximumf %scan3A_1535#6, %get3A_2045 : vector<16xf32>
    %get3A_2047 = arith.constant 6 : i32
    %get3A_2048 = arith.index_cast %get3A_2047 : i32 to index
    %get3A_2049 = arith.constant 16 : index
    %get3A_2050 = tpu.vector_load %arg9[%get3A_2048, %get3A_2049] {strides = array<i32>} : memref<8x64xf32, #tpu.memory_space<vmem>>, vector<16xf32>,
    %max3A_2051 = arith.maximumf %max3A_2046, %get3A_2050 : vector<16xf32>
    %get3A_2052 = arith.constant 6 : i32
    %get3A_2053 = arith.index_cast %get3A_2052 : i32 to index
    %get3A_2054 = arith.constant 32 : index
    %get3A_2055 = tpu.vector_load %arg9[%get3A_2053, %get3A_2054] {strides = array<i32>} : memref<8x64xf32, #tpu.memory_space<vmem>>, vector<16xf32>,
    %max3A_2056 = arith.maximumf %max3A_2051, %get3A_2055 : vector<16xf32>
    %get3A_2057 = arith.constant 6 : i32
    %get3A_2058 = arith.index_cast %get3A_2057 : i32 to index
    %get3A_2059 = arith.constant 48 : index
    %get3A_2060 = tpu.vector_load %arg9[%get3A_2058, %get3A_2059] {strides = array<i32>} : memref<8x64xf32, #tpu.memory_space<vmem>>, vector<16xf32>,
    %max3A_2061 = arith.maximumf %max3A_2056, %get3A_2060 : vector<16xf32>
    %sub3A_2062 = arith.constant 999936 : i32
    %sub3A_2063 = arith.subi %reduce_max3A_185, %sub3A_2062 : i32
    %ge3A_2064 = arith.constant 0 : i32
    %ge3A_2065 = arith.cmpi sge, %sub3A_2063, %ge3A_2064 : i32
    %lt3A_2066 = arith.constant 64 : i32
    %lt3A_2067 = arith.cmpi slt, %sub3A_2063, %lt3A_2066 : i32
    %and3A_2068 = arith.andi %ge3A_2065, %lt3A_2067 : i1
    %max3A_2069 = arith.constant 0 : i32
    %max3A_2070 = arith.maxsi %sub3A_2063, %max3A_2069 : i32
    %min3A_2071 = arith.constant 63 : i32
    %min3A_2072 = arith.minsi %max3A_2070, %min3A_2071 : i32
    %jit3A_2073 = arith.constant 16 : i32
    %div3A_2074 = arith.divsi %min3A_2072, %jit3A_2073 : i32
    %sign3A_2075 = arith.constant 0 : i32
    %sign3A_2076 = arith.cmpi sgt, %min3A_2072, %sign3A_2075 : i32
    %sign3A_2077 = arith.extui %sign3A_2076 : i1 to i32
    %sign3A_2078 = arith.constant 0 : i32
    %sign3A_2079 = arith.cmpi slt, %min3A_2072, %sign3A_2078 : i32
    %sign3A_2080 = arith.extui %sign3A_2079 : i1 to i32
    %sign3A_2081 = arith.subi %sign3A_2077, %sign3A_2080 : i32
    %sign3A_2082 = arith.constant 0 : i32
    %sign3A_2083 = arith.cmpi sgt, %jit3A_2073, %sign3A_2082 : i32
    %sign3A_2084 = arith.extui %sign3A_2083 : i1 to i32
    %sign3A_2085 = arith.constant 0 : i32
    %sign3A_2086 = arith.cmpi slt, %jit3A_2073, %sign3A_2085 : i32
    %sign3A_2087 = arith.extui %sign3A_2086 : i1 to i32
    %sign3A_2088 = arith.subi %sign3A_2084, %sign3A_2087 : i32
    %ne3A_2089 = arith.cmpi ne, %sign3A_2081, %sign3A_2088 : i32
    %rem3A_2090 = arith.remsi %min3A_2072, %jit3A_2073 : i32
    %ne3A_2091 = arith.constant 0 : i32
    %ne3A_2092 = arith.cmpi ne, %rem3A_2090, %ne3A_2091 : i32
    %and3A_2093 = arith.andi %ne3A_2089, %ne3A_2092 : i1
    %sub3A_2094 = arith.constant 1 : i32
    %sub3A_2095 = arith.subi %div3A_2074, %sub3A_2094 : i32
    %select_n3A_2096 = arith.select %and3A_2093, %sub3A_2095, %div3A_2074 : i32
    %mul3A_2097 = arith.constant 16 : i32
    %mul3A_2098 = arith.muli %select_n3A_2096, %mul3A_2097 : i32
    %sub3A_2099 = arith.subi %min3A_2072, %mul3A_2098 : i32
    %get3A_2100 = arith.constant 7 : i32
    %get3A_2101 = arith.index_cast %get3A_2100 : i32 to index
    %get3A_2102 = arith.index_cast %mul3A_2098 : i32 to index
    %get3A_2103 = tpu.vector_load %arg9[%get3A_2101, %get3A_2102] {strides = array<i32>} : memref<8x64xf32, #tpu.memory_space<vmem>>, vector<16xf32>,
    %iota3A_2104 = tpu.iota {dimensions = array<i32: 0>} : vector<16xi32>
    %eq3A_2105 = vector.broadcast %sub3A_2099 : i32 to vector<16xi32>
    %eq3A_2106 = arith.cmpi eq, %iota3A_2104, %eq3A_2105 : vector<16xi32>
    %broadcast_in_dim3A_2107 = vector.broadcast %and3A_2068 : i1 to vector<16xi1>
    %and3A_2108 = arith.andi %eq3A_2106, %broadcast_in_dim3A_2107 : vector<16xi1>
    %broadcast_in_dim3A_2109 = arith.constant 0xFF800000 : f32
    %broadcast_in_dim3A_2110 = vector.broadcast %broadcast_in_dim3A_2109 : f32 to vector<16xf32>
    %select_n3A_2111 = arith.select %and3A_2108, %broadcast_in_dim3A_2110, %get3A_2103 : vector<16xi1>, vector<16xf32>
    %swap3A_2112 = arith.constant 7 : i32
    %swap3A_2113 = arith.index_cast %swap3A_2112 : i32 to index
    %swap3A_2114 = arith.index_cast %mul3A_2098 : i32 to index
    %swap3A_2115 = tpu.vector_load %arg9[%swap3A_2113, %swap3A_2114] {strides = array<i32>} : memref<8x64xf32, #tpu.memory_space<vmem>>, vector<16xf32>,
    tpu.vector_store %arg9[%swap3A_2113, %swap3A_2114], %select_n3A_2111 {strides = array<i32>} : memref<8x64xf32, #tpu.memory_space<vmem>>, vector<16xf32>,
    %select_n3A_2116 = arith.select %and3A_2108, %get3A_2103, %select_n3A_1530 : vector<16xi1>, vector<16xf32>
    %get3A_2117 = arith.constant 7 : i32
    %get3A_2118 = arith.index_cast %get3A_2117 : i32 to index
    %get3A_2119 = arith.constant 0 : index
    %get3A_2120 = tpu.vector_load %arg9[%get3A_2118, %get3A_2119] {strides = array<i32>} : memref<8x64xf32, #tpu.memory_space<vmem>>, vector<16xf32>,
    %max3A_2121 = arith.maximumf %scan3A_1535#7, %get3A_2120 : vector<16xf32>
    %get3A_2122 = arith.constant 7 : i32
    %get3A_2123 = arith.index_cast %get3A_2122 : i32 to index
    %get3A_2124 = arith.constant 16 : index
    %get3A_2125 = tpu.vector_load %arg9[%get3A_2123, %get3A_2124] {strides = array<i32>} : memref<8x64xf32, #tpu.memory_space<vmem>>, vector<16xf32>,
    %max3A_2126 = arith.maximumf %max3A_2121, %get3A_2125 : vector<16xf32>
    %get3A_2127 = arith.constant 7 : i32
    %get3A_2128 = arith.index_cast %get3A_2127 : i32 to index
    %get3A_2129 = arith.constant 32 : index
    %get3A_2130 = tpu.vector_load %arg9[%get3A_2128, %get3A_2129] {strides = array<i32>} : memref<8x64xf32, #tpu.memory_space<vmem>>, vector<16xf32>,
    %max3A_2131 = arith.maximumf %max3A_2126, %get3A_2130 : vector<16xf32>
    %get3A_2132 = arith.constant 7 : i32
    %get3A_2133 = arith.index_cast %get3A_2132 : i32 to index
    %get3A_2134 = arith.constant 48 : index
    %get3A_2135 = tpu.vector_load %arg9[%get3A_2133, %get3A_2134] {strides = array<i32>} : memref<8x64xf32, #tpu.memory_space<vmem>>, vector<16xf32>,
    %max3A_2136 = arith.maximumf %max3A_2131, %get3A_2135 : vector<16xf32>
    %broadcast_in_dim3A_2137 = arith.constant 0.000000e+00 : f32
    %broadcast_in_dim3A_2138 = vector.broadcast %broadcast_in_dim3A_2137 : f32 to vector<16xf32>
    %eq3A_2139 = arith.constant 0 : i32
    %eq3A_2140 = vector.broadcast %eq3A_2139 : i32 to vector<16xi32>
    %eq3A_2141 = arith.cmpi eq, %iota3A, %eq3A_2140 : vector<16xi32>
    %reduce_max3A_2142 = arith.constant true
    %reduce_max3A_2143 = vector.broadcast %reduce_max3A_2142 : i1 to vector<16xi1>
    %reduce_max3A_2144 = tpu.scan <max>, %max3A_1611 masked %reduce_max3A_2143 : vector<16xf32>, vector<16xi1> -> vector<16xf32>
    %reduce_max3A_2145 = vector.extract %reduce_max3A_2144[15] : f32 from vector<16xf32>
    %broadcast_in_dim3A_2146 = vector.broadcast %reduce_max3A_2145 : f32 to vector<16xf32>
    %select_n3A_2147 = arith.select %eq3A_2141, %broadcast_in_dim3A_2146, %broadcast_in_dim3A_2138 : vector<16xi1>, vector<16xf32>
    %eq3A_2148 = arith.constant 8 : i32
    %eq3A_2149 = vector.broadcast %eq3A_2148 : i32 to vector<16xi32>
    %eq3A_2150 = arith.cmpi eq, %iota3A, %eq3A_2149 : vector<16xi32>
    %reduce_max3A_2151 = arith.constant true
    %reduce_max3A_2152 = vector.broadcast %reduce_max3A_2151 : i1 to vector<16xi1>
    %reduce_max3A_2153 = tpu.scan <max>, %select_n3A_1591 masked %reduce_max3A_2152 : vector<16xf32>, vector<16xi1> -> vector<16xf32>
    %reduce_max3A_2154 = vector.extract %reduce_max3A_2153[15] : f32 from vector<16xf32>
    %broadcast_in_dim3A_2155 = vector.broadcast %reduce_max3A_2154 : f32 to vector<16xf32>
    %select_n3A_2156 = arith.select %eq3A_2150, %broadcast_in_dim3A_2155, %select_n3A_2147 : vector<16xi1>, vector<16xf32>
    %eq3A_2157 = arith.constant 1 : i32
    %eq3A_2158 = vector.broadcast %eq3A_2157 : i32 to vector<16xi32>
    %eq3A_2159 = arith.cmpi eq, %iota3A, %eq3A_2158 : vector<16xi32>
    %reduce_max3A_2160 = arith.constant true
    %reduce_max3A_2161 = vector.broadcast %reduce_max3A_2160 : i1 to vector<16xi1>
    %reduce_max3A_2162 = tpu.scan <max>, %max3A_1686 masked %reduce_max3A_2161 : vector<16xf32>, vector<16xi1> -> vector<16xf32>
    %reduce_max3A_2163 = vector.extract %reduce_max3A_2162[15] : f32 from vector<16xf32>
    %broadcast_in_dim3A_2164 = vector.broadcast %reduce_max3A_2163 : f32 to vector<16xf32>
    %select_n3A_2165 = arith.select %eq3A_2159, %broadcast_in_dim3A_2164, %select_n3A_2156 : vector<16xi1>, vector<16xf32>
    %eq3A_2166 = arith.constant 9 : i32
    %eq3A_2167 = vector.broadcast %eq3A_2166 : i32 to vector<16xi32>
    %eq3A_2168 = arith.cmpi eq, %iota3A, %eq3A_2167 : vector<16xi32>
    %reduce_max3A_2169 = arith.constant true
    %reduce_max3A_2170 = vector.broadcast %reduce_max3A_2169 : i1 to vector<16xi1>
    %reduce_max3A_2171 = tpu.scan <max>, %select_n3A_1666 masked %reduce_max3A_2170 : vector<16xf32>, vector<16xi1> -> vector<16xf32>
    %reduce_max3A_2172 = vector.extract %reduce_max3A_2171[15] : f32 from vector<16xf32>
    %broadcast_in_dim3A_2173 = vector.broadcast %reduce_max3A_2172 : f32 to vector<16xf32>
    %select_n3A_2174 = arith.select %eq3A_2168, %broadcast_in_dim3A_2173, %select_n3A_2165 : vector<16xi1>, vector<16xf32>
    %eq3A_2175 = arith.constant 2 : i32
    %eq3A_2176 = vector.broadcast %eq3A_2175 : i32 to vector<16xi32>
    %eq3A_2177 = arith.cmpi eq, %iota3A, %eq3A_2176 : vector<16xi32>
    %reduce_max3A_2178 = arith.constant true
    %reduce_max3A_2179 = vector.broadcast %reduce_max3A_2178 : i1 to vector<16xi1>
    %reduce_max3A_2180 = tpu.scan <max>, %max3A_1761 masked %reduce_max3A_2179 : vector<16xf32>, vector<16xi1> -> vector<16xf32>
    %reduce_max3A_2181 = vector.extract %reduce_max3A_2180[15] : f32 from vector<16xf32>
    %broadcast_in_dim3A_2182 = vector.broadcast %reduce_max3A_2181 : f32 to vector<16xf32>
    %select_n3A_2183 = arith.select %eq3A_2177, %broadcast_in_dim3A_2182, %select_n3A_2174 : vector<16xi1>, vector<16xf32>
    %eq3A_2184 = arith.constant 10 : i32
    %eq3A_2185 = vector.broadcast %eq3A_2184 : i32 to vector<16xi32>
    %eq3A_2186 = arith.cmpi eq, %iota3A, %eq3A_2185 : vector<16xi32>
    %reduce_max3A_2187 = arith.constant true
    %reduce_max3A_2188 = vector.broadcast %reduce_max3A_2187 : i1 to vector<16xi1>
    %reduce_max3A_2189 = tpu.scan <max>, %select_n3A_1741 masked %reduce_max3A_2188 : vector<16xf32>, vector<16xi1> -> vector<16xf32>
    %reduce_max3A_2190 = vector.extract %reduce_max3A_2189[15] : f32 from vector<16xf32>
    %broadcast_in_dim3A_2191 = vector.broadcast %reduce_max3A_2190 : f32 to vector<16xf32>
    %select_n3A_2192 = arith.select %eq3A_2186, %broadcast_in_dim3A_2191, %select_n3A_2183 : vector<16xi1>, vector<16xf32>
    %eq3A_2193 = arith.constant 3 : i32
    %eq3A_2194 = vector.broadcast %eq3A_2193 : i32 to vector<16xi32>
    %eq3A_2195 = arith.cmpi eq, %iota3A, %eq3A_2194 : vector<16xi32>
    %reduce_max3A_2196 = arith.constant true
    %reduce_max3A_2197 = vector.broadcast %reduce_max3A_2196 : i1 to vector<16xi1>
    %reduce_max3A_2198 = tpu.scan <max>, %max3A_1836 masked %reduce_max3A_2197 : vector<16xf32>, vector<16xi1> -> vector<16xf32>
    %reduce_max3A_2199 = vector.extract %reduce_max3A_2198[15] : f32 from vector<16xf32>
    %broadcast_in_dim3A_2200 = vector.broadcast %reduce_max3A_2199 : f32 to vector<16xf32>
    %select_n3A_2201 = arith.select %eq3A_2195, %broadcast_in_dim3A_2200, %select_n3A_2192 : vector<16xi1>, vector<16xf32>
    %eq3A_2202 = arith.constant 11 : i32
    %eq3A_2203 = vector.broadcast %eq3A_2202 : i32 to vector<16xi32>
    %eq3A_2204 = arith.cmpi eq, %iota3A, %eq3A_2203 : vector<16xi32>
    %reduce_max3A_2205 = arith.constant true
    %reduce_max3A_2206 = vector.broadcast %reduce_max3A_2205 : i1 to vector<16xi1>
    %reduce_max3A_2207 = tpu.scan <max>, %select_n3A_1816 masked %reduce_max3A_2206 : vector<16xf32>, vector<16xi1> -> vector<16xf32>
    %reduce_max3A_2208 = vector.extract %reduce_max3A_2207[15] : f32 from vector<16xf32>
    %broadcast_in_dim3A_2209 = vector.broadcast %reduce_max3A_2208 : f32 to vector<16xf32>
    %select_n3A_2210 = arith.select %eq3A_2204, %broadcast_in_dim3A_2209, %select_n3A_2201 : vector<16xi1>, vector<16xf32>
    %eq3A_2211 = arith.constant 4 : i32
    %eq3A_2212 = vector.broadcast %eq3A_2211 : i32 to vector<16xi32>
    %eq3A_2213 = arith.cmpi eq, %iota3A, %eq3A_2212 : vector<16xi32>
    %reduce_max3A_2214 = arith.constant true
    %reduce_max3A_2215 = vector.broadcast %reduce_max3A_2214 : i1 to vector<16xi1>
    %reduce_max3A_2216 = tpu.scan <max>, %max3A_1911 masked %reduce_max3A_2215 : vector<16xf32>, vector<16xi1> -> vector<16xf32>
    %reduce_max3A_2217 = vector.extract %reduce_max3A_2216[15] : f32 from vector<16xf32>
    %broadcast_in_dim3A_2218 = vector.broadcast %reduce_max3A_2217 : f32 to vector<16xf32>
    %select_n3A_2219 = arith.select %eq3A_2213, %broadcast_in_dim3A_2218, %select_n3A_2210 : vector<16xi1>, vector<16xf32>
    %eq3A_2220 = arith.constant 12 : i32
    %eq3A_2221 = vector.broadcast %eq3A_2220 : i32 to vector<16xi32>
    %eq3A_2222 = arith.cmpi eq, %iota3A, %eq3A_2221 : vector<16xi32>
    %reduce_max3A_2223 = arith.constant true
    %reduce_max3A_2224 = vector.broadcast %reduce_max3A_2223 : i1 to vector<16xi1>
    %reduce_max3A_2225 = tpu.scan <max>, %select_n3A_1891 masked %reduce_max3A_2224 : vector<16xf32>, vector<16xi1> -> vector<16xf32>
    %reduce_max3A_2226 = vector.extract %reduce_max3A_2225[15] : f32 from vector<16xf32>
    %broadcast_in_dim3A_2227 = vector.broadcast %reduce_max3A_2226 : f32 to vector<16xf32>
    %select_n3A_2228 = arith.select %eq3A_2222, %broadcast_in_dim3A_2227, %select_n3A_2219 : vector<16xi1>, vector<16xf32>
    %eq3A_2229 = arith.constant 5 : i32
    %eq3A_2230 = vector.broadcast %eq3A_2229 : i32 to vector<16xi32>
    %eq3A_2231 = arith.cmpi eq, %iota3A, %eq3A_2230 : vector<16xi32>
    %reduce_max3A_2232 = arith.constant true
    %reduce_max3A_2233 = vector.broadcast %reduce_max3A_2232 : i1 to vector<16xi1>
    %reduce_max3A_2234 = tpu.scan <max>, %max3A_1986 masked %reduce_max3A_2233 : vector<16xf32>, vector<16xi1> -> vector<16xf32>
    %reduce_max3A_2235 = vector.extract %reduce_max3A_2234[15] : f32 from vector<16xf32>
    %broadcast_in_dim3A_2236 = vector.broadcast %reduce_max3A_2235 : f32 to vector<16xf32>
    %select_n3A_2237 = arith.select %eq3A_2231, %broadcast_in_dim3A_2236, %select_n3A_2228 : vector<16xi1>, vector<16xf32>
    %eq3A_2238 = arith.constant 13 : i32
    %eq3A_2239 = vector.broadcast %eq3A_2238 : i32 to vector<16xi32>
    %eq3A_2240 = arith.cmpi eq, %iota3A, %eq3A_2239 : vector<16xi32>
    %reduce_max3A_2241 = arith.constant true
    %reduce_max3A_2242 = vector.broadcast %reduce_max3A_2241 : i1 to vector<16xi1>
    %reduce_max3A_2243 = tpu.scan <max>, %select_n3A_1966 masked %reduce_max3A_2242 : vector<16xf32>, vector<16xi1> -> vector<16xf32>
    %reduce_max3A_2244 = vector.extract %reduce_max3A_2243[15] : f32 from vector<16xf32>
    %broadcast_in_dim3A_2245 = vector.broadcast %reduce_max3A_2244 : f32 to vector<16xf32>
    %select_n3A_2246 = arith.select %eq3A_2240, %broadcast_in_dim3A_2245, %select_n3A_2237 : vector<16xi1>, vector<16xf32>
    %eq3A_2247 = arith.constant 6 : i32
    %eq3A_2248 = vector.broadcast %eq3A_2247 : i32 to vector<16xi32>
    %eq3A_2249 = arith.cmpi eq, %iota3A, %eq3A_2248 : vector<16xi32>
    %reduce_max3A_2250 = arith.constant true
    %reduce_max3A_2251 = vector.broadcast %reduce_max3A_2250 : i1 to vector<16xi1>
    %reduce_max3A_2252 = tpu.scan <max>, %max3A_2061 masked %reduce_max3A_2251 : vector<16xf32>, vector<16xi1> -> vector<16xf32>
    %reduce_max3A_2253 = vector.extract %reduce_max3A_2252[15] : f32 from vector<16xf32>
    %broadcast_in_dim3A_2254 = vector.broadcast %reduce_max3A_2253 : f32 to vector<16xf32>
    %select_n3A_2255 = arith.select %eq3A_2249, %broadcast_in_dim3A_2254, %select_n3A_2246 : vector<16xi1>, vector<16xf32>
    %eq3A_2256 = arith.constant 14 : i32
    %eq3A_2257 = vector.broadcast %eq3A_2256 : i32 to vector<16xi32>
    %eq3A_2258 = arith.cmpi eq, %iota3A, %eq3A_2257 : vector<16xi32>
    %reduce_max3A_2259 = arith.constant true
    %reduce_max3A_2260 = vector.broadcast %reduce_max3A_2259 : i1 to vector<16xi1>
    %reduce_max3A_2261 = tpu.scan <max>, %select_n3A_2041 masked %reduce_max3A_2260 : vector<16xf32>, vector<16xi1> -> vector<16xf32>
    %reduce_max3A_2262 = vector.extract %reduce_max3A_2261[15] : f32 from vector<16xf32>
    %broadcast_in_dim3A_2263 = vector.broadcast %reduce_max3A_2262 : f32 to vector<16xf32>
    %select_n3A_2264 = arith.select %eq3A_2258, %broadcast_in_dim3A_2263, %select_n3A_2255 : vector<16xi1>, vector<16xf32>
    %eq3A_2265 = arith.constant 7 : i32
    %eq3A_2266 = vector.broadcast %eq3A_2265 : i32 to vector<16xi32>
    %eq3A_2267 = arith.cmpi eq, %iota3A, %eq3A_2266 : vector<16xi32>
    %reduce_max3A_2268 = arith.constant true
    %reduce_max3A_2269 = vector.broadcast %reduce_max3A_2268 : i1 to vector<16xi1>
    %reduce_max3A_2270 = tpu.scan <max>, %max3A_2136 masked %reduce_max3A_2269 : vector<16xf32>, vector<16xi1> -> vector<16xf32>
    %reduce_max3A_2271 = vector.extract %reduce_max3A_2270[15] : f32 from vector<16xf32>
    %broadcast_in_dim3A_2272 = vector.broadcast %reduce_max3A_2271 : f32 to vector<16xf32>
    %select_n3A_2273 = arith.select %eq3A_2267, %broadcast_in_dim3A_2272, %select_n3A_2264 : vector<16xi1>, vector<16xf32>
    %eq3A_2274 = arith.constant 15 : i32
    %eq3A_2275 = vector.broadcast %eq3A_2274 : i32 to vector<16xi32>
    %eq3A_2276 = arith.cmpi eq, %iota3A, %eq3A_2275 : vector<16xi32>
    %reduce_max3A_2277 = arith.constant true
    %reduce_max3A_2278 = vector.broadcast %reduce_max3A_2277 : i1 to vector<16xi1>
    %reduce_max3A_2279 = tpu.scan <max>, %select_n3A_2116 masked %reduce_max3A_2278 : vector<16xf32>, vector<16xi1> -> vector<16xf32>
    %reduce_max3A_2280 = vector.extract %reduce_max3A_2279[15] : f32 from vector<16xf32>
    %broadcast_in_dim3A_2281 = vector.broadcast %reduce_max3A_2280 : f32 to vector<16xf32>
    %select_n3A_2282 = arith.select %eq3A_2276, %broadcast_in_dim3A_2281, %select_n3A_2273 : vector<16xi1>, vector<16xf32>
    %swap3A_2283 = arith.constant 0 : index
    %swap3A_2284 = tpu.vector_load %arg11[%swap3A_2283] {strides = array<i32>} : memref<16xf32, #tpu.memory_space<vmem>>, vector<16xf32>,
    tpu.vector_store %arg11[%swap3A_2283], %select_n3A_2282 {strides = array<i32>} : memref<16xf32, #tpu.memory_space<vmem>>, vector<16xf32>,
    "tpu.region"() ({
      %run_scoped3A = tpu.sem_alloc : memref<!tpu.dma_semaphore, #tpu.memory_space<semaphore_mem>>
      %dma_start3A_2285 = arith.constant 0 : i32
      %dma_start3A_2286 = tpu.memref_slice %arg5[%add3A, %dma_start3A_2285] : memref<32x16xf32, #tpu.memory_space<hbm>> -> memref<1x16xf32, #tpu.memory_space<hbm>>
      %dma_start3A_2287 = tpu.memref_squeeze %dma_start3A_2286 : memref<1x16xf32, #tpu.memory_space<hbm>> -> memref<16xf32, #tpu.memory_space<hbm>>
      %dma_start3A_2288 = arith.constant 0 : i32
      %dma_start3A_2289 = tpu.memref_slice %arg5[%add3A, %dma_start3A_2288] : memref<32x16xf32, #tpu.memory_space<hbm>> -> memref<1x16xf32, #tpu.memory_space<hbm>>
      %dma_start3A_2290 = tpu.memref_squeeze %dma_start3A_2289 : memref<1x16xf32, #tpu.memory_space<hbm>> -> memref<16xf32, #tpu.memory_space<hbm>>
      tpu.enqueue_dma source(%arg11 : memref<16xf32, #tpu.memory_space<vmem>>) target(%dma_start3A_2290 : memref<16xf32, #tpu.memory_space<hbm>>) target_semaphore(%run_scoped3A : memref<!tpu.dma_semaphore, #tpu.memory_space<semaphore_mem>>)
      %dma_wait3A_2291 = arith.constant 0 : i32
      %dma_wait3A_2292 = tpu.memref_slice %arg5[%add3A, %dma_wait3A_2291] : memref<32x16xf32, #tpu.memory_space<hbm>> -> memref<1x16xf32, #tpu.memory_space<hbm>>
      %dma_wait3A_2293 = tpu.memref_squeeze %dma_wait3A_2292 : memref<1x16xf32, #tpu.memory_space<hbm>> -> memref<16xf32, #tpu.memory_space<hbm>>
      %dma_wait3A_2294 = arith.constant 0 : i32
      %dma_wait3A_2295 = tpu.memref_slice %arg5[%add3A, %dma_wait3A_2294] : memref<32x16xf32, #tpu.memory_space<hbm>> -> memref<1x16xf32, #tpu.memory_space<hbm>>
      %dma_wait3A_2296 = tpu.memref_squeeze %dma_wait3A_2295 : memref<1x16xf32, #tpu.memory_space<hbm>> -> memref<16xf32, #tpu.memory_space<hbm>>
      tpu.wait_dma2 semaphore(%run_scoped3A : memref<!tpu.dma_semaphore, #tpu.memory_space<semaphore_mem>>) src(%arg11 : memref<16xf32, #tpu.memory_space<vmem>>) dst(%dma_wait3A_2296 : memref<16xf32, #tpu.memory_space<hbm>>)
      tpu.yield
    }) : () -> ()
    return
  }
}

</mosaic_0001>

<sc_bundles>
// kernel: kernel.3.cloned.1.call-start
scs
__scs_entry_jumppad:
0x0: {  	(pc) =	sbr.rel $0x88, $3  }
0x1: {  	(tag) =	ssettag $0x0;
	lr =	simm.s32 $0x1  }
0x2: {  	[smem:$0x3F9F] =	sst lr;
	_ =	strace $0xD0000000  }
0x3: {  	_ = 	snop  }
0x4: {  	_ = 	snop  }
0x5: {  	_ = 	snop  }
0x6: {  	_ = 	snop  }
0x7: {  	_ = 	snop  }
__scs_overlays_trampoline_lowered:
0x8: {  	[smem:$0x3FAE] =	sst s0  }
0x9: {  	[smem:$0x3FAF] =	sst s1  }
0xa: {  	[smem:$0x3FB0] =	sst s2  }
0xb: {  	[smem:$0x3FB1] =	sst s3  }
0xc: {  	[smem:$0x3FB2] =	sst s4  }
0xd: {  	[smem:$0x3FB3] =	sst s5  }
0xe: {  	[smem:$0x3FB4] =	sst s6  }
0xf: {  	[smem:$0x3FB5] =	sst s7  }
0x10: {  	[smem:$0x3FB6] =	sst s8  }
0x11: {  	[smem:$0x3FB7] =	sst s9;
	s0 =	simm.s32 @!p0 $0x0  }
0x12: {  	s1 =	sld [smem:$0x3F9D];
	s0 =	simm.s32 @p0 $0x1  }
0x13: {  	[smem:$0x3FB8] =	sst s0;
	s0 =	simm.s32 @!p1 $0x0  }
0x14: {  	s2 =	sld [smem:$0x3F9C];
	s0 =	simm.s32 @p1 $0x1  }
0x15: {  	[smem:$0x3FB9] =	sst s0;
	s0 =	simm.s32 @!p2 $0x0  }
0x16: {  	s3 =	sld [smem:$0x3FDB];
	s0 =	simm.s32 @p2 $0x1  }
0x17: {  	s4 =	simm.s32 $0x1BF5;
	[smem:$0x3FBB] =	sst s0  }
0x18: {  	s0 =	sld [smem:$0x3F9E];
	_ =	swait.ge [sflag:s4], $0x0  }
0x19: {  	s7 =	sld [smem:$0x3F9F]  }
0x1a: {  	s8 =	sadd.s32 $0xFFFFE003, lr  }
0x1b: {  	s9 =	sadd.s32 $0xFFFFFEF7, lr;
	s5 =	simm.s32 $0xFFFFFFFF;
	p2 =	slt.u32 s8, $0xFFFFF086  }
0x1c: {  	p1 =	slt.u32 s9, $0xF7A;
	s5 =	simm.s32 @!p2 $0x0  }
0x1d: {  	s5 =	simm.s32 @p1 $0x1;
	p0 =	seq.s32 s7, s2  }
0x1e: {  	s7 =	smul.u32 @!p0 $0xF7A, s2;
	p2 =	seq.s32 @!p0 s5, $0x0  }
0x1f: {  	s9 =	smul.u32 $0xF7A, s1;
	s8 =	simm.s32 @!p0 $0x1BF5;
	p2 =	por !p2, p0  }
0x20: {  	[sflag:s8] =	ssyncset.s32 @!p0 $0xFFFFF086;
	s6 =	sadd.s32 @!p0 s3, s7;
	s7 =	simm.s32 @!p0 $0x108  }
0x21: {  	s3 =	sadd.s32 s3, s9;
	s6 =	sadd.s32 @!p0 $0x88, s6;
	s7 =	simm.s32 @p2 $0x1082  }
0x22: {  	[simem:s7], [sflag:s8] =	dma.local @!p0 [hbm:s6], $0xF7A  }
0x23: {  	s9 =	sor.u32 $0xD0000000, s2;
	s6 =	simm.s32 $0x108;
	_ =	swait.ge @!p0 [sflag:s8], $0x0  }
0x24: {  	s3 =	sadd.s32 $0x88, s3;
	s6 =	simm.s32 @!p1 $0x1082;
	[sflag:s4] =	ssyncset.s32 $0xFFFFF086  }
0x25: {  	[simem:s6], [sflag:s4] =	dma.local [hbm:s3], $0xF7A  }
0x26: {  	[smem:$0x3F9F] =	sst s1;
	(tag) =	ssettag s2;
	_ =	strace s9  }
0x27: {  	s1 =	sld [smem:$0x3FAF]  }
0x28: {  	s2 =	sld [smem:$0x3FB0]  }
0x29: {  	s4 =	sld [smem:$0x3FB2]  }
0x2a: {  	p0 =	seq.s32 s5, $0x0;
	s5 =	sld [smem:$0x3FB3]  }
0x2b: {  	s6 =	sld [smem:$0x3FB4]  }
0x2c: {  	s7 =	sld [smem:$0x3FB5]  }
0x2d: {  	s3 =	simm.s32 $0x108;
	s8 =	sld [smem:$0x3FB6]  }
0x2e: {  	s3 =	simm.s32 @!p0 $0x1082;
	s9 =	sld [smem:$0x3FB7]  }
0x2f: {  	lr =	sadd.s32 s0, s3;
	s0 =	sld [smem:$0x3FAE]  }
0x30: {  	s3 =	sld [smem:$0x3FB1]  }
0x31: {  	[smem:$0x3FBA] =	sst s10  }
0x32: {  	s10 =	sld [smem:$0x3FB8];
	_ =	sdelay $0x3  }
0x33: {  	p0 =	seq.s32 s10, $0x1;
	s10 =	sld [smem:$0x3FBA];
	_ =	sdelay $0x3  }
0x34: {  	[smem:$0x3FBA] =	sst s10  }
0x35: {  	s10 =	sld [smem:$0x3FB9];
	_ =	sdelay $0x3  }
0x36: {  	p1 =	seq.s32 s10, $0x1;
	s10 =	sld [smem:$0x3FBA];
	_ =	sdelay $0x3  }
0x37: {  	[smem:$0x3FBA] =	sst s10  }
0x38: {  	s10 =	sld [smem:$0x3FBB]  }
0x39: {  	_ = 	snop;
	(pc) =	sbr.ind lr, $3  }
0x3a: {  	_ = 	snop  }
0x3b: {  	_ = 	snop  }
0x3c: {  	p2 =	seq.s32 s10, $0x1;
	s10 =	sld [smem:$0x3FBA]  }
0x3d: {  	_ =	shalt  }
0x3e: {  	_ =	shalt  }
0x3f: {  	_ =	shalt  }
0x40: {  	_ =	shalt  }
0x41: {  	_ =	shalt  }
0x42: {  	_ =	shalt  }
0x43: {  	_ =	shalt  }
0x44: {  	_ =	shalt  }
0x45: {  	_ =	shalt  }
0x46: {  	_ =	shalt  }
0x47: {  	_ =	shalt  }
0x48: {  	_ =	shalt  }
0x49: {  	_ =	shalt  }
0x4a: {  	_ =	shalt  }
0x4b: {  	_ =	shalt  }
0x4c: {  	_ =	shalt  }
0x4d: {  	_ =	shalt  }
0x4e: {  	_ =	shalt  }
0x4f: {  	_ =	shalt  }
0x50: {  	_ =	shalt  }
0x51: {  	_ =	shalt  }
0x52: {  	_ =	shalt  }
0x53: {  	_ =	shalt  }
0x54: {  	_ =	shalt  }
0x55: {  	_ =	shalt  }
0x56: {  	_ =	shalt  }
0x57: {  	_ =	shalt  }
0x58: {  	_ =	shalt  }
0x59: {  	_ =	shalt  }
0x5a: {  	_ =	shalt  }
0x5b: {  	_ =	shalt  }
0x5c: {  	_ =	shalt  }
0x5d: {  	_ =	shalt  }
0x5e: {  	_ =	shalt  }
0x5f: {  	_ =	shalt  }
0x60: {  	_ =	shalt  }
0x61: {  	_ =	shalt  }
0x62: {  	_ =	shalt  }
0x63: {  	_ =	shalt  }
0x64: {  	_ =	shalt  }
0x65: {  	_ =	shalt  }
0x66: {  	_ =	shalt  }
0x67: {  	_ =	shalt  }
0x68: {  	_ =	shalt  }
0x69: {  	_ =	shalt  }
0x6a: {  	_ =	shalt  }
0x6b: {  	_ =	shalt  }
0x6c: {  	_ =	shalt  }
0x6d: {  	_ =	shalt  }
0x6e: {  	_ =	shalt  }
0x6f: {  	_ =	shalt  }
0x70: {  	_ =	shalt  }
0x71: {  	_ =	shalt  }
0x72: {  	_ =	shalt  }
0x73: {  	_ =	shalt  }
0x74: {  	_ =	shalt  }
0x75: {  	_ =	shalt  }
0x76: {  	_ =	shalt  }
0x77: {  	_ =	shalt  }
0x78: {  	_ =	shalt  }
0x79: {  	_ =	shalt  }
0x7a: {  	_ =	shalt  }
0x7b: {  	_ =	shalt  }
0x7c: {  	_ =	shalt  }
0x7d: {  	_ =	shalt  }
0x7e: {  	_ =	shalt  }
0x7f: {  	_ =	shalt  }
0x80: {  	_ =	shalt  }
0x81: {  	_ =	shalt  }
0x82: {  	_ =	shalt  }
0x83: {  	_ =	shalt  }
0x84: {  	_ =	shalt  }
0x85: {  	_ =	shalt  }
0x86: {  	_ =	shalt  }
0x87: {  	_ =	shalt  }
.Lfunc_end0:
.L_simem_size_0:
called_computation_lowered:
.L_overlay_start_0:
0x88: {  	s2 =	sld [smem:$0x3FD9]  }
0x89: {  	s3 =	sld [smem:$0x3FFE];
	_ =	sdelay $0x1  }
0x8a: {  	s1 =	srdreg.scid  }
0x8b: {  	s0 =	sand.u32 $0x1, s1  }
0x8c: {  	s17 =	sshll.u32 s0, $0xA;
	s2 =	sadd.s32 s3, s2  }
0x8d: {  	s2 =	sadd.s32 s2, s17  }
0x8e: {  	[smem:$0x3FC6] =	sst s2  }
0x8f: {  	_ = 	snop  }
0x90: {  	s2 =	sld [smem:$0x3FC9]  }
0x91: {  	s18 =	sld [smem:$0x3FC8];
	(tm) =	ssettm $0x1  }
0x92: {  	s4 =	sld [smem:$0x3FFB];
	_ =	sdelay $0x3  }
0x93: {  	_ =	strace s4  }
0x94: {  	s4 =	sld [smem:$0x3FFC];
	_ =	sdelay $0x3  }
0x95: {  	_ =	strace s4  }
0x96: {  	s4 =	sld [smem:$0x3FFD];
	_ =	sdelay $0x3  }
0x97: {  	_ =	strace s4  }
0x98: {  	_ =	strace $0x8FFFFFFF  }
0x99: {  	s19 =	sld [smem:$0x3FDB];
	_ =	sdelay $0x1  }
0x9a: {  	s5 =	simm.s32 $_scs_section_size  }
0x9b: {  	s6 =	simm.s32 $_size__tile_overlayer_lowered;
	s7 =	simm.s32 $_tile_overlayer_lowered  }
0x9c: {  	s22 =	simm.s32 $0x1BFF;
	s21 =	sshll.u32 s7, $0x1;
	s4 =	sadd.s32 s5, s19  }
0x9d: {  	s8 =	simm.s32 $0x0;
	s20 =	sshll.u32 s6, $0x1;
	s6 =	sadd.s32 s21, s4  }
0x9e: {  	[timem:s8], [sflag:s22] =	dma.local [hbm:s6], s20  }
0x9f: {  	_ =	swait.ge [sflag:s22], s20  }
0xa0: {  	s5 =	ssub.s32 $0x0, s20;
	[sflag:s22] =	ssyncset.done $0x0  }
0xa1: {  	[sflag:s22] =	ssyncadd.s32 s5;
	_ =	sdelay $0x1  }
0xa2: {  	s23 =	simm.s32 $0x1B8B  }
0xa3: {  	_ =	swait.ge [sflag:s23], $0x1  }
0xa4: {  	[sflag:s23] =	ssyncset.done $0x0  }
0xa5: {  	s25 =	simm.s32 $0x1B8E;
	s24 =	sld [smem:$0x3FFE];
	[sflag:s23] =	ssyncadd.s32 $0xFFFFFFFF  }
0xa6: {  	s26 =	simm.s32 $execute0_lowered;
	[smem:$0x3FD2] =	sst s25  }
0xa7: {  	s6 =	sshll.u32 s26, $0x1;
	_ =	strace $0x80000046;
	[dreg:$0x1] =	wrdreg $0xFFFFFFFF  }
0xa8: {  	s28 =	simm.s32 $_size_execute0_lowered;
	s4 =	sadd.s32 s4, s6;
	[dreg:$0x0] =	wrdreg $0x0  }
0xa9: {  	s6 =	sshll.u32 s28, $0x1;
	[dreg:$0x2] =	wrdreg s4  }
0xaa: {  	[dreg:$0x3] =	wrdreg s6  }
0xab: {  	[dreg:$0x4] =	wrdreg $0xC0  }
0xac: {  	_ =	task [dreg:s8], $0x5FFFF  }
0xad: {  	[dreg:$0x1] =	wrdreg $0xFFFFFFFF  }
0xae: {  	[dreg:$0x0] =	wrdreg $0x60  }
0xaf: {  	[dreg:$0x2] =	wrdreg s2  }
0xb0: {  	[dreg:$0x3] =	wrdreg s24  }
0xb1: {  	[dreg:$0x4] =	wrdreg s18  }
0xb2: {  	[dreg:$0x5] =	wrdreg $0x9  }
0xb3: {  	_ =	task.clear_ibuf [dreg:s8], $0x6FFFF;
	_ =	strace $0x90000046  }
0xb4: {  	s29 =	simm.s32 $0x9;
	_ =	strace $0x80000048  }
0xb5: {  	_ =	swait.ge [sflag:s29], $0x1  }
0xb6: {  	[sflag:s29] =	ssyncadd.s32 $0xFFFFFFFF  }
0xb7: {  	_ =	strace $0x90000048  }
0xb8: {  	_ =	sfence  }
0xb9: {  	s30 =	sld [smem:$0x0];
	_ =	sdelay $0x2  }
0xba: {  	s31 =	sshll.u32 s1, $0xD;
	s1 =	sshrl.u32 s1, $0x2  }
0xbb: {  	s3 =	sand.u32 $0x4000, s31;
	s1 =	sadd.s32 s1, s30  }
0xbc: {  	s0 =	sor.u32 s3, s0;
	s1 =	sshll.u32 s1, $0x11  }
0xbd: {  	s0 =	sor.u32 s1, s0  }
0xbe: {  	s0 =	sadd.s32 $0x8F2B, s0  }
0xbf: {  	[sflag:s0] =	ssyncadd.remote.s32 $0x1  }
0xc0: {  	_ =	sfence.sel $0xFFFF  }
0xc1: {  	[dreg:$0x0] =	wrdreg $0xFFFFFFFF;
	(pc) =	sbr.abs _section_cstart, $3  }
0xc2: {  	[dreg:$0x1] =	wrdreg $0xFFFFFFFF  }
0xc3: {  	_ =	task.clear_ibuf [dreg:s8], $0x2FFFF;
	_ =	strace $0x9FFFFFFF  }
0xc4: {  	(tm) =	ssettm $0x7FFFFFFF  }
0xc5: {  	_ =	shalt  }
tec
execute0_lowered:
.L_overlay_start_1:
0x0: {  	(tag) =	ssettag $0x1  }
0x1: {  	s1 =	rddreg [dreg:$0x0]  }
0x2: {  	s0 =	rddreg [dreg:$0x1]  }
0x3: {  	s3 =	simm.s32 $0x0;
	s2 =	srdreg.scid;
	s9 =	stileid.u32  }
0x4: {  	[smem:$0x7FF] =	sst s3;
	s2 =	sand.u32 $0x1, s2;
	s4 =	sshll.u32 s9, $0x1  }
0x5: {  	s5 =	sshrl.u32 s9, $0x1;
	s17 =	sshll.u32 s9, $0x4;
	s9 =	sshll.u32 s9, $0x2  }
0x6: {  	_ =	strace $0x80000047;
	s4 =	sor.u32 s2, s4;
	s2 =	ssub.s32 $0x2, s2  }
0x7: {  	s6 =	sshll.u32 s5, $0x2;
	s10 =	smul.u32 $0x7A1400, s5;
	s16 =	sand.u32 $0xC0, s17  }
0x8: {  	s18 =	sand.u32 $0x8, s9;
	s26 =	sshll.u32 s5, $0x7;
	s7 =	sshll.u32 s4, $0x4  }
0x9: {  	s8 =	sshrl.u32 s2, $0x1;
	s6 =	ssub.s32 s4, s6;
	s9 =	sor.u32 $0x1, s18  }
0xa: {  	v0 =	vlaneseq.u32;
	s11 =	sor.u32 $0x2, s18;
	s12 =	sor.u32 $0x3, s18;
	s13 =	sor.u32 $0x4, s18  }
0xb: {  	v59 =	vimm.s32 $0x0;
	v60 =	vimm.s32 $0x0;
	v61 =	vimm.s32 $0x0;
	s14 =	sor.u32 $0x5, s18;
	s15 =	sor.u32 $0x6, s18;
	s31 =	sshrl.u32 s16, $0x2  }
0xc: {  	v62 =	vimm.s32 $0x0;
	v63 =	vimm.s32 $0x0;
	vm1 =	vcmask $0x2320;
	s7 =	sadd.s32 s7, s0;
	s2 =	ssub.s32 s2, s8;
	s4 =	smul.u32 $0x3D080, s6  }
0xd: {  	vm13 =	vcmask $0x300;
	v1 =	vmov s18;
	s6 =	smul.u32 $0x1E8400, s6;
	s8 =	sor.u32 $0x7, s18;
	v2 =	vmov s9;
	s0 =	sadd.s32 s0, s26  }
0xe: {  	v3 =	vmov s11;
	v4 =	vmov s12;
	v5 =	vmov s13;
	s13 =	simm.s32 $0x4;
	[dreg:$0xd] =	wrdreg s31;
	s26 =	simm.s32 $0x3  }
0xf: {  	v7 =	vmov s14;
	vm12 =	veq.s32 v1, v0;
	v1 =	vimm.s32 $0x0;
	[dreg:$0xa] =	wrdreg s0;
	s29 =	sadd.s32 $0x400, s7;
	s30 =	smax.u32 s2, $0x1  }
0x10: {  	v8 =	vmov s15;
	vm4 =	veq.s32 v5, v0;
	v1 =	vsel vm12, $0xFFFFFFFF, v1;
	s6 =	sadd.s32 s10, s6;
	s10 =	sshrl.u32 s10, $0x3;
	s9 =	sadd.s32 $0xF80, s4  }
0x11: {  	v6 =	vmov s8;
	vm5 =	veq.s32 v4, v0;
	v5 =	vsel vm4, $0xFFFFFFFF, v62;
	s11 =	sadd.s32 $0x1F00, s4;
	s24 =	sadd.s32 $0x3A200, s4;
	[tilespmem:$0x1FFD0] =	vst v1;
	[dreg:$0xb] =	wrdreg s29  }
0x12: {  	vm6 =	veq.s32 v3, v0;
	v3 =	vimm.s32 $0x0;
	v4 =	vsel vm5, $0xFFFFFFFF, v63;
	s25 =	sadd.s32 $0x3B180, s4;
	s28 =	sadd.s32 $0x3C100, s4;
	[dreg:$0xc] =	wrdreg s30;
	[tilespmem:$0x1FF90] =	vst v5  }
0x13: {  	vm7 =	veq.s32 v2, v0;
	v2 =	vimm.s32 $0x0;
	v3 =	vsel vm6, $0xFFFFFFFF, v3;
	s17 =	sshrl.u32 s6, $0x3;
	s20 =	sadd.s32 $0x7C00, s6;
	[tilespmem:$0x1FFA0] =	vst v4;
	[dreg:$0x7] =	wrdreg s24  }
0x14: {  	vm14 =	veq.s32 v8, v0;
	vm0 =	veq.s32 v6, v0;
	v2 =	vsel vm7, $0xFFFFFFFF, v2;
	s6 =	sadd.s32 $0xF800, s6;
	s22 =	sadd.s32 s10, s1;
	[tilespmem:$0x1FFB0] =	vst v3;
	[dreg:$0x8] =	wrdreg s25  }
0x15: {  	v1 =	vimm.s32 $0x0;
	v6 =	vsel vm0, $0xFFFFFFFF, v59;
	[tilespmem:$0x1FFC0] =	vst v2;
	[dreg:$0x9] =	wrdreg s28;
	vm0 =	vmor vm13, vm1;
	s24 =	simm.s32 $0x1;
	s25 =	simm.s32 $0x2  }
0x16: {  	vm15 =	veq.s32 v7, v0;
	s19 =	sadd.s32 s1, s17;
	s21 =	sshrl.u32 s20, $0x3;
	s6 =	sshrl.u32 s6, $0x3;
	[tilespmem:$0x1FF60] =	vst v6;
	v6 =	vsel vm14, $0xFFFFFFFF, v60;
	v1 =	vsel vm0, $0xFFFFFFFF, v1  }
0x17: {  	s23 =	sadd.s32 s4, s22;
	vm14 =	vcmask $0x1B00;
	[dreg:$0x4] =	wrdreg s19;
	s8 =	sadd.s32 s1, s21;
	[tilespmem:$0x1FF70] =	vst v6;
	v6 =	vsel vm15, $0xFFFFFFFF, v61;
	vm15 =	vcmask $0x3B20  }
0x18: {  	s22 =	simm.s32 $0x7C00;
	s1 =	sadd.s32 s1, s6;
	[tilespmem:$0x1FFE0] =	vst v1;
	v1 =	vimm.s32 $0x0;
	[dreg:$0x5] =	wrdreg s8;
	vm0 =	vmor vm14, vm15  }
0x19: {  	s10 =	sadd.s32 $0x3E00, s23;
	s12 =	sadd.s32 $0x4D80, s23;
	[dreg:$0x6] =	wrdreg s1;
	[tilespmem:$0x1FF80] =	vst v6;
	v1 =	vsel vm0, $0xFFFFFFFF, v1  }
0x1a: {  	vm9 =	vmxor vm9, vm9;
	s8 =	sadd.s32 $0x2E80, s23;
	s23 =	simm.s32 $0xF800;
	s1 =	simm.s32 $0x0;
	[tilespmem:$0x1FFF0] =	vst v1  }
.LBB2_1:
0x1b: {  	[dreg:$0xe] =	wrdreg s1  }
0x1c: {  	s0 =	rddreg [dreg:$0x2];
	s17 =	simm.s32 $0x17800  }
0x1d: {  	[tilespmem:s17], [sflag:$0x4] =	stream.linear.gather [hbm4b:s0+s3], $0x80, $0x38;
	[tilespmem:$0x17900] =	vst v63  }
0x1e: {  	_ =	swait.ge [sflag:s13], $0x80  }
0x1f: {  	[sflag:s13] =	ssyncset.done $0x0  }
0x20: {  	s18 =	rddreg [dreg:$0xd];
	v2 =	vld [tilespmem:$0x1FFD0];
	[sflag:s13] =	ssyncadd.s32 $0xFFFFFF80  }
0x21: {  	v1 =	vld [tilespmem:s18+$0x17800];
	_ =	sdelay $0x4  }
0x22: {  	vm0 =	vnez.u8 v2;
	v1 =	vxor.u32 $0x80000000, v1  }
0x23: {  	v2 =	vnsel vm0, $0x7FFFFFFF, v1  }
0x24: {  	(xrf0) =	vmax.scan.msk.u32 $0xffff, v2;
	v2 =	vld [tilespmem:$0x1FFC0];
	_ =	sdelay $0x4  }
0x25: {  	vm5 =	vnez.u8 v2  }
0x26: {  	v2 =	vnsel vm5, $0x7FFFFFFF, v1  }
0x27: {  	(xrf0) =	vmax.scan.msk.u32 $0xffff, v2;
	v2 =	vld [tilespmem:$0x1FFB0];
	_ =	sdelay $0x4  }
0x28: {  	vm6 =	vnez.u8 v2  }
0x29: {  	v2 =	vnsel vm6, $0x7FFFFFFF, v1  }
0x2a: {  	(xrf0) =	vmax.scan.msk.u32 $0xffff, v2;
	v2 =	vld [tilespmem:$0x1FFA0];
	_ =	sdelay $0x4  }
0x2b: {  	vm7 =	vnez.u8 v2  }
0x2c: {  	v2 =	vnsel vm7, $0x7FFFFFFF, v1  }
0x2d: {  	(xrf0) =	vmax.scan.msk.u32 $0xffff, v2;
	v2 =	vld [tilespmem:$0x1FF90];
	_ =	sdelay $0x4  }
0x2e: {  	vm12 =	vnez.u8 v2  }
0x2f: {  	v2 =	vnsel vm12, $0x7FFFFFFF, v1  }
0x30: {  	(xrf0) =	vmax.scan.msk.u32 $0xffff, v2;
	v2 =	vld [tilespmem:$0x1FF80];
	_ =	sdelay $0x1  }
0x31: {  	v3 =	vld [tilespmem:$0x1FF70];
	_ =	sdelay $0x2  }
0x32: {  	vm13 =	vnez.u8 v2  }
0x33: {  	v2 =	vnsel vm13, $0x7FFFFFFF, v1  }
0x34: {  	vm14 =	vnez.u8 v3  }
0x35: {  	v3 =	vnsel vm14, $0x7FFFFFFF, v1  }
0x36: {  	(xrf0) =	vmax.scan.msk.u32 $0xffff, v2;
	v2, _, _ =	vpop (xrf0)  }
0x37: {  	(v2sf) =	vpush v2, $0xF;
	v2, _, _ =	vpop (xrf0)  }
0x38: {  	(xrf0) =	vmax.scan.msk.u32 $0xffff, v3;
	v3, _, _ =	vpop (xrf0);
	(v2sf) =	vpush v2, $0xF  }
0x39: {  	v2, _, _ =	vpop (xrf0);
	(v2sf) =	vpush v3, $0xF  }
0x3a: {  	(v2sf) =	vpush v2, $0xF;
	v2 =	vld [tilespmem:$0x1FF60];
	_ =	sdelay $0x4  }
0x3b: {  	vm15 =	vnez.u8 v2  }
0x3c: {  	v1 =	vnsel vm15, $0x7FFFFFFF, v1  }
0x3d: {  	(xrf0) =	vmax.scan.msk.u32 $0xffff, v1;
	_ =	sdelay $0x2  }
0x3e: {  	v3, _, _ =	vpop (xrf0)  }
0x3f: {  	(v2sf) =	vpush v3, $0xF;
	v2, _, _ =	vpop (xrf0)  }
0x40: {  	(v2sf) =	vpush v2, $0xF;
	v1, _, _ =	vpop (xrf0)  }
0x41: {  	(v2sf) =	vpush v1, $0xF;
	v1, _, _ =	vpop (xrf0)  }
0x42: {  	(v2sf) =	vpush v1, $0xF;
	_ =	sdelay $0x1  }
0x43: {  	s21 =	rddreg [dreg:$0x4]  }
0x44: {  	[tilespmem:s3], [sflag:$0x1] =	stream.linear.gather [hbm4b:s21+s3], $0x7C00, $0x38;
	[tilespmem:$0x17900] =	vst v63  }
0x45: {  	s28 =	rddreg [dreg:$0x5]  }
0x46: {  	[tilespmem:s22], [sflag:$0x2] =	stream.linear.gather [hbm4b:s28+s3], $0x7C00, $0x38;
	[tilespmem:$0x17900] =	vst v63  }
0x47: {  	s29 =	rddreg [dreg:$0x6]  }
0x48: {  	[tilespmem:s23], [sflag:$0x3] =	stream.linear.gather [hbm4b:s29+s3], $0x7C00, $0x38;
	[tilespmem:$0x17900] =	vst v63  }
0x49: {  	s19 =	spop (v2sf)  }
0x4a: {  	s14 =	spop (v2sf);
	[dreg:$0x16] =	wrdreg s19;
	s0 =	sxor.u32 $0x80000000, s19  }
0x4b: {  	s20 =	spop (v2sf);
	[dreg:$0x15] =	wrdreg s14;
	s31 =	sxor.u32 $0x80000000, s14  }
0x4c: {  	v10 =	vimm.f32 $-Inf;
	s7 =	spop (v2sf);
	[dreg:$0x14] =	wrdreg s20;
	s21 =	sxor.u32 $0x80000000, s20  }
0x4d: {  	v4 =	vimm.f32 $-Inf;
	v5 =	vimm.f32 $-Inf;
	v6 =	vimm.f32 $-Inf;
	s6 =	spop (v2sf);
	[dreg:$0x13] =	wrdreg s7;
	s18 =	sxor.u32 $0x80000000, s7  }
0x4e: {  	v7 =	vimm.f32 $-Inf;
	v8 =	vimm.f32 $-Inf;
	v9 =	vimm.f32 $-Inf;
	[dreg:$0x12] =	wrdreg s6;
	s17 =	sxor.u32 $0x80000000, s6;
	s5 =	spop (v2sf)  }
0x4f: {  	v11 =	vimm.f32 $-Inf;
	v12 =	vimm.f32 $-Inf;
	v13 =	vimm.f32 $-Inf;
	[dreg:$0x11] =	wrdreg s5;
	s16 =	sxor.u32 $0x80000000, s5;
	s2 =	spop (v2sf)  }
0x50: {  	v14 =	vimm.f32 $-Inf;
	v15 =	vimm.f32 $-Inf;
	v16 =	vimm.f32 $-Inf;
	[dreg:$0xf] =	wrdreg s2;
	s7 =	sxor.u32 $0x80000000, s2;
	s30 =	spop (v2sf)  }
0x51: {  	v3 =	vimm.f32 $-Inf;
	v2 =	vimm.f32 $-Inf;
	v1 =	vimm.f32 $-Inf;
	s2 =	simm.s32 $0x0;
	[dreg:$0x10] =	wrdreg s30;
	s6 =	sxor.u32 $0x80000000, s30  }
.LBB2_2:
0x52: {  	s1 =	smul.u32 $0x2E80, s2;
	_ =	sdelay $0x1  }
0x53: {  	s19 =	sadd.s32 s4, s1  }
0x54: {  	s5 =	ssub.s32 s0, s19  }
0x55: {  	p0 =	sgt.s32 s5, $0x0  }
0x56: {  	p1 =	slt.u32 s5, $0xF80;
	p2 =	slt.s32 s5, $0x1;
	s5 =	simm.s32 @!p0 $0x0  }
0x57: {  	s5 =	smin.u32 s5, $0xF7F  }
0x58: {  	s20 =	sand.u32 $0xF, s5  }
0x59: {  	p4 =	sne.s32 s20, $0x0  }
0x5a: {  	p0 =	por !p2, !p4  }
0x5b: {  	_ =	swait.ge [sflag:s24], $0x7C00;
	s20 =	simm.s32 $0xFFFFFFFF;
	p0 =	por !p0, !p0  }
0x5c: {  	[sflag:s24] =	ssyncset.done $0x0;
	s28 =	ssub.s32 s31, s19;
	s20 =	simm.s32 @!p0 $0x0  }
0x5d: {  	p3 =	slt.s32 s28, $0x1;
	p0 =	sgt.s32 s28, $0x0;
	s20 =	sshll.u32 s20, $0x4  }
0x5e: {  	p2 =	slt.u32 s28, $0xF80;
	s28 =	simm.s32 @!p0 $0x0;
	s20 =	sadd.s32 s5, s20  }
0x5f: {  	[sflag:s24] =	ssyncadd.s32 $0xFFFF8400;
	s28 =	smin.u32 s28, $0xF7F;
	s29 =	sshll.u32 s20, $0x3  }
0x60: {  	s30 =	sand.u32 $0xF, s28;
	s13 =	sand.u32 $0x70, s20;
	s20 =	sand.u32 $0xFFFFFFF0, s20  }
0x61: {  	s29 =	sand.u32 $0xFFFFFC00, s29;
	p5 =	sne.s32 s30, $0x0;
	s30 =	simm.s32 $0xFFFFFFFF  }
0x62: {  	s5 =	ssub.s32 s5, s20;
	s13 =	sor.u32 s13, s29;
	s29 =	ssub.s32 s21, s19  }
0x63: {  	p4 =	por !p3, !p5;
	p0 =	slt.u32 s29, $0xF80;
	p5 =	sgt.s32 s29, $0x0  }
0x64: {  	p3 =	slt.s32 s29, $0x1;
	p4 =	por !p4, !p4;
	v17 =	vld [tilespmem:s13+$0x0];
	s29 =	simm.s32 @!p5 $0x0  }
0x65: {  	vm0 =	vmmov vm9;
	v18 =	vmov s5;
	s30 =	simm.s32 @!p4 $0x0;
	s29 =	smin.u32 s29, $0xF7F  }
0x66: {  	vm0 =	vmneg @p1 vm0;
	vm1 =	veq.s32 v18, v0;
	s14 =	sshll.u32 s30, $0x4;
	s30 =	sand.u32 $0xF, s29  }
0x67: {  	v18 =	vimm.s32 $0x0;
	vm0 =	vmand vm0, vm1;
	s15 =	sadd.s32 s28, s14;
	s14 =	simm.s32 $0xFFFFFFFF;
	p6 =	sne.s32 s30, $0x0  }
0x68: {  	v18 =	vsel vm0, $0xFFFFFFFF, v18;
	s20 =	sand.u32 $0x70, s15;
	s30 =	sshll.u32 s15, $0x3;
	s5 =	sand.u32 $0xFFFFFFF0, s15  }
0x69: {  	[tilespmem:$0x1FEE0] =	vst v18;
	p5 =	por !p3, !p6;
	s30 =	sand.u32 $0xFFFFFC00, s30;
	v18 =	vsel vm0, $0xFF800000, v17;
	s5 =	ssub.s32 s28, s5  }
0x6a: {  	p1 =	por !p5, !p5;
	s20 =	sor.u32 s20, s30;
	s30 =	ssub.s32 s18, s19;
	[tilespmem:s13+$0x0] =	vst v18  }
0x6b: {  	s14 =	simm.s32 @!p1 $0x0;
	p1 =	slt.u32 s30, $0xF80;
	p4 =	sgt.s32 s30, $0x0;
	v18 =	vld [tilespmem:s20+$0x80]  }
0x6c: {  	vm0 =	vmmov vm9;
	v19 =	vmov s5;
	p6 =	slt.s32 s30, $0x1;
	s14 =	sshll.u32 s14, $0x4;
	s30 =	simm.s32 @!p4 $0x0  }
0x6d: {  	vm0 =	vmneg @p2 vm0;
	vm5 =	veq.s32 v19, v0;
	s13 =	sadd.s32 s29, s14;
	s14 =	smin.u32 s30, $0xF7F  }
0x6e: {  	v19 =	vimm.s32 $0x0;
	vm0 =	vmand vm0, vm5;
	s15 =	sshll.u32 s13, $0x3;
	s28 =	sand.u32 $0xF, s14;
	s30 =	sand.u32 $0x70, s13  }
0x6f: {  	v19 =	vsel vm0, $0xFFFFFFFF, v19;
	s13 =	sand.u32 $0xFFFFFFF0, s13;
	s5 =	sand.u32 $0xFFFFFC00, s15;
	p5 =	sne.s32 s28, $0x0  }
0x70: {  	[tilespmem:$0x1FEF0] =	vst v19;
	s28 =	simm.s32 $0xFFFFFFFF;
	s13 =	ssub.s32 s29, s13;
	p2 =	por !p6, !p5;
	v19 =	vsel vm0, $0xFF800000, v18  }
0x71: {  	s5 =	sor.u32 s30, s5;
	s30 =	ssub.s32 s17, s19;
	p4 =	por !p2, !p2;
	[tilespmem:s20+$0x80] =	vst v19  }
0x72: {  	p2 =	slt.u32 s30, $0xF80;
	p5 =	sgt.s32 s30, $0x0;
	v19 =	vld [tilespmem:s5+$0x100];
	s28 =	simm.s32 @!p4 $0x0  }
0x73: {  	v20 =	vmov s13;
	vm0 =	vmmov vm9;
	p6 =	slt.s32 s30, $0x1;
	s30 =	simm.s32 @!p5 $0x0;
	s15 =	sshll.u32 s28, $0x4  }
0x74: {  	vm6 =	veq.s32 v20, v0;
	vm0 =	vmneg @p0 vm0;
	s28 =	smin.u32 s30, $0xF7F;
	s13 =	sadd.s32 s14, s15  }
0x75: {  	v20 =	vimm.s32 $0x0;
	vm0 =	vmand vm0, vm6;
	s30 =	simm.s32 $0xFFFFFFFF;
	s15 =	sand.u32 $0xF, s28;
	s29 =	sand.u32 $0xFFFFFFF0, s13  }
0x76: {  	v20 =	vsel vm0, $0xFFFFFFFF, v20;
	p5 =	sne.s32 s15, $0x0;
	s15 =	sand.u32 $0x70, s13;
	s13 =	sshll.u32 s13, $0x3  }
0x77: {  	[tilespmem:$0x1FF00] =	vst v20;
	p0 =	por !p6, !p5;
	s13 =	sand.u32 $0xFFFFFC00, s13;
	s14 =	ssub.s32 s14, s29;
	v20 =	vsel vm0, $0xFF800000, v19  }
0x78: {  	p0 =	por !p0, !p0;
	[tilespmem:s5+$0x100] =	vst v20;
	s5 =	sor.u32 s15, s13;
	s13 =	ssub.s32 s16, s19  }
0x79: {  	s30 =	simm.s32 @!p0 $0x0;
	v20 =	vld [tilespmem:s5+$0x180];
	p0 =	slt.u32 s13, $0xF80;
	p4 =	sgt.s32 s13, $0x0  }
0x7a: {  	v21 =	vmov s14;
	vm0 =	vmmov vm9;
	p6 =	slt.s32 s13, $0x1;
	s15 =	sshll.u32 s30, $0x4;
	s13 =	simm.s32 @!p4 $0x0  }
0x7b: {  	vm7 =	veq.s32 v21, v0;
	vm0 =	vmneg @p1 vm0;
	s15 =	sadd.s32 s28, s15;
	s13 =	smin.u32 s13, $0xF7F  }
0x7c: {  	v21 =	vimm.s32 $0x0;
	vm0 =	vmand vm0, vm7;
	s20 =	sshll.u32 s15, $0x3;
	s29 =	sand.u32 $0xF, s13  }
0x7d: {  	v21 =	vsel vm0, $0xFFFFFFFF, v21;
	s14 =	sand.u32 $0xFFFFFFF0, s15;
	s20 =	sand.u32 $0xFFFFFC00, s20;
	p5 =	sne.s32 s29, $0x0  }
0x7e: {  	[tilespmem:$0x1FF10] =	vst v21;
	s14 =	ssub.s32 s28, s14;
	s29 =	sand.u32 $0x70, s15;
	v21 =	vsel vm0, $0xFF800000, v20;
	p1 =	por !p6, !p5  }
0x7f: {  	s20 =	sor.u32 s29, s20;
	s29 =	ssub.s32 s7, s19;
	[tilespmem:s5+$0x180] =	vst v21;
	p4 =	por !p1, !p1  }
0x80: {  	s5 =	simm.s32 $0xFFFFFFFF;
	p1 =	slt.u32 s29, $0xF80;
	p5 =	sgt.s32 s29, $0x0;
	v21 =	vld [tilespmem:s20+$0x200]  }
0x81: {  	v22 =	vmov s14;
	vm0 =	vmmov vm9;
	p6 =	slt.s32 s29, $0x1;
	s5 =	simm.s32 @!p4 $0x0;
	s29 =	simm.s32 @!p5 $0x0  }
0x82: {  	vm12 =	veq.s32 v22, v0;
	vm0 =	vmneg @p2 vm0;
	s5 =	sshll.u32 s5, $0x4;
	s14 =	smin.u32 s29, $0xF7F  }
0x83: {  	v22 =	vimm.s32 $0x0;
	vm0 =	vmand vm0, vm12;
	s5 =	sadd.s32 s13, s5;
	s28 =	sand.u32 $0xF, s14  }
0x84: {  	v22 =	vsel vm0, $0xFFFFFFFF, v22;
	p4 =	sne.s32 s28, $0x0;
	s28 =	sshll.u32 s5, $0x3  }
0x85: {  	[tilespmem:$0x1FF20] =	vst v22;
	s29 =	sand.u32 $0xFFFFFFF0, s5;
	s5 =	sand.u32 $0x70, s5;
	s28 =	sand.u32 $0xFFFFFC00, s28;
	v22 =	vsel vm0, $0xFF800000, v21  }
0x86: {  	s19 =	ssub.s32 s6, s19;
	p2 =	por !p6, !p4;
	s5 =	sor.u32 s5, s28;
	[tilespmem:s20+$0x200] =	vst v22  }
0x87: {  	s13 =	ssub.s32 s13, s29;
	p2 =	por !p2, !p2;
	s20 =	simm.s32 $0xFFFFFFFF;
	v22 =	vld [tilespmem:s5+$0x280]  }
0x88: {  	p5 =	slt.s32 s19, $0x1;
	p4 =	sgt.s32 s19, $0x0;
	v23 =	vmov s13;
	vm0 =	vmmov vm9;
	s20 =	simm.s32 @!p2 $0x0  }
0x89: {  	vm13 =	veq.s32 v23, v0;
	vm0 =	vmneg @p0 vm0;
	p2 =	slt.u32 s19, $0xF80;
	s19 =	simm.s32 @!p4 $0x0;
	s20 =	sshll.u32 s20, $0x4  }
0x8a: {  	v23 =	vimm.s32 $0x0;
	vm0 =	vmand vm0, vm13;
	s19 =	smin.u32 s19, $0xF7F;
	s13 =	sadd.s32 s14, s20  }
0x8b: {  	v23 =	vsel vm0, $0xFFFFFFFF, v23;
	s28 =	sand.u32 $0xF, s19;
	s15 =	sshll.u32 s13, $0x3  }
0x8c: {  	[tilespmem:$0x1FF30] =	vst v23;
	p6 =	sne.s32 s28, $0x0;
	s28 =	sand.u32 $0x70, s13;
	s20 =	sand.u32 $0xFFFFFC00, s15;
	v23 =	vsel vm0, $0xFF800000, v22  }
0x8d: {  	s13 =	sand.u32 $0xFFFFFFF0, s13;
	p0 =	por !p5, !p6;
	[tilespmem:s5+$0x280] =	vst v23;
	s5 =	sor.u32 s28, s20  }
0x8e: {  	s13 =	ssub.s32 s14, s13;
	p0 =	por !p0, !p0;
	s20 =	simm.s32 $0xFFFFFFFF;
	v23 =	vld [tilespmem:s5+$0x300]  }
0x8f: {  	v24 =	vmov s13;
	vm0 =	vmmov vm9;
	s20 =	simm.s32 @!p0 $0x0  }
0x90: {  	vm14 =	veq.s32 v24, v0;
	vm0 =	vmneg @p1 vm0;
	s15 =	sshll.u32 s20, $0x4  }
0x91: {  	v24 =	vimm.s32 $0x0;
	vm0 =	vmand vm0, vm14;
	s13 =	sadd.s32 s19, s15  }
0x92: {  	v24 =	vsel vm0, $0xFFFFFFFF, v24;
	s20 =	sshll.u32 s13, $0x3  }
0x93: {  	[tilespmem:$0x1FF40] =	vst v24;
	s15 =	sand.u32 $0x70, s13;
	s14 =	sand.u32 $0xFFFFFC00, s20;
	v24 =	vsel vm0, $0xFF800000, v23  }
0x94: {  	s13 =	sand.u32 $0xFFFFFFF0, s13;
	s20 =	sor.u32 s15, s14;
	[tilespmem:s5+$0x300] =	vst v24  }
0x95: {  	s13 =	ssub.s32 s19, s13;
	v24 =	vld [tilespmem:s20+$0x380]  }
0x96: {  	v25 =	vmov s13;
	vm0 =	vmmov vm9  }
0x97: {  	s19 =	simm.s32 $0x0;
	vm15 =	veq.s32 v25, v0;
	vm0 =	vmneg @p2 vm0  }
0x98: {  	s14 =	sand.u32 $0x7, s19;
	v25 =	vimm.s32 $0x0;
	vm0 =	vmand vm0, vm15  }
0x99: {  	s13 =	sshll.u32 s14, $0x4;
	v25 =	vsel vm0, $0xFFFFFFFF, v25  }
0x9a: {  	s13 =	sadd.s32 $0x0, s13;
	[tilespmem:$0x1FF50] =	vst v25;
	v25 =	vsel vm0, $0xFF800000, v24  }
0x9b: {  	s15 =	sand.u32 $0x70, s19;
	s13 =	sor.u32 $0x380, s13;
	[tilespmem:s20+$0x380] =	vst v25;
	s20 =	sand.u32 $0x7C00, s19  }
0x9c: {  	s28 =	sor.u32 s15, s20;
	v36 =	vld [tilespmem:s13+$0x0]  }
0x9d: {  	v35 =	vld [tilespmem:s28+$0x0]  }
0x9e: {  	v34 =	vld [tilespmem:s28+$0x80]  }
0x9f: {  	s29 =	simm.s32 $0x1;
	v33 =	vld [tilespmem:s28+$0x100]  }
0xa0: {  	s30 =	sand.u32 $0x7, s29;
	s5 =	simm.s32 $0x20;
	s20 =	simm.s32 $0x10;
	v37 =	vld [tilespmem:s28+$0x180]  }
.LBB2_3:
0xa1: {  	p0 =	sne.s32 s5, $0xF70;
	s13 =	sshll.u32 s30, $0x4;
	v25 =	vld [tilespmem:s28+$0x200];
	v10 =	vmax.f32 v10, v36;
	s19 =	sadd.s32 $0x80, s19  }
0xa2: {  	s14 =	sand.u32 $0x70, s20;
	s13 =	sadd.s32 s13, s19;
	s20 =	sand.u32 $0x7C00, s19;
	v16 =	vmax.f32 v16, v35;
	v26 =	vld [tilespmem:s28+$0x280]  }
0xa3: {  	s13 =	sor.u32 $0x380, s13;
	v15 =	vmax.f32 v15, v34;
	v27 =	vld [tilespmem:s28+$0x300];
	s28 =	sor.u32 s14, s20;
	s20 =	smov.u32 s5  }
.Ltmp0:
0xa4: {  	v36 =	vld [tilespmem:s13+$0x0];
	v14 =	vmax.f32 v14, v33;
	(pc) =	sbr.rel @p0 .LBB2_3-.Ltmp0, $4  }
0xa5: {  	v35 =	vld [tilespmem:s28+$0x0];
	v13 =	vmax.f32 v13, v37  }
0xa6: {  	v34 =	vld [tilespmem:s28+$0x80];
	v12 =	vmax.f32 v12, v25  }
0xa7: {  	s29 =	sadd.s32 $0x1, s29;
	v33 =	vld [tilespmem:s28+$0x100];
	v11 =	vmax.f32 v11, v26  }
0xa8: {  	s30 =	sand.u32 $0x7, s29;
	s5 =	sadd.s32 $0x10, s5;
	v37 =	vld [tilespmem:s28+$0x180];
	v9 =	vmax.f32 v9, v27  }
0xa9: {  	s5 =	sshll.u32 s30, $0x4;
	v38 =	vld [tilespmem:s28+$0x200];
	s13 =	sadd.s32 $0x80, s19  }
0xaa: {  	v42 =	vld [tilespmem:s28+$0x280];
	s5 =	sadd.s32 s5, s13  }
0xab: {  	s14 =	sand.u32 $0x70, s20;
	v43 =	vld [tilespmem:s28+$0x300];
	s13 =	sand.u32 $0x7C00, s13;
	s5 =	sor.u32 $0x380, s5  }
0xac: {  	s13 =	sor.u32 s14, s13;
	v47 =	vld [tilespmem:s5+$0x0]  }
0xad: {  	v48 =	vld [tilespmem:s13+$0x0]  }
0xae: {  	v44 =	vld [tilespmem:s13+$0x80]  }
0xaf: {  	v45 =	vld [tilespmem:s13+$0x100]  }
0xb0: {  	v46 =	vld [tilespmem:s13+$0x180]  }
0xb1: {  	v39 =	vld [tilespmem:s13+$0x200]  }
0xb2: {  	s28 =	sadd.s32 s1, s9;
	v40 =	vld [tilespmem:s13+$0x280]  }
0xb3: {  	s19 =	simm.s32 $0x0;
	v41 =	vld [tilespmem:s13+$0x300];
	s13 =	sadd.s32 s1, s8;
	s5 =	ssub.s32 s0, s28  }
0xb4: {  	[tilespmem:s19], [sflag:$0x1] =	stream.linear.gather [hbm4b:s13+s19], $0x7C00, $0x38;
	[tilespmem:$0x17900] =	vst v63  }
0xb5: {  	p0 =	sgt.s32 s5, $0x0  }
0xb6: {  	p1 =	slt.u32 s5, $0xF80;
	p2 =	slt.s32 s5, $0x1;
	s5 =	simm.s32 @!p0 $0x0  }
0xb7: {  	s5 =	smin.u32 s5, $0xF7F  }
0xb8: {  	s14 =	sand.u32 $0xF, s5  }
0xb9: {  	p4 =	sne.s32 s14, $0x0  }
0xba: {  	s13 =	simm.s32 $0xFFFFFFFF;
	p0 =	por !p2, !p4  }
0xbb: {  	_ =	swait.ge [sflag:s25], $0x7C00;
	s14 =	ssub.s32 s31, s28;
	p0 =	por !p0, !p0  }
0xbc: {  	p2 =	slt.u32 s14, $0xF80;
	s13 =	simm.s32 @!p0 $0x0;
	p0 =	sgt.s32 s14, $0x0  }
0xbd: {  	p3 =	slt.s32 s14, $0x1;
	s13 =	sshll.u32 s13, $0x4;
	s14 =	simm.s32 @!p0 $0x0  }
0xbe: {  	[sflag:s25] =	ssyncset.done $0x0;
	s13 =	sadd.s32 s5, s13;
	s14 =	smin.u32 s14, $0xF7F  }
0xbf: {  	[sflag:s25] =	ssyncadd.s32 $0xFFFF8400;
	s15 =	sshll.u32 s13, $0x3;
	s29 =	sand.u32 $0xF, s14  }
0xc0: {  	s30 =	sand.u32 $0x70, s13;
	s13 =	sand.u32 $0xFFFFFFF0, s13;
	s20 =	sand.u32 $0xFFFFFC00, s15  }
0xc1: {  	p5 =	sne.s32 s29, $0x0;
	s29 =	ssub.s32 s21, s28;
	s5 =	ssub.s32 s5, s13  }
0xc2: {  	s20 =	sor.u32 s30, s20;
	p4 =	por !p3, !p5;
	p0 =	slt.u32 s29, $0xF80  }
0xc3: {  	p5 =	sgt.s32 s29, $0x0;
	s30 =	simm.s32 $0xFFFFFFFF;
	p4 =	por !p4, !p4  }
0xc4: {  	p3 =	slt.s32 s29, $0x1;
	s29 =	simm.s32 @!p5 $0x0;
	v25 =	vld [tilespmem:s20+$0x7C00];
	s30 =	simm.s32 @!p4 $0x0  }
0xc5: {  	vm0 =	vmmov vm9;
	v26 =	vmov s5;
	s29 =	smin.u32 s29, $0xF7F;
	s15 =	sshll.u32 s30, $0x4  }
0xc6: {  	vm0 =	vmneg @p1 vm0;
	vm1 =	veq.s32 v26, v0;
	s30 =	sand.u32 $0xF, s29;
	s5 =	sadd.s32 s14, s15  }
0xc7: {  	v26 =	vimm.s32 $0x0;
	vm0 =	vmand vm0, vm1;
	p6 =	sne.s32 s30, $0x0;
	s15 =	simm.s32 $0xFFFFFFFF;
	s13 =	sand.u32 $0x70, s5  }
0xc8: {  	v26 =	vsel vm0, $0xFFFFFFFF, v26;
	s30 =	sshll.u32 s5, $0x3;
	p5 =	por !p3, !p6;
	s5 =	sand.u32 $0xFFFFFFF0, s5  }
0xc9: {  	[tilespmem:$0x1FEC0] =	vst v26;
	s30 =	sand.u32 $0xFFFFFC00, s30;
	p1 =	por !p5, !p5;
	v26 =	vsel vm0, $0xFF800000, v25;
	s5 =	ssub.s32 s14, s5  }
0xca: {  	s13 =	sor.u32 s13, s30;
	s15 =	simm.s32 @!p1 $0x0;
	s30 =	ssub.s32 s18, s28;
	[tilespmem:s20+$0x7C00] =	vst v26  }
0xcb: {  	p1 =	slt.u32 s30, $0xF80;
	p4 =	sgt.s32 s30, $0x0;
	v26 =	vld [tilespmem:s13+$0x7C80];
	s15 =	sshll.u32 s15, $0x4  }
0xcc: {  	vm0 =	vmmov vm9;
	v27 =	vmov s5;
	p6 =	slt.s32 s30, $0x1;
	s30 =	simm.s32 @!p4 $0x0;
	s14 =	sadd.s32 s29, s15  }
0xcd: {  	vm0 =	vmneg @p2 vm0;
	vm1 =	veq.s32 v27, v0;
	s15 =	smin.u32 s30, $0xF7F;
	s5 =	sshll.u32 s14, $0x3  }
0xce: {  	v27 =	vimm.s32 $0x0;
	vm0 =	vmand vm0, vm1;
	s30 =	sand.u32 $0x70, s14;
	s20 =	sand.u32 $0xF, s15;
	s5 =	sand.u32 $0xFFFFFC00, s5  }
0xcf: {  	v27 =	vsel vm0, $0xFFFFFFFF, v27;
	s14 =	sand.u32 $0xFFFFFFF0, s14;
	p5 =	sne.s32 s20, $0x0;
	s5 =	sor.u32 s30, s5  }
0xd0: {  	[tilespmem:$0x1FED0] =	vst v27;
	s20 =	simm.s32 $0xFFFFFFFF;
	s30 =	ssub.s32 s17, s28;
	p2 =	por !p6, !p5;
	v27 =	vsel vm0, $0xFF800000, v26  }
0xd1: {  	p5 =	sgt.s32 s30, $0x0;
	p6 =	slt.s32 s30, $0x1;
	p4 =	por !p2, !p2;
	[tilespmem:s13+$0x7C80] =	vst v27  }
0xd2: {  	p2 =	slt.u32 s30, $0xF80;
	s30 =	simm.s32 @!p5 $0x0;
	v27 =	vld [tilespmem:s5+$0x7D00];
	s20 =	simm.s32 @!p4 $0x0  }
0xd3: {  	s13 =	ssub.s32 s29, s14;
	s14 =	sshll.u32 s20, $0x4;
	s20 =	smin.u32 s30, $0xF7F  }
0xd4: {  	vm0 =	vmmov vm9;
	v28 =	vmov s13;
	s13 =	sadd.s32 s15, s14;
	s14 =	sand.u32 $0xF, s20  }
0xd5: {  	vm0 =	vmneg @p0 vm0;
	vm1 =	veq.s32 v28, v0;
	s29 =	sand.u32 $0xFFFFFFF0, s13;
	p5 =	sne.s32 s14, $0x0  }
0xd6: {  	vm7 =	vmand vm0, vm1;
	s14 =	sand.u32 $0x70, s13;
	s13 =	sshll.u32 s13, $0x3;
	p0 =	por !p6, !p5  }
0xd7: {  	s30 =	simm.s32 $0xFFFFFFFF;
	s13 =	sand.u32 $0xFFFFFC00, s13;
	v28 =	vsel vm7, $0xFF800000, v27;
	p0 =	por !p0, !p0  }
0xd8: {  	[tilespmem:s5+$0x7D00] =	vst v28;
	s5 =	sor.u32 s14, s13;
	s30 =	simm.s32 @!p0 $0x0;
	s13 =	ssub.s32 s16, s28  }
0xd9: {  	s14 =	ssub.s32 s15, s29;
	v28 =	vld [tilespmem:s5+$0x7D80];
	p0 =	slt.u32 s13, $0xF80;
	p4 =	sgt.s32 s13, $0x0  }
0xda: {  	p6 =	slt.s32 s13, $0x1;
	s15 =	sshll.u32 s30, $0x4;
	s13 =	simm.s32 @!p4 $0x0  }
0xdb: {  	vm0 =	vmmov vm9;
	v29 =	vmov s14;
	s14 =	sadd.s32 s20, s15;
	s13 =	smin.u32 s13, $0xF7F  }
0xdc: {  	vm0 =	vmneg @p1 vm0;
	vm1 =	veq.s32 v29, v0;
	s15 =	sshll.u32 s14, $0x3;
	s29 =	sand.u32 $0xF, s13  }
0xdd: {  	vm10 =	vmand vm0, vm1;
	s15 =	sand.u32 $0xFFFFFC00, s15;
	p5 =	sne.s32 s29, $0x0;
	s29 =	sand.u32 $0x70, s14  }
0xde: {  	s14 =	sand.u32 $0xFFFFFFF0, s14;
	v29 =	vsel vm10, $0xFF800000, v28;
	s15 =	sor.u32 s29, s15;
	p1 =	por !p6, !p5  }
0xdf: {  	s29 =	ssub.s32 s7, s28;
	s14 =	ssub.s32 s20, s14;
	[tilespmem:s5+$0x7D80] =	vst v29;
	p4 =	por !p1, !p1  }
0xe0: {  	s5 =	simm.s32 $0xFFFFFFFF;
	p1 =	slt.u32 s29, $0xF80;
	p5 =	sgt.s32 s29, $0x0;
	v29 =	vld [tilespmem:s15+$0x7E00]  }
0xe1: {  	p6 =	slt.s32 s29, $0x1;
	s5 =	simm.s32 @!p4 $0x0;
	s29 =	simm.s32 @!p5 $0x0  }
0xe2: {  	vm0 =	vmmov vm9;
	v30 =	vmov s14;
	s5 =	sshll.u32 s5, $0x4;
	s14 =	smin.u32 s29, $0xF7F  }
0xe3: {  	vm0 =	vmneg @p2 vm0;
	vm1 =	veq.s32 v30, v0;
	s5 =	sadd.s32 s13, s5;
	s20 =	sand.u32 $0xF, s14  }
0xe4: {  	vm13 =	vmand vm0, vm1;
	p4 =	sne.s32 s20, $0x0;
	s20 =	sshll.u32 s5, $0x3  }
0xe5: {  	s29 =	sand.u32 $0xFFFFFFF0, s5;
	s5 =	sand.u32 $0x70, s5;
	s20 =	sand.u32 $0xFFFFFC00, s20;
	v30 =	vsel vm13, $0xFF800000, v29  }
0xe6: {  	p2 =	por !p6, !p4;
	s13 =	ssub.s32 s13, s29;
	s5 =	sor.u32 s5, s20;
	[tilespmem:s15+$0x7E00] =	vst v30  }
0xe7: {  	p2 =	por !p2, !p2;
	s20 =	ssub.s32 s6, s28;
	s15 =	simm.s32 $0xFFFFFFFF;
	v30 =	vld [tilespmem:s5+$0x7E80]  }
0xe8: {  	p4 =	sgt.s32 s20, $0x0;
	p5 =	slt.s32 s20, $0x1;
	s15 =	simm.s32 @!p2 $0x0  }
0xe9: {  	vm0 =	vmmov vm9;
	v31 =	vmov s13;
	p2 =	slt.u32 s20, $0xF80;
	s20 =	simm.s32 @!p4 $0x0;
	s15 =	sshll.u32 s15, $0x4  }
0xea: {  	vm0 =	vmneg @p0 vm0;
	vm1 =	veq.s32 v31, v0;
	s13 =	sadd.s32 s14, s15;
	s15 =	smin.u32 s20, $0xF7F  }
0xeb: {  	vm14 =	vmand vm0, vm1;
	s20 =	sshll.u32 s13, $0x3;
	s28 =	sand.u32 $0xF, s15  }
0xec: {  	p6 =	sne.s32 s28, $0x0;
	s28 =	sand.u32 $0x70, s13;
	s20 =	sand.u32 $0xFFFFFC00, s20;
	v31 =	vsel vm14, $0xFF800000, v30  }
0xed: {  	p0 =	por !p5, !p6;
	[tilespmem:s5+$0x7E80] =	vst v31;
	s5 =	sor.u32 s28, s20  }
0xee: {  	s13 =	sand.u32 $0xFFFFFFF0, s13;
	p0 =	por !p0, !p0;
	s20 =	simm.s32 $0xFFFFFFFF;
	v31 =	vld [tilespmem:s5+$0x7F00]  }
0xef: {  	s13 =	ssub.s32 s14, s13;
	s20 =	simm.s32 @!p0 $0x0  }
0xf0: {  	vm0 =	vmmov vm9;
	v32 =	vmov s13;
	s14 =	sshll.u32 s20, $0x4  }
0xf1: {  	vm0 =	vmneg @p1 vm0;
	vm1 =	veq.s32 v32, v0;
	s13 =	sadd.s32 s15, s14  }
0xf2: {  	vm15 =	vmand vm0, vm1;
	s14 =	sshll.u32 s13, $0x3  }
0xf3: {  	s20 =	sand.u32 $0x70, s13;
	s14 =	sand.u32 $0xFFFFFC00, s14;
	v61 =	vsel vm15, $0xFF800000, v31  }
0xf4: {  	s20 =	sor.u32 s20, s14;
	[tilespmem:s5+$0x7F00] =	vst v61  }
0xf5: {  	s13 =	sand.u32 $0xFFFFFFF0, s13;
	v32 =	vld [tilespmem:s20+$0x7F80]  }
0xf6: {  	s13 =	ssub.s32 s15, s13  }
0xf7: {  	vm0 =	vmmov vm9;
	v49 =	vmov s13  }
0xf8: {  	vm0 =	vmneg @p2 vm0;
	s14 =	sand.u32 $0x7, s19;
	vm1 =	veq.s32 v49, v0  }
0xf9: {  	s13 =	sshll.u32 s14, $0x4;
	vm1 =	vmand vm0, vm1  }
0xfa: {  	s13 =	sadd.s32 $0x0, s13;
	v62 =	vsel vm1, $0xFF800000, v32  }
0xfb: {  	v10 =	vmax.f32 v10, v36;
	s15 =	sand.u32 $0x70, s19;
	s13 =	sor.u32 $0x380, s13;
	[tilespmem:s20+$0x7F80] =	vst v62;
	s20 =	sand.u32 $0x7C00, s19  }
0xfc: {  	v35 =	vmax.f32 v16, v35;
	v15 =	vmax.f32 v15, v34;
	v14 =	vmax.f32 v14, v33;
	s28 =	sor.u32 s15, s20;
	v36 =	vld [tilespmem:s13+$0x7C00]  }
0xfd: {  	v37 =	vmax.f32 v13, v37;
	v38 =	vmax.f32 v12, v38;
	v11 =	vmax.f32 v11, v42;
	v33 =	vld [tilespmem:s28+$0x7C00]  }
0xfe: {  	v63 =	vmax.f32 v9, v43;
	v16 =	vmax.f32 v10, v47;
	v10 =	vmax.f32 v35, v48;
	v34 =	vld [tilespmem:s28+$0x7C80]  }
0xff: {  	v12 =	vmax.f32 v15, v44;
	v13 =	vmax.f32 v14, v45;
	v9 =	vmax.f32 v37, v46;
	s29 =	simm.s32 $0x1;
	v35 =	vld [tilespmem:s28+$0x7D00]  }
0x100: {  	v14 =	vmax.f32 v38, v39;
	v15 =	vmax.f32 v11, v40;
	v11 =	vmax.f32 v63, v41;
	s30 =	sand.u32 $0x7, s29;
	s5 =	simm.s32 $0x20;
	s20 =	simm.s32 $0x10;
	v38 =	vld [tilespmem:s28+$0x7D80]  }
.LBB2_5:
0x101: {  	p0 =	sne.s32 s5, $0xF70;
	s13 =	sshll.u32 s30, $0x4;
	v37 =	vld [tilespmem:s28+$0x7E00];
	v16 =	vmax.f32 v16, v36;
	s19 =	sadd.s32 $0x80, s19  }
0x102: {  	s14 =	sand.u32 $0x70, s20;
	s13 =	sadd.s32 s13, s19;
	s15 =	sand.u32 $0x7C00, s19;
	v10 =	vmax.f32 v10, v33;
	v39 =	vld [tilespmem:s28+$0x7E80]  }
0x103: {  	s20 =	smov.u32 s5;
	s13 =	sor.u32 $0x380, s13;
	v12 =	vmax.f32 v12, v34;
	v40 =	vld [tilespmem:s28+$0x7F00];
	s28 =	sor.u32 s14, s15  }
.Ltmp1:
0x104: {  	v36 =	vld [tilespmem:s13+$0x7C00];
	v13 =	vmax.f32 v13, v35;
	(pc) =	sbr.rel @p0 .LBB2_5-.Ltmp1, $4  }
0x105: {  	v33 =	vld [tilespmem:s28+$0x7C00];
	v9 =	vmax.f32 v9, v38  }
0x106: {  	v34 =	vld [tilespmem:s28+$0x7C80];
	v14 =	vmax.f32 v14, v37  }
0x107: {  	s29 =	sadd.s32 $0x1, s29;
	v35 =	vld [tilespmem:s28+$0x7D00];
	v15 =	vmax.f32 v15, v39  }
0x108: {  	s5 =	sadd.s32 $0x10, s5;
	s30 =	sand.u32 $0x7, s29;
	v38 =	vld [tilespmem:s28+$0x7D80];
	v11 =	vmax.f32 v11, v40  }
0x109: {  	s5 =	sshll.u32 s30, $0x4;
	v40 =	vld [tilespmem:s28+$0x7E00];
	s13 =	sadd.s32 $0x80, s19  }
0x10a: {  	v44 =	vld [tilespmem:s28+$0x7E80];
	s5 =	sadd.s32 s5, s13  }
0x10b: {  	s14 =	sand.u32 $0x70, s20;
	v45 =	vld [tilespmem:s28+$0x7F00];
	s13 =	sand.u32 $0x7C00, s13;
	s5 =	sor.u32 $0x380, s5  }
0x10c: {  	s13 =	sor.u32 s14, s13;
	v49 =	vld [tilespmem:s5+$0x7C00]  }
0x10d: {  	v50 =	vld [tilespmem:s13+$0x7C00]  }
0x10e: {  	v46 =	vld [tilespmem:s13+$0x7C80]  }
0x10f: {  	v47 =	vld [tilespmem:s13+$0x7D00]  }
0x110: {  	v48 =	vld [tilespmem:s13+$0x7D80]  }
0x111: {  	v41 =	vld [tilespmem:s13+$0x7E00]  }
0x112: {  	s15 =	sadd.s32 s1, s10;
	s19 =	simm.s32 $0x0;
	s28 =	sadd.s32 s1, s11;
	v42 =	vld [tilespmem:s13+$0x7E80]  }
0x113: {  	v43 =	vld [tilespmem:s13+$0x7F00];
	[tilespmem:s22], [sflag:$0x2] =	stream.linear.gather [hbm4b:s15+s19], $0x7C00, $0x38  }
0x114: {  	s5 =	ssub.s32 s0, s28  }
0x115: {  	p0 =	sgt.s32 s5, $0x0  }
0x116: {  	p1 =	slt.u32 s5, $0xF80;
	p2 =	slt.s32 s5, $0x1;
	s5 =	simm.s32 @!p0 $0x0  }
0x117: {  	s5 =	smin.u32 s5, $0xF7F  }
0x118: {  	s20 =	sand.u32 $0xF, s5  }
0x119: {  	p4 =	sne.s32 s20, $0x0  }
0x11a: {  	p0 =	por !p2, !p4  }
0x11b: {  	s14 =	ssub.s32 s31, s28;
	s13 =	simm.s32 $0xFFFFFFFF;
	p0 =	por !p0, !p0  }
0x11c: {  	p3 =	slt.s32 s14, $0x1;
	_ =	swait.ge [sflag:s26], $0x7C00;
	s13 =	simm.s32 @!p0 $0x0  }
0x11d: {  	[sflag:s26] =	ssyncset.done $0x0;
	p0 =	sgt.s32 s14, $0x0;
	s13 =	sshll.u32 s13, $0x4  }
0x11e: {  	p2 =	slt.u32 s14, $0xF80;
	s14 =	simm.s32 @!p0 $0x0;
	s13 =	sadd.s32 s5, s13  }
0x11f: {  	[sflag:s26] =	ssyncadd.s32 $0xFFFF8400;
	s14 =	smin.u32 s14, $0xF7F;
	s15 =	sshll.u32 s13, $0x3  }
0x120: {  	s20 =	sand.u32 $0xF, s14;
	s29 =	sand.u32 $0x70, s13;
	s13 =	sand.u32 $0xFFFFFFF0, s13  }
0x121: {  	s15 =	sand.u32 $0xFFFFFC00, s15;
	p5 =	sne.s32 s20, $0x0;
	s20 =	ssub.s32 s21, s28  }
0x122: {  	s15 =	sor.u32 s29, s15;
	p4 =	por !p3, !p5;
	p0 =	slt.u32 s20, $0xF80  }
0x123: {  	p5 =	sgt.s32 s20, $0x0;
	s29 =	simm.s32 $0xFFFFFFFF;
	p4 =	por !p4, !p4  }
0x124: {  	p3 =	slt.s32 s20, $0x1;
	s20 =	simm.s32 @!p5 $0x0;
	v37 =	vld [tilespmem:s15+$0xF800];
	s29 =	simm.s32 @!p4 $0x0  }
0x125: {  	s5 =	ssub.s32 s5, s13;
	s20 =	smin.u32 s20, $0xF7F;
	s13 =	sshll.u32 s29, $0x4  }
0x126: {  	vm0 =	vmmov vm9;
	v39 =	vmov s5;
	s29 =	sand.u32 $0xF, s20;
	s5 =	sadd.s32 s14, s13  }
0x127: {  	s30 =	simm.s32 $0xFFFFFFFF;
	vm0 =	vmneg @p1 vm0;
	vm2 =	veq.s32 v39, v0;
	p6 =	sne.s32 s29, $0x0;
	s13 =	sand.u32 $0x70, s5  }
0x128: {  	vm2 =	vmand vm0, vm2;
	s29 =	sshll.u32 s5, $0x3;
	p5 =	por !p3, !p6;
	s5 =	sand.u32 $0xFFFFFFF0, s5  }
0x129: {  	s29 =	sand.u32 $0xFFFFFC00, s29;
	p1 =	por !p5, !p5;
	v57 =	vsel vm2, $0xFF800000, v37;
	s5 =	ssub.s32 s14, s5  }
0x12a: {  	s13 =	sor.u32 s13, s29;
	s30 =	simm.s32 @!p1 $0x0;
	s29 =	ssub.s32 s18, s28;
	[tilespmem:s15+$0xF800] =	vst v57  }
0x12b: {  	p1 =	slt.u32 s29, $0xF80;
	p4 =	sgt.s32 s29, $0x0;
	v39 =	vld [tilespmem:s13+$0xF880];
	s15 =	sshll.u32 s30, $0x4  }
0x12c: {  	p6 =	slt.s32 s29, $0x1;
	s29 =	simm.s32 @!p4 $0x0;
	s14 =	sadd.s32 s20, s15  }
0x12d: {  	vm0 =	vmmov vm9;
	v51 =	vmov s5;
	s15 =	smin.u32 s29, $0xF7F;
	s5 =	sshll.u32 s14, $0x3  }
0x12e: {  	vm0 =	vmneg @p2 vm0;
	vm3 =	veq.s32 v51, v0;
	s30 =	sand.u32 $0x70, s14;
	s29 =	sand.u32 $0xF, s15;
	s5 =	sand.u32 $0xFFFFFC00, s5  }
0x12f: {  	vm3 =	vmand vm0, vm3;
	s14 =	sand.u32 $0xFFFFFFF0, s14;
	p5 =	sne.s32 s29, $0x0;
	s5 =	sor.u32 s30, s5  }
0x130: {  	s29 =	simm.s32 $0xFFFFFFFF;
	s30 =	ssub.s32 s17, s28;
	p2 =	por !p6, !p5;
	v58 =	vsel vm3, $0xFF800000, v39  }
0x131: {  	p5 =	sgt.s32 s30, $0x0;
	p6 =	slt.s32 s30, $0x1;
	p4 =	por !p2, !p2;
	[tilespmem:s13+$0xF880] =	vst v58  }
0x132: {  	p2 =	slt.u32 s30, $0xF80;
	s30 =	simm.s32 @!p5 $0x0;
	v51 =	vld [tilespmem:s5+$0xF900];
	s29 =	simm.s32 @!p4 $0x0  }
0x133: {  	s13 =	ssub.s32 s20, s14;
	s20 =	smin.u32 s30, $0xF7F;
	s14 =	sshll.u32 s29, $0x4  }
0x134: {  	vm0 =	vmmov vm9;
	v52 =	vmov s13;
	s13 =	sadd.s32 s15, s14;
	s14 =	sand.u32 $0xF, s20  }
0x135: {  	vm0 =	vmneg @p0 vm0;
	vm4 =	veq.s32 v52, v0;
	s29 =	sand.u32 $0xFFFFFFF0, s13;
	p5 =	sne.s32 s14, $0x0  }
0x136: {  	vm8 =	vmand vm0, vm4;
	s14 =	sand.u32 $0x70, s13;
	s13 =	sshll.u32 s13, $0x3;
	p0 =	por !p6, !p5  }
0x137: {  	s30 =	simm.s32 $0xFFFFFFFF;
	s13 =	sand.u32 $0xFFFFFC00, s13;
	v59 =	vsel vm8, $0xFF800000, v51;
	p0 =	por !p0, !p0  }
0x138: {  	[tilespmem:s5+$0xF900] =	vst v59;
	s5 =	sor.u32 s14, s13;
	s30 =	simm.s32 @!p0 $0x0;
	s13 =	ssub.s32 s16, s28  }
0x139: {  	s14 =	ssub.s32 s15, s29;
	v52 =	vld [tilespmem:s5+$0xF980];
	p0 =	slt.u32 s13, $0xF80;
	p4 =	sgt.s32 s13, $0x0  }
0x13a: {  	p6 =	slt.s32 s13, $0x1;
	s15 =	sshll.u32 s30, $0x4;
	s13 =	simm.s32 @!p4 $0x0  }
0x13b: {  	vm0 =	vmmov vm9;
	v53 =	vmov s14;
	s14 =	sadd.s32 s20, s15;
	s13 =	smin.u32 s13, $0xF7F  }
0x13c: {  	vm0 =	vmneg @p1 vm0;
	vm4 =	veq.s32 v53, v0;
	s15 =	sshll.u32 s14, $0x3;
	s29 =	sand.u32 $0xF, s13  }
0x13d: {  	vm11 =	vmand vm0, vm4;
	s15 =	sand.u32 $0xFFFFFC00, s15;
	p5 =	sne.s32 s29, $0x0;
	s29 =	sand.u32 $0x70, s14  }
0x13e: {  	s14 =	sand.u32 $0xFFFFFFF0, s14;
	v60 =	vsel vm11, $0xFF800000, v52;
	s15 =	sor.u32 s29, s15;
	p1 =	por !p6, !p5  }
0x13f: {  	s29 =	ssub.s32 s7, s28;
	s14 =	ssub.s32 s20, s14;
	[tilespmem:s5+$0xF980] =	vst v60;
	p4 =	por !p1, !p1  }
0x140: {  	s5 =	simm.s32 $0xFFFFFFFF;
	p1 =	slt.u32 s29, $0xF80;
	p5 =	sgt.s32 s29, $0x0;
	v53 =	vld [tilespmem:s15+$0xFA00]  }
0x141: {  	p6 =	slt.s32 s29, $0x1;
	s5 =	simm.s32 @!p4 $0x0;
	s29 =	simm.s32 @!p5 $0x0  }
0x142: {  	vm0 =	vmmov vm9;
	v54 =	vmov s14;
	s5 =	sshll.u32 s5, $0x4;
	s14 =	smin.u32 s29, $0xF7F  }
0x143: {  	vm0 =	vmneg @p2 vm0;
	vm4 =	veq.s32 v54, v0;
	s5 =	sadd.s32 s13, s5;
	s20 =	sand.u32 $0xF, s14  }
0x144: {  	vm0 =	vmand vm0, vm4;
	p4 =	sne.s32 s20, $0x0;
	s20 =	sshll.u32 s5, $0x3  }
0x145: {  	s29 =	sand.u32 $0xFFFFFFF0, s5;
	s5 =	sand.u32 $0x70, s5;
	s20 =	sand.u32 $0xFFFFFC00, s20;
	v61 =	vsel vm0, $0xFF800000, v53  }
0x146: {  	p2 =	por !p6, !p4;
	s13 =	ssub.s32 s13, s29;
	s5 =	sor.u32 s5, s20;
	[tilespmem:s15+$0xFA00] =	vst v61  }
0x147: {  	p2 =	por !p2, !p2;
	s20 =	ssub.s32 s6, s28;
	s15 =	simm.s32 $0xFFFFFFFF;
	v54 =	vld [tilespmem:s5+$0xFA80]  }
0x148: {  	p4 =	sgt.s32 s20, $0x0;
	p5 =	slt.s32 s20, $0x1;
	s15 =	simm.s32 @!p2 $0x0  }
0x149: {  	vm4 =	vmmov vm9;
	v55 =	vmov s13;
	p2 =	slt.u32 s20, $0xF80;
	s20 =	simm.s32 @!p4 $0x0;
	s15 =	sshll.u32 s15, $0x4  }
0x14a: {  	vm4 =	vmneg @p0 vm4;
	vm5 =	veq.s32 v55, v0;
	s13 =	sadd.s32 s14, s15;
	s15 =	smin.u32 s20, $0xF7F  }
0x14b: {  	vm4 =	vmand vm4, vm5;
	s20 =	sshll.u32 s13, $0x3;
	s28 =	sand.u32 $0xF, s15  }
0x14c: {  	p6 =	sne.s32 s28, $0x0;
	s28 =	sand.u32 $0x70, s13;
	s20 =	sand.u32 $0xFFFFFC00, s20;
	v62 =	vsel vm4, $0xFF800000, v54  }
0x14d: {  	p0 =	por !p5, !p6;
	[tilespmem:s5+$0xFA80] =	vst v62;
	s5 =	sor.u32 s28, s20  }
0x14e: {  	s13 =	sand.u32 $0xFFFFFFF0, s13;
	p0 =	por !p0, !p0;
	s20 =	simm.s32 $0xFFFFFFFF;
	v55 =	vld [tilespmem:s5+$0xFB00]  }
0x14f: {  	s13 =	ssub.s32 s14, s13;
	s20 =	simm.s32 @!p0 $0x0  }
0x150: {  	vm5 =	vmmov vm9;
	v56 =	vmov s13;
	s14 =	sshll.u32 s20, $0x4  }
0x151: {  	vm5 =	vmneg @p1 vm5;
	vm12 =	veq.s32 v56, v0;
	s13 =	sadd.s32 s15, s14  }
0x152: {  	vm12 =	vmand vm5, vm12;
	s14 =	sshll.u32 s13, $0x3  }
0x153: {  	s20 =	sand.u32 $0x70, s13;
	s14 =	sand.u32 $0xFFFFFC00, s14;
	v63 =	vsel vm12, $0xFF800000, v55  }
0x154: {  	s20 =	sor.u32 s20, s14;
	[tilespmem:s5+$0xFB00] =	vst v63  }
0x155: {  	s13 =	sand.u32 $0xFFFFFFF0, s13;
	v56 =	vld [tilespmem:s20+$0xFB80]  }
0x156: {  	s13 =	ssub.s32 s15, s13  }
0x157: {  	vm5 =	vmmov vm9;
	v57 =	vmov s13  }
0x158: {  	vm5 =	vmneg @p2 vm5;
	s14 =	sand.u32 $0x7, s19;
	vm6 =	veq.s32 v57, v0  }
0x159: {  	s13 =	sshll.u32 s14, $0x4;
	vm5 =	vmand vm5, vm6  }
0x15a: {  	s13 =	sadd.s32 $0x0, s13;
	v60 =	vsel vm5, $0xFF800000, v56  }
0x15b: {  	v16 =	vmax.f32 v16, v36;
	s15 =	sand.u32 $0x70, s19;
	s13 =	sor.u32 $0x380, s13;
	[tilespmem:s20+$0xFB80] =	vst v60;
	s20 =	sand.u32 $0x7C00, s19  }
0x15c: {  	v10 =	vmax.f32 v10, v33;
	v12 =	vmax.f32 v12, v34;
	v13 =	vmax.f32 v13, v35;
	s28 =	sor.u32 s15, s20;
	v34 =	vld [tilespmem:s13+$0xF800]  }
0x15d: {  	v14 =	vmax.f32 v14, v40;
	v12 =	vmax.f32 v12, v46;
	v61 =	vmax.f32 v9, v38;
	v33 =	vld [tilespmem:s28+$0xF800]  }
0x15e: {  	v13 =	vmax.f32 v13, v47;
	v9 =	vmax.f32 v10, v50;
	v10 =	vmax.f32 v61, v48;
	v35 =	vld [tilespmem:s28+$0xF880]  }
0x15f: {  	s29 =	simm.s32 $0x1;
	v62 =	vmax.f32 v15, v44;
	v15 =	vmax.f32 v14, v41;
	v63 =	vmax.f32 v11, v45;
	v36 =	vld [tilespmem:s28+$0xF900]  }
0x160: {  	s30 =	sand.u32 $0x7, s29;
	v11 =	vmax.f32 v16, v49;
	v16 =	vmax.f32 v62, v42;
	s5 =	simm.s32 $0x10;
	v14 =	vmax.f32 v63, v43;
	s20 =	simm.s32 $0x20;
	v38 =	vld [tilespmem:s28+$0xF980]  }
.LBB2_7:
0x161: {  	p0 =	sne.s32 s20, $0xF70;
	s13 =	sshll.u32 s30, $0x4;
	v40 =	vld [tilespmem:s28+$0xFA00];
	v11 =	vmax.f32 v11, v34;
	s19 =	sadd.s32 $0x80, s19  }
0x162: {  	s5 =	sand.u32 $0x70, s5;
	s13 =	sadd.s32 s13, s19;
	s14 =	sand.u32 $0x7C00, s19;
	v9 =	vmax.f32 v9, v33;
	v41 =	vld [tilespmem:s28+$0xFA80]  }
0x163: {  	s13 =	sor.u32 $0x380, s13;
	v12 =	vmax.f32 v12, v35;
	v42 =	vld [tilespmem:s28+$0xFB00];
	s28 =	sor.u32 s5, s14;
	s5 =	smov.u32 s20  }
.Ltmp2:
0x164: {  	v34 =	vld [tilespmem:s13+$0xF800];
	v13 =	vmax.f32 v13, v36;
	(pc) =	sbr.rel @p0 .LBB2_7-.Ltmp2, $4  }
0x165: {  	v33 =	vld [tilespmem:s28+$0xF800];
	v10 =	vmax.f32 v10, v38  }
0x166: {  	v35 =	vld [tilespmem:s28+$0xF880];
	v15 =	vmax.f32 v15, v40  }
0x167: {  	s29 =	sadd.s32 $0x1, s29;
	v36 =	vld [tilespmem:s28+$0xF900];
	v16 =	vmax.f32 v16, v41  }
0x168: {  	s30 =	sand.u32 $0x7, s29;
	s20 =	sadd.s32 $0x10, s20;
	v38 =	vld [tilespmem:s28+$0xF980];
	v14 =	vmax.f32 v14, v42  }
0x169: {  	v42 =	vld [tilespmem:$0x1FEE0]  }
0x16a: {  	v45 =	vld [tilespmem:$0x1FEF0];
	_ =	sdelay $0x3  }
0x16b: {  	vm6 =	vnez.u8 v42  }
0x16c: {  	v8 =	vsel vm6, v17, v8;
	vm6 =	vnez.u8 v45  }
0x16d: {  	v7 =	vsel vm6, v18, v7;
	v18 =	vld [tilespmem:$0x1FF00];
	_ =	sdelay $0x3  }
0x16e: {  	v40 =	vld [tilespmem:s28+$0xFA00]  }
0x16f: {  	s13 =	sshll.u32 s30, $0x4;
	s14 =	sadd.s32 $0x80, s19;
	vm6 =	vnez.u8 v18;
	v18 =	vld [tilespmem:$0x1FF10]  }
0x170: {  	s5 =	sand.u32 $0x70, s5;
	s13 =	sadd.s32 s13, s14;
	s14 =	sand.u32 $0x7C00, s14;
	v6 =	vsel vm6, v19, v6;
	v19 =	vld [tilespmem:$0x1FF20]  }
0x171: {  	v41 =	vld [tilespmem:s28+$0xFA80];
	s5 =	sor.u32 s5, s14  }
0x172: {  	v49 =	vld [tilespmem:s5+$0xF880]  }
0x173: {  	v50 =	vld [tilespmem:s5+$0xF900]  }
0x174: {  	v57 =	vld [tilespmem:s5+$0xF980];
	vm6 =	vnez.u8 v18  }
0x175: {  	v5 =	vsel vm6, v20, v5;
	vm6 =	vnez.u8 v19;
	v19 =	vld [tilespmem:$0x1FF30]  }
0x176: {  	v58 =	vld [tilespmem:s5+$0xFA00]  }
0x177: {  	v17 =	vld [tilespmem:s28+$0xFB00]  }
0x178: {  	v46 =	vld [tilespmem:$0x1FF50];
	v11 =	vmax.f32 v11, v34;
	v9 =	vmax.f32 v9, v33;
	s13 =	sor.u32 $0x380, s13  }
0x179: {  	v12 =	vmax.f32 v12, v35;
	v13 =	vmax.f32 v13, v36;
	v61 =	vmax.f32 v10, v38;
	v18 =	vld [tilespmem:s13+$0xF800]  }
0x17a: {  	v62 =	vmax.f32 v15, v40;
	v4 =	vsel vm6, v21, v4;
	vm6 =	vnez.u8 v19;
	v19 =	vld [tilespmem:$0x1FF40]  }
0x17b: {  	v59 =	vld [tilespmem:s5+$0xFA80];
	v63 =	vmax.f32 v16, v41;
	v15 =	vmax.f32 v12, v49;
	v12 =	vmax.f32 v62, v58  }
0x17c: {  	v47 =	vld [tilespmem:$0x1FEC0];
	v17 =	vmax.f32 v14, v17;
	v14 =	vmax.f32 v13, v50;
	v13 =	vmax.f32 v61, v57  }
0x17d: {  	v6 =	vsel vm7, v27, v6;
	v5 =	vsel vm10, v28, v5;
	v4 =	vsel vm13, v29, v4  }
0x17e: {  	v48 =	vld [tilespmem:$0x1FED0];
	v6 =	vsel vm8, v51, v6;
	v5 =	vsel vm11, v52, v5;
	v4 =	vsel vm0, v53, v4  }
0x17f: {  	s2 =	sadd.s32 $0x1, s2;
	v60 =	vld [tilespmem:s5+$0xFB00];
	v10 =	vmax.f32 v11, v18;
	v3 =	vsel vm6, v22, v3;
	vm6 =	vnez.u8 v19  }
0x180: {  	p0 =	sne.s32 s2, $0x14;
	v11 =	vmax.f32 v63, v59;
	v19 =	vld [tilespmem:s5+$0xF800];
	v2 =	vsel vm6, v23, v2;
	vm6 =	vnez.u8 v46  }
.Ltmp3:
0x181: {  	v3 =	vsel vm14, v30, v3;
	v1 =	vsel vm6, v24, v1;
	vm6 =	vnez.u8 v47;
	(pc) =	sbr.rel @p0 .LBB2_2-.Ltmp3, $4  }
0x182: {  	v3 =	vsel vm4, v54, v3;
	v2 =	vsel vm15, v31, v2;
	v8 =	vsel vm6, v25, v8  }
0x183: {  	vm6 =	vnez.u8 v48;
	v1 =	vsel vm1, v32, v1;
	v2 =	vsel vm12, v55, v2  }
0x184: {  	s1 =	sadd.s32 s1, s12;
	v7 =	vsel vm6, v26, v7;
	v8 =	vsel vm2, v37, v8;
	v1 =	vsel vm5, v56, v1  }
0x185: {  	[tilespmem:s23], [sflag:$0x3] =	stream.linear.gather [hbm4b:s1+s3], $0x7C00, $0x38;
	v7 =	vsel vm3, v39, v7;
	v16 =	vmax.f32 v9, v19;
	v9 =	vmax.f32 v17, v60;
	[tilespmem:$0x17900] =	vst v63  }
0x186: {  	s20 =	rddreg [dreg:$0x7]  }
0x187: {  	s1 =	ssub.s32 s0, s20  }
0x188: {  	p0 =	sgt.s32 s1, $0x0  }
0x189: {  	p1 =	slt.u32 s1, $0xF80;
	p2 =	slt.s32 s1, $0x1;
	s1 =	simm.s32 @!p0 $0x0  }
0x18a: {  	s1 =	smin.u32 s1, $0xF7F  }
0x18b: {  	s2 =	sand.u32 $0xF, s1  }
0x18c: {  	p4 =	sne.s32 s2, $0x0  }
0x18d: {  	_ =	swait.ge [sflag:s24], $0x7C00;
	p0 =	por !p2, !p4  }
0x18e: {  	s5 =	ssub.s32 s31, s20;
	s2 =	simm.s32 $0xFFFFFFFF;
	p0 =	por !p0, !p0  }
0x18f: {  	p3 =	slt.s32 s5, $0x1;
	s2 =	simm.s32 @!p0 $0x0;
	p0 =	sgt.s32 s5, $0x0  }
0x190: {  	p2 =	slt.u32 s5, $0xF80;
	s2 =	sshll.u32 s2, $0x4;
	s5 =	simm.s32 @!p0 $0x0  }
0x191: {  	[sflag:s24] =	ssyncset.done $0x0;
	s2 =	sadd.s32 s1, s2;
	s5 =	smin.u32 s5, $0xF7F  }
0x192: {  	[sflag:s24] =	ssyncadd.s32 $0xFFFF8400;
	s13 =	sshll.u32 s2, $0x3;
	s14 =	sand.u32 $0xF, s5  }
0x193: {  	s15 =	sand.u32 $0x70, s2;
	s2 =	sand.u32 $0xFFFFFFF0, s2;
	s13 =	sand.u32 $0xFFFFFC00, s13  }
0x194: {  	p5 =	sne.s32 s14, $0x0;
	s14 =	ssub.s32 s21, s20;
	s1 =	ssub.s32 s1, s2  }
0x195: {  	s13 =	sor.u32 s15, s13;
	p4 =	por !p3, !p5;
	p0 =	slt.u32 s14, $0xF80  }
0x196: {  	p5 =	sgt.s32 s14, $0x0;
	s15 =	simm.s32 $0xFFFFFFFF;
	p4 =	por !p4, !p4;
	v30 =	vld [tilespmem:s13+$0x0]  }
0x197: {  	p3 =	slt.s32 s14, $0x1;
	s14 =	simm.s32 @!p5 $0x0;
	s15 =	simm.s32 @!p4 $0x0  }
0x198: {  	vm0 =	vmmov vm9;
	v17 =	vmov s1;
	s14 =	smin.u32 s14, $0xF7F;
	s15 =	sshll.u32 s15, $0x4  }
0x199: {  	vm0 =	vmneg @p1 vm0;
	vm1 =	veq.s32 v17, v0;
	s19 =	sand.u32 $0xF, s14;
	s29 =	sadd.s32 s5, s15  }
0x19a: {  	vm13 =	vmand vm0, vm1;
	p6 =	sne.s32 s19, $0x0;
	s19 =	simm.s32 $0xFFFFFFFF;
	s30 =	sshll.u32 s29, $0x3  }
0x19b: {  	s2 =	sand.u32 $0x70, s29;
	p5 =	por !p3, !p6;
	s15 =	sand.u32 $0xFFFFFC00, s30;
	v17 =	vsel vm13, $0xFF800000, v30  }
0x19c: {  	s1 =	sand.u32 $0xFFFFFFF0, s29;
	p1 =	por !p5, !p5;
	s2 =	sor.u32 s2, s15;
	[tilespmem:s13+$0x0] =	vst v17  }
0x19d: {  	s1 =	ssub.s32 s5, s1;
	s19 =	simm.s32 @!p1 $0x0;
	s15 =	ssub.s32 s18, s20;
	v31 =	vld [tilespmem:s2+$0x80]  }
0x19e: {  	vm0 =	vmmov vm9;
	v17 =	vmov s1;
	p1 =	slt.u32 s15, $0xF80;
	p4 =	sgt.s32 s15, $0x0;
	s19 =	sshll.u32 s19, $0x4  }
0x19f: {  	vm0 =	vmneg @p2 vm0;
	p6 =	slt.s32 s15, $0x1;
	vm5 =	veq.s32 v17, v0;
	s15 =	simm.s32 @!p4 $0x0;
	s5 =	sadd.s32 s14, s19  }
0x1a0: {  	v17 =	vimm.s32 $0x0;
	vm0 =	vmand vm0, vm5;
	s19 =	ssub.s32 s17, s20;
	s13 =	smin.u32 s15, $0xF7F;
	s29 =	sshll.u32 s5, $0x3  }
0x1a1: {  	s30 =	sand.u32 $0x70, s5;
	v17 =	vsel vm0, $0xFFFFFFFF, v17;
	s15 =	sand.u32 $0xF, s13;
	s1 =	sand.u32 $0xFFFFFC00, s29  }
0x1a2: {  	[tilespmem:$0x1FDF0] =	vst v17;
	s29 =	sand.u32 $0xFFFFFFF0, s5;
	p5 =	sne.s32 s15, $0x0;
	s1 =	sor.u32 s30, s1;
	v17 =	vsel vm0, $0xFF800000, v31  }
0x1a3: {  	s15 =	simm.s32 $0xFFFFFFFF;
	p2 =	por !p6, !p5;
	p5 =	sgt.s32 s19, $0x0;
	[tilespmem:s2+$0x80] =	vst v17  }
0x1a4: {  	p6 =	slt.s32 s19, $0x1;
	p4 =	por !p2, !p2;
	s2 =	ssub.s32 s14, s29;
	v18 =	vld [tilespmem:s1+$0x100]  }
0x1a5: {  	vm0 =	vmmov vm9;
	p2 =	slt.u32 s19, $0xF80;
	s19 =	simm.s32 @!p5 $0x0;
	s15 =	simm.s32 @!p4 $0x0;
	v17 =	vmov s2  }
0x1a6: {  	vm0 =	vmneg @p0 vm0;
	s14 =	smin.u32 s19, $0xF7F;
	s30 =	sshll.u32 s15, $0x4;
	vm6 =	veq.s32 v17, v0  }
0x1a7: {  	s19 =	sand.u32 $0xF, s14;
	v17 =	vimm.s32 $0x0;
	s15 =	sadd.s32 s13, s30;
	vm0 =	vmand vm0, vm6  }
0x1a8: {  	p5 =	sne.s32 s19, $0x0;
	s19 =	simm.s32 $0xFFFFFFFF;
	s2 =	sshll.u32 s15, $0x3;
	v17 =	vsel vm0, $0xFFFFFFFF, v17  }
0x1a9: {  	s30 =	sand.u32 $0x70, s15;
	p0 =	por !p6, !p5;
	[tilespmem:$0x1FE00] =	vst v17;
	s2 =	sand.u32 $0xFFFFFC00, s2;
	v17 =	vsel vm0, $0xFF800000, v18  }
0x1aa: {  	s29 =	sand.u32 $0xFFFFFFF0, s15;
	p0 =	por !p0, !p0;
	[tilespmem:s1+$0x100] =	vst v17;
	s1 =	sor.u32 s30, s2  }
0x1ab: {  	s13 =	ssub.s32 s13, s29;
	[tilespmem:$0x1FE10] =	vst v18;
	s19 =	simm.s32 @!p0 $0x0;
	s2 =	ssub.s32 s16, s20;
	v18 =	vld [tilespmem:s1+$0x180]  }
0x1ac: {  	vm0 =	vmmov vm9;
	s15 =	sshll.u32 s19, $0x4;
	v17 =	vmov s13;
	p0 =	slt.u32 s2, $0xF80;
	p4 =	sgt.s32 s2, $0x0  }
0x1ad: {  	vm0 =	vmneg @p1 vm0;
	p6 =	slt.s32 s2, $0x1;
	s19 =	sadd.s32 s14, s15;
	vm7 =	veq.s32 v17, v0;
	s2 =	simm.s32 @!p4 $0x0  }
0x1ae: {  	v17 =	vimm.s32 $0x0;
	s15 =	ssub.s32 s7, s20;
	s13 =	sshll.u32 s19, $0x3;
	vm0 =	vmand vm0, vm7;
	s2 =	smin.u32 s2, $0xF7F  }
0x1af: {  	s30 =	sand.u32 $0x70, s19;
	s5 =	sand.u32 $0xFFFFFFF0, s19;
	v17 =	vsel vm0, $0xFFFFFFFF, v17;
	s29 =	sand.u32 $0xF, s2  }
0x1b0: {  	s13 =	sand.u32 $0xFFFFFC00, s13;
	s5 =	ssub.s32 s14, s5;
	[tilespmem:$0x1FE30] =	vst v17;
	p5 =	sne.s32 s29, $0x0;
	v17 =	vsel vm0, $0xFF800000, v18  }
0x1b1: {  	s13 =	sor.u32 s30, s13;
	p1 =	por !p6, !p5;
	p5 =	sgt.s32 s15, $0x0;
	[tilespmem:s1+$0x180] =	vst v17  }
0x1b2: {  	[tilespmem:$0x1FE20] =	vst v18;
	p6 =	slt.s32 s15, $0x1;
	p4 =	por !p1, !p1;
	s1 =	simm.s32 $0xFFFFFFFF;
	v18 =	vld [tilespmem:s13+$0x200]  }
0x1b3: {  	vm0 =	vmmov vm9;
	p1 =	slt.u32 s15, $0xF80;
	s15 =	simm.s32 @!p5 $0x0;
	v17 =	vmov s5;
	s1 =	simm.s32 @!p4 $0x0  }
0x1b4: {  	vm0 =	vmneg @p2 vm0;
	s5 =	smin.u32 s15, $0xF7F;
	vm4 =	veq.s32 v17, v0;
	s1 =	sshll.u32 s1, $0x4  }
0x1b5: {  	v17 =	vimm.s32 $0x0;
	s19 =	sand.u32 $0xF, s5;
	vm0 =	vmand vm0, vm4;
	s1 =	sadd.s32 s2, s1  }
0x1b6: {  	p4 =	sne.s32 s19, $0x0;
	v17 =	vsel vm0, $0xFFFFFFFF, v17;
	s29 =	sand.u32 $0xFFFFFFF0, s1;
	s30 =	sshll.u32 s1, $0x3  }
0x1b7: {  	[tilespmem:$0x1FE50] =	vst v17;
	s1 =	sand.u32 $0x70, s1;
	p2 =	por !p6, !p4;
	s14 =	sand.u32 $0xFFFFFC00, s30;
	v17 =	vsel vm0, $0xFF800000, v18  }
0x1b8: {  	p2 =	por !p2, !p2;
	s1 =	sor.u32 s1, s14;
	[tilespmem:s13+$0x200] =	vst v17  }
0x1b9: {  	s2 =	ssub.s32 s2, s29;
	[tilespmem:$0x1FE40] =	vst v18;
	s14 =	ssub.s32 s6, s20;
	s13 =	simm.s32 $0xFFFFFFFF;
	v18 =	vld [tilespmem:s1+$0x280]  }
0x1ba: {  	vm0 =	vmmov vm9;
	p4 =	sgt.s32 s14, $0x0;
	p5 =	slt.s32 s14, $0x1;
	v17 =	vmov s2;
	s13 =	simm.s32 @!p2 $0x0  }
0x1bb: {  	vm0 =	vmneg @p0 vm0;
	p2 =	slt.u32 s14, $0xF80;
	s14 =	simm.s32 @!p4 $0x0;
	vm5 =	veq.s32 v17, v0;
	s19 =	sshll.u32 s13, $0x4  }
0x1bc: {  	v17 =	vimm.s32 $0x0;
	s13 =	smin.u32 s14, $0xF7F;
	vm0 =	vmand vm0, vm5;
	s2 =	sadd.s32 s5, s19  }
0x1bd: {  	s29 =	sand.u32 $0xF, s13;
	v17 =	vsel vm0, $0xFFFFFFFF, v17;
	s20 =	sshll.u32 s2, $0x3  }
0x1be: {  	[tilespmem:$0x1FE70] =	vst v17;
	p6 =	sne.s32 s29, $0x0;
	s30 =	sand.u32 $0x70, s2;
	s14 =	sand.u32 $0xFFFFFC00, s20;
	v17 =	vsel vm0, $0xFF800000, v18  }
0x1bf: {  	s2 =	sand.u32 $0xFFFFFFF0, s2;
	p0 =	por !p5, !p6;
	s19 =	sor.u32 s30, s14;
	[tilespmem:s1+$0x280] =	vst v17  }
0x1c0: {  	s2 =	ssub.s32 s5, s2;
	[tilespmem:$0x1FE60] =	vst v18;
	p0 =	por !p0, !p0;
	s14 =	simm.s32 $0xFFFFFFFF;
	v18 =	vld [tilespmem:s19+$0x300]  }
0x1c1: {  	vm0 =	vmmov vm9;
	s14 =	simm.s32 @!p0 $0x0;
	v17 =	vmov s2  }
0x1c2: {  	vm0 =	vmneg @p1 vm0;
	s20 =	sshll.u32 s14, $0x4;
	vm6 =	veq.s32 v17, v0  }
0x1c3: {  	v17 =	vimm.s32 $0x0;
	s2 =	sadd.s32 s13, s20;
	vm0 =	vmand vm0, vm6  }
0x1c4: {  	s29 =	sshll.u32 s2, $0x3;
	v17 =	vsel vm0, $0xFFFFFFFF, v17  }
0x1c5: {  	s30 =	sand.u32 $0x70, s2;
	[tilespmem:$0x1FE90] =	vst v17;
	s5 =	sand.u32 $0xFFFFFC00, s29;
	v17 =	vsel vm0, $0xFF800000, v18  }
0x1c6: {  	s15 =	sand.u32 $0xFFFFFFF0, s2;
	s5 =	sor.u32 s30, s5;
	[tilespmem:s19+$0x300] =	vst v17  }
0x1c7: {  	s1 =	ssub.s32 s13, s15;
	[tilespmem:$0x1FE80] =	vst v18;
	v18 =	vld [tilespmem:s5+$0x380]  }
0x1c8: {  	vm0 =	vmmov vm9;
	v17 =	vmov s1  }
0x1c9: {  	s1 =	simm.s32 $0x0;
	vm0 =	vmneg @p2 vm0;
	vm7 =	veq.s32 v17, v0  }
0x1ca: {  	s19 =	sand.u32 $0x7, s1;
	v17 =	vimm.s32 $0x0;
	vm0 =	vmand vm0, vm7  }
0x1cb: {  	s2 =	sshll.u32 s19, $0x4;
	v17 =	vsel vm0, $0xFFFFFFFF, v17  }
0x1cc: {  	s2 =	sadd.s32 $0x0, s2;
	[tilespmem:$0x1FEB0] =	vst v17;
	v17 =	vsel vm0, $0xFF800000, v18  }
0x1cd: {  	s20 =	sand.u32 $0x70, s1;
	s29 =	sand.u32 $0x7C00, s1;
	s30 =	sor.u32 $0x380, s2;
	[tilespmem:s5+$0x380] =	vst v17  }
0x1ce: {  	s2 =	sor.u32 s20, s29;
	v37 =	vld [tilespmem:s30+$0x0]  }
0x1cf: {  	v35 =	vld [tilespmem:s2+$0x0]  }
0x1d0: {  	v34 =	vld [tilespmem:s2+$0x80]  }
0x1d1: {  	s19 =	simm.s32 $0x1;
	v33 =	vld [tilespmem:s2+$0x100]  }
0x1d2: {  	s28 =	sand.u32 $0x7, s19;
	s20 =	simm.s32 $0x10;
	[tilespmem:$0x1FEA0] =	vst v18;
	s5 =	simm.s32 $0x20;
	v36 =	vld [tilespmem:s2+$0x180]  }
.LBB2_10:
0x1d3: {  	p0 =	sne.s32 s5, $0xF70;
	s13 =	sshll.u32 s28, $0x4;
	v17 =	vld [tilespmem:s2+$0x200];
	v10 =	vmax.f32 v10, v37;
	s1 =	sadd.s32 $0x80, s1  }
0x1d4: {  	s14 =	sand.u32 $0x70, s20;
	s13 =	sadd.s32 s13, s1;
	s15 =	sand.u32 $0x7C00, s1;
	v16 =	vmax.f32 v16, v35;
	v18 =	vld [tilespmem:s2+$0x280]  }
0x1d5: {  	s20 =	smov.u32 s5;
	s13 =	sor.u32 $0x380, s13;
	v15 =	vmax.f32 v15, v34;
	v19 =	vld [tilespmem:s2+$0x300];
	s2 =	sor.u32 s14, s15  }
.Ltmp4:
0x1d6: {  	v37 =	vld [tilespmem:s13+$0x0];
	v14 =	vmax.f32 v14, v33;
	(pc) =	sbr.rel @p0 .LBB2_10-.Ltmp4, $4  }
0x1d7: {  	v35 =	vld [tilespmem:s2+$0x0];
	v13 =	vmax.f32 v13, v36  }
0x1d8: {  	v34 =	vld [tilespmem:s2+$0x80];
	v12 =	vmax.f32 v12, v17  }
0x1d9: {  	s19 =	sadd.s32 $0x1, s19;
	v33 =	vld [tilespmem:s2+$0x100];
	v11 =	vmax.f32 v11, v18  }
0x1da: {  	s5 =	sadd.s32 $0x10, s5;
	s28 =	sand.u32 $0x7, s19;
	v36 =	vld [tilespmem:s2+$0x180];
	v9 =	vmax.f32 v9, v19  }
0x1db: {  	s5 =	sshll.u32 s28, $0x4;
	s1 =	sadd.s32 $0x80, s1;
	v38 =	vld [tilespmem:s2+$0x200]  }
0x1dc: {  	v39 =	vld [tilespmem:s2+$0x280];
	s5 =	sadd.s32 s5, s1  }
0x1dd: {  	s13 =	sand.u32 $0x70, s20;
	v40 =	vld [tilespmem:s2+$0x300];
	s1 =	sand.u32 $0x7C00, s1;
	s5 =	sor.u32 $0x380, s5  }
0x1de: {  	s20 =	rddreg [dreg:$0x8];
	s1 =	sor.u32 s13, s1;
	v42 =	vld [tilespmem:s5+$0x0]  }
0x1df: {  	s14 =	ssub.s32 s0, s20;
	v43 =	vld [tilespmem:s1+$0x0]  }
0x1e0: {  	p0 =	sgt.s32 s14, $0x0;
	v45 =	vld [tilespmem:s1+$0x80]  }
0x1e1: {  	p1 =	slt.u32 s14, $0xF80;
	p2 =	slt.s32 s14, $0x1;
	s14 =	simm.s32 @!p0 $0x0;
	v47 =	vld [tilespmem:s1+$0x100]  }
0x1e2: {  	v48 =	vld [tilespmem:s1+$0x180];
	s2 =	smin.u32 s14, $0xF7F  }
0x1e3: {  	v46 =	vld [tilespmem:s1+$0x200];
	s15 =	sand.u32 $0xF, s2  }
0x1e4: {  	s13 =	ssub.s32 s31, s20;
	s5 =	simm.s32 $0xFFFFFFFF;
	v49 =	vld [tilespmem:s1+$0x280];
	p4 =	sne.s32 s15, $0x0  }
0x1e5: {  	v50 =	vld [tilespmem:s1+$0x300];
	p3 =	slt.s32 s13, $0x1;
	_ =	swait.ge [sflag:s25], $0x7C00;
	p0 =	por !p2, !p4  }
0x1e6: {  	[sflag:s25] =	ssyncset.done $0x0;
	s14 =	ssub.s32 s21, s20;
	p0 =	por !p0, !p0  }
0x1e7: {  	[sflag:s25] =	ssyncadd.s32 $0xFFFF8400;
	s5 =	simm.s32 @!p0 $0x0;
	p0 =	sgt.s32 s13, $0x0  }
0x1e8: {  	p2 =	slt.u32 s13, $0xF80;
	s19 =	sshll.u32 s5, $0x4;
	s13 =	simm.s32 @!p0 $0x0  }
0x1e9: {  	p0 =	slt.u32 s14, $0xF80;
	s1 =	sadd.s32 s2, s19;
	s5 =	smin.u32 s13, $0xF7F  }
0x1ea: {  	s29 =	sshll.u32 s1, $0x3;
	s30 =	sand.u32 $0xF, s5;
	s15 =	sand.u32 $0x70, s1  }
0x1eb: {  	s1 =	sand.u32 $0xFFFFFFF0, s1;
	s13 =	sand.u32 $0xFFFFFC00, s29;
	p5 =	sne.s32 s30, $0x0  }
0x1ec: {  	s1 =	ssub.s32 s2, s1;
	s13 =	sor.u32 s15, s13;
	p4 =	por !p3, !p5  }
0x1ed: {  	p5 =	sgt.s32 s14, $0x0;
	s15 =	simm.s32 $0xFFFFFFFF;
	p4 =	por !p4, !p4;
	v18 =	vld [tilespmem:s13+$0x7C00]  }
0x1ee: {  	p3 =	slt.s32 s14, $0x1;
	s14 =	simm.s32 @!p5 $0x0;
	s15 =	simm.s32 @!p4 $0x0  }
0x1ef: {  	vm0 =	vmmov vm9;
	v17 =	vmov s1;
	s14 =	smin.u32 s14, $0xF7F;
	s15 =	sshll.u32 s15, $0x4  }
0x1f0: {  	vm0 =	vmneg @p1 vm0;
	vm1 =	veq.s32 v17, v0;
	s19 =	sand.u32 $0xF, s14;
	s29 =	sadd.s32 s5, s15  }
0x1f1: {  	vm0 =	vmand vm0, vm1;
	p6 =	sne.s32 s19, $0x0;
	s19 =	simm.s32 $0xFFFFFFFF;
	s30 =	sshll.u32 s29, $0x3  }
0x1f2: {  	s2 =	sand.u32 $0x70, s29;
	p5 =	por !p3, !p6;
	s15 =	sand.u32 $0xFFFFFC00, s30;
	v58 =	vsel vm0, $0xFF800000, v18  }
0x1f3: {  	s1 =	sand.u32 $0xFFFFFFF0, s29;
	p1 =	por !p5, !p5;
	s2 =	sor.u32 s2, s15;
	[tilespmem:s13+$0x7C00] =	vst v58  }
0x1f4: {  	s1 =	ssub.s32 s5, s1;
	s19 =	simm.s32 @!p1 $0x0;
	s15 =	ssub.s32 s18, s20;
	v59 =	vld [tilespmem:s2+$0x7C80]  }
0x1f5: {  	v57 =	vimm.s32 $0x0;
	p1 =	slt.u32 s15, $0xF80;
	p4 =	sgt.s32 s15, $0x0;
	s19 =	sshll.u32 s19, $0x4  }
0x1f6: {  	v17 =	vsel vm0, $0xFFFFFFFF, v57;
	vm0 =	vmmov vm9;
	v60 =	vmov s1;
	p6 =	slt.s32 s15, $0x1;
	s15 =	simm.s32 @!p4 $0x0;
	s5 =	sadd.s32 s14, s19  }
0x1f7: {  	vm0 =	vmneg @p2 vm0;
	vm5 =	veq.s32 v60, v0;
	s19 =	ssub.s32 s17, s20;
	s13 =	smin.u32 s15, $0xF7F;
	s29 =	sshll.u32 s5, $0x3  }
0x1f8: {  	vm0 =	vmand vm0, vm5;
	s30 =	sand.u32 $0x70, s5;
	s15 =	sand.u32 $0xF, s13;
	s1 =	sand.u32 $0xFFFFFC00, s29  }
0x1f9: {  	s29 =	sand.u32 $0xFFFFFFF0, s5;
	p5 =	sne.s32 s15, $0x0;
	s1 =	sor.u32 s30, s1;
	v62 =	vsel vm0, $0xFF800000, v59  }
0x1fa: {  	s15 =	simm.s32 $0xFFFFFFFF;
	p2 =	por !p6, !p5;
	p5 =	sgt.s32 s19, $0x0;
	[tilespmem:s2+$0x7C80] =	vst v62  }
0x1fb: {  	p6 =	slt.s32 s19, $0x1;
	p4 =	por !p2, !p2;
	p2 =	slt.u32 s19, $0xF80;
	v63 =	vld [tilespmem:s1+$0x7D00]  }
0x1fc: {  	v61 =	vimm.s32 $0x0;
	s19 =	simm.s32 @!p5 $0x0;
	s2 =	ssub.s32 s14, s29;
	s15 =	simm.s32 @!p4 $0x0  }
0x1fd: {  	[tilespmem:$0x1FD10] =	vst v17;
	v17 =	vsel vm0, $0xFFFFFFFF, v61;
	vm0 =	vmmov vm9;
	s14 =	smin.u32 s19, $0xF7F;
	v21 =	vmov s2;
	s30 =	sshll.u32 s15, $0x4  }
0x1fe: {  	vm0 =	vmneg @p0 vm0;
	s19 =	sand.u32 $0xF, s14;
	vm6 =	veq.s32 v21, v0;
	s15 =	sadd.s32 s13, s30  }
0x1ff: {  	p5 =	sne.s32 s19, $0x0;
	vm0 =	vmand vm0, vm6;
	s19 =	simm.s32 $0xFFFFFFFF;
	s2 =	sshll.u32 s15, $0x3  }
0x200: {  	s30 =	sand.u32 $0x70, s15;
	p0 =	por !p6, !p5;
	s2 =	sand.u32 $0xFFFFFC00, s2;
	v23 =	vsel vm0, $0xFF800000, v63  }
0x201: {  	s29 =	sand.u32 $0xFFFFFFF0, s15;
	p0 =	por !p0, !p0;
	[tilespmem:s1+$0x7D00] =	vst v23;
	s1 =	sor.u32 s30, s2  }
0x202: {  	s13 =	ssub.s32 s13, s29;
	s19 =	simm.s32 @!p0 $0x0;
	s2 =	ssub.s32 s16, s20;
	v24 =	vld [tilespmem:s1+$0x7D80]  }
0x203: {  	v22 =	vimm.s32 $0x0;
	s15 =	sshll.u32 s19, $0x4;
	p0 =	slt.u32 s2, $0xF80;
	p4 =	sgt.s32 s2, $0x0  }
0x204: {  	[tilespmem:$0x1FD30] =	vst v17;
	v17 =	vsel vm0, $0xFFFFFFFF, v22;
	v25 =	vmov s13;
	vm0 =	vmmov vm9;
	p6 =	slt.s32 s2, $0x1;
	s19 =	sadd.s32 s14, s15;
	s2 =	simm.s32 @!p4 $0x0  }
0x205: {  	vm7 =	veq.s32 v25, v0;
	vm0 =	vmneg @p1 vm0;
	s15 =	ssub.s32 s7, s20;
	s13 =	sshll.u32 s19, $0x3;
	s2 =	smin.u32 s2, $0xF7F  }
0x206: {  	vm0 =	vmand vm0, vm7;
	s30 =	sand.u32 $0x70, s19;
	s5 =	sand.u32 $0xFFFFFFF0, s19;
	s29 =	sand.u32 $0xF, s2  }
0x207: {  	s13 =	sand.u32 $0xFFFFFC00, s13;
	s5 =	ssub.s32 s14, s5;
	p5 =	sne.s32 s29, $0x0;
	v27 =	vsel vm0, $0xFF800000, v24  }
0x208: {  	s13 =	sor.u32 s30, s13;
	p1 =	por !p6, !p5;
	p5 =	sgt.s32 s15, $0x0;
	[tilespmem:s1+$0x7D80] =	vst v27  }
0x209: {  	p6 =	slt.s32 s15, $0x1;
	p4 =	por !p1, !p1;
	s1 =	simm.s32 $0xFFFFFFFF;
	v32 =	vld [tilespmem:s13+$0x7E00]  }
0x20a: {  	v26 =	vimm.s32 $0x0;
	p1 =	slt.u32 s15, $0xF80;
	s15 =	simm.s32 @!p5 $0x0;
	s1 =	simm.s32 @!p4 $0x0  }
0x20b: {  	[tilespmem:$0x1FD50] =	vst v17;
	v17 =	vsel vm0, $0xFFFFFFFF, v26;
	v41 =	vmov s5;
	vm0 =	vmmov vm9;
	s5 =	smin.u32 s15, $0xF7F;
	s1 =	sshll.u32 s1, $0x4  }
0x20c: {  	vm4 =	veq.s32 v41, v0;
	vm0 =	vmneg @p2 vm0;
	s19 =	sand.u32 $0xF, s5;
	s1 =	sadd.s32 s2, s1  }
0x20d: {  	vm0 =	vmand vm0, vm4;
	p4 =	sne.s32 s19, $0x0;
	s29 =	sand.u32 $0xFFFFFFF0, s1;
	s30 =	sshll.u32 s1, $0x3  }
0x20e: {  	s1 =	sand.u32 $0x70, s1;
	p2 =	por !p6, !p4;
	s14 =	sand.u32 $0xFFFFFC00, s30;
	v51 =	vsel vm0, $0xFF800000, v32  }
0x20f: {  	p2 =	por !p2, !p2;
	s1 =	sor.u32 s1, s14;
	[tilespmem:s13+$0x7E00] =	vst v51  }
0x210: {  	s2 =	ssub.s32 s2, s29;
	s14 =	ssub.s32 s6, s20;
	s13 =	simm.s32 $0xFFFFFFFF;
	v52 =	vld [tilespmem:s1+$0x7E80]  }
0x211: {  	v44 =	vimm.s32 $0x0;
	p4 =	sgt.s32 s14, $0x0;
	p5 =	slt.s32 s14, $0x1;
	s13 =	simm.s32 @!p2 $0x0  }
0x212: {  	[tilespmem:$0x1FD70] =	vst v17;
	v17 =	vsel vm0, $0xFFFFFFFF, v44;
	v53 =	vmov s2;
	vm0 =	vmmov vm9;
	p2 =	slt.u32 s14, $0xF80;
	s14 =	simm.s32 @!p4 $0x0;
	s19 =	sshll.u32 s13, $0x4  }
0x213: {  	vm5 =	veq.s32 v53, v0;
	vm0 =	vmneg @p0 vm0;
	s13 =	smin.u32 s14, $0xF7F;
	s2 =	sadd.s32 s5, s19  }
0x214: {  	vm0 =	vmand vm0, vm5;
	s29 =	sand.u32 $0xF, s13;
	s20 =	sshll.u32 s2, $0x3  }
0x215: {  	p6 =	sne.s32 s29, $0x0;
	s30 =	sand.u32 $0x70, s2;
	s14 =	sand.u32 $0xFFFFFC00, s20;
	v55 =	vsel vm0, $0xFF800000, v52  }
0x216: {  	p0 =	por !p5, !p6;
	s19 =	sor.u32 s30, s14;
	[tilespmem:s1+$0x7E80] =	vst v55  }
0x217: {  	s2 =	sand.u32 $0xFFFFFFF0, s2;
	p0 =	por !p0, !p0;
	s14 =	simm.s32 $0xFFFFFFFF;
	v56 =	vld [tilespmem:s19+$0x7F00]  }
0x218: {  	v54 =	vimm.s32 $0x0;
	s2 =	ssub.s32 s5, s2;
	s14 =	simm.s32 @!p0 $0x0  }
0x219: {  	[tilespmem:$0x1FD90] =	vst v17;
	v17 =	vsel vm0, $0xFFFFFFFF, v54;
	v57 =	vmov s2;
	vm0 =	vmmov vm9;
	s20 =	sshll.u32 s14, $0x4  }
0x21a: {  	vm6 =	veq.s32 v57, v0;
	vm0 =	vmneg @p1 vm0;
	s2 =	sadd.s32 s13, s20  }
0x21b: {  	vm0 =	vmand vm0, vm6;
	s29 =	sshll.u32 s2, $0x3  }
0x21c: {  	[tilespmem:$0x1FD20] =	vst v59;
	s30 =	sand.u32 $0x70, s2;
	s5 =	sand.u32 $0xFFFFFC00, s29;
	v59 =	vsel vm0, $0xFF800000, v56  }
0x21d: {  	s5 =	sor.u32 s30, s5;
	[tilespmem:s19+$0x7F00] =	vst v59  }
0x21e: {  	s15 =	sand.u32 $0xFFFFFFF0, s2;
	v60 =	vld [tilespmem:s5+$0x7F80]  }
0x21f: {  	v58 =	vimm.s32 $0x0;
	s1 =	ssub.s32 s13, s15  }
0x220: {  	[tilespmem:$0x1FDA0] =	vst v17;
	v17 =	vsel vm0, $0xFFFFFFFF, v58;
	v61 =	vmov s1;
	s1 =	simm.s32 $0x0;
	vm0 =	vmmov vm9  }
0x221: {  	[tilespmem:$0x1FD00] =	vst v18;
	vm7 =	veq.s32 v61, v0;
	vm0 =	vmneg @p2 vm0;
	s19 =	sand.u32 $0x7, s1  }
0x222: {  	[tilespmem:$0x1FD40] =	vst v63;
	vm0 =	vmand vm0, vm7;
	s2 =	sshll.u32 s19, $0x4  }
0x223: {  	v10 =	vmax.f32 v10, v37;
	[tilespmem:$0x1FD60] =	vst v24;
	s2 =	sadd.s32 $0x0, s2;
	v63 =	vsel vm0, $0xFF800000, v60  }
0x224: {  	v16 =	vmax.f32 v16, v35;
	v15 =	vmax.f32 v15, v34;
	v14 =	vmax.f32 v14, v33;
	s20 =	sand.u32 $0x70, s1;
	s29 =	sand.u32 $0x7C00, s1;
	s30 =	sor.u32 $0x380, s2;
	[tilespmem:s5+$0x7F80] =	vst v63  }
0x225: {  	v13 =	vmax.f32 v13, v36;
	v12 =	vmax.f32 v12, v38;
	v11 =	vmax.f32 v11, v39;
	[tilespmem:$0x1FD80] =	vst v32;
	s2 =	sor.u32 s20, s29;
	v44 =	vld [tilespmem:s30+$0x7C00]  }
0x226: {  	v9 =	vmax.f32 v9, v40;
	v40 =	vmax.f32 v10, v42;
	v62 =	vimm.s32 $0x0;
	[tilespmem:$0x1FDC0] =	vst v17;
	v41 =	vld [tilespmem:s2+$0x7C00]  }
0x227: {  	v34 =	vmax.f32 v16, v43;
	v36 =	vmax.f32 v15, v45;
	[tilespmem:$0x1FDB0] =	vst v56;
	v17 =	vsel vm0, $0xFFFFFFFF, v62;
	v42 =	vld [tilespmem:s2+$0x7C80]  }
0x228: {  	v37 =	vmax.f32 v14, v47;
	v33 =	vmax.f32 v13, v48;
	v38 =	vmax.f32 v12, v46;
	s19 =	simm.s32 $0x1;
	[tilespmem:$0x1FDE0] =	vst v17;
	v43 =	vld [tilespmem:s2+$0x7D00]  }
0x229: {  	v39 =	vmax.f32 v11, v49;
	v35 =	vmax.f32 v9, v50;
	v32 =	vmov v52;
	s28 =	sand.u32 $0x7, s19;
	s20 =	simm.s32 $0x10;
	[tilespmem:$0x1FDD0] =	vst v60;
	s5 =	simm.s32 $0x20;
	v45 =	vld [tilespmem:s2+$0x7D80]  }
.LBB2_12:
0x22a: {  	p0 =	sne.s32 s5, $0xF70;
	s13 =	sshll.u32 s28, $0x4;
	v9 =	vld [tilespmem:s2+$0x7E00];
	v40 =	vmax.f32 v40, v44;
	s1 =	sadd.s32 $0x80, s1  }
0x22b: {  	s14 =	sand.u32 $0x70, s20;
	s13 =	sadd.s32 s13, s1;
	s15 =	sand.u32 $0x7C00, s1;
	v34 =	vmax.f32 v34, v41;
	v10 =	vld [tilespmem:s2+$0x7E80]  }
0x22c: {  	s20 =	smov.u32 s5;
	s13 =	sor.u32 $0x380, s13;
	v36 =	vmax.f32 v36, v42;
	v11 =	vld [tilespmem:s2+$0x7F00];
	s2 =	sor.u32 s14, s15  }
.Ltmp5:
0x22d: {  	v44 =	vld [tilespmem:s13+$0x7C00];
	v37 =	vmax.f32 v37, v43;
	(pc) =	sbr.rel @p0 .LBB2_12-.Ltmp5, $4  }
0x22e: {  	v41 =	vld [tilespmem:s2+$0x7C00];
	v33 =	vmax.f32 v33, v45  }
0x22f: {  	v42 =	vld [tilespmem:s2+$0x7C80];
	v38 =	vmax.f32 v38, v9  }
0x230: {  	s19 =	sadd.s32 $0x1, s19;
	v43 =	vld [tilespmem:s2+$0x7D00];
	v39 =	vmax.f32 v39, v10  }
0x231: {  	s5 =	sadd.s32 $0x10, s5;
	s28 =	sand.u32 $0x7, s19;
	v45 =	vld [tilespmem:s2+$0x7D80];
	v35 =	vmax.f32 v35, v11  }
0x232: {  	s5 =	sshll.u32 s28, $0x4;
	s1 =	sadd.s32 $0x80, s1;
	v46 =	vld [tilespmem:s2+$0x7E00]  }
0x233: {  	v47 =	vld [tilespmem:s2+$0x7E80];
	s5 =	sadd.s32 s5, s1  }
0x234: {  	s13 =	sand.u32 $0x70, s20;
	v48 =	vld [tilespmem:s2+$0x7F00];
	s1 =	sand.u32 $0x7C00, s1;
	s5 =	sor.u32 $0x380, s5  }
0x235: {  	s19 =	rddreg [dreg:$0x9];
	s1 =	sor.u32 s13, s1;
	v49 =	vld [tilespmem:s5+$0x7C00]  }
0x236: {  	s0 =	ssub.s32 s0, s19;
	v50 =	vld [tilespmem:s1+$0x7C00]  }
0x237: {  	p0 =	sgt.s32 s0, $0x0;
	v51 =	vld [tilespmem:s1+$0x7C80]  }
0x238: {  	p1 =	slt.u32 s0, $0xF80;
	p2 =	slt.s32 s0, $0x1;
	s0 =	simm.s32 @!p0 $0x0;
	v53 =	vld [tilespmem:s1+$0x7D00]  }
0x239: {  	v54 =	vld [tilespmem:s1+$0x7D80];
	s0 =	smin.u32 s0, $0xF7F  }
0x23a: {  	v52 =	vld [tilespmem:s1+$0x7E00];
	s20 =	sand.u32 $0xF, s0  }
0x23b: {  	s2 =	simm.s32 $0xFFFFFFFF;
	s13 =	ssub.s32 s21, s19;
	v55 =	vld [tilespmem:s1+$0x7E80];
	p4 =	sne.s32 s20, $0x0  }
0x23c: {  	s5 =	ssub.s32 s31, s19;
	v56 =	vld [tilespmem:s1+$0x7F00];
	_ =	swait.ge [sflag:s26], $0x7C00;
	p0 =	por !p2, !p4  }
0x23d: {  	p3 =	slt.s32 s5, $0x1;
	[sflag:s26] =	ssyncset.done $0x0;
	p0 =	por !p0, !p0  }
0x23e: {  	[sflag:s26] =	ssyncadd.s32 $0xFFFF8400;
	s2 =	simm.s32 @!p0 $0x0;
	p0 =	sgt.s32 s5, $0x0  }
0x23f: {  	p2 =	slt.u32 s5, $0xF80;
	s28 =	sshll.u32 s2, $0x4;
	s5 =	simm.s32 @!p0 $0x0  }
0x240: {  	p0 =	slt.u32 s13, $0xF80;
	s1 =	sadd.s32 s0, s28;
	s29 =	smin.u32 s5, $0xF7F  }
0x241: {  	s30 =	sshll.u32 s1, $0x3;
	s31 =	sand.u32 $0xF, s29;
	s14 =	sand.u32 $0x70, s1  }
0x242: {  	s1 =	sand.u32 $0xFFFFFFF0, s1;
	s5 =	sand.u32 $0xFFFFFC00, s30;
	p5 =	sne.s32 s31, $0x0  }
0x243: {  	s0 =	ssub.s32 s0, s1;
	s5 =	sor.u32 s14, s5;
	p4 =	por !p3, !p5  }
0x244: {  	p5 =	sgt.s32 s13, $0x0;
	s14 =	simm.s32 $0xFFFFFFFF;
	p4 =	por !p4, !p4;
	v9 =	vld [tilespmem:s5+$0xF800]  }
0x245: {  	vm0 =	vmmov vm9;
	p3 =	slt.s32 s13, $0x1;
	v10 =	vmov s0;
	s13 =	simm.s32 @!p5 $0x0;
	s14 =	simm.s32 @!p4 $0x0  }
0x246: {  	vm0 =	vmneg @p1 vm0;
	vm1 =	veq.s32 v10, v0;
	s13 =	smin.u32 s13, $0xF7F;
	s14 =	sshll.u32 s14, $0x4  }
0x247: {  	v10 =	vimm.s32 $0x0;
	vm0 =	vmand vm0, vm1;
	s15 =	sand.u32 $0xF, s13;
	s20 =	sadd.s32 s29, s14  }
0x248: {  	v10 =	vsel vm0, $0xFFFFFFFF, v10;
	p6 =	sne.s32 s15, $0x0;
	s21 =	sshll.u32 s20, $0x3  }
0x249: {  	s15 =	simm.s32 $0xFFFFFFFF;
	[tilespmem:$0x1FCD0] =	vst v10;
	s1 =	sand.u32 $0x70, s20;
	s14 =	sand.u32 $0xFFFFFC00, s21;
	v10 =	vsel vm0, $0xFF800000, v9  }
0x24a: {  	p5 =	por !p3, !p6;
	s0 =	sand.u32 $0xFFFFFFF0, s20;
	s1 =	sor.u32 s1, s14;
	[tilespmem:s5+$0xF800] =	vst v10  }
0x24b: {  	p1 =	por !p5, !p5;
	[tilespmem:$0x1FCC0] =	vst v9;
	s0 =	ssub.s32 s29, s0;
	s14 =	ssub.s32 s18, s19;
	v9 =	vld [tilespmem:s1+$0xF880]  }
0x24c: {  	s15 =	simm.s32 @!p1 $0x0;
	p1 =	slt.u32 s14, $0xF80;
	p4 =	sgt.s32 s14, $0x0  }
0x24d: {  	vm0 =	vmmov vm9;
	v11 =	vmov s0;
	p6 =	slt.s32 s14, $0x1;
	s28 =	sshll.u32 s15, $0x4;
	s14 =	simm.s32 @!p4 $0x0  }
0x24e: {  	vm0 =	vmneg @p2 vm0;
	vm1 =	veq.s32 v11, v0;
	s29 =	sadd.s32 s13, s28;
	s5 =	smin.u32 s14, $0xF7F  }
0x24f: {  	s15 =	ssub.s32 s17, s19;
	vm12 =	vmand vm0, vm1;
	s30 =	sshll.u32 s29, $0x3;
	s14 =	sand.u32 $0xF, s5  }
0x250: {  	s31 =	sand.u32 $0x70, s29;
	s0 =	sand.u32 $0xFFFFFC00, s30;
	p5 =	sne.s32 s14, $0x0;
	v11 =	vsel vm12, $0xFF800000, v9  }
0x251: {  	s17 =	sand.u32 $0xFFFFFFF0, s29;
	s0 =	sor.u32 s31, s0;
	p2 =	por !p6, !p5;
	[tilespmem:s1+$0xF880] =	vst v11  }
0x252: {  	s14 =	simm.s32 $0xFFFFFFFF;
	p5 =	sgt.s32 s15, $0x0;
	p4 =	por !p2, !p2;
	v11 =	vld [tilespmem:s0+$0xF900]  }
0x253: {  	p6 =	slt.s32 s15, $0x1;
	s1 =	ssub.s32 s13, s17;
	s14 =	simm.s32 @!p4 $0x0  }
0x254: {  	vm0 =	vmmov vm9;
	p2 =	slt.u32 s15, $0xF80;
	s15 =	simm.s32 @!p5 $0x0;
	v12 =	vmov s1;
	s18 =	sshll.u32 s14, $0x4  }
0x255: {  	s7 =	ssub.s32 s7, s19;
	vm0 =	vmneg @p0 vm0;
	s20 =	smin.u32 s15, $0xF7F;
	vm1 =	veq.s32 v12, v0;
	s21 =	sadd.s32 s5, s18  }
0x256: {  	s15 =	simm.s32 $0xFFFFFFFF;
	s28 =	sand.u32 $0xF, s20;
	vm1 =	vmand vm0, vm1;
	s1 =	sshll.u32 s21, $0x3  }
0x257: {  	p5 =	sne.s32 s28, $0x0;
	s30 =	sand.u32 $0x70, s21;
	s1 =	sand.u32 $0xFFFFFC00, s1;
	v12 =	vsel vm1, $0xFF800000, v11  }
0x258: {  	s29 =	sand.u32 $0xFFFFFFF0, s21;
	p0 =	por !p6, !p5;
	s31 =	sor.u32 s30, s1;
	[tilespmem:s0+$0xF900] =	vst v12  }
0x259: {  	[tilespmem:$0x1FCE0] =	vst v9;
	p0 =	por !p0, !p0;
	s14 =	ssub.s32 s5, s29;
	s1 =	ssub.s32 s16, s19;
	v9 =	vld [tilespmem:s31+$0xF980]  }
0x25a: {  	s15 =	simm.s32 @!p0 $0x0;
	p0 =	slt.u32 s1, $0xF80;
	p4 =	sgt.s32 s1, $0x0  }
0x25b: {  	vm0 =	vmmov vm9;
	v13 =	vmov s14;
	p6 =	slt.s32 s1, $0x1;
	s15 =	sshll.u32 s15, $0x4;
	s1 =	simm.s32 @!p4 $0x0  }
0x25c: {  	vm0 =	vmneg @p1 vm0;
	vm2 =	veq.s32 v13, v0;
	s0 =	simm.s32 $0xFFFFFFFF;
	s16 =	sadd.s32 s20, s15;
	s1 =	smin.u32 s1, $0xF7F  }
0x25d: {  	vm2 =	vmand vm0, vm2;
	s5 =	sshll.u32 s16, $0x3;
	s18 =	sand.u32 $0x70, s16;
	s17 =	sand.u32 $0xF, s1  }
0x25e: {  	s2 =	sand.u32 $0xFFFFFFF0, s16;
	s5 =	sand.u32 $0xFFFFFC00, s5;
	p5 =	sne.s32 s17, $0x0;
	v13 =	vsel vm2, $0xFF800000, v9  }
0x25f: {  	s2 =	ssub.s32 s20, s2;
	s5 =	sor.u32 s18, s5;
	p1 =	por !p6, !p5;
	[tilespmem:s31+$0xF980] =	vst v13  }
0x260: {  	p5 =	sgt.s32 s7, $0x0;
	p6 =	slt.s32 s7, $0x1;
	p4 =	por !p1, !p1;
	v13 =	vld [tilespmem:s5+$0xFA00]  }
0x261: {  	p1 =	slt.u32 s7, $0xF80;
	s7 =	simm.s32 @!p5 $0x0;
	s0 =	simm.s32 @!p4 $0x0  }
0x262: {  	vm0 =	vmmov vm9;
	v14 =	vmov s2;
	s20 =	smin.u32 s7, $0xF7F;
	s0 =	sshll.u32 s0, $0x4  }
0x263: {  	vm0 =	vmneg @p2 vm0;
	vm3 =	veq.s32 v14, v0;
	s7 =	sand.u32 $0xF, s20;
	s0 =	sadd.s32 s1, s0  }
0x264: {  	vm14 =	vmand vm0, vm3;
	p4 =	sne.s32 s7, $0x0;
	s28 =	sshll.u32 s0, $0x3  }
0x265: {  	s21 =	sand.u32 $0xFFFFFFF0, s0;
	s0 =	sand.u32 $0x70, s0;
	s29 =	sand.u32 $0xFFFFFC00, s28;
	v14 =	vsel vm14, $0xFF800000, v13  }
0x266: {  	s6 =	ssub.s32 s6, s19;
	p2 =	por !p6, !p4;
	s0 =	sor.u32 s0, s29;
	[tilespmem:s5+$0xFA00] =	vst v14  }
0x267: {  	p5 =	slt.s32 s6, $0x1;
	p2 =	por !p2, !p2;
	s5 =	simm.s32 $0xFFFFFFFF;
	v14 =	vld [tilespmem:s0+$0xFA80]  }
0x268: {  	p4 =	sgt.s32 s6, $0x0;
	s1 =	ssub.s32 s1, s21;
	s5 =	simm.s32 @!p2 $0x0  }
0x269: {  	vm0 =	vmmov vm9;
	v15 =	vmov s1;
	p2 =	slt.u32 s6, $0xF80;
	s6 =	simm.s32 @!p4 $0x0;
	s30 =	sshll.u32 s5, $0x4  }
0x26a: {  	vm0 =	vmneg @p0 vm0;
	vm3 =	veq.s32 v15, v0;
	s31 =	smin.u32 s6, $0xF7F;
	s1 =	sadd.s32 s20, s30  }
0x26b: {  	vm3 =	vmand vm0, vm3;
	s15 =	sand.u32 $0xF, s31;
	s14 =	sshll.u32 s1, $0x3  }
0x26c: {  	s16 =	sand.u32 $0x70, s1;
	p6 =	sne.s32 s15, $0x0;
	s6 =	sand.u32 $0xFFFFFC00, s14;
	v15 =	vsel vm3, $0xFF800000, v14  }
0x26d: {  	p0 =	por !p5, !p6;
	s17 =	sor.u32 s16, s6;
	[tilespmem:s0+$0xFA80] =	vst v15  }
0x26e: {  	s1 =	sand.u32 $0xFFFFFFF0, s1;
	p0 =	por !p0, !p0;
	s6 =	simm.s32 $0xFFFFFFFF;
	v15 =	vld [tilespmem:s17+$0xFB00]  }
0x26f: {  	s1 =	ssub.s32 s20, s1;
	s6 =	simm.s32 @!p0 $0x0  }
0x270: {  	vm0 =	vmmov vm9;
	v16 =	vmov s1;
	s18 =	sshll.u32 s6, $0x4  }
0x271: {  	vm0 =	vmneg @p1 vm0;
	vm4 =	veq.s32 v16, v0;
	s1 =	sadd.s32 s31, s18  }
0x272: {  	vm8 =	vmand vm0, vm4;
	s19 =	sshll.u32 s1, $0x3  }
0x273: {  	s20 =	sand.u32 $0x70, s1;
	s2 =	sand.u32 $0xFFFFFC00, s19;
	v16 =	vsel vm8, $0xFF800000, v15  }
0x274: {  	s2 =	sor.u32 s20, s2;
	[tilespmem:s17+$0xFB00] =	vst v16  }
0x275: {  	s21 =	sand.u32 $0xFFFFFFF0, s1;
	v16 =	vld [tilespmem:s2+$0xFB80]  }
0x276: {  	s0 =	ssub.s32 s31, s21  }
0x277: {  	vm0 =	vmmov vm9;
	v17 =	vmov s0;
	s0 =	simm.s32 $0x0  }
0x278: {  	vm0 =	vmneg @p2 vm0;
	vm4 =	veq.s32 v17, v0;
	s28 =	sand.u32 $0x7, s0  }
0x279: {  	vm0 =	vmand vm0, vm4;
	s1 =	sshll.u32 s28, $0x4  }
0x27a: {  	s1 =	sadd.s32 $0x0, s1;
	v17 =	vsel vm0, $0xFF800000, v16  }
0x27b: {  	v18 =	vmax.f32 v40, v44;
	s29 =	sand.u32 $0x70, s0;
	s30 =	sand.u32 $0x7C00, s0;
	s31 =	sor.u32 $0x380, s1;
	[tilespmem:s2+$0xFB80] =	vst v17  }
0x27c: {  	v19 =	vmax.f32 v36, v42;
	v20 =	vmax.f32 v37, v43;
	s1 =	sor.u32 s29, s30;
	v17 =	vmax.f32 v34, v41;
	v41 =	vld [tilespmem:s31+$0xF800]  }
0x27d: {  	v21 =	vmax.f32 v33, v45;
	v22 =	vmax.f32 v38, v46;
	v23 =	vmax.f32 v39, v47;
	v42 =	vld [tilespmem:s1+$0xF800]  }
0x27e: {  	v24 =	vmax.f32 v35, v48;
	v33 =	vmax.f32 v18, v49;
	v37 =	vmax.f32 v19, v51;
	v44 =	vld [tilespmem:s1+$0xF880]  }
0x27f: {  	v35 =	vmax.f32 v20, v53;
	v36 =	vmax.f32 v21, v54;
	v40 =	vmax.f32 v22, v52;
	s2 =	simm.s32 $0x1;
	v43 =	vld [tilespmem:s1+$0xF900]  }
0x280: {  	v38 =	vmax.f32 v23, v55;
	v39 =	vmax.f32 v24, v56;
	[tilespmem:$0x1FCF0] =	vst v9;
	s5 =	simm.s32 $0x20;
	s6 =	simm.s32 $0x10;
	v34 =	vmax.f32 v17, v50;
	s7 =	sand.u32 $0x7, s2;
	v45 =	vld [tilespmem:s1+$0xF980]  }
.LBB2_14:
0x281: {  	p0 =	sne.s32 s5, $0xF70;
	s7 =	sshll.u32 s7, $0x4;
	v17 =	vld [tilespmem:s1+$0xFA00];
	v33 =	vmax.f32 v33, v41;
	s0 =	sadd.s32 $0x80, s0  }
0x282: {  	s6 =	sand.u32 $0x70, s6;
	s7 =	sadd.s32 s7, s0;
	s13 =	sand.u32 $0x7C00, s0;
	v34 =	vmax.f32 v34, v42;
	v18 =	vld [tilespmem:s1+$0xFA80]  }
0x283: {  	s7 =	sor.u32 $0x380, s7;
	v37 =	vmax.f32 v37, v44;
	v19 =	vld [tilespmem:s1+$0xFB00];
	s1 =	sor.u32 s6, s13;
	s6 =	smov.u32 s5  }
.Ltmp6:
0x284: {  	v41 =	vld [tilespmem:s7+$0xF800];
	v35 =	vmax.f32 v35, v43;
	(pc) =	sbr.rel @p0 .LBB2_14-.Ltmp6, $4  }
0x285: {  	v42 =	vld [tilespmem:s1+$0xF800];
	v36 =	vmax.f32 v36, v45  }
0x286: {  	v44 =	vld [tilespmem:s1+$0xF880];
	v40 =	vmax.f32 v40, v17  }
0x287: {  	s2 =	sadd.s32 $0x1, s2;
	v43 =	vld [tilespmem:s1+$0xF900];
	v38 =	vmax.f32 v38, v18  }
0x288: {  	s5 =	sadd.s32 $0x10, s5;
	s7 =	sand.u32 $0x7, s2;
	v45 =	vld [tilespmem:s1+$0xF980];
	v39 =	vmax.f32 v39, v19  }
0x289: {  	s2 =	sshll.u32 s7, $0x4;
	v48 =	vld [tilespmem:s1+$0xFA00];
	s0 =	sadd.s32 $0x80, s0  }
0x28a: {  	v50 =	vld [tilespmem:s1+$0xFA80];
	s2 =	sadd.s32 s2, s0  }
0x28b: {  	s5 =	sand.u32 $0x70, s6;
	v52 =	vld [tilespmem:s1+$0xFB00];
	s0 =	sand.u32 $0x7C00, s0;
	s2 =	sor.u32 $0x380, s2  }
0x28c: {  	s0 =	sor.u32 s5, s0;
	v56 =	vld [tilespmem:s2+$0xF800]  }
0x28d: {  	v53 =	vld [tilespmem:s0+$0xF800]  }
0x28e: {  	v54 =	vld [tilespmem:s0+$0xF880]  }
0x28f: {  	v55 =	vld [tilespmem:s0+$0xF900]  }
0x290: {  	v51 =	vld [tilespmem:s0+$0xF980]  }
0x291: {  	s16 =	rddreg [dreg:$0xa];
	v49 =	vld [tilespmem:s0+$0xFA00]  }
0x292: {  	s17 =	simm.s32 $0x17400;
	s18 =	rddreg [dreg:$0x16];
	v47 =	vld [tilespmem:s0+$0xFA80]  }
0x293: {  	v9 =	vld [tilespmem:s0+$0xFB00];
	[tilespmem:s17], [sflag:$0x4] =	stream.linear.gather [hbm4b:s16+s3], $0x400, $0x38  }
0x294: {  	s0 =	sadd.s32 $0x7FF0BE00, s18  }
0x295: {  	p1 =	sgt.s32 s0, $0x0  }
0x296: {  	p0 =	slt.u32 s0, $0x40;
	p2 =	slt.s32 s0, $0x1;
	s0 =	simm.s32 @!p1 $0x0  }
0x297: {  	s1 =	simm.s32 $0xFFFFFFFF;
	s0 =	smin.u32 s0, $0x3F  }
0x298: {  	s20 =	rddreg [dreg:$0x15];
	s13 =	simm.s32 $0x4;
	s19 =	sand.u32 $0xF, s0  }
0x299: {  	s5 =	simm.s32 $0xFFFFFFFF;
	s2 =	sadd.s32 $0x7FF0BE00, s20;
	p4 =	sne.s32 s19, $0x0  }
0x29a: {  	p3 =	sgt.s32 s2, $0x0;
	[tilespmem:$0x1FCB0] =	vst v9;
	p1 =	por !p2, !p4;
	p2 =	slt.u32 s2, $0x40  }
0x29b: {  	p4 =	slt.s32 s2, $0x1;
	s2 =	simm.s32 @!p3 $0x0;
	_ =	swait.ge [sflag:s13], $0x400  }
0x29c: {  	p1 =	por !p1, !p1;
	s2 =	smin.u32 s2, $0x3F;
	s28 =	rddreg [dreg:$0x14]  }
0x29d: {  	[sflag:s13] =	ssyncset.done $0x0;
	s7 =	rddreg [dreg:$0x13];
	s1 =	simm.s32 @!p1 $0x0  }
0x29e: {  	s21 =	sand.u32 $0xF, s2;
	[sflag:s13] =	ssyncadd.s32 $0xFFFFFC00;
	s6 =	sadd.s32 $0x7FF0BE00, s28  }
0x29f: {  	s1 =	sshll.u32 s1, $0x4;
	p5 =	sne.s32 s21, $0x0;
	p6 =	slt.s32 s6, $0x1  }
0x2a0: {  	s1 =	sadd.s32 s0, s1;
	p1 =	por !p4, !p5;
	p5 =	sgt.s32 s6, $0x0  }
0x2a1: {  	p4 =	por !p1, !p1;
	p1 =	slt.u32 s6, $0x40;
	s6 =	simm.s32 @!p5 $0x0  }
0x2a2: {  	s1 =	sand.u32 $0xFFFFFFF0, s1;
	s5 =	simm.s32 @!p4 $0x0;
	s30 =	smin.u32 s6, $0x3F  }
0x2a3: {  	s0 =	ssub.s32 s0, s1;
	s29 =	sshll.u32 s5, $0x4;
	s6 =	sand.u32 $0xF, s30  }
0x2a4: {  	vm4 =	vmmov vm9;
	v17 =	vmov s0;
	s0 =	sadd.s32 s2, s29;
	p5 =	sne.s32 s6, $0x0;
	s6 =	sadd.s32 $0x7FF0BE00, s7  }
0x2a5: {  	vm4 =	vmneg @p0 vm4;
	v61 =	vld [tilespmem:s1+$0x17400];
	p0 =	por !p6, !p5;
	p5 =	sgt.s32 s6, $0x0;
	p6 =	slt.s32 s6, $0x1  }
0x2a6: {  	p4 =	por !p0, !p0;
	p0 =	slt.u32 s6, $0x40;
	s6 =	simm.s32 @!p5 $0x0  }
0x2a7: {  	s17 =	rddreg [dreg:$0x12];
	s0 =	sand.u32 $0xFFFFFFF0, s0;
	s15 =	smin.u32 s6, $0x3F  }
0x2a8: {  	vm5 =	veq.s32 v17, v0;
	s31 =	ssub.s32 s2, s0;
	s2 =	simm.s32 $0xFFFFFFFF;
	s6 =	sand.u32 $0xF, s15  }
0x2a9: {  	vm4 =	vmand vm4, vm5;
	vm5 =	vmmov vm9;
	s2 =	simm.s32 @!p4 $0x0;
	p5 =	sne.s32 s6, $0x0;
	s6 =	sadd.s32 $0x7FF0BE00, s17  }
0x2aa: {  	vm5 =	vmneg @p2 vm5;
	v63 =	vsel vm4, $0xFF800000, v61;
	p2 =	por !p6, !p5;
	p5 =	sgt.s32 s6, $0x0;
	p3 =	slt.s32 s6, $0x1  }
0x2ab: {  	v12 =	vld [tilespmem:$0x1FDF0];
	[tilespmem:s1+$0x17400] =	vst v63;
	p4 =	por !p2, !p2;
	p2 =	slt.u32 s6, $0x40;
	s6 =	simm.s32 @!p5 $0x0  }
0x2ac: {  	s14 =	sshll.u32 s2, $0x4;
	v17 =	vld [tilespmem:s0+$0x17480];
	s19 =	smin.u32 s6, $0x3F  }
0x2ad: {  	v46 =	vld [tilespmem:$0x1FE20];
	s21 =	rddreg [dreg:$0x11];
	s1 =	sadd.s32 s30, s14;
	s6 =	sand.u32 $0xF, s19  }
0x2ae: {  	s5 =	simm.s32 $0xFFFFFFFF;
	v18 =	vmov s31;
	v57 =	vld [tilespmem:$0x17400];
	s16 =	sand.u32 $0xFFFFFFF0, s1;
	p6 =	sne.s32 s6, $0x0  }
0x2af: {  	vm6 =	veq.s32 v18, v0;
	s2 =	sadd.s32 $0x7FF0BE00, s21;
	v58 =	vld [tilespmem:$0x17410];
	s1 =	ssub.s32 s30, s16;
	p3 =	por !p3, !p6  }
0x2b0: {  	vm5 =	vmand vm5, vm6;
	v59 =	vld [tilespmem:$0x17420];
	vm6 =	vmmov vm9;
	s5 =	simm.s32 @!p4 $0x0;
	s6 =	simm.s32 $0xFFFFFFFF;
	p4 =	por !p3, !p3  }
0x2b1: {  	v60 =	vld [tilespmem:$0x17430];
	vm6 =	vmneg @p1 vm6;
	p1 =	slt.u32 s2, $0x40;
	p5 =	sgt.s32 s2, $0x0;
	v10 =	vmov s1;
	v9 =	vsel vm5, $0xFF800000, v17;
	s6 =	simm.s32 @!p4 $0x0  }
0x2b2: {  	vm7 =	veq.s32 v10, v0;
	v10 =	vld [tilespmem:$0x1FE30];
	[tilespmem:s0+$0x17480] =	vst v9;
	p6 =	slt.s32 s2, $0x1;
	s2 =	simm.s32 @!p5 $0x0;
	s29 =	sshll.u32 s6, $0x4  }
0x2b3: {  	v24 =	vld [tilespmem:s16+$0x17500];
	s28 =	smin.u32 s2, $0x3F;
	s2 =	sadd.s32 s19, s29  }
0x2b4: {  	v62 =	vld [tilespmem:$0x17480];
	s2 =	sand.u32 $0xFFFFFFF0, s2  }
0x2b5: {  	s18 =	sshll.u32 s5, $0x4;
	v63 =	vld [tilespmem:$0x17490];
	s5 =	ssub.s32 s19, s2  }
0x2b6: {  	vm6 =	vmand vm6, vm7;
	v18 =	vld [tilespmem:$0x174A0];
	v29 =	vmov s5  }
0x2b7: {  	vm15 =	veq.s32 v29, v0;
	v29 =	vsel vm13, v30, v8;
	vm13 =	vnez.u8 v12;
	v30 =	vld [tilespmem:$0x1FE00]  }
0x2b8: {  	s1 =	sadd.s32 s15, s18;
	v20 =	vsel vm6, $0xFF800000, v24;
	v7 =	vsel vm13, v31, v7;
	v31 =	vld [tilespmem:$0x1FE10]  }
0x2b9: {  	s20 =	sand.u32 $0xFFFFFFF0, s1;
	v19 =	vld [tilespmem:$0x174B0];
	[tilespmem:s16+$0x17500] =	vst v20  }
0x2ba: {  	v27 =	vld [tilespmem:s20+$0x17580]  }
0x2bb: {  	vm7 =	vmmov vm9;
	s1 =	ssub.s32 s15, s20;
	v20 =	vld [tilespmem:$0x17500]  }
0x2bc: {  	vm7 =	vmneg @p0 vm7;
	v21 =	vmov s1;
	v22 =	vld [tilespmem:$0x17510];
	vm13 =	vnez.u8 v30  }
0x2bd: {  	vm10 =	veq.s32 v21, v0;
	v23 =	vld [tilespmem:$0x17520];
	v6 =	vsel vm13, v31, v6;
	vm13 =	vnez.u8 v10  }
0x2be: {  	vm7 =	vmand vm7, vm10;
	v5 =	vsel vm13, v46, v5;
	v46 =	vld [tilespmem:$0x1FE50]  }
0x2bf: {  	v12 =	vld [tilespmem:$0x1FE40];
	v25 =	vsel vm7, $0xFF800000, v27  }
0x2c0: {  	v21 =	vld [tilespmem:$0x17530];
	[tilespmem:s20+$0x17580] =	vst v25  }
0x2c1: {  	v28 =	vld [tilespmem:s2+$0x17600]  }
0x2c2: {  	v25 =	vld [tilespmem:$0x17580]  }
0x2c3: {  	vm13 =	vnez.u8 v46;
	v46 =	vld [tilespmem:$0x1FE70]  }
0x2c4: {  	vm10 =	vmmov vm9;
	v4 =	vsel vm13, v12, v4;
	v12 =	vld [tilespmem:$0x1FE60]  }
0x2c5: {  	vm10 =	vmneg @p2 vm10;
	v26 =	vld [tilespmem:$0x17590]  }
0x2c6: {  	vm10 =	vmand vm10, vm15;
	v8 =	vld [tilespmem:$0x175A0]  }
0x2c7: {  	v30 =	vld [tilespmem:$0x175B0];
	v31 =	vsel vm10, $0xFF800000, v28  }
0x2c8: {  	[tilespmem:s2+$0x17600] =	vst v31;
	v31 =	vld [tilespmem:$0x1FE90];
	vm13 =	vnez.u8 v46  }
0x2c9: {  	v3 =	vsel vm13, v12, v3;
	v12 =	vld [tilespmem:$0x1FE80];
	_ =	sdelay $0x3  }
0x2ca: {  	vm13 =	vnez.u8 v31  }
0x2cb: {  	v2 =	vsel vm13, v12, v2;
	v12 =	vld [tilespmem:$0x1FEB0]  }
0x2cc: {  	v46 =	vld [tilespmem:$0x1FEA0];
	_ =	sdelay $0x3  }
0x2cd: {  	vm13 =	vnez.u8 v12  }
0x2ce: {  	v1 =	vsel vm13, v46, v1;
	v46 =	vld [tilespmem:$0x1FD10];
	_ =	sdelay $0x3  }
0x2cf: {  	v31 =	vld [tilespmem:$0x1FD00]  }
0x2d0: {  	vm13 =	vnez.u8 v46;
	v46 =	vld [tilespmem:$0x1FD30]  }
0x2d1: {  	v12 =	vld [tilespmem:$0x1FD20];
	_ =	sdelay $0x3  }
0x2d2: {  	v29 =	vsel vm13, v31, v29;
	vm13 =	vnez.u8 v46;
	v46 =	vld [tilespmem:$0x1FD50]  }
0x2d3: {  	v7 =	vsel vm13, v12, v7;
	v12 =	vld [tilespmem:$0x1FD40];
	_ =	sdelay $0x3  }
0x2d4: {  	vm13 =	vnez.u8 v46;
	v46 =	vld [tilespmem:$0x1FD70]  }
0x2d5: {  	v6 =	vsel vm13, v12, v6;
	v12 =	vld [tilespmem:$0x1FD60];
	_ =	sdelay $0x3  }
0x2d6: {  	vm13 =	vnez.u8 v46  }
0x2d7: {  	v5 =	vsel vm13, v12, v5;
	v12 =	vld [tilespmem:$0x1FD90];
	_ =	sdelay $0x3  }
0x2d8: {  	v46 =	vld [tilespmem:$0x1FD80]  }
0x2d9: {  	vm13 =	vnez.u8 v12;
	v12 =	vld [tilespmem:$0x1FDA0];
	_ =	sdelay $0x4  }
0x2da: {  	v4 =	vsel vm13, v46, v4;
	vm13 =	vnez.u8 v12;
	v12 =	vld [tilespmem:$0x1FDC0]  }
0x2db: {  	v46 =	vld [tilespmem:$0x1FDB0];
	_ =	sdelay $0x1  }
0x2dc: {  	s30 =	sand.u32 $0xF, s28  }
0x2dd: {  	s31 =	rddreg [dreg:$0xf];
	s0 =	simm.s32 $0xFFFFFFFF;
	p5 =	sne.s32 s30, $0x0  }
0x2de: {  	s15 =	rddreg [dreg:$0x10];
	s6 =	sadd.s32 $0x7FF0BE00, s31;
	p0 =	por !p6, !p5;
	v3 =	vsel vm13, v32, v3;
	vm13 =	vnez.u8 v12  }
0x2df: {  	p4 =	sgt.s32 s6, $0x0;
	p3 =	slt.s32 s6, $0x1;
	p0 =	por !p0, !p0;
	v2 =	vsel vm13, v46, v2;
	v46 =	vld [tilespmem:$0x1FDE0]  }
0x2e0: {  	s0 =	simm.s32 @!p0 $0x0;
	p0 =	slt.u32 s6, $0x40;
	s6 =	simm.s32 @!p4 $0x0;
	v10 =	vld [tilespmem:$0x1FDD0]  }
0x2e1: {  	s14 =	smin.u32 s6, $0x3F;
	s6 =	sadd.s32 $0x7FF0BE00, s15  }
0x2e2: {  	s0 =	sshll.u32 s0, $0x4;
	p5 =	sgt.s32 s6, $0x0  }
0x2e3: {  	p2 =	slt.u32 s6, $0x40;
	p4 =	slt.s32 s6, $0x1;
	s6 =	simm.s32 @!p5 $0x0  }
0x2e4: {  	s7 =	sadd.s32 s28, s0;
	s17 =	sand.u32 $0xF, s14;
	s18 =	smin.u32 s6, $0x3F;
	vm11 =	vnez.u8 v46;
	v46 =	vld [tilespmem:$0x1FCD0]  }
0x2e5: {  	s16 =	sand.u32 $0xFFFFFFF0, s7;
	p6 =	sne.s32 s17, $0x0;
	s6 =	sand.u32 $0xF, s18;
	v1 =	vsel vm11, v10, v1;
	v10 =	vld [tilespmem:$0x1FCC0]  }
0x2e6: {  	vm15 =	vmmov vm9;
	s1 =	ssub.s32 s28, s16;
	p3 =	por !p3, !p6;
	p6 =	sne.s32 s6, $0x0;
	v31 =	vld [tilespmem:s16+$0x17680]  }
0x2e7: {  	s7 =	simm.s32 $0xFFFFFFFF;
	vm15 =	vmneg @p1 vm15;
	v9 =	vmov s1;
	p6 =	por !p4, !p6;
	v6 =	vsel vm1, v11, v6  }
0x2e8: {  	p3 =	por !p3, !p3;
	s6 =	simm.s32 $0xFFFFFFFF;
	p1 =	por !p6, !p6;
	v11 =	vld [tilespmem:$0x17630];
	v6 =	vsel vm6, v24, v6;
	vm6 =	vcmask $0x700;
	v4 =	vsel vm14, v13, v4  }
0x2e9: {  	s7 =	simm.s32 @!p3 $0x0;
	s6 =	simm.s32 @!p1 $0x0;
	v4 =	vsel vm10, v28, v4;
	v32 =	vld [tilespmem:$0x17600];
	vm13 =	veq.s32 v9, v0;
	vm11 =	vnez.u8 v46  }
0x2ea: {  	s19 =	sshll.u32 s7, $0x4;
	s20 =	sshll.u32 s6, $0x4;
	v3 =	vsel vm3, v14, v3;
	v46 =	vld [tilespmem:$0x1FCE0];
	v29 =	vsel vm11, v10, v29;
	vm11 =	vmand vm15, vm13  }
0x2eb: {  	s1 =	sadd.s32 s14, s19;
	s2 =	sadd.s32 s18, s20;
	v9 =	vld [tilespmem:$0x17610];
	v2 =	vsel vm8, v15, v2;
	v1 =	vsel vm0, v16, v1;
	v12 =	vsel vm11, $0xFF800000, v31  }
0x2ec: {  	s1 =	sand.u32 $0xFFFFFFF0, s1;
	s2 =	sand.u32 $0xFFFFFFF0, s2;
	vm0 =	vmmov vm9;
	v16 =	vmax.f32 v33, v41;
	v41 =	vmax.f32 v40, v48;
	v10 =	vld [tilespmem:$0x17620];
	[tilespmem:s16+$0x17680] =	vst v12  }
0x2ed: {  	s21 =	ssub.s32 s18, s2;
	vm0 =	vmneg @p0 vm0;
	v16 =	vmax.f32 v16, v56;
	v12 =	vsel vm4, v61, v29;
	v61 =	vld [tilespmem:s1+$0x17700]  }
0x2ee: {  	s0 =	ssub.s32 s14, s1;
	vm15 =	vmmov $0x1;
	v3 =	vsel vm11, v31, v3;
	v31 =	vmov s21  }
0x2ef: {  	v29 =	vmov s0;
	vm13 =	veq.s32 v31, v0;
	v7 =	vsel vm12, v46, v7;
	v46 =	vld [tilespmem:$0x1FCF0]  }
0x2f0: {  	v31 =	vmax.f32 v41, v49;
	vm12 =	veq.s32 v29, v0;
	v7 =	vsel vm5, v17, v7  }
0x2f1: {  	vm0 =	vmand vm0, vm12;
	v17 =	vmax.f32 v34, v42;
	vm5 =	vcmask $0x2320  }
0x2f2: {  	v14 =	vsel vm0, $0xFF800000, v61;
	v2 =	vsel vm0, v61, v2;
	v61 =	vmax.f32 v35, v43  }
0x2f3: {  	v15 =	vld [tilespmem:$0x17680];
	v43 =	vmax.f32 v38, v50;
	vm0 =	vmor vm6, vm5;
	vm5 =	vcmask $0xF00  }
0x2f4: {  	v5 =	vsel vm2, v46, v5;
	vm2 =	vmmov vm9;
	v46 =	vmax.f32 v37, v44  }
0x2f5: {  	v37 =	vmax.f32 v36, v45;
	v44 =	vmax.f32 v39, v52;
	v45 =	vmax.f32 v17, v53  }
0x2f6: {  	v13 =	vld [tilespmem:$0x17690];
	v48 =	vmax.f32 v61, v55;
	v34 =	vmax.f32 v43, v47;
	v5 =	vsel vm7, v27, v5  }
0x2f7: {  	v42 =	vld [tilespmem:$0x176B0];
	vm2 =	vmneg @p2 vm2;
	v46 =	vmax.f32 v46, v54;
	v29 =	vmax.f32 v37, v51  }
0x2f8: {  	v27 =	vld [tilespmem:$0x176A0];
	[tilespmem:s1+$0x17700] =	vst v14;
	v14 =	vmax.f32 v45, v57;
	v53 =	vmax.f32 v48, v20;
	v15 =	vmax.f32 v34, v15  }
0x2f9: {  	vm7 =	vcmask $0x2720;
	vm14 =	vmand vm2, vm13;
	v50 =	vld [tilespmem:s2+$0x17780];
	v14 =	vmax.f32 v14, v58  }
0x2fa: {  	v17 =	vmax.f32 v46, v62;
	v51 =	vld [tilespmem:$0x17700];
	v55 =	vmax.f32 v29, v25;
	v14 =	vmax.f32 v14, v59  }
0x2fb: {  	v52 =	vld [tilespmem:$0x17710];
	v62 =	vmax.f32 v31, v32;
	vm12 =	vmor vm6, vm7;
	v14 =	vmax.f32 v14, v60  }
0x2fc: {  	vm13 =	vcmask $0xB00;
	v17 =	vmax.f32 v17, v63;
	v59 =	vmax.f32 v55, v26;
	v60 =	vld [tilespmem:$0x1FCB0];
	(xrf0) =	vmax.scan.msk.f32 $0xffff, v14  }
0x2fd: {  	v54 =	vld [tilespmem:$0x17720];
	v25 =	vmax.f32 v62, v9;
	v26 =	vmax.f32 v15, v13;
	v17 =	vmax.f32 v17, v18;
	(xrf0) =	vmax.scan.msk.f32 $0xffff, v12  }
0x2fe: {  	v56 =	vld [tilespmem:$0x17730];
	v17 =	vmax.f32 v17, v19;
	v19 =	vmax.f32 v53, v22;
	v57 =	vsel vm14, $0xFF800000, v50  }
0x2ff: {  	v58 =	vmax.f32 v19, v23;
	(xrf0) =	vmax.scan.msk.f32 $0xffff, v17;
	v1 =	vsel vm14, v50, v1;
	v50 =	vld [tilespmem:$0x1FFE0];
	[tilespmem:s2+$0x17780] =	vst v57  }
0x300: {  	v8 =	vmax.f32 v59, v8;
	v9 =	vmax.f32 v26, v27;
	v14 =	vmax.f32 v58, v21;
	(xrf0) =	vmax.scan.msk.f32 $0xffff, v7;
	v61 =	vld [tilespmem:$0x17780]  }
0x301: {  	v8 =	vmax.f32 v8, v30;
	v34 =	vmax.f32 v9, v42;
	v12 =	vmax.f32 v44, v60;
	v63 =	vld [tilespmem:$0x17790];
	(xrf0) =	vmax.scan.msk.f32 $0xffff, v14  }
0x302: {  	vm14 =	vmor vm13, vm7;
	v7 =	vmax.f32 v25, v10;
	v29 =	vld [tilespmem:$0x177A0];
	v12 =	vmax.f32 v12, v51;
	(xrf0) =	vmax.scan.msk.f32 $0xffff, v6;
	v36, _, _ =	vpop (xrf0)  }
0x303: {  	vm7 =	vcmask $0x2F20;
	v31 =	vld [tilespmem:$0x177B0];
	v32 =	vmax.f32 v7, v11;
	v30 =	vmax.f32 v12, v52;
	v39, _, _ =	vpop (xrf0)  }
0x304: {  	(xrf0) =	vmax.scan.msk.f32 $0xffff, v8;
	v35 =	vmax.f32 v30, v54;
	v41 =	vbroadcast v36, $0xF;
	v42 =	vbroadcast v39, $0xF  }
0x305: {  	(xrf0) =	vmax.scan.msk.f32 $0xffff, v5;
	vm4 =	vnez.u8 v50;
	v37 =	vmax.f32 v35, v56;
	v43, _, _ =	vpop (xrf0);
	v38 =	vmax.f32 v16, v61  }
0x306: {  	(xrf0) =	vmax.scan.msk.f32 $0xffff, v32;
	v44 =	vbroadcast v43, $0xF;
	v45, _, _ =	vpop (xrf0);
	v40 =	vmax.f32 v38, v63;
	v47 =	vsel vm15, v41, v42  }
0x307: {  	(xrf0) =	vmax.scan.msk.f32 $0xffff, v4;
	v48 =	vbroadcast v45, $0xF;
	v49, _, _ =	vpop (xrf0);
	vm15 =	vcmask $0x2B20;
	v5 =	vmax.f32 v40, v29  }
0x308: {  	(xrf0) =	vmax.scan.msk.f32 $0xffff, v34;
	v51 =	vbroadcast v49, $0xF;
	v52, _, _ =	vpop (xrf0);
	vm6 =	vmor vm5, vm15;
	v46 =	vmax.f32 v5, v31  }
0x309: {  	(xrf0) =	vmax.scan.msk.f32 $0xffff, v3;
	v5 =	vsel vm4, v47, v44;
	v53 =	vbroadcast v52, $0xF;
	vm4 =	vmor vm13, vm15  }
0x30a: {  	v54, _, _ =	vpop (xrf0);
	(xrf0) =	vmax.scan.msk.f32 $0xffff, v37;
	vm13 =	vcmask $0x1300;
	vm15 =	vcmask $0x3320;
	v3 =	vsel vm0, v5, v48  }
0x30b: {  	v55 =	vbroadcast v54, $0xF;
	v56, _, _ =	vpop (xrf0);
	(xrf0) =	vmax.scan.msk.f32 $0xffff, v2;
	v3 =	vsel vm12, v3, v51;
	vm12 =	vmor vm5, vm7  }
0x30c: {  	v57, _, _ =	vpop (xrf0);
	vm5 =	vcmask $0x1700;
	v2 =	vsel vm14, v3, v53;
	v3 =	vbroadcast v56, $0xF  }
0x30d: {  	v58, _, _ =	vpop (xrf0);
	v5 =	vbroadcast v57, $0xF;
	vm14 =	vmor vm13, vm7;
	v2 =	vsel vm4, v2, v55  }
0x30e: {  	vm7 =	vcmask $0x3720;
	v59, _, _ =	vpop (xrf0);
	v2 =	vsel vm6, v2, v3;
	v3 =	vbroadcast v58, $0xF  }
0x30f: {  	(xrf0) =	vmax.scan.msk.f32 $0xffff, v46;
	vm4 =	vmor vm13, vm15;
	v60 =	vbroadcast v59, $0xF;
	v61, _, _ =	vpop (xrf0);
	v2 =	vsel vm12, v2, v5  }
0x310: {  	(xrf0) =	vmax.scan.msk.f32 $0xffff, v1;
	vm13 =	vcmask $0x1B00;
	v1, _, _ =	vpop (xrf0);
	v2 =	vsel vm14, v2, v3;
	v3 =	vbroadcast v61, $0xF  }
0x311: {  	vm6 =	vmor vm5, vm15;
	v62, _, _ =	vpop (xrf0);
	v1 =	vbroadcast v1, $0xF;
	v2 =	vsel vm4, v2, v60  }
0x312: {  	vm12 =	vmor vm5, vm7;
	v2 =	vsel vm6, v2, v3;
	v3 =	vbroadcast v62, $0xF  }
0x313: {  	vm0 =	vmor vm13, vm7;
	v1 =	vsel vm12, v2, v1  }
0x314: {  	v1 =	vsel vm0, v1, v3;
	v3 =	vld [tilespmem:$0x1FFF0]  }
0x315: {  	v63, _, _ =	vpop (xrf0)  }
0x316: {  	v2 =	vbroadcast v63, $0xF;
	_ =	sdelay $0x2  }
0x317: {  	vm14 =	vnez.u8 v3  }
0x318: {  	vm15 =	vmmov $0x7fff;
	v1 =	vsel vm14, v1, v2;
	v2, _, _ =	vpop (xrf0)  }
0x319: {  	v1 =	vsel vm15, v1, v2  }
0x31a: {  	s29 =	simm.s32 $0x17880;
	s28 =	rddreg [dreg:$0xb];
	[tilespmem:$0x17880] =	vst v1  }
0x31b: {  	[hbm4b:s28+s3] =	stream.linear.scatter [tilespmem:s29], [sflag:$0x4], $0x80, $0x38;
	[tilespmem:$0x17900] =	vst v63  }
0x31c: {  	_ =	swait.ge [sflag:s13], $0x80  }
0x31d: {  	s30 =	rddreg [dreg:$0xe]  }
0x31e: {  	s31 =	rddreg [dreg:$0xc];
	s1 =	sadd.s32 $0x1, s30  }
0x31f: {  	p0 =	sne.s32 s1, s31  }
.Ltmp7:
0x320: {  	_ = 	snop;
	(pc) =	sbr.rel @p0 .LBB2_1-.Ltmp7, $3  }
0x321: {  	_ =	sdelay $0x1  }
0x322: {  	[sflag:s13] =	ssyncset.done $0x0  }
0x323: {  	[sflag:s13] =	ssyncadd.s32 $0xFFFFFF80  }
0x324: {  	_ =	sfence.sel $0x180000  }
0x325: {  	[bflag:$0x0] =	sbarrier.arrive $0xFFFF  }
0x326: {  	_ =	strace $0x90000047  }
0x327: {  	s0 =	stileid.u32;
	[bflag:$0x2] =	sbarrier.arrive $0xFFFF  }
0x328: {  	p0 =	sne.s32 s0, $0x0;
	s0 =	rddreg [dreg:$0x3]  }
0x329: {  	s0 =	sadd.s32 @!p0 $0x100000, s0  }
0x32a: {  	[sflag:s0] =	ssyncadd.tile.s32 @!p0 $0x1;
	_ =	shalt  }
.Lfunc_end2:
_tile_overlayer_lowered:
.L_overlay_start_2:
0x32b: {  	(tag) =	ssettag $0x2  }
0x32c: {  	s0 =	rddreg [dreg:$0x0];
	s2 =	stileid.u32  }
0x32d: {  	s1 =	rddreg [dreg:$0x1];
	p0 =	sne.s32 s2, $0x0  }
0x32e: {  	s3 =	rddreg [dreg:$0x2];
	[bflag:$0x3] =	sbarrier.arrive $0xFFFF;
	s2 =	simm.s32 @!p0 $0x1C04  }
0x32f: {  	[timem:s3], [sflag:s2] =	dma.local @!p0 [hbm:s0], s1  }
0x330: {  	s0 =	simm.s32 @!p0 $0x4  }
0x331: {  	_ =	swait.ge @!p0 [sflag:s0], s1  }
0x332: {  	s1 =	ssub.s32 @!p0 $0x0, s1;
	[sflag:s0] =	ssyncset.done @!p0 $0x0  }
0x333: {  	[sflag:s0] =	ssyncadd.s32 @!p0 s1  }
0x334: {  	[bflag:$0x3] =	sbarrier.arrive $0xFFFF  }
0x335: {  	_ =	shalt  }

</sc_bundles>
